<compile_context>
chip_gen: v7x
topology: tpu7x:2x2x1
jax: 0.10.2.dev20260603
libtpu: 0.0.44.dev20260713+nightly
codegen_flags: <defaults>
</compile_context>

<pallas_src>
import functools

import jax
import jax.numpy as jnp
from jax import lax
from jax.experimental import pallas as pl
from jax.experimental.pallas import tpu as pltpu
from jax.experimental.pallas import tpu_sc as plsc

NC = 2
NS = 16
NW = NC * NS

SEQS_PER_CHUNK = 8
N_STREAMS = 8
NBUF = 4
LANES = 16


def _build_sc_call(B, L, D, total_rows, chunk_rows, n_chunks, idx_per_stream,
                   pos_pad):
    d_regs = D // LANES
    mesh = plsc.VectorSubcoreMesh(core_axis_name="c", subcore_axis_name="s")

    @functools.partial(
        pl.kernel,
        out_type=jax.ShapeDtypeStruct((total_rows, D), jnp.float32),
        mesh=mesh,
        scratch_types=(
            [pltpu.VMEM((N_STREAMS, idx_per_stream), jnp.int32)] * NBUF
            + [pltpu.VMEM((chunk_rows, D), jnp.float32)] * NBUF
            + [
                pltpu.VMEM((pos_pad,), jnp.int32),
                pltpu.VMEM((pos_pad, D), jnp.float32),
                pltpu.VMEM((pos_pad, D), jnp.float32),
            ]
            + [pltpu.SemaphoreType.DMA] * (2 * NBUF + 1)
        ),
        compiler_params=pltpu.CompilerParams(use_tc_tiling_on_sc=False),
    )
    def sc_embed(table_hbm, ids_hbm, pos_hbm, m1_hbm, m2_hbm, out_hbm,
                 idx0, idx1, idx2, idx3, rows0, rows1, rows2, rows3,
                 pos_v, psum_v, m2r_v,
                 g0, g1, g2, g3, w0, w1, w2, w3, psem):
        idxs = (idx0, idx1, idx2, idx3)
        rows = (rows0, rows1, rows2, rows3)
        gsems = (g0, g1, g2, g3)
        wsems = (w0, w1, w2, w3)

        wid = lax.axis_index("s") * NC + lax.axis_index("c")

        pltpu.sync_copy(pos_hbm, pos_v)
        cp1 = pltpu.async_copy(m1_hbm.at[pos_v], psum_v, psem)
        cp2 = pltpu.async_copy(m2_hbm.at[pos_v], m2r_v, psem)
        cp1.wait()
        cp2.wait()

        def possum_body(i, carry):
            for d in range(d_regs):
                sl = pl.ds(d * LANES, LANES)
                psum_v[i, sl] = psum_v[i, sl] + m2r_v[i, sl]
            return carry

        lax.fori_loop(0, L, possum_body, 0)

        def fire_gather(b, ci):
            pltpu.sync_copy(ids_hbm.at[wid, ci], idxs[b])
            for j in range(N_STREAMS):
                pltpu.async_copy(
                    table_hbm.at[idxs[b].at[j]],
                    rows[b].at[pl.ds(j * idx_per_stream, idx_per_stream)],
                    gsems[b],
                )

        def drain_gather(b):
            pltpu.make_async_copy(
                out_hbm.at[pl.ds(0, chunk_rows)], rows[b], gsems[b]).wait()

        def fire_wb(b, ci):
            base = (wid * n_chunks + ci) * chunk_rows
            pltpu.async_copy(rows[b], out_hbm.at[pl.ds(base, chunk_rows)],
                             wsems[b])

        def drain_wb(b):
            pltpu.make_async_copy(
                out_hbm.at[pl.ds(0, chunk_rows)], rows[b], wsems[b]).wait()

        def add_chunk(b):
            def add_body(l, carry):
                for d in range(d_regs):
                    sl = pl.ds(d * LANES, LANES)
                    p = psum_v[l, sl]
                    for s in range(SEQS_PER_CHUNK):
                        row = s * L + l
                        rows[b][row, sl] = rows[b][row, sl] + p
                return carry

            lax.fori_loop(0, L, add_body, 0)

        fire_gather(0, 0)
        fire_gather(1, 1)

        def round_body(r, carry):
            for b in range(NBUF):
                ci = r * NBUF + b
                drain_gather(b)
                add_chunk(b)
                fire_wb(b, ci)

                b2 = (b + 2) % NBUF

                @pl.when(ci + 2 < n_chunks)
                def _prefetch():
                    @pl.when(ci >= 2)
                    def _reclaim():
                        drain_wb(b2)

                    fire_gather(b2, ci + 2)

            return carry

        lax.fori_loop(0, n_chunks // NBUF, round_body, 0)
        for b in range(NBUF):
            drain_wb(b)

    return sc_embed


def kernel(input_ids, position_ids, subword_table, m1_table, m2_table):
    B, L = input_ids.shape
    D = subword_table.shape[1]
    total_rows = B * L

    rows_per_worker = total_rows // NW
    chunk_rows = SEQS_PER_CHUNK * L
    n_chunks = rows_per_worker // chunk_rows
    idx_per_stream = chunk_rows // N_STREAMS
    assert rows_per_worker * NW == total_rows
    assert n_chunks * chunk_rows == rows_per_worker
    assert n_chunks % NBUF == 0 and n_chunks >= 2 * NBUF
    assert idx_per_stream * N_STREAMS == chunk_rows and idx_per_stream <= 128

    ids = input_ids.astype(jnp.int32).reshape(NW, n_chunks, N_STREAMS,
                                              idx_per_stream)
    pos_pad = 64
    pos = jnp.zeros((pos_pad,), jnp.int32).at[:L].set(
        position_ids.astype(jnp.int32))

    sc_embed = _build_sc_call(B, L, D, total_rows, chunk_rows, n_chunks,
                              idx_per_stream, pos_pad)
    out = sc_embed(subword_table, ids, pos, m1_table, m2_table)
    return out.reshape(B, L, D)

# --- scband reference (transcript-rebuilt; emitter-appended) ---
"""Pipeline reference for scband-conve-rtembedding-68719477380 (READ-ONLY COPY).

The authoritative reference and input builder live on the scoring server;
editing this copy changes nothing except your own understanding.
"""

import jax, jax.numpy as jnp
import numpy as np

VOCAB = 1000000
DIM = 64
B = 16384
L = 50

def setup_inputs(seed: int = 0) -> dict:
    key = jax.random.key(seed)
    k1, k2, k3, k4, k5 = jax.random.split(key, 5)
    input_ids = jax.random.randint(k1, (B, L), 0, VOCAB, dtype=jnp.int64 if jax.config.jax_enable_x64 else jnp.int32)
    position_ids = jax.random.randint(k2, (L,), 0, 11, dtype=jnp.int64 if jax.config.jax_enable_x64 else jnp.int32)
    subword_table = jax.random.normal(k3, (VOCAB, DIM), dtype=jnp.float32) * 0.02
    m1_table = jax.random.normal(k4, (47, DIM), dtype=jnp.float32) * 0.02
    m2_table = jax.random.normal(k5, (11, DIM), dtype=jnp.float32) * 0.02
    return {"input_ids": input_ids, "position_ids": position_ids,
            "subword_table": subword_table, "m1_table": m1_table, "m2_table": m2_table}

def reference(input_ids, position_ids, subword_table, m1_table, m2_table):
    # subword embedding lookup: [B, L, DIM]
    subword_embed = jnp.take(subword_table, input_ids, axis=0)
    # positional embedding lookups: [L, DIM], broadcast over batch
    m1_positional_embed = jnp.take(m1_table, position_ids, axis=0)
    m2_positional_embed = jnp.take(m2_table, position_ids, axis=0)
    embedding = subword_embed + m1_positional_embed + m2_positional_embed
    return embedding

if __name__ == "__main__":
    import jax
    _d = setup_inputs()
    print(jax.jit(kernel)(*tuple(_d.values())))

</pallas_src>

<mosaic_0001>
#map = affine_map<(d0, d1) -> (0, 0)>
#map1 = affine_map<(d0, d1) -> (0, 0, 0, 0)>
#map2 = affine_map<(d0, d1) -> (0)>
module attributes {stable_mosaic.version = 14 : i64} {
  func.func @sc_embed(%arg0: i32, %arg1: i32, %arg2: memref<1000000x64xf32, #tpu.memory_space<hbm>>, %arg3: memref<32x64x8x50xi32, #tpu.memory_space<hbm>>, %arg4: memref<64xi32, #tpu.memory_space<hbm>>, %arg5: memref<47x64xf32, #tpu.memory_space<hbm>>, %arg6: memref<11x64xf32, #tpu.memory_space<hbm>>, %arg7: memref<819200x64xf32, #tpu.memory_space<hbm>>, %arg8: memref<8x50xi32, #tpu.memory_space<vmem>>, %arg9: memref<8x50xi32, #tpu.memory_space<vmem>>, %arg10: memref<8x50xi32, #tpu.memory_space<vmem>>, %arg11: memref<8x50xi32, #tpu.memory_space<vmem>>, %arg12: memref<400x64xf32, #tpu.memory_space<vmem>>, %arg13: memref<400x64xf32, #tpu.memory_space<vmem>>, %arg14: memref<400x64xf32, #tpu.memory_space<vmem>>, %arg15: memref<400x64xf32, #tpu.memory_space<vmem>>, %arg16: memref<64xi32, #tpu.memory_space<vmem>>, %arg17: memref<64x64xf32, #tpu.memory_space<vmem>>, %arg18: memref<64x64xf32, #tpu.memory_space<vmem>>, %arg19: memref<!tpu.dma_semaphore, #tpu.memory_space<semaphore_mem>>, %arg20: memref<!tpu.dma_semaphore, #tpu.memory_space<semaphore_mem>>, %arg21: memref<!tpu.dma_semaphore, #tpu.memory_space<semaphore_mem>>, %arg22: memref<!tpu.dma_semaphore, #tpu.memory_space<semaphore_mem>>, %arg23: memref<!tpu.dma_semaphore, #tpu.memory_space<semaphore_mem>>, %arg24: memref<!tpu.dma_semaphore, #tpu.memory_space<semaphore_mem>>, %arg25: memref<!tpu.dma_semaphore, #tpu.memory_space<semaphore_mem>>, %arg26: memref<!tpu.dma_semaphore, #tpu.memory_space<semaphore_mem>>, %arg27: memref<!tpu.dma_semaphore, #tpu.memory_space<semaphore_mem>>) attributes {dimension_semantics = [#tpu.dimension_semantics<core_parallel>, #tpu.dimension_semantics<subcore_parallel>], iteration_bounds = array<i64: 2, 16>, scalar_prefetch = 0 : i64, scratch_operands = 20 : i64, tpu.core_type = #tpu.core_type<sc_vector_subcore>, window_params = [{transform_indices = #map}, {transform_indices = #map1}, {transform_indices = #map2}, {transform_indices = #map}, {transform_indices = #map}, {transform_indices = #map}]} {
    %mul3A = arith.constant 2 : i32
    %mul3A_0 = arith.muli %arg1, %mul3A : i32
    %add3A = arith.addi %mul3A_0, %arg0 : i32
    "tpu.region"() ({
      %run_scoped3A_207 = tpu.sem_alloc : memref<!tpu.dma_semaphore, #tpu.memory_space<semaphore_mem>>
      tpu.enqueue_dma source(%arg4 : memref<64xi32, #tpu.memory_space<hbm>>) target(%arg16 : memref<64xi32, #tpu.memory_space<vmem>>) target_semaphore(%run_scoped3A_207 : memref<!tpu.dma_semaphore, #tpu.memory_space<semaphore_mem>>)
      tpu.wait_dma2 semaphore(%run_scoped3A_207 : memref<!tpu.dma_semaphore, #tpu.memory_space<semaphore_mem>>) src(%arg4 : memref<64xi32, #tpu.memory_space<hbm>>) dst(%arg16 : memref<64xi32, #tpu.memory_space<vmem>>)
      tpu.yield
    }) : () -> ()
    %dma_start3A = arith.constant 0 : i32
    %dma_start3A_1 = arith.constant 0 : i32
    %dma_start3A_2 = tpu.memref_slice %arg5[%dma_start3A, %dma_start3A_1] : memref<47x64xf32, #tpu.memory_space<hbm>> -> memref<47x64xf32, #tpu.memory_space<hbm>>
    tpu.enqueue_indirect_dma source(%dma_start3A_2 : memref<47x64xf32, #tpu.memory_space<hbm>>) target(%arg17 : memref<64x64xf32, #tpu.memory_space<vmem>>) offsets(%arg16 : memref<64xi32, #tpu.memory_space<vmem>>) semaphore(%arg27 : memref<!tpu.dma_semaphore, #tpu.memory_space<semaphore_mem>>)
    %dma_start3A_3 = arith.constant 0 : i32
    %dma_start3A_4 = arith.constant 0 : i32
    %dma_start3A_5 = tpu.memref_slice %arg6[%dma_start3A_3, %dma_start3A_4] : memref<11x64xf32, #tpu.memory_space<hbm>> -> memref<11x64xf32, #tpu.memory_space<hbm>>
    tpu.enqueue_indirect_dma source(%dma_start3A_5 : memref<11x64xf32, #tpu.memory_space<hbm>>) target(%arg18 : memref<64x64xf32, #tpu.memory_space<vmem>>) offsets(%arg16 : memref<64xi32, #tpu.memory_space<vmem>>) semaphore(%arg27 : memref<!tpu.dma_semaphore, #tpu.memory_space<semaphore_mem>>)
    %dma_wait3A = arith.constant 0 : i32
    %dma_wait3A_6 = arith.constant 0 : i32
    %dma_wait3A_7 = tpu.memref_slice %arg5[%dma_wait3A, %dma_wait3A_6] : memref<47x64xf32, #tpu.memory_space<hbm>> -> memref<47x64xf32, #tpu.memory_space<hbm>>
    tpu.wait_indirect_dma semaphore(%arg27 : memref<!tpu.dma_semaphore, #tpu.memory_space<semaphore_mem>>) src(%dma_wait3A_7 : memref<47x64xf32, #tpu.memory_space<hbm>>) dst(%arg17 : memref<64x64xf32, #tpu.memory_space<vmem>>)
    %dma_wait3A_8 = arith.constant 0 : i32
    %dma_wait3A_9 = arith.constant 0 : i32
    %dma_wait3A_10 = tpu.memref_slice %arg6[%dma_wait3A_8, %dma_wait3A_9] : memref<11x64xf32, #tpu.memory_space<hbm>> -> memref<11x64xf32, #tpu.memory_space<hbm>>
    tpu.wait_indirect_dma semaphore(%arg27 : memref<!tpu.dma_semaphore, #tpu.memory_space<semaphore_mem>>) src(%dma_wait3A_10 : memref<11x64xf32, #tpu.memory_space<hbm>>) dst(%arg18 : memref<64x64xf32, #tpu.memory_space<vmem>>)
    %scan3A = arith.constant 0 : i32
    %scan3A_11 = arith.constant 0 : i32
    %scan3A_12 = arith.constant 50 : i32
    %scan3A_13 = arith.addi %scan3A_11, %scan3A_12 : i32
    %scan3A_14 = arith.constant 1 : i32
    scf.for %scan3A_207 = %scan3A_11 to %scan3A_13 step %scan3A_14  : i32 {
      %get3A = arith.index_cast %scan3A_207 : i32 to index
      %get3A_208 = arith.constant 0 : index
      %get3A_209 = tpu.vector_load %arg17[%get3A, %get3A_208] {strides = array<i32>} : memref<64x64xf32, #tpu.memory_space<vmem>>, vector<1x16xf32>,
      %get3A_210 = vector.shape_cast %get3A_209 : vector<1x16xf32> to vector<16xf32>
      %get3A_211 = arith.index_cast %scan3A_207 : i32 to index
      %get3A_212 = arith.constant 0 : index
      %get3A_213 = tpu.vector_load %arg18[%get3A_211, %get3A_212] {strides = array<i32>} : memref<64x64xf32, #tpu.memory_space<vmem>>, vector<1x16xf32>,
      %get3A_214 = vector.shape_cast %get3A_213 : vector<1x16xf32> to vector<16xf32>
      %add3A_215 = arith.addf %get3A_210, %get3A_214 : vector<16xf32>
      %swap3A = arith.index_cast %scan3A_207 : i32 to index
      %swap3A_216 = arith.constant 0 : index
      %swap3A_217 = tpu.vector_load %arg17[%swap3A, %swap3A_216] {strides = array<i32>} : memref<64x64xf32, #tpu.memory_space<vmem>>, vector<1x16xf32>,
      %swap3A_218 = vector.shape_cast %swap3A_217 : vector<1x16xf32> to vector<16xf32>
      %swap3A_219 = vector.shape_cast %add3A_215 : vector<16xf32> to vector<1x16xf32>
      tpu.vector_store %arg17[%swap3A, %swap3A_216], %swap3A_219 {strides = array<i32>} : memref<64x64xf32, #tpu.memory_space<vmem>>, vector<1x16xf32>,
      %get3A_220 = arith.index_cast %scan3A_207 : i32 to index
      %get3A_221 = arith.constant 16 : index
      %get3A_222 = tpu.vector_load %arg17[%get3A_220, %get3A_221] {strides = array<i32>} : memref<64x64xf32, #tpu.memory_space<vmem>>, vector<1x16xf32>,
      %get3A_223 = vector.shape_cast %get3A_222 : vector<1x16xf32> to vector<16xf32>
      %get3A_224 = arith.index_cast %scan3A_207 : i32 to index
      %get3A_225 = arith.constant 16 : index
      %get3A_226 = tpu.vector_load %arg18[%get3A_224, %get3A_225] {strides = array<i32>} : memref<64x64xf32, #tpu.memory_space<vmem>>, vector<1x16xf32>,
      %get3A_227 = vector.shape_cast %get3A_226 : vector<1x16xf32> to vector<16xf32>
      %add3A_228 = arith.addf %get3A_223, %get3A_227 : vector<16xf32>
      %swap3A_229 = arith.index_cast %scan3A_207 : i32 to index
      %swap3A_230 = arith.constant 16 : index
      %swap3A_231 = tpu.vector_load %arg17[%swap3A_229, %swap3A_230] {strides = array<i32>} : memref<64x64xf32, #tpu.memory_space<vmem>>, vector<1x16xf32>,
      %swap3A_232 = vector.shape_cast %swap3A_231 : vector<1x16xf32> to vector<16xf32>
      %swap3A_233 = vector.shape_cast %add3A_228 : vector<16xf32> to vector<1x16xf32>
      tpu.vector_store %arg17[%swap3A_229, %swap3A_230], %swap3A_233 {strides = array<i32>} : memref<64x64xf32, #tpu.memory_space<vmem>>, vector<1x16xf32>,
      %get3A_234 = arith.index_cast %scan3A_207 : i32 to index
      %get3A_235 = arith.constant 32 : index
      %get3A_236 = tpu.vector_load %arg17[%get3A_234, %get3A_235] {strides = array<i32>} : memref<64x64xf32, #tpu.memory_space<vmem>>, vector<1x16xf32>,
      %get3A_237 = vector.shape_cast %get3A_236 : vector<1x16xf32> to vector<16xf32>
      %get3A_238 = arith.index_cast %scan3A_207 : i32 to index
      %get3A_239 = arith.constant 32 : index
      %get3A_240 = tpu.vector_load %arg18[%get3A_238, %get3A_239] {strides = array<i32>} : memref<64x64xf32, #tpu.memory_space<vmem>>, vector<1x16xf32>,
      %get3A_241 = vector.shape_cast %get3A_240 : vector<1x16xf32> to vector<16xf32>
      %add3A_242 = arith.addf %get3A_237, %get3A_241 : vector<16xf32>
      %swap3A_243 = arith.index_cast %scan3A_207 : i32 to index
      %swap3A_244 = arith.constant 32 : index
      %swap3A_245 = tpu.vector_load %arg17[%swap3A_243, %swap3A_244] {strides = array<i32>} : memref<64x64xf32, #tpu.memory_space<vmem>>, vector<1x16xf32>,
      %swap3A_246 = vector.shape_cast %swap3A_245 : vector<1x16xf32> to vector<16xf32>
      %swap3A_247 = vector.shape_cast %add3A_242 : vector<16xf32> to vector<1x16xf32>
      tpu.vector_store %arg17[%swap3A_243, %swap3A_244], %swap3A_247 {strides = array<i32>} : memref<64x64xf32, #tpu.memory_space<vmem>>, vector<1x16xf32>,
      %get3A_248 = arith.index_cast %scan3A_207 : i32 to index
      %get3A_249 = arith.constant 48 : index
      %get3A_250 = tpu.vector_load %arg17[%get3A_248, %get3A_249] {strides = array<i32>} : memref<64x64xf32, #tpu.memory_space<vmem>>, vector<1x16xf32>,
      %get3A_251 = vector.shape_cast %get3A_250 : vector<1x16xf32> to vector<16xf32>
      %get3A_252 = arith.index_cast %scan3A_207 : i32 to index
      %get3A_253 = arith.constant 48 : index
      %get3A_254 = tpu.vector_load %arg18[%get3A_252, %get3A_253] {strides = array<i32>} : memref<64x64xf32, #tpu.memory_space<vmem>>, vector<1x16xf32>,
      %get3A_255 = vector.shape_cast %get3A_254 : vector<1x16xf32> to vector<16xf32>
      %add3A_256 = arith.addf %get3A_251, %get3A_255 : vector<16xf32>
      %swap3A_257 = arith.index_cast %scan3A_207 : i32 to index
      %swap3A_258 = arith.constant 48 : index
      %swap3A_259 = tpu.vector_load %arg17[%swap3A_257, %swap3A_258] {strides = array<i32>} : memref<64x64xf32, #tpu.memory_space<vmem>>, vector<1x16xf32>,
      %swap3A_260 = vector.shape_cast %swap3A_259 : vector<1x16xf32> to vector<16xf32>
      %swap3A_261 = vector.shape_cast %add3A_256 : vector<16xf32> to vector<1x16xf32>
      tpu.vector_store %arg17[%swap3A_257, %swap3A_258], %swap3A_261 {strides = array<i32>} : memref<64x64xf32, #tpu.memory_space<vmem>>, vector<1x16xf32>,
    }
    %scan3A_15 = arith.constant 50 : i32
    %run_scoped3A = arith.constant 0 : i32
    "tpu.region"() ({
      %run_scoped3A_207 = tpu.sem_alloc : memref<!tpu.dma_semaphore, #tpu.memory_space<semaphore_mem>>
      %dma_start3A_208 = arith.constant 0 : i32
      %dma_start3A_209 = arith.constant 0 : i32
      %dma_start3A_210 = tpu.memref_slice %arg3[%add3A, %run_scoped3A, %dma_start3A_208, %dma_start3A_209] : memref<32x64x8x50xi32, #tpu.memory_space<hbm>> -> memref<1x1x8x50xi32, #tpu.memory_space<hbm>>
      %dma_start3A_211 = tpu.memref_squeeze %dma_start3A_210 : memref<1x1x8x50xi32, #tpu.memory_space<hbm>> -> memref<8x50xi32, #tpu.memory_space<hbm>>
      %dma_start3A_212 = arith.constant 0 : i32
      %dma_start3A_213 = arith.constant 0 : i32
      %dma_start3A_214 = tpu.memref_slice %arg3[%add3A, %run_scoped3A, %dma_start3A_212, %dma_start3A_213] : memref<32x64x8x50xi32, #tpu.memory_space<hbm>> -> memref<1x1x8x50xi32, #tpu.memory_space<hbm>>
      %dma_start3A_215 = tpu.memref_squeeze %dma_start3A_214 : memref<1x1x8x50xi32, #tpu.memory_space<hbm>> -> memref<8x50xi32, #tpu.memory_space<hbm>>
      tpu.enqueue_dma source(%dma_start3A_215 : memref<8x50xi32, #tpu.memory_space<hbm>>) target(%arg8 : memref<8x50xi32, #tpu.memory_space<vmem>>) target_semaphore(%run_scoped3A_207 : memref<!tpu.dma_semaphore, #tpu.memory_space<semaphore_mem>>)
      %dma_wait3A_216 = arith.constant 0 : i32
      %dma_wait3A_217 = arith.constant 0 : i32
      %dma_wait3A_218 = tpu.memref_slice %arg3[%add3A, %run_scoped3A, %dma_wait3A_216, %dma_wait3A_217] : memref<32x64x8x50xi32, #tpu.memory_space<hbm>> -> memref<1x1x8x50xi32, #tpu.memory_space<hbm>>
      %dma_wait3A_219 = tpu.memref_squeeze %dma_wait3A_218 : memref<1x1x8x50xi32, #tpu.memory_space<hbm>> -> memref<8x50xi32, #tpu.memory_space<hbm>>
      %dma_wait3A_220 = arith.constant 0 : i32
      %dma_wait3A_221 = arith.constant 0 : i32
      %dma_wait3A_222 = tpu.memref_slice %arg3[%add3A, %run_scoped3A, %dma_wait3A_220, %dma_wait3A_221] : memref<32x64x8x50xi32, #tpu.memory_space<hbm>> -> memref<1x1x8x50xi32, #tpu.memory_space<hbm>>
      %dma_wait3A_223 = tpu.memref_squeeze %dma_wait3A_222 : memref<1x1x8x50xi32, #tpu.memory_space<hbm>> -> memref<8x50xi32, #tpu.memory_space<hbm>>
      tpu.wait_dma2 semaphore(%run_scoped3A_207 : memref<!tpu.dma_semaphore, #tpu.memory_space<semaphore_mem>>) src(%dma_wait3A_223 : memref<8x50xi32, #tpu.memory_space<hbm>>) dst(%arg8 : memref<8x50xi32, #tpu.memory_space<vmem>>)
      tpu.yield
    }) : () -> ()
    %dma_start3A_16 = arith.constant 0 : i32
    %dma_start3A_17 = arith.constant 0 : i32
    %dma_start3A_18 = arith.constant 0 : i32
    %dma_start3A_19 = tpu.memref_slice %arg12[%dma_start3A_17, %dma_start3A_18] : memref<400x64xf32, #tpu.memory_space<vmem>> -> memref<50x64xf32, #tpu.memory_space<vmem>>
    %dma_start3A_20 = arith.constant 0 : i32
    %dma_start3A_21 = tpu.memref_slice %arg8[%dma_start3A_16, %dma_start3A_20] : memref<8x50xi32, #tpu.memory_space<vmem>> -> memref<1x50xi32, #tpu.memory_space<vmem>>
    %dma_start3A_22 = tpu.memref_squeeze %dma_start3A_21 : memref<1x50xi32, #tpu.memory_space<vmem>> -> memref<50xi32, #tpu.memory_space<vmem>>
    %dma_start3A_23 = arith.constant 0 : i32
    %dma_start3A_24 = arith.constant 0 : i32
    %dma_start3A_25 = tpu.memref_slice %arg2[%dma_start3A_23, %dma_start3A_24] : memref<1000000x64xf32, #tpu.memory_space<hbm>> -> memref<1000000x64xf32, #tpu.memory_space<hbm>>
    tpu.enqueue_indirect_dma source(%dma_start3A_25 : memref<1000000x64xf32, #tpu.memory_space<hbm>>) target(%dma_start3A_19 : memref<50x64xf32, #tpu.memory_space<vmem>>) offsets(%dma_start3A_22 : memref<50xi32, #tpu.memory_space<vmem>>) semaphore(%arg19 : memref<!tpu.dma_semaphore, #tpu.memory_space<semaphore_mem>>)
    %dma_start3A_26 = arith.constant 1 : i32
    %dma_start3A_27 = arith.constant 50 : i32
    %dma_start3A_28 = arith.constant 0 : i32
    %dma_start3A_29 = tpu.memref_slice %arg12[%dma_start3A_27, %dma_start3A_28] : memref<400x64xf32, #tpu.memory_space<vmem>> -> memref<50x64xf32, #tpu.memory_space<vmem>>
    %dma_start3A_30 = arith.constant 0 : i32
    %dma_start3A_31 = tpu.memref_slice %arg8[%dma_start3A_26, %dma_start3A_30] : memref<8x50xi32, #tpu.memory_space<vmem>> -> memref<1x50xi32, #tpu.memory_space<vmem>>
    %dma_start3A_32 = tpu.memref_squeeze %dma_start3A_31 : memref<1x50xi32, #tpu.memory_space<vmem>> -> memref<50xi32, #tpu.memory_space<vmem>>
    %dma_start3A_33 = arith.constant 0 : i32
    %dma_start3A_34 = arith.constant 0 : i32
    %dma_start3A_35 = tpu.memref_slice %arg2[%dma_start3A_33, %dma_start3A_34] : memref<1000000x64xf32, #tpu.memory_space<hbm>> -> memref<1000000x64xf32, #tpu.memory_space<hbm>>
    tpu.enqueue_indirect_dma source(%dma_start3A_35 : memref<1000000x64xf32, #tpu.memory_space<hbm>>) target(%dma_start3A_29 : memref<50x64xf32, #tpu.memory_space<vmem>>) offsets(%dma_start3A_32 : memref<50xi32, #tpu.memory_space<vmem>>) semaphore(%arg19 : memref<!tpu.dma_semaphore, #tpu.memory_space<semaphore_mem>>)
    %dma_start3A_36 = arith.constant 2 : i32
    %dma_start3A_37 = arith.constant 100 : i32
    %dma_start3A_38 = arith.constant 0 : i32
    %dma_start3A_39 = tpu.memref_slice %arg12[%dma_start3A_37, %dma_start3A_38] : memref<400x64xf32, #tpu.memory_space<vmem>> -> memref<50x64xf32, #tpu.memory_space<vmem>>
    %dma_start3A_40 = arith.constant 0 : i32
    %dma_start3A_41 = tpu.memref_slice %arg8[%dma_start3A_36, %dma_start3A_40] : memref<8x50xi32, #tpu.memory_space<vmem>> -> memref<1x50xi32, #tpu.memory_space<vmem>>
    %dma_start3A_42 = tpu.memref_squeeze %dma_start3A_41 : memref<1x50xi32, #tpu.memory_space<vmem>> -> memref<50xi32, #tpu.memory_space<vmem>>
    %dma_start3A_43 = arith.constant 0 : i32
    %dma_start3A_44 = arith.constant 0 : i32
    %dma_start3A_45 = tpu.memref_slice %arg2[%dma_start3A_43, %dma_start3A_44] : memref<1000000x64xf32, #tpu.memory_space<hbm>> -> memref<1000000x64xf32, #tpu.memory_space<hbm>>
    tpu.enqueue_indirect_dma source(%dma_start3A_45 : memref<1000000x64xf32, #tpu.memory_space<hbm>>) target(%dma_start3A_39 : memref<50x64xf32, #tpu.memory_space<vmem>>) offsets(%dma_start3A_42 : memref<50xi32, #tpu.memory_space<vmem>>) semaphore(%arg19 : memref<!tpu.dma_semaphore, #tpu.memory_space<semaphore_mem>>)
    %dma_start3A_46 = arith.constant 3 : i32
    %dma_start3A_47 = arith.constant 150 : i32
    %dma_start3A_48 = arith.constant 0 : i32
    %dma_start3A_49 = tpu.memref_slice %arg12[%dma_start3A_47, %dma_start3A_48] : memref<400x64xf32, #tpu.memory_space<vmem>> -> memref<50x64xf32, #tpu.memory_space<vmem>>
    %dma_start3A_50 = arith.constant 0 : i32
    %dma_start3A_51 = tpu.memref_slice %arg8[%dma_start3A_46, %dma_start3A_50] : memref<8x50xi32, #tpu.memory_space<vmem>> -> memref<1x50xi32, #tpu.memory_space<vmem>>
    %dma_start3A_52 = tpu.memref_squeeze %dma_start3A_51 : memref<1x50xi32, #tpu.memory_space<vmem>> -> memref<50xi32, #tpu.memory_space<vmem>>
    %dma_start3A_53 = arith.constant 0 : i32
    %dma_start3A_54 = arith.constant 0 : i32
    %dma_start3A_55 = tpu.memref_slice %arg2[%dma_start3A_53, %dma_start3A_54] : memref<1000000x64xf32, #tpu.memory_space<hbm>> -> memref<1000000x64xf32, #tpu.memory_space<hbm>>
    tpu.enqueue_indirect_dma source(%dma_start3A_55 : memref<1000000x64xf32, #tpu.memory_space<hbm>>) target(%dma_start3A_49 : memref<50x64xf32, #tpu.memory_space<vmem>>) offsets(%dma_start3A_52 : memref<50xi32, #tpu.memory_space<vmem>>) semaphore(%arg19 : memref<!tpu.dma_semaphore, #tpu.memory_space<semaphore_mem>>)
    %dma_start3A_56 = arith.constant 4 : i32
    %dma_start3A_57 = arith.constant 200 : i32
    %dma_start3A_58 = arith.constant 0 : i32
    %dma_start3A_59 = tpu.memref_slice %arg12[%dma_start3A_57, %dma_start3A_58] : memref<400x64xf32, #tpu.memory_space<vmem>> -> memref<50x64xf32, #tpu.memory_space<vmem>>
    %dma_start3A_60 = arith.constant 0 : i32
    %dma_start3A_61 = tpu.memref_slice %arg8[%dma_start3A_56, %dma_start3A_60] : memref<8x50xi32, #tpu.memory_space<vmem>> -> memref<1x50xi32, #tpu.memory_space<vmem>>
    %dma_start3A_62 = tpu.memref_squeeze %dma_start3A_61 : memref<1x50xi32, #tpu.memory_space<vmem>> -> memref<50xi32, #tpu.memory_space<vmem>>
    %dma_start3A_63 = arith.constant 0 : i32
    %dma_start3A_64 = arith.constant 0 : i32
    %dma_start3A_65 = tpu.memref_slice %arg2[%dma_start3A_63, %dma_start3A_64] : memref<1000000x64xf32, #tpu.memory_space<hbm>> -> memref<1000000x64xf32, #tpu.memory_space<hbm>>
    tpu.enqueue_indirect_dma source(%dma_start3A_65 : memref<1000000x64xf32, #tpu.memory_space<hbm>>) target(%dma_start3A_59 : memref<50x64xf32, #tpu.memory_space<vmem>>) offsets(%dma_start3A_62 : memref<50xi32, #tpu.memory_space<vmem>>) semaphore(%arg19 : memref<!tpu.dma_semaphore, #tpu.memory_space<semaphore_mem>>)
    %dma_start3A_66 = arith.constant 5 : i32
    %dma_start3A_67 = arith.constant 250 : i32
    %dma_start3A_68 = arith.constant 0 : i32
    %dma_start3A_69 = tpu.memref_slice %arg12[%dma_start3A_67, %dma_start3A_68] : memref<400x64xf32, #tpu.memory_space<vmem>> -> memref<50x64xf32, #tpu.memory_space<vmem>>
    %dma_start3A_70 = arith.constant 0 : i32
    %dma_start3A_71 = tpu.memref_slice %arg8[%dma_start3A_66, %dma_start3A_70] : memref<8x50xi32, #tpu.memory_space<vmem>> -> memref<1x50xi32, #tpu.memory_space<vmem>>
    %dma_start3A_72 = tpu.memref_squeeze %dma_start3A_71 : memref<1x50xi32, #tpu.memory_space<vmem>> -> memref<50xi32, #tpu.memory_space<vmem>>
    %dma_start3A_73 = arith.constant 0 : i32
    %dma_start3A_74 = arith.constant 0 : i32
    %dma_start3A_75 = tpu.memref_slice %arg2[%dma_start3A_73, %dma_start3A_74] : memref<1000000x64xf32, #tpu.memory_space<hbm>> -> memref<1000000x64xf32, #tpu.memory_space<hbm>>
    tpu.enqueue_indirect_dma source(%dma_start3A_75 : memref<1000000x64xf32, #tpu.memory_space<hbm>>) target(%dma_start3A_69 : memref<50x64xf32, #tpu.memory_space<vmem>>) offsets(%dma_start3A_72 : memref<50xi32, #tpu.memory_space<vmem>>) semaphore(%arg19 : memref<!tpu.dma_semaphore, #tpu.memory_space<semaphore_mem>>)
    %dma_start3A_76 = arith.constant 6 : i32
    %dma_start3A_77 = arith.constant 300 : i32
    %dma_start3A_78 = arith.constant 0 : i32
    %dma_start3A_79 = tpu.memref_slice %arg12[%dma_start3A_77, %dma_start3A_78] : memref<400x64xf32, #tpu.memory_space<vmem>> -> memref<50x64xf32, #tpu.memory_space<vmem>>
    %dma_start3A_80 = arith.constant 0 : i32
    %dma_start3A_81 = tpu.memref_slice %arg8[%dma_start3A_76, %dma_start3A_80] : memref<8x50xi32, #tpu.memory_space<vmem>> -> memref<1x50xi32, #tpu.memory_space<vmem>>
    %dma_start3A_82 = tpu.memref_squeeze %dma_start3A_81 : memref<1x50xi32, #tpu.memory_space<vmem>> -> memref<50xi32, #tpu.memory_space<vmem>>
    %dma_start3A_83 = arith.constant 0 : i32
    %dma_start3A_84 = arith.constant 0 : i32
    %dma_start3A_85 = tpu.memref_slice %arg2[%dma_start3A_83, %dma_start3A_84] : memref<1000000x64xf32, #tpu.memory_space<hbm>> -> memref<1000000x64xf32, #tpu.memory_space<hbm>>
    tpu.enqueue_indirect_dma source(%dma_start3A_85 : memref<1000000x64xf32, #tpu.memory_space<hbm>>) target(%dma_start3A_79 : memref<50x64xf32, #tpu.memory_space<vmem>>) offsets(%dma_start3A_82 : memref<50xi32, #tpu.memory_space<vmem>>) semaphore(%arg19 : memref<!tpu.dma_semaphore, #tpu.memory_space<semaphore_mem>>)
    %dma_start3A_86 = arith.constant 7 : i32
    %dma_start3A_87 = arith.constant 350 : i32
    %dma_start3A_88 = arith.constant 0 : i32
    %dma_start3A_89 = tpu.memref_slice %arg12[%dma_start3A_87, %dma_start3A_88] : memref<400x64xf32, #tpu.memory_space<vmem>> -> memref<50x64xf32, #tpu.memory_space<vmem>>
    %dma_start3A_90 = arith.constant 0 : i32
    %dma_start3A_91 = tpu.memref_slice %arg8[%dma_start3A_86, %dma_start3A_90] : memref<8x50xi32, #tpu.memory_space<vmem>> -> memref<1x50xi32, #tpu.memory_space<vmem>>
    %dma_start3A_92 = tpu.memref_squeeze %dma_start3A_91 : memref<1x50xi32, #tpu.memory_space<vmem>> -> memref<50xi32, #tpu.memory_space<vmem>>
    %dma_start3A_93 = arith.constant 0 : i32
    %dma_start3A_94 = arith.constant 0 : i32
    %dma_start3A_95 = tpu.memref_slice %arg2[%dma_start3A_93, %dma_start3A_94] : memref<1000000x64xf32, #tpu.memory_space<hbm>> -> memref<1000000x64xf32, #tpu.memory_space<hbm>>
    tpu.enqueue_indirect_dma source(%dma_start3A_95 : memref<1000000x64xf32, #tpu.memory_space<hbm>>) target(%dma_start3A_89 : memref<50x64xf32, #tpu.memory_space<vmem>>) offsets(%dma_start3A_92 : memref<50xi32, #tpu.memory_space<vmem>>) semaphore(%arg19 : memref<!tpu.dma_semaphore, #tpu.memory_space<semaphore_mem>>)
    %run_scoped3A_96 = arith.constant 1 : i32
    "tpu.region"() ({
      %run_scoped3A_207 = tpu.sem_alloc : memref<!tpu.dma_semaphore, #tpu.memory_space<semaphore_mem>>
      %dma_start3A_208 = arith.constant 0 : i32
      %dma_start3A_209 = arith.constant 0 : i32
      %dma_start3A_210 = tpu.memref_slice %arg3[%add3A, %run_scoped3A_96, %dma_start3A_208, %dma_start3A_209] : memref<32x64x8x50xi32, #tpu.memory_space<hbm>> -> memref<1x1x8x50xi32, #tpu.memory_space<hbm>>
      %dma_start3A_211 = tpu.memref_squeeze %dma_start3A_210 : memref<1x1x8x50xi32, #tpu.memory_space<hbm>> -> memref<8x50xi32, #tpu.memory_space<hbm>>
      %dma_start3A_212 = arith.constant 0 : i32
      %dma_start3A_213 = arith.constant 0 : i32
      %dma_start3A_214 = tpu.memref_slice %arg3[%add3A, %run_scoped3A_96, %dma_start3A_212, %dma_start3A_213] : memref<32x64x8x50xi32, #tpu.memory_space<hbm>> -> memref<1x1x8x50xi32, #tpu.memory_space<hbm>>
      %dma_start3A_215 = tpu.memref_squeeze %dma_start3A_214 : memref<1x1x8x50xi32, #tpu.memory_space<hbm>> -> memref<8x50xi32, #tpu.memory_space<hbm>>
      tpu.enqueue_dma source(%dma_start3A_215 : memref<8x50xi32, #tpu.memory_space<hbm>>) target(%arg9 : memref<8x50xi32, #tpu.memory_space<vmem>>) target_semaphore(%run_scoped3A_207 : memref<!tpu.dma_semaphore, #tpu.memory_space<semaphore_mem>>)
      %dma_wait3A_216 = arith.constant 0 : i32
      %dma_wait3A_217 = arith.constant 0 : i32
      %dma_wait3A_218 = tpu.memref_slice %arg3[%add3A, %run_scoped3A_96, %dma_wait3A_216, %dma_wait3A_217] : memref<32x64x8x50xi32, #tpu.memory_space<hbm>> -> memref<1x1x8x50xi32, #tpu.memory_space<hbm>>
      %dma_wait3A_219 = tpu.memref_squeeze %dma_wait3A_218 : memref<1x1x8x50xi32, #tpu.memory_space<hbm>> -> memref<8x50xi32, #tpu.memory_space<hbm>>
      %dma_wait3A_220 = arith.constant 0 : i32
      %dma_wait3A_221 = arith.constant 0 : i32
      %dma_wait3A_222 = tpu.memref_slice %arg3[%add3A, %run_scoped3A_96, %dma_wait3A_220, %dma_wait3A_221] : memref<32x64x8x50xi32, #tpu.memory_space<hbm>> -> memref<1x1x8x50xi32, #tpu.memory_space<hbm>>
      %dma_wait3A_223 = tpu.memref_squeeze %dma_wait3A_222 : memref<1x1x8x50xi32, #tpu.memory_space<hbm>> -> memref<8x50xi32, #tpu.memory_space<hbm>>
      tpu.wait_dma2 semaphore(%run_scoped3A_207 : memref<!tpu.dma_semaphore, #tpu.memory_space<semaphore_mem>>) src(%dma_wait3A_223 : memref<8x50xi32, #tpu.memory_space<hbm>>) dst(%arg9 : memref<8x50xi32, #tpu.memory_space<vmem>>)
      tpu.yield
    }) : () -> ()
    %dma_start3A_97 = arith.constant 0 : i32
    %dma_start3A_98 = arith.constant 0 : i32
    %dma_start3A_99 = arith.constant 0 : i32
    %dma_start3A_100 = tpu.memref_slice %arg13[%dma_start3A_98, %dma_start3A_99] : memref<400x64xf32, #tpu.memory_space<vmem>> -> memref<50x64xf32, #tpu.memory_space<vmem>>
    %dma_start3A_101 = arith.constant 0 : i32
    %dma_start3A_102 = tpu.memref_slice %arg9[%dma_start3A_97, %dma_start3A_101] : memref<8x50xi32, #tpu.memory_space<vmem>> -> memref<1x50xi32, #tpu.memory_space<vmem>>
    %dma_start3A_103 = tpu.memref_squeeze %dma_start3A_102 : memref<1x50xi32, #tpu.memory_space<vmem>> -> memref<50xi32, #tpu.memory_space<vmem>>
    %dma_start3A_104 = arith.constant 0 : i32
    %dma_start3A_105 = arith.constant 0 : i32
    %dma_start3A_106 = tpu.memref_slice %arg2[%dma_start3A_104, %dma_start3A_105] : memref<1000000x64xf32, #tpu.memory_space<hbm>> -> memref<1000000x64xf32, #tpu.memory_space<hbm>>
    tpu.enqueue_indirect_dma source(%dma_start3A_106 : memref<1000000x64xf32, #tpu.memory_space<hbm>>) target(%dma_start3A_100 : memref<50x64xf32, #tpu.memory_space<vmem>>) offsets(%dma_start3A_103 : memref<50xi32, #tpu.memory_space<vmem>>) semaphore(%arg20 : memref<!tpu.dma_semaphore, #tpu.memory_space<semaphore_mem>>)
    %dma_start3A_107 = arith.constant 1 : i32
    %dma_start3A_108 = arith.constant 50 : i32
    %dma_start3A_109 = arith.constant 0 : i32
    %dma_start3A_110 = tpu.memref_slice %arg13[%dma_start3A_108, %dma_start3A_109] : memref<400x64xf32, #tpu.memory_space<vmem>> -> memref<50x64xf32, #tpu.memory_space<vmem>>
    %dma_start3A_111 = arith.constant 0 : i32
    %dma_start3A_112 = tpu.memref_slice %arg9[%dma_start3A_107, %dma_start3A_111] : memref<8x50xi32, #tpu.memory_space<vmem>> -> memref<1x50xi32, #tpu.memory_space<vmem>>
    %dma_start3A_113 = tpu.memref_squeeze %dma_start3A_112 : memref<1x50xi32, #tpu.memory_space<vmem>> -> memref<50xi32, #tpu.memory_space<vmem>>
    %dma_start3A_114 = arith.constant 0 : i32
    %dma_start3A_115 = arith.constant 0 : i32
    %dma_start3A_116 = tpu.memref_slice %arg2[%dma_start3A_114, %dma_start3A_115] : memref<1000000x64xf32, #tpu.memory_space<hbm>> -> memref<1000000x64xf32, #tpu.memory_space<hbm>>
    tpu.enqueue_indirect_dma source(%dma_start3A_116 : memref<1000000x64xf32, #tpu.memory_space<hbm>>) target(%dma_start3A_110 : memref<50x64xf32, #tpu.memory_space<vmem>>) offsets(%dma_start3A_113 : memref<50xi32, #tpu.memory_space<vmem>>) semaphore(%arg20 : memref<!tpu.dma_semaphore, #tpu.memory_space<semaphore_mem>>)
    %dma_start3A_117 = arith.constant 2 : i32
    %dma_start3A_118 = arith.constant 100 : i32
    %dma_start3A_119 = arith.constant 0 : i32
    %dma_start3A_120 = tpu.memref_slice %arg13[%dma_start3A_118, %dma_start3A_119] : memref<400x64xf32, #tpu.memory_space<vmem>> -> memref<50x64xf32, #tpu.memory_space<vmem>>
    %dma_start3A_121 = arith.constant 0 : i32
    %dma_start3A_122 = tpu.memref_slice %arg9[%dma_start3A_117, %dma_start3A_121] : memref<8x50xi32, #tpu.memory_space<vmem>> -> memref<1x50xi32, #tpu.memory_space<vmem>>
    %dma_start3A_123 = tpu.memref_squeeze %dma_start3A_122 : memref<1x50xi32, #tpu.memory_space<vmem>> -> memref<50xi32, #tpu.memory_space<vmem>>
    %dma_start3A_124 = arith.constant 0 : i32
    %dma_start3A_125 = arith.constant 0 : i32
    %dma_start3A_126 = tpu.memref_slice %arg2[%dma_start3A_124, %dma_start3A_125] : memref<1000000x64xf32, #tpu.memory_space<hbm>> -> memref<1000000x64xf32, #tpu.memory_space<hbm>>
    tpu.enqueue_indirect_dma source(%dma_start3A_126 : memref<1000000x64xf32, #tpu.memory_space<hbm>>) target(%dma_start3A_120 : memref<50x64xf32, #tpu.memory_space<vmem>>) offsets(%dma_start3A_123 : memref<50xi32, #tpu.memory_space<vmem>>) semaphore(%arg20 : memref<!tpu.dma_semaphore, #tpu.memory_space<semaphore_mem>>)
    %dma_start3A_127 = arith.constant 3 : i32
    %dma_start3A_128 = arith.constant 150 : i32
    %dma_start3A_129 = arith.constant 0 : i32
    %dma_start3A_130 = tpu.memref_slice %arg13[%dma_start3A_128, %dma_start3A_129] : memref<400x64xf32, #tpu.memory_space<vmem>> -> memref<50x64xf32, #tpu.memory_space<vmem>>
    %dma_start3A_131 = arith.constant 0 : i32
    %dma_start3A_132 = tpu.memref_slice %arg9[%dma_start3A_127, %dma_start3A_131] : memref<8x50xi32, #tpu.memory_space<vmem>> -> memref<1x50xi32, #tpu.memory_space<vmem>>
    %dma_start3A_133 = tpu.memref_squeeze %dma_start3A_132 : memref<1x50xi32, #tpu.memory_space<vmem>> -> memref<50xi32, #tpu.memory_space<vmem>>
    %dma_start3A_134 = arith.constant 0 : i32
    %dma_start3A_135 = arith.constant 0 : i32
    %dma_start3A_136 = tpu.memref_slice %arg2[%dma_start3A_134, %dma_start3A_135] : memref<1000000x64xf32, #tpu.memory_space<hbm>> -> memref<1000000x64xf32, #tpu.memory_space<hbm>>
    tpu.enqueue_indirect_dma source(%dma_start3A_136 : memref<1000000x64xf32, #tpu.memory_space<hbm>>) target(%dma_start3A_130 : memref<50x64xf32, #tpu.memory_space<vmem>>) offsets(%dma_start3A_133 : memref<50xi32, #tpu.memory_space<vmem>>) semaphore(%arg20 : memref<!tpu.dma_semaphore, #tpu.memory_space<semaphore_mem>>)
    %dma_start3A_137 = arith.constant 4 : i32
    %dma_start3A_138 = arith.constant 200 : i32
    %dma_start3A_139 = arith.constant 0 : i32
    %dma_start3A_140 = tpu.memref_slice %arg13[%dma_start3A_138, %dma_start3A_139] : memref<400x64xf32, #tpu.memory_space<vmem>> -> memref<50x64xf32, #tpu.memory_space<vmem>>
    %dma_start3A_141 = arith.constant 0 : i32
    %dma_start3A_142 = tpu.memref_slice %arg9[%dma_start3A_137, %dma_start3A_141] : memref<8x50xi32, #tpu.memory_space<vmem>> -> memref<1x50xi32, #tpu.memory_space<vmem>>
    %dma_start3A_143 = tpu.memref_squeeze %dma_start3A_142 : memref<1x50xi32, #tpu.memory_space<vmem>> -> memref<50xi32, #tpu.memory_space<vmem>>
    %dma_start3A_144 = arith.constant 0 : i32
    %dma_start3A_145 = arith.constant 0 : i32
    %dma_start3A_146 = tpu.memref_slice %arg2[%dma_start3A_144, %dma_start3A_145] : memref<1000000x64xf32, #tpu.memory_space<hbm>> -> memref<1000000x64xf32, #tpu.memory_space<hbm>>
    tpu.enqueue_indirect_dma source(%dma_start3A_146 : memref<1000000x64xf32, #tpu.memory_space<hbm>>) target(%dma_start3A_140 : memref<50x64xf32, #tpu.memory_space<vmem>>) offsets(%dma_start3A_143 : memref<50xi32, #tpu.memory_space<vmem>>) semaphore(%arg20 : memref<!tpu.dma_semaphore, #tpu.memory_space<semaphore_mem>>)
    %dma_start3A_147 = arith.constant 5 : i32
    %dma_start3A_148 = arith.constant 250 : i32
    %dma_start3A_149 = arith.constant 0 : i32
    %dma_start3A_150 = tpu.memref_slice %arg13[%dma_start3A_148, %dma_start3A_149] : memref<400x64xf32, #tpu.memory_space<vmem>> -> memref<50x64xf32, #tpu.memory_space<vmem>>
    %dma_start3A_151 = arith.constant 0 : i32
    %dma_start3A_152 = tpu.memref_slice %arg9[%dma_start3A_147, %dma_start3A_151] : memref<8x50xi32, #tpu.memory_space<vmem>> -> memref<1x50xi32, #tpu.memory_space<vmem>>
    %dma_start3A_153 = tpu.memref_squeeze %dma_start3A_152 : memref<1x50xi32, #tpu.memory_space<vmem>> -> memref<50xi32, #tpu.memory_space<vmem>>
    %dma_start3A_154 = arith.constant 0 : i32
    %dma_start3A_155 = arith.constant 0 : i32
    %dma_start3A_156 = tpu.memref_slice %arg2[%dma_start3A_154, %dma_start3A_155] : memref<1000000x64xf32, #tpu.memory_space<hbm>> -> memref<1000000x64xf32, #tpu.memory_space<hbm>>
    tpu.enqueue_indirect_dma source(%dma_start3A_156 : memref<1000000x64xf32, #tpu.memory_space<hbm>>) target(%dma_start3A_150 : memref<50x64xf32, #tpu.memory_space<vmem>>) offsets(%dma_start3A_153 : memref<50xi32, #tpu.memory_space<vmem>>) semaphore(%arg20 : memref<!tpu.dma_semaphore, #tpu.memory_space<semaphore_mem>>)
    %dma_start3A_157 = arith.constant 6 : i32
    %dma_start3A_158 = arith.constant 300 : i32
    %dma_start3A_159 = arith.constant 0 : i32
    %dma_start3A_160 = tpu.memref_slice %arg13[%dma_start3A_158, %dma_start3A_159] : memref<400x64xf32, #tpu.memory_space<vmem>> -> memref<50x64xf32, #tpu.memory_space<vmem>>
    %dma_start3A_161 = arith.constant 0 : i32
    %dma_start3A_162 = tpu.memref_slice %arg9[%dma_start3A_157, %dma_start3A_161] : memref<8x50xi32, #tpu.memory_space<vmem>> -> memref<1x50xi32, #tpu.memory_space<vmem>>
    %dma_start3A_163 = tpu.memref_squeeze %dma_start3A_162 : memref<1x50xi32, #tpu.memory_space<vmem>> -> memref<50xi32, #tpu.memory_space<vmem>>
    %dma_start3A_164 = arith.constant 0 : i32
    %dma_start3A_165 = arith.constant 0 : i32
    %dma_start3A_166 = tpu.memref_slice %arg2[%dma_start3A_164, %dma_start3A_165] : memref<1000000x64xf32, #tpu.memory_space<hbm>> -> memref<1000000x64xf32, #tpu.memory_space<hbm>>
    tpu.enqueue_indirect_dma source(%dma_start3A_166 : memref<1000000x64xf32, #tpu.memory_space<hbm>>) target(%dma_start3A_160 : memref<50x64xf32, #tpu.memory_space<vmem>>) offsets(%dma_start3A_163 : memref<50xi32, #tpu.memory_space<vmem>>) semaphore(%arg20 : memref<!tpu.dma_semaphore, #tpu.memory_space<semaphore_mem>>)
    %dma_start3A_167 = arith.constant 7 : i32
    %dma_start3A_168 = arith.constant 350 : i32
    %dma_start3A_169 = arith.constant 0 : i32
    %dma_start3A_170 = tpu.memref_slice %arg13[%dma_start3A_168, %dma_start3A_169] : memref<400x64xf32, #tpu.memory_space<vmem>> -> memref<50x64xf32, #tpu.memory_space<vmem>>
    %dma_start3A_171 = arith.constant 0 : i32
    %dma_start3A_172 = tpu.memref_slice %arg9[%dma_start3A_167, %dma_start3A_171] : memref<8x50xi32, #tpu.memory_space<vmem>> -> memref<1x50xi32, #tpu.memory_space<vmem>>
    %dma_start3A_173 = tpu.memref_squeeze %dma_start3A_172 : memref<1x50xi32, #tpu.memory_space<vmem>> -> memref<50xi32, #tpu.memory_space<vmem>>
    %dma_start3A_174 = arith.constant 0 : i32
    %dma_start3A_175 = arith.constant 0 : i32
    %dma_start3A_176 = tpu.memref_slice %arg2[%dma_start3A_174, %dma_start3A_175] : memref<1000000x64xf32, #tpu.memory_space<hbm>> -> memref<1000000x64xf32, #tpu.memory_space<hbm>>
    tpu.enqueue_indirect_dma source(%dma_start3A_176 : memref<1000000x64xf32, #tpu.memory_space<hbm>>) target(%dma_start3A_170 : memref<50x64xf32, #tpu.memory_space<vmem>>) offsets(%dma_start3A_173 : memref<50xi32, #tpu.memory_space<vmem>>) semaphore(%arg20 : memref<!tpu.dma_semaphore, #tpu.memory_space<semaphore_mem>>)
    %scan3A_177 = arith.constant 0 : i32
    %scan3A_178 = arith.constant 0 : i32
    %scan3A_179 = arith.constant 16 : i32
    %scan3A_180 = arith.addi %scan3A_178, %scan3A_179 : i32
    %scan3A_181 = arith.constant 1 : i32
    scf.for %scan3A_207 = %scan3A_178 to %scan3A_180 step %scan3A_181  : i32 {
      %mul3A_208 = arith.constant 4 : i32
      %mul3A_209 = arith.muli %scan3A_207, %mul3A_208 : i32
      %add3A_210 = arith.constant 0 : i32
      %add3A_211 = arith.addi %mul3A_209, %add3A_210 : i32
      %dma_wait3A_212 = arith.constant 0 : i32
      %dma_wait3A_213 = arith.constant 0 : i32
      %dma_wait3A_214 = tpu.memref_slice %arg7[%dma_wait3A_212, %dma_wait3A_213] : memref<819200x64xf32, #tpu.memory_space<hbm>> -> memref<400x64xf32, #tpu.memory_space<hbm>>
      %dma_wait3A_215 = arith.constant 0 : i32
      %dma_wait3A_216 = arith.constant 0 : i32
      %dma_wait3A_217 = tpu.memref_slice %arg7[%dma_wait3A_215, %dma_wait3A_216] : memref<819200x64xf32, #tpu.memory_space<hbm>> -> memref<400x64xf32, #tpu.memory_space<hbm>>
      tpu.wait_dma2 semaphore(%arg19 : memref<!tpu.dma_semaphore, #tpu.memory_space<semaphore_mem>>) src(%dma_wait3A_217 : memref<400x64xf32, #tpu.memory_space<hbm>>) dst(%arg12 : memref<400x64xf32, #tpu.memory_space<vmem>>)
      %scan3A_218 = arith.constant 0 : i32
      %scan3A_219 = arith.constant 0 : i32
      %scan3A_220 = arith.constant 50 : i32
      %scan3A_221 = arith.addi %scan3A_219, %scan3A_220 : i32
      %scan3A_222 = arith.constant 1 : i32
      scf.for %scan3A_333 = %scan3A_219 to %scan3A_221 step %scan3A_222  : i32 {
        %get3A = arith.index_cast %scan3A_333 : i32 to index
        %get3A_334 = arith.constant 0 : index
        %get3A_335 = tpu.vector_load %arg17[%get3A, %get3A_334] {strides = array<i32>} : memref<64x64xf32, #tpu.memory_space<vmem>>, vector<1x16xf32>,
        %get3A_336 = vector.shape_cast %get3A_335 : vector<1x16xf32> to vector<16xf32>
        %add3A_337 = arith.constant 0 : i32
        %add3A_338 = arith.addi %add3A_337, %scan3A_333 : i32
        %get3A_339 = arith.index_cast %add3A_338 : i32 to index
        %get3A_340 = arith.constant 0 : index
        %get3A_341 = tpu.vector_load %arg12[%get3A_339, %get3A_340] {strides = array<i32>} : memref<400x64xf32, #tpu.memory_space<vmem>>, vector<1x16xf32>,
        %get3A_342 = vector.shape_cast %get3A_341 : vector<1x16xf32> to vector<16xf32>
        %add3A_343 = arith.addf %get3A_342, %get3A_336 : vector<16xf32>
        %swap3A = arith.index_cast %add3A_338 : i32 to index
        %swap3A_344 = arith.constant 0 : index
        %swap3A_345 = tpu.vector_load %arg12[%swap3A, %swap3A_344] {strides = array<i32>} : memref<400x64xf32, #tpu.memory_space<vmem>>, vector<1x16xf32>,
        %swap3A_346 = vector.shape_cast %swap3A_345 : vector<1x16xf32> to vector<16xf32>
        %swap3A_347 = vector.shape_cast %add3A_343 : vector<16xf32> to vector<1x16xf32>
        tpu.vector_store %arg12[%swap3A, %swap3A_344], %swap3A_347 {strides = array<i32>} : memref<400x64xf32, #tpu.memory_space<vmem>>, vector<1x16xf32>,
        %add3A_348 = arith.constant 50 : i32
        %add3A_349 = arith.addi %add3A_348, %scan3A_333 : i32
        %get3A_350 = arith.index_cast %add3A_349 : i32 to index
        %get3A_351 = arith.constant 0 : index
        %get3A_352 = tpu.vector_load %arg12[%get3A_350, %get3A_351] {strides = array<i32>} : memref<400x64xf32, #tpu.memory_space<vmem>>, vector<1x16xf32>,
        %get3A_353 = vector.shape_cast %get3A_352 : vector<1x16xf32> to vector<16xf32>
        %add3A_354 = arith.addf %get3A_353, %get3A_336 : vector<16xf32>
        %swap3A_355 = arith.index_cast %add3A_349 : i32 to index
        %swap3A_356 = arith.constant 0 : index
        %swap3A_357 = tpu.vector_load %arg12[%swap3A_355, %swap3A_356] {strides = array<i32>} : memref<400x64xf32, #tpu.memory_space<vmem>>, vector<1x16xf32>,
        %swap3A_358 = vector.shape_cast %swap3A_357 : vector<1x16xf32> to vector<16xf32>
        %swap3A_359 = vector.shape_cast %add3A_354 : vector<16xf32> to vector<1x16xf32>
        tpu.vector_store %arg12[%swap3A_355, %swap3A_356], %swap3A_359 {strides = array<i32>} : memref<400x64xf32, #tpu.memory_space<vmem>>, vector<1x16xf32>,
        %add3A_360 = arith.constant 100 : i32
        %add3A_361 = arith.addi %add3A_360, %scan3A_333 : i32
        %get3A_362 = arith.index_cast %add3A_361 : i32 to index
        %get3A_363 = arith.constant 0 : index
        %get3A_364 = tpu.vector_load %arg12[%get3A_362, %get3A_363] {strides = array<i32>} : memref<400x64xf32, #tpu.memory_space<vmem>>, vector<1x16xf32>,
        %get3A_365 = vector.shape_cast %get3A_364 : vector<1x16xf32> to vector<16xf32>
        %add3A_366 = arith.addf %get3A_365, %get3A_336 : vector<16xf32>
        %swap3A_367 = arith.index_cast %add3A_361 : i32 to index
        %swap3A_368 = arith.constant 0 : index
        %swap3A_369 = tpu.vector_load %arg12[%swap3A_367, %swap3A_368] {strides = array<i32>} : memref<400x64xf32, #tpu.memory_space<vmem>>, vector<1x16xf32>,
        %swap3A_370 = vector.shape_cast %swap3A_369 : vector<1x16xf32> to vector<16xf32>
        %swap3A_371 = vector.shape_cast %add3A_366 : vector<16xf32> to vector<1x16xf32>
        tpu.vector_store %arg12[%swap3A_367, %swap3A_368], %swap3A_371 {strides = array<i32>} : memref<400x64xf32, #tpu.memory_space<vmem>>, vector<1x16xf32>,
        %add3A_372 = arith.constant 150 : i32
        %add3A_373 = arith.addi %add3A_372, %scan3A_333 : i32
        %get3A_374 = arith.index_cast %add3A_373 : i32 to index
        %get3A_375 = arith.constant 0 : index
        %get3A_376 = tpu.vector_load %arg12[%get3A_374, %get3A_375] {strides = array<i32>} : memref<400x64xf32, #tpu.memory_space<vmem>>, vector<1x16xf32>,
        %get3A_377 = vector.shape_cast %get3A_376 : vector<1x16xf32> to vector<16xf32>
        %add3A_378 = arith.addf %get3A_377, %get3A_336 : vector<16xf32>
        %swap3A_379 = arith.index_cast %add3A_373 : i32 to index
        %swap3A_380 = arith.constant 0 : index
        %swap3A_381 = tpu.vector_load %arg12[%swap3A_379, %swap3A_380] {strides = array<i32>} : memref<400x64xf32, #tpu.memory_space<vmem>>, vector<1x16xf32>,
        %swap3A_382 = vector.shape_cast %swap3A_381 : vector<1x16xf32> to vector<16xf32>
        %swap3A_383 = vector.shape_cast %add3A_378 : vector<16xf32> to vector<1x16xf32>
        tpu.vector_store %arg12[%swap3A_379, %swap3A_380], %swap3A_383 {strides = array<i32>} : memref<400x64xf32, #tpu.memory_space<vmem>>, vector<1x16xf32>,
        %add3A_384 = arith.constant 200 : i32
        %add3A_385 = arith.addi %add3A_384, %scan3A_333 : i32
        %get3A_386 = arith.index_cast %add3A_385 : i32 to index
        %get3A_387 = arith.constant 0 : index
        %get3A_388 = tpu.vector_load %arg12[%get3A_386, %get3A_387] {strides = array<i32>} : memref<400x64xf32, #tpu.memory_space<vmem>>, vector<1x16xf32>,
        %get3A_389 = vector.shape_cast %get3A_388 : vector<1x16xf32> to vector<16xf32>
        %add3A_390 = arith.addf %get3A_389, %get3A_336 : vector<16xf32>
        %swap3A_391 = arith.index_cast %add3A_385 : i32 to index
        %swap3A_392 = arith.constant 0 : index
        %swap3A_393 = tpu.vector_load %arg12[%swap3A_391, %swap3A_392] {strides = array<i32>} : memref<400x64xf32, #tpu.memory_space<vmem>>, vector<1x16xf32>,
        %swap3A_394 = vector.shape_cast %swap3A_393 : vector<1x16xf32> to vector<16xf32>
        %swap3A_395 = vector.shape_cast %add3A_390 : vector<16xf32> to vector<1x16xf32>
        tpu.vector_store %arg12[%swap3A_391, %swap3A_392], %swap3A_395 {strides = array<i32>} : memref<400x64xf32, #tpu.memory_space<vmem>>, vector<1x16xf32>,
        %add3A_396 = arith.constant 250 : i32
        %add3A_397 = arith.addi %add3A_396, %scan3A_333 : i32
        %get3A_398 = arith.index_cast %add3A_397 : i32 to index
        %get3A_399 = arith.constant 0 : index
        %get3A_400 = tpu.vector_load %arg12[%get3A_398, %get3A_399] {strides = array<i32>} : memref<400x64xf32, #tpu.memory_space<vmem>>, vector<1x16xf32>,
        %get3A_401 = vector.shape_cast %get3A_400 : vector<1x16xf32> to vector<16xf32>
        %add3A_402 = arith.addf %get3A_401, %get3A_336 : vector<16xf32>
        %swap3A_403 = arith.index_cast %add3A_397 : i32 to index
        %swap3A_404 = arith.constant 0 : index
        %swap3A_405 = tpu.vector_load %arg12[%swap3A_403, %swap3A_404] {strides = array<i32>} : memref<400x64xf32, #tpu.memory_space<vmem>>, vector<1x16xf32>,
        %swap3A_406 = vector.shape_cast %swap3A_405 : vector<1x16xf32> to vector<16xf32>
        %swap3A_407 = vector.shape_cast %add3A_402 : vector<16xf32> to vector<1x16xf32>
        tpu.vector_store %arg12[%swap3A_403, %swap3A_404], %swap3A_407 {strides = array<i32>} : memref<400x64xf32, #tpu.memory_space<vmem>>, vector<1x16xf32>,
        %add3A_408 = arith.constant 300 : i32
        %add3A_409 = arith.addi %add3A_408, %scan3A_333 : i32
        %get3A_410 = arith.index_cast %add3A_409 : i32 to index
        %get3A_411 = arith.constant 0 : index
        %get3A_412 = tpu.vector_load %arg12[%get3A_410, %get3A_411] {strides = array<i32>} : memref<400x64xf32, #tpu.memory_space<vmem>>, vector<1x16xf32>,
        %get3A_413 = vector.shape_cast %get3A_412 : vector<1x16xf32> to vector<16xf32>
        %add3A_414 = arith.addf %get3A_413, %get3A_336 : vector<16xf32>
        %swap3A_415 = arith.index_cast %add3A_409 : i32 to index
        %swap3A_416 = arith.constant 0 : index
        %swap3A_417 = tpu.vector_load %arg12[%swap3A_415, %swap3A_416] {strides = array<i32>} : memref<400x64xf32, #tpu.memory_space<vmem>>, vector<1x16xf32>,
        %swap3A_418 = vector.shape_cast %swap3A_417 : vector<1x16xf32> to vector<16xf32>
        %swap3A_419 = vector.shape_cast %add3A_414 : vector<16xf32> to vector<1x16xf32>
        tpu.vector_store %arg12[%swap3A_415, %swap3A_416], %swap3A_419 {strides = array<i32>} : memref<400x64xf32, #tpu.memory_space<vmem>>, vector<1x16xf32>,
        %add3A_420 = arith.constant 350 : i32
        %add3A_421 = arith.addi %add3A_420, %scan3A_333 : i32
        %get3A_422 = arith.index_cast %add3A_421 : i32 to index
        %get3A_423 = arith.constant 0 : index
        %get3A_424 = tpu.vector_load %arg12[%get3A_422, %get3A_423] {strides = array<i32>} : memref<400x64xf32, #tpu.memory_space<vmem>>, vector<1x16xf32>,
        %get3A_425 = vector.shape_cast %get3A_424 : vector<1x16xf32> to vector<16xf32>
        %add3A_426 = arith.addf %get3A_425, %get3A_336 : vector<16xf32>
        %swap3A_427 = arith.index_cast %add3A_421 : i32 to index
        %swap3A_428 = arith.constant 0 : index
        %swap3A_429 = tpu.vector_load %arg12[%swap3A_427, %swap3A_428] {strides = array<i32>} : memref<400x64xf32, #tpu.memory_space<vmem>>, vector<1x16xf32>,
        %swap3A_430 = vector.shape_cast %swap3A_429 : vector<1x16xf32> to vector<16xf32>
        %swap3A_431 = vector.shape_cast %add3A_426 : vector<16xf32> to vector<1x16xf32>
        tpu.vector_store %arg12[%swap3A_427, %swap3A_428], %swap3A_431 {strides = array<i32>} : memref<400x64xf32, #tpu.memory_space<vmem>>, vector<1x16xf32>,
        %get3A_432 = arith.index_cast %scan3A_333 : i32 to index
        %get3A_433 = arith.constant 16 : index
        %get3A_434 = tpu.vector_load %arg17[%get3A_432, %get3A_433] {strides = array<i32>} : memref<64x64xf32, #tpu.memory_space<vmem>>, vector<1x16xf32>,
        %get3A_435 = vector.shape_cast %get3A_434 : vector<1x16xf32> to vector<16xf32>
        %add3A_436 = arith.constant 0 : i32
        %add3A_437 = arith.addi %add3A_436, %scan3A_333 : i32
        %get3A_438 = arith.index_cast %add3A_437 : i32 to index
        %get3A_439 = arith.constant 16 : index
        %get3A_440 = tpu.vector_load %arg12[%get3A_438, %get3A_439] {strides = array<i32>} : memref<400x64xf32, #tpu.memory_space<vmem>>, vector<1x16xf32>,
        %get3A_441 = vector.shape_cast %get3A_440 : vector<1x16xf32> to vector<16xf32>
        %add3A_442 = arith.addf %get3A_441, %get3A_435 : vector<16xf32>
        %swap3A_443 = arith.index_cast %add3A_437 : i32 to index
        %swap3A_444 = arith.constant 16 : index
        %swap3A_445 = tpu.vector_load %arg12[%swap3A_443, %swap3A_444] {strides = array<i32>} : memref<400x64xf32, #tpu.memory_space<vmem>>, vector<1x16xf32>,
        %swap3A_446 = vector.shape_cast %swap3A_445 : vector<1x16xf32> to vector<16xf32>
        %swap3A_447 = vector.shape_cast %add3A_442 : vector<16xf32> to vector<1x16xf32>
        tpu.vector_store %arg12[%swap3A_443, %swap3A_444], %swap3A_447 {strides = array<i32>} : memref<400x64xf32, #tpu.memory_space<vmem>>, vector<1x16xf32>,
        %add3A_448 = arith.constant 50 : i32
        %add3A_449 = arith.addi %add3A_448, %scan3A_333 : i32
        %get3A_450 = arith.index_cast %add3A_449 : i32 to index
        %get3A_451 = arith.constant 16 : index
        %get3A_452 = tpu.vector_load %arg12[%get3A_450, %get3A_451] {strides = array<i32>} : memref<400x64xf32, #tpu.memory_space<vmem>>, vector<1x16xf32>,
        %get3A_453 = vector.shape_cast %get3A_452 : vector<1x16xf32> to vector<16xf32>
        %add3A_454 = arith.addf %get3A_453, %get3A_435 : vector<16xf32>
        %swap3A_455 = arith.index_cast %add3A_449 : i32 to index
        %swap3A_456 = arith.constant 16 : index
        %swap3A_457 = tpu.vector_load %arg12[%swap3A_455, %swap3A_456] {strides = array<i32>} : memref<400x64xf32, #tpu.memory_space<vmem>>, vector<1x16xf32>,
        %swap3A_458 = vector.shape_cast %swap3A_457 : vector<1x16xf32> to vector<16xf32>
        %swap3A_459 = vector.shape_cast %add3A_454 : vector<16xf32> to vector<1x16xf32>
        tpu.vector_store %arg12[%swap3A_455, %swap3A_456], %swap3A_459 {strides = array<i32>} : memref<400x64xf32, #tpu.memory_space<vmem>>, vector<1x16xf32>,
        %add3A_460 = arith.constant 100 : i32
        %add3A_461 = arith.addi %add3A_460, %scan3A_333 : i32
        %get3A_462 = arith.index_cast %add3A_461 : i32 to index
        %get3A_463 = arith.constant 16 : index
        %get3A_464 = tpu.vector_load %arg12[%get3A_462, %get3A_463] {strides = array<i32>} : memref<400x64xf32, #tpu.memory_space<vmem>>, vector<1x16xf32>,
        %get3A_465 = vector.shape_cast %get3A_464 : vector<1x16xf32> to vector<16xf32>
        %add3A_466 = arith.addf %get3A_465, %get3A_435 : vector<16xf32>
        %swap3A_467 = arith.index_cast %add3A_461 : i32 to index
        %swap3A_468 = arith.constant 16 : index
        %swap3A_469 = tpu.vector_load %arg12[%swap3A_467, %swap3A_468] {strides = array<i32>} : memref<400x64xf32, #tpu.memory_space<vmem>>, vector<1x16xf32>,
        %swap3A_470 = vector.shape_cast %swap3A_469 : vector<1x16xf32> to vector<16xf32>
        %swap3A_471 = vector.shape_cast %add3A_466 : vector<16xf32> to vector<1x16xf32>
        tpu.vector_store %arg12[%swap3A_467, %swap3A_468], %swap3A_471 {strides = array<i32>} : memref<400x64xf32, #tpu.memory_space<vmem>>, vector<1x16xf32>,
        %add3A_472 = arith.constant 150 : i32
        %add3A_473 = arith.addi %add3A_472, %scan3A_333 : i32
        %get3A_474 = arith.index_cast %add3A_473 : i32 to index
        %get3A_475 = arith.constant 16 : index
        %get3A_476 = tpu.vector_load %arg12[%get3A_474, %get3A_475] {strides = array<i32>} : memref<400x64xf32, #tpu.memory_space<vmem>>, vector<1x16xf32>,
        %get3A_477 = vector.shape_cast %get3A_476 : vector<1x16xf32> to vector<16xf32>
        %add3A_478 = arith.addf %get3A_477, %get3A_435 : vector<16xf32>
        %swap3A_479 = arith.index_cast %add3A_473 : i32 to index
        %swap3A_480 = arith.constant 16 : index
        %swap3A_481 = tpu.vector_load %arg12[%swap3A_479, %swap3A_480] {strides = array<i32>} : memref<400x64xf32, #tpu.memory_space<vmem>>, vector<1x16xf32>,
        %swap3A_482 = vector.shape_cast %swap3A_481 : vector<1x16xf32> to vector<16xf32>
        %swap3A_483 = vector.shape_cast %add3A_478 : vector<16xf32> to vector<1x16xf32>
        tpu.vector_store %arg12[%swap3A_479, %swap3A_480], %swap3A_483 {strides = array<i32>} : memref<400x64xf32, #tpu.memory_space<vmem>>, vector<1x16xf32>,
        %add3A_484 = arith.constant 200 : i32
        %add3A_485 = arith.addi %add3A_484, %scan3A_333 : i32
        %get3A_486 = arith.index_cast %add3A_485 : i32 to index
        %get3A_487 = arith.constant 16 : index
        %get3A_488 = tpu.vector_load %arg12[%get3A_486, %get3A_487] {strides = array<i32>} : memref<400x64xf32, #tpu.memory_space<vmem>>, vector<1x16xf32>,
        %get3A_489 = vector.shape_cast %get3A_488 : vector<1x16xf32> to vector<16xf32>
        %add3A_490 = arith.addf %get3A_489, %get3A_435 : vector<16xf32>
        %swap3A_491 = arith.index_cast %add3A_485 : i32 to index
        %swap3A_492 = arith.constant 16 : index
        %swap3A_493 = tpu.vector_load %arg12[%swap3A_491, %swap3A_492] {strides = array<i32>} : memref<400x64xf32, #tpu.memory_space<vmem>>, vector<1x16xf32>,
        %swap3A_494 = vector.shape_cast %swap3A_493 : vector<1x16xf32> to vector<16xf32>
        %swap3A_495 = vector.shape_cast %add3A_490 : vector<16xf32> to vector<1x16xf32>
        tpu.vector_store %arg12[%swap3A_491, %swap3A_492], %swap3A_495 {strides = array<i32>} : memref<400x64xf32, #tpu.memory_space<vmem>>, vector<1x16xf32>,
        %add3A_496 = arith.constant 250 : i32
        %add3A_497 = arith.addi %add3A_496, %scan3A_333 : i32
        %get3A_498 = arith.index_cast %add3A_497 : i32 to index
        %get3A_499 = arith.constant 16 : index
        %get3A_500 = tpu.vector_load %arg12[%get3A_498, %get3A_499] {strides = array<i32>} : memref<400x64xf32, #tpu.memory_space<vmem>>, vector<1x16xf32>,
        %get3A_501 = vector.shape_cast %get3A_500 : vector<1x16xf32> to vector<16xf32>
        %add3A_502 = arith.addf %get3A_501, %get3A_435 : vector<16xf32>
        %swap3A_503 = arith.index_cast %add3A_497 : i32 to index
        %swap3A_504 = arith.constant 16 : index
        %swap3A_505 = tpu.vector_load %arg12[%swap3A_503, %swap3A_504] {strides = array<i32>} : memref<400x64xf32, #tpu.memory_space<vmem>>, vector<1x16xf32>,
        %swap3A_506 = vector.shape_cast %swap3A_505 : vector<1x16xf32> to vector<16xf32>
        %swap3A_507 = vector.shape_cast %add3A_502 : vector<16xf32> to vector<1x16xf32>
        tpu.vector_store %arg12[%swap3A_503, %swap3A_504], %swap3A_507 {strides = array<i32>} : memref<400x64xf32, #tpu.memory_space<vmem>>, vector<1x16xf32>,
        %add3A_508 = arith.constant 300 : i32
        %add3A_509 = arith.addi %add3A_508, %scan3A_333 : i32
        %get3A_510 = arith.index_cast %add3A_509 : i32 to index
        %get3A_511 = arith.constant 16 : index
        %get3A_512 = tpu.vector_load %arg12[%get3A_510, %get3A_511] {strides = array<i32>} : memref<400x64xf32, #tpu.memory_space<vmem>>, vector<1x16xf32>,
        %get3A_513 = vector.shape_cast %get3A_512 : vector<1x16xf32> to vector<16xf32>
        %add3A_514 = arith.addf %get3A_513, %get3A_435 : vector<16xf32>
        %swap3A_515 = arith.index_cast %add3A_509 : i32 to index
        %swap3A_516 = arith.constant 16 : index
        %swap3A_517 = tpu.vector_load %arg12[%swap3A_515, %swap3A_516] {strides = array<i32>} : memref<400x64xf32, #tpu.memory_space<vmem>>, vector<1x16xf32>,
        %swap3A_518 = vector.shape_cast %swap3A_517 : vector<1x16xf32> to vector<16xf32>
        %swap3A_519 = vector.shape_cast %add3A_514 : vector<16xf32> to vector<1x16xf32>
        tpu.vector_store %arg12[%swap3A_515, %swap3A_516], %swap3A_519 {strides = array<i32>} : memref<400x64xf32, #tpu.memory_space<vmem>>, vector<1x16xf32>,
        %add3A_520 = arith.constant 350 : i32
        %add3A_521 = arith.addi %add3A_520, %scan3A_333 : i32
        %get3A_522 = arith.index_cast %add3A_521 : i32 to index
        %get3A_523 = arith.constant 16 : index
        %get3A_524 = tpu.vector_load %arg12[%get3A_522, %get3A_523] {strides = array<i32>} : memref<400x64xf32, #tpu.memory_space<vmem>>, vector<1x16xf32>,
        %get3A_525 = vector.shape_cast %get3A_524 : vector<1x16xf32> to vector<16xf32>
        %add3A_526 = arith.addf %get3A_525, %get3A_435 : vector<16xf32>
        %swap3A_527 = arith.index_cast %add3A_521 : i32 to index
        %swap3A_528 = arith.constant 16 : index
        %swap3A_529 = tpu.vector_load %arg12[%swap3A_527, %swap3A_528] {strides = array<i32>} : memref<400x64xf32, #tpu.memory_space<vmem>>, vector<1x16xf32>,
        %swap3A_530 = vector.shape_cast %swap3A_529 : vector<1x16xf32> to vector<16xf32>
        %swap3A_531 = vector.shape_cast %add3A_526 : vector<16xf32> to vector<1x16xf32>
        tpu.vector_store %arg12[%swap3A_527, %swap3A_528], %swap3A_531 {strides = array<i32>} : memref<400x64xf32, #tpu.memory_space<vmem>>, vector<1x16xf32>,
        %get3A_532 = arith.index_cast %scan3A_333 : i32 to index
        %get3A_533 = arith.constant 32 : index
        %get3A_534 = tpu.vector_load %arg17[%get3A_532, %get3A_533] {strides = array<i32>} : memref<64x64xf32, #tpu.memory_space<vmem>>, vector<1x16xf32>,
        %get3A_535 = vector.shape_cast %get3A_534 : vector<1x16xf32> to vector<16xf32>
        %add3A_536 = arith.constant 0 : i32
        %add3A_537 = arith.addi %add3A_536, %scan3A_333 : i32
        %get3A_538 = arith.index_cast %add3A_537 : i32 to index
        %get3A_539 = arith.constant 32 : index
        %get3A_540 = tpu.vector_load %arg12[%get3A_538, %get3A_539] {strides = array<i32>} : memref<400x64xf32, #tpu.memory_space<vmem>>, vector<1x16xf32>,
        %get3A_541 = vector.shape_cast %get3A_540 : vector<1x16xf32> to vector<16xf32>
        %add3A_542 = arith.addf %get3A_541, %get3A_535 : vector<16xf32>
        %swap3A_543 = arith.index_cast %add3A_537 : i32 to index
        %swap3A_544 = arith.constant 32 : index
        %swap3A_545 = tpu.vector_load %arg12[%swap3A_543, %swap3A_544] {strides = array<i32>} : memref<400x64xf32, #tpu.memory_space<vmem>>, vector<1x16xf32>,
        %swap3A_546 = vector.shape_cast %swap3A_545 : vector<1x16xf32> to vector<16xf32>
        %swap3A_547 = vector.shape_cast %add3A_542 : vector<16xf32> to vector<1x16xf32>
        tpu.vector_store %arg12[%swap3A_543, %swap3A_544], %swap3A_547 {strides = array<i32>} : memref<400x64xf32, #tpu.memory_space<vmem>>, vector<1x16xf32>,
        %add3A_548 = arith.constant 50 : i32
        %add3A_549 = arith.addi %add3A_548, %scan3A_333 : i32
        %get3A_550 = arith.index_cast %add3A_549 : i32 to index
        %get3A_551 = arith.constant 32 : index
        %get3A_552 = tpu.vector_load %arg12[%get3A_550, %get3A_551] {strides = array<i32>} : memref<400x64xf32, #tpu.memory_space<vmem>>, vector<1x16xf32>,
        %get3A_553 = vector.shape_cast %get3A_552 : vector<1x16xf32> to vector<16xf32>
        %add3A_554 = arith.addf %get3A_553, %get3A_535 : vector<16xf32>
        %swap3A_555 = arith.index_cast %add3A_549 : i32 to index
        %swap3A_556 = arith.constant 32 : index
        %swap3A_557 = tpu.vector_load %arg12[%swap3A_555, %swap3A_556] {strides = array<i32>} : memref<400x64xf32, #tpu.memory_space<vmem>>, vector<1x16xf32>,
        %swap3A_558 = vector.shape_cast %swap3A_557 : vector<1x16xf32> to vector<16xf32>
        %swap3A_559 = vector.shape_cast %add3A_554 : vector<16xf32> to vector<1x16xf32>
        tpu.vector_store %arg12[%swap3A_555, %swap3A_556], %swap3A_559 {strides = array<i32>} : memref<400x64xf32, #tpu.memory_space<vmem>>, vector<1x16xf32>,
        %add3A_560 = arith.constant 100 : i32
        %add3A_561 = arith.addi %add3A_560, %scan3A_333 : i32
        %get3A_562 = arith.index_cast %add3A_561 : i32 to index
        %get3A_563 = arith.constant 32 : index
        %get3A_564 = tpu.vector_load %arg12[%get3A_562, %get3A_563] {strides = array<i32>} : memref<400x64xf32, #tpu.memory_space<vmem>>, vector<1x16xf32>,
        %get3A_565 = vector.shape_cast %get3A_564 : vector<1x16xf32> to vector<16xf32>
        %add3A_566 = arith.addf %get3A_565, %get3A_535 : vector<16xf32>
        %swap3A_567 = arith.index_cast %add3A_561 : i32 to index
        %swap3A_568 = arith.constant 32 : index
        %swap3A_569 = tpu.vector_load %arg12[%swap3A_567, %swap3A_568] {strides = array<i32>} : memref<400x64xf32, #tpu.memory_space<vmem>>, vector<1x16xf32>,
        %swap3A_570 = vector.shape_cast %swap3A_569 : vector<1x16xf32> to vector<16xf32>
        %swap3A_571 = vector.shape_cast %add3A_566 : vector<16xf32> to vector<1x16xf32>
        tpu.vector_store %arg12[%swap3A_567, %swap3A_568], %swap3A_571 {strides = array<i32>} : memref<400x64xf32, #tpu.memory_space<vmem>>, vector<1x16xf32>,
        %add3A_572 = arith.constant 150 : i32
        %add3A_573 = arith.addi %add3A_572, %scan3A_333 : i32
        %get3A_574 = arith.index_cast %add3A_573 : i32 to index
        %get3A_575 = arith.constant 32 : index
        %get3A_576 = tpu.vector_load %arg12[%get3A_574, %get3A_575] {strides = array<i32>} : memref<400x64xf32, #tpu.memory_space<vmem>>, vector<1x16xf32>,
        %get3A_577 = vector.shape_cast %get3A_576 : vector<1x16xf32> to vector<16xf32>
        %add3A_578 = arith.addf %get3A_577, %get3A_535 : vector<16xf32>
        %swap3A_579 = arith.index_cast %add3A_573 : i32 to index
        %swap3A_580 = arith.constant 32 : index
        %swap3A_581 = tpu.vector_load %arg12[%swap3A_579, %swap3A_580] {strides = array<i32>} : memref<400x64xf32, #tpu.memory_space<vmem>>, vector<1x16xf32>,
        %swap3A_582 = vector.shape_cast %swap3A_581 : vector<1x16xf32> to vector<16xf32>
        %swap3A_583 = vector.shape_cast %add3A_578 : vector<16xf32> to vector<1x16xf32>
        tpu.vector_store %arg12[%swap3A_579, %swap3A_580], %swap3A_583 {strides = array<i32>} : memref<400x64xf32, #tpu.memory_space<vmem>>, vector<1x16xf32>,
        %add3A_584 = arith.constant 200 : i32
        %add3A_585 = arith.addi %add3A_584, %scan3A_333 : i32
        %get3A_586 = arith.index_cast %add3A_585 : i32 to index
        %get3A_587 = arith.constant 32 : index
        %get3A_588 = tpu.vector_load %arg12[%get3A_586, %get3A_587] {strides = array<i32>} : memref<400x64xf32, #tpu.memory_space<vmem>>, vector<1x16xf32>,
        %get3A_589 = vector.shape_cast %get3A_588 : vector<1x16xf32> to vector<16xf32>
        %add3A_590 = arith.addf %get3A_589, %get3A_535 : vector<16xf32>
        %swap3A_591 = arith.index_cast %add3A_585 : i32 to index
        %swap3A_592 = arith.constant 32 : index
        %swap3A_593 = tpu.vector_load %arg12[%swap3A_591, %swap3A_592] {strides = array<i32>} : memref<400x64xf32, #tpu.memory_space<vmem>>, vector<1x16xf32>,
        %swap3A_594 = vector.shape_cast %swap3A_593 : vector<1x16xf32> to vector<16xf32>
        %swap3A_595 = vector.shape_cast %add3A_590 : vector<16xf32> to vector<1x16xf32>
        tpu.vector_store %arg12[%swap3A_591, %swap3A_592], %swap3A_595 {strides = array<i32>} : memref<400x64xf32, #tpu.memory_space<vmem>>, vector<1x16xf32>,
        %add3A_596 = arith.constant 250 : i32
        %add3A_597 = arith.addi %add3A_596, %scan3A_333 : i32
        %get3A_598 = arith.index_cast %add3A_597 : i32 to index
        %get3A_599 = arith.constant 32 : index
        %get3A_600 = tpu.vector_load %arg12[%get3A_598, %get3A_599] {strides = array<i32>} : memref<400x64xf32, #tpu.memory_space<vmem>>, vector<1x16xf32>,
        %get3A_601 = vector.shape_cast %get3A_600 : vector<1x16xf32> to vector<16xf32>
        %add3A_602 = arith.addf %get3A_601, %get3A_535 : vector<16xf32>
        %swap3A_603 = arith.index_cast %add3A_597 : i32 to index
        %swap3A_604 = arith.constant 32 : index
        %swap3A_605 = tpu.vector_load %arg12[%swap3A_603, %swap3A_604] {strides = array<i32>} : memref<400x64xf32, #tpu.memory_space<vmem>>, vector<1x16xf32>,
        %swap3A_606 = vector.shape_cast %swap3A_605 : vector<1x16xf32> to vector<16xf32>
        %swap3A_607 = vector.shape_cast %add3A_602 : vector<16xf32> to vector<1x16xf32>
        tpu.vector_store %arg12[%swap3A_603, %swap3A_604], %swap3A_607 {strides = array<i32>} : memref<400x64xf32, #tpu.memory_space<vmem>>, vector<1x16xf32>,
        %add3A_608 = arith.constant 300 : i32
        %add3A_609 = arith.addi %add3A_608, %scan3A_333 : i32
        %get3A_610 = arith.index_cast %add3A_609 : i32 to index
        %get3A_611 = arith.constant 32 : index
        %get3A_612 = tpu.vector_load %arg12[%get3A_610, %get3A_611] {strides = array<i32>} : memref<400x64xf32, #tpu.memory_space<vmem>>, vector<1x16xf32>,
        %get3A_613 = vector.shape_cast %get3A_612 : vector<1x16xf32> to vector<16xf32>
        %add3A_614 = arith.addf %get3A_613, %get3A_535 : vector<16xf32>
        %swap3A_615 = arith.index_cast %add3A_609 : i32 to index
        %swap3A_616 = arith.constant 32 : index
        %swap3A_617 = tpu.vector_load %arg12[%swap3A_615, %swap3A_616] {strides = array<i32>} : memref<400x64xf32, #tpu.memory_space<vmem>>, vector<1x16xf32>,
        %swap3A_618 = vector.shape_cast %swap3A_617 : vector<1x16xf32> to vector<16xf32>
        %swap3A_619 = vector.shape_cast %add3A_614 : vector<16xf32> to vector<1x16xf32>
        tpu.vector_store %arg12[%swap3A_615, %swap3A_616], %swap3A_619 {strides = array<i32>} : memref<400x64xf32, #tpu.memory_space<vmem>>, vector<1x16xf32>,
        %add3A_620 = arith.constant 350 : i32
        %add3A_621 = arith.addi %add3A_620, %scan3A_333 : i32
        %get3A_622 = arith.index_cast %add3A_621 : i32 to index
        %get3A_623 = arith.constant 32 : index
        %get3A_624 = tpu.vector_load %arg12[%get3A_622, %get3A_623] {strides = array<i32>} : memref<400x64xf32, #tpu.memory_space<vmem>>, vector<1x16xf32>,
        %get3A_625 = vector.shape_cast %get3A_624 : vector<1x16xf32> to vector<16xf32>
        %add3A_626 = arith.addf %get3A_625, %get3A_535 : vector<16xf32>
        %swap3A_627 = arith.index_cast %add3A_621 : i32 to index
        %swap3A_628 = arith.constant 32 : index
        %swap3A_629 = tpu.vector_load %arg12[%swap3A_627, %swap3A_628] {strides = array<i32>} : memref<400x64xf32, #tpu.memory_space<vmem>>, vector<1x16xf32>,
        %swap3A_630 = vector.shape_cast %swap3A_629 : vector<1x16xf32> to vector<16xf32>
        %swap3A_631 = vector.shape_cast %add3A_626 : vector<16xf32> to vector<1x16xf32>
        tpu.vector_store %arg12[%swap3A_627, %swap3A_628], %swap3A_631 {strides = array<i32>} : memref<400x64xf32, #tpu.memory_space<vmem>>, vector<1x16xf32>,
        %get3A_632 = arith.index_cast %scan3A_333 : i32 to index
        %get3A_633 = arith.constant 48 : index
        %get3A_634 = tpu.vector_load %arg17[%get3A_632, %get3A_633] {strides = array<i32>} : memref<64x64xf32, #tpu.memory_space<vmem>>, vector<1x16xf32>,
        %get3A_635 = vector.shape_cast %get3A_634 : vector<1x16xf32> to vector<16xf32>
        %add3A_636 = arith.constant 0 : i32
        %add3A_637 = arith.addi %add3A_636, %scan3A_333 : i32
        %get3A_638 = arith.index_cast %add3A_637 : i32 to index
        %get3A_639 = arith.constant 48 : index
        %get3A_640 = tpu.vector_load %arg12[%get3A_638, %get3A_639] {strides = array<i32>} : memref<400x64xf32, #tpu.memory_space<vmem>>, vector<1x16xf32>,
        %get3A_641 = vector.shape_cast %get3A_640 : vector<1x16xf32> to vector<16xf32>
        %add3A_642 = arith.addf %get3A_641, %get3A_635 : vector<16xf32>
        %swap3A_643 = arith.index_cast %add3A_637 : i32 to index
        %swap3A_644 = arith.constant 48 : index
        %swap3A_645 = tpu.vector_load %arg12[%swap3A_643, %swap3A_644] {strides = array<i32>} : memref<400x64xf32, #tpu.memory_space<vmem>>, vector<1x16xf32>,
        %swap3A_646 = vector.shape_cast %swap3A_645 : vector<1x16xf32> to vector<16xf32>
        %swap3A_647 = vector.shape_cast %add3A_642 : vector<16xf32> to vector<1x16xf32>
        tpu.vector_store %arg12[%swap3A_643, %swap3A_644], %swap3A_647 {strides = array<i32>} : memref<400x64xf32, #tpu.memory_space<vmem>>, vector<1x16xf32>,
        %add3A_648 = arith.constant 50 : i32
        %add3A_649 = arith.addi %add3A_648, %scan3A_333 : i32
        %get3A_650 = arith.index_cast %add3A_649 : i32 to index
        %get3A_651 = arith.constant 48 : index
        %get3A_652 = tpu.vector_load %arg12[%get3A_650, %get3A_651] {strides = array<i32>} : memref<400x64xf32, #tpu.memory_space<vmem>>, vector<1x16xf32>,
        %get3A_653 = vector.shape_cast %get3A_652 : vector<1x16xf32> to vector<16xf32>
        %add3A_654 = arith.addf %get3A_653, %get3A_635 : vector<16xf32>
        %swap3A_655 = arith.index_cast %add3A_649 : i32 to index
        %swap3A_656 = arith.constant 48 : index
        %swap3A_657 = tpu.vector_load %arg12[%swap3A_655, %swap3A_656] {strides = array<i32>} : memref<400x64xf32, #tpu.memory_space<vmem>>, vector<1x16xf32>,
        %swap3A_658 = vector.shape_cast %swap3A_657 : vector<1x16xf32> to vector<16xf32>
        %swap3A_659 = vector.shape_cast %add3A_654 : vector<16xf32> to vector<1x16xf32>
        tpu.vector_store %arg12[%swap3A_655, %swap3A_656], %swap3A_659 {strides = array<i32>} : memref<400x64xf32, #tpu.memory_space<vmem>>, vector<1x16xf32>,
        %add3A_660 = arith.constant 100 : i32
        %add3A_661 = arith.addi %add3A_660, %scan3A_333 : i32
        %get3A_662 = arith.index_cast %add3A_661 : i32 to index
        %get3A_663 = arith.constant 48 : index
        %get3A_664 = tpu.vector_load %arg12[%get3A_662, %get3A_663] {strides = array<i32>} : memref<400x64xf32, #tpu.memory_space<vmem>>, vector<1x16xf32>,
        %get3A_665 = vector.shape_cast %get3A_664 : vector<1x16xf32> to vector<16xf32>
        %add3A_666 = arith.addf %get3A_665, %get3A_635 : vector<16xf32>
        %swap3A_667 = arith.index_cast %add3A_661 : i32 to index
        %swap3A_668 = arith.constant 48 : index
        %swap3A_669 = tpu.vector_load %arg12[%swap3A_667, %swap3A_668] {strides = array<i32>} : memref<400x64xf32, #tpu.memory_space<vmem>>, vector<1x16xf32>,
        %swap3A_670 = vector.shape_cast %swap3A_669 : vector<1x16xf32> to vector<16xf32>
        %swap3A_671 = vector.shape_cast %add3A_666 : vector<16xf32> to vector<1x16xf32>
        tpu.vector_store %arg12[%swap3A_667, %swap3A_668], %swap3A_671 {strides = array<i32>} : memref<400x64xf32, #tpu.memory_space<vmem>>, vector<1x16xf32>,
        %add3A_672 = arith.constant 150 : i32
        %add3A_673 = arith.addi %add3A_672, %scan3A_333 : i32
        %get3A_674 = arith.index_cast %add3A_673 : i32 to index
        %get3A_675 = arith.constant 48 : index
        %get3A_676 = tpu.vector_load %arg12[%get3A_674, %get3A_675] {strides = array<i32>} : memref<400x64xf32, #tpu.memory_space<vmem>>, vector<1x16xf32>,
        %get3A_677 = vector.shape_cast %get3A_676 : vector<1x16xf32> to vector<16xf32>
        %add3A_678 = arith.addf %get3A_677, %get3A_635 : vector<16xf32>
        %swap3A_679 = arith.index_cast %add3A_673 : i32 to index
        %swap3A_680 = arith.constant 48 : index
        %swap3A_681 = tpu.vector_load %arg12[%swap3A_679, %swap3A_680] {strides = array<i32>} : memref<400x64xf32, #tpu.memory_space<vmem>>, vector<1x16xf32>,
        %swap3A_682 = vector.shape_cast %swap3A_681 : vector<1x16xf32> to vector<16xf32>
        %swap3A_683 = vector.shape_cast %add3A_678 : vector<16xf32> to vector<1x16xf32>
        tpu.vector_store %arg12[%swap3A_679, %swap3A_680], %swap3A_683 {strides = array<i32>} : memref<400x64xf32, #tpu.memory_space<vmem>>, vector<1x16xf32>,
        %add3A_684 = arith.constant 200 : i32
        %add3A_685 = arith.addi %add3A_684, %scan3A_333 : i32
        %get3A_686 = arith.index_cast %add3A_685 : i32 to index
        %get3A_687 = arith.constant 48 : index
        %get3A_688 = tpu.vector_load %arg12[%get3A_686, %get3A_687] {strides = array<i32>} : memref<400x64xf32, #tpu.memory_space<vmem>>, vector<1x16xf32>,
        %get3A_689 = vector.shape_cast %get3A_688 : vector<1x16xf32> to vector<16xf32>
        %add3A_690 = arith.addf %get3A_689, %get3A_635 : vector<16xf32>
        %swap3A_691 = arith.index_cast %add3A_685 : i32 to index
        %swap3A_692 = arith.constant 48 : index
        %swap3A_693 = tpu.vector_load %arg12[%swap3A_691, %swap3A_692] {strides = array<i32>} : memref<400x64xf32, #tpu.memory_space<vmem>>, vector<1x16xf32>,
        %swap3A_694 = vector.shape_cast %swap3A_693 : vector<1x16xf32> to vector<16xf32>
        %swap3A_695 = vector.shape_cast %add3A_690 : vector<16xf32> to vector<1x16xf32>
        tpu.vector_store %arg12[%swap3A_691, %swap3A_692], %swap3A_695 {strides = array<i32>} : memref<400x64xf32, #tpu.memory_space<vmem>>, vector<1x16xf32>,
        %add3A_696 = arith.constant 250 : i32
        %add3A_697 = arith.addi %add3A_696, %scan3A_333 : i32
        %get3A_698 = arith.index_cast %add3A_697 : i32 to index
        %get3A_699 = arith.constant 48 : index
        %get3A_700 = tpu.vector_load %arg12[%get3A_698, %get3A_699] {strides = array<i32>} : memref<400x64xf32, #tpu.memory_space<vmem>>, vector<1x16xf32>,
        %get3A_701 = vector.shape_cast %get3A_700 : vector<1x16xf32> to vector<16xf32>
        %add3A_702 = arith.addf %get3A_701, %get3A_635 : vector<16xf32>
        %swap3A_703 = arith.index_cast %add3A_697 : i32 to index
        %swap3A_704 = arith.constant 48 : index
        %swap3A_705 = tpu.vector_load %arg12[%swap3A_703, %swap3A_704] {strides = array<i32>} : memref<400x64xf32, #tpu.memory_space<vmem>>, vector<1x16xf32>,
        %swap3A_706 = vector.shape_cast %swap3A_705 : vector<1x16xf32> to vector<16xf32>
        %swap3A_707 = vector.shape_cast %add3A_702 : vector<16xf32> to vector<1x16xf32>
        tpu.vector_store %arg12[%swap3A_703, %swap3A_704], %swap3A_707 {strides = array<i32>} : memref<400x64xf32, #tpu.memory_space<vmem>>, vector<1x16xf32>,
        %add3A_708 = arith.constant 300 : i32
        %add3A_709 = arith.addi %add3A_708, %scan3A_333 : i32
        %get3A_710 = arith.index_cast %add3A_709 : i32 to index
        %get3A_711 = arith.constant 48 : index
        %get3A_712 = tpu.vector_load %arg12[%get3A_710, %get3A_711] {strides = array<i32>} : memref<400x64xf32, #tpu.memory_space<vmem>>, vector<1x16xf32>,
        %get3A_713 = vector.shape_cast %get3A_712 : vector<1x16xf32> to vector<16xf32>
        %add3A_714 = arith.addf %get3A_713, %get3A_635 : vector<16xf32>
        %swap3A_715 = arith.index_cast %add3A_709 : i32 to index
        %swap3A_716 = arith.constant 48 : index
        %swap3A_717 = tpu.vector_load %arg12[%swap3A_715, %swap3A_716] {strides = array<i32>} : memref<400x64xf32, #tpu.memory_space<vmem>>, vector<1x16xf32>,
        %swap3A_718 = vector.shape_cast %swap3A_717 : vector<1x16xf32> to vector<16xf32>
        %swap3A_719 = vector.shape_cast %add3A_714 : vector<16xf32> to vector<1x16xf32>
        tpu.vector_store %arg12[%swap3A_715, %swap3A_716], %swap3A_719 {strides = array<i32>} : memref<400x64xf32, #tpu.memory_space<vmem>>, vector<1x16xf32>,
        %add3A_720 = arith.constant 350 : i32
        %add3A_721 = arith.addi %add3A_720, %scan3A_333 : i32
        %get3A_722 = arith.index_cast %add3A_721 : i32 to index
        %get3A_723 = arith.constant 48 : index
        %get3A_724 = tpu.vector_load %arg12[%get3A_722, %get3A_723] {strides = array<i32>} : memref<400x64xf32, #tpu.memory_space<vmem>>, vector<1x16xf32>,
        %get3A_725 = vector.shape_cast %get3A_724 : vector<1x16xf32> to vector<16xf32>
        %add3A_726 = arith.addf %get3A_725, %get3A_635 : vector<16xf32>
        %swap3A_727 = arith.index_cast %add3A_721 : i32 to index
        %swap3A_728 = arith.constant 48 : index
        %swap3A_729 = tpu.vector_load %arg12[%swap3A_727, %swap3A_728] {strides = array<i32>} : memref<400x64xf32, #tpu.memory_space<vmem>>, vector<1x16xf32>,
        %swap3A_730 = vector.shape_cast %swap3A_729 : vector<1x16xf32> to vector<16xf32>
        %swap3A_731 = vector.shape_cast %add3A_726 : vector<16xf32> to vector<1x16xf32>
        tpu.vector_store %arg12[%swap3A_727, %swap3A_728], %swap3A_731 {strides = array<i32>} : memref<400x64xf32, #tpu.memory_space<vmem>>, vector<1x16xf32>,
      }
      %scan3A_223 = arith.constant 50 : i32
      %mul3A_224 = arith.constant 64 : i32
      %mul3A_225 = arith.muli %add3A, %mul3A_224 : i32
      %add3A_226 = arith.addi %mul3A_225, %add3A_211 : i32
      %mul3A_227 = arith.constant 400 : i32
      %mul3A_228 = arith.muli %add3A_226, %mul3A_227 : i32
      %dma_start3A_229 = arith.constant 0 : i32
      %dma_start3A_230 = tpu.memref_slice %arg7[%mul3A_228, %dma_start3A_229] : memref<819200x64xf32, #tpu.memory_space<hbm>> -> memref<400x64xf32, #tpu.memory_space<hbm>>
      %dma_start3A_231 = arith.constant 0 : i32
      %dma_start3A_232 = tpu.memref_slice %arg7[%mul3A_228, %dma_start3A_231] : memref<819200x64xf32, #tpu.memory_space<hbm>> -> memref<400x64xf32, #tpu.memory_space<hbm>>
      tpu.enqueue_dma source(%arg12 : memref<400x64xf32, #tpu.memory_space<vmem>>) target(%dma_start3A_232 : memref<400x64xf32, #tpu.memory_space<hbm>>) target_semaphore(%arg23 : memref<!tpu.dma_semaphore, #tpu.memory_space<semaphore_mem>>)
      %add3A_233 = arith.constant 2 : i32
      %add3A_234 = arith.addi %add3A_211, %add3A_233 : i32
      %lt3A = arith.constant 64 : i32
      %lt3A_235 = arith.cmpi slt, %add3A_234, %lt3A : i32
      %convert_element_type3A = arith.extui %lt3A_235 : i1 to i32
      %cond3A = arith.constant 0 : i32
      %cond3A_236 = arith.cmpi ne, %convert_element_type3A, %cond3A : i32
      scf.if %cond3A_236 {
        %ge3A = arith.constant 2 : i32
        %ge3A_333 = arith.cmpi sge, %add3A_211, %ge3A : i32
        %convert_element_type3A_334 = arith.extui %ge3A_333 : i1 to i32
        %cond3A_335 = arith.constant 0 : i32
        %cond3A_336 = arith.cmpi ne, %convert_element_type3A_334, %cond3A_335 : i32
        scf.if %cond3A_336 {
          %dma_wait3A_419 = arith.constant 0 : i32
          %dma_wait3A_420 = arith.constant 0 : i32
          %dma_wait3A_421 = tpu.memref_slice %arg7[%dma_wait3A_419, %dma_wait3A_420] : memref<819200x64xf32, #tpu.memory_space<hbm>> -> memref<400x64xf32, #tpu.memory_space<hbm>>
          %dma_wait3A_422 = arith.constant 0 : i32
          %dma_wait3A_423 = arith.constant 0 : i32
          %dma_wait3A_424 = tpu.memref_slice %arg7[%dma_wait3A_422, %dma_wait3A_423] : memref<819200x64xf32, #tpu.memory_space<hbm>> -> memref<400x64xf32, #tpu.memory_space<hbm>>
          tpu.wait_dma2 semaphore(%arg25 : memref<!tpu.dma_semaphore, #tpu.memory_space<semaphore_mem>>) src(%dma_wait3A_424 : memref<400x64xf32, #tpu.memory_space<hbm>>) dst(%arg14 : memref<400x64xf32, #tpu.memory_space<vmem>>)
        } else {
        }
        %add3A_337 = arith.constant 2 : i32
        %add3A_338 = arith.addi %add3A_211, %add3A_337 : i32
        "tpu.region"() ({
          %run_scoped3A_419 = tpu.sem_alloc : memref<!tpu.dma_semaphore, #tpu.memory_space<semaphore_mem>>
          %dma_start3A_420 = arith.constant 0 : i32
          %dma_start3A_421 = arith.constant 0 : i32
          %dma_start3A_422 = tpu.memref_slice %arg3[%add3A, %add3A_338, %dma_start3A_420, %dma_start3A_421] : memref<32x64x8x50xi32, #tpu.memory_space<hbm>> -> memref<1x1x8x50xi32, #tpu.memory_space<hbm>>
          %dma_start3A_423 = tpu.memref_squeeze %dma_start3A_422 : memref<1x1x8x50xi32, #tpu.memory_space<hbm>> -> memref<8x50xi32, #tpu.memory_space<hbm>>
          %dma_start3A_424 = arith.constant 0 : i32
          %dma_start3A_425 = arith.constant 0 : i32
          %dma_start3A_426 = tpu.memref_slice %arg3[%add3A, %add3A_338, %dma_start3A_424, %dma_start3A_425] : memref<32x64x8x50xi32, #tpu.memory_space<hbm>> -> memref<1x1x8x50xi32, #tpu.memory_space<hbm>>
          %dma_start3A_427 = tpu.memref_squeeze %dma_start3A_426 : memref<1x1x8x50xi32, #tpu.memory_space<hbm>> -> memref<8x50xi32, #tpu.memory_space<hbm>>
          tpu.enqueue_dma source(%dma_start3A_427 : memref<8x50xi32, #tpu.memory_space<hbm>>) target(%arg10 : memref<8x50xi32, #tpu.memory_space<vmem>>) target_semaphore(%run_scoped3A_419 : memref<!tpu.dma_semaphore, #tpu.memory_space<semaphore_mem>>)
          %dma_wait3A_428 = arith.constant 0 : i32
          %dma_wait3A_429 = arith.constant 0 : i32
          %dma_wait3A_430 = tpu.memref_slice %arg3[%add3A, %add3A_338, %dma_wait3A_428, %dma_wait3A_429] : memref<32x64x8x50xi32, #tpu.memory_space<hbm>> -> memref<1x1x8x50xi32, #tpu.memory_space<hbm>>
          %dma_wait3A_431 = tpu.memref_squeeze %dma_wait3A_430 : memref<1x1x8x50xi32, #tpu.memory_space<hbm>> -> memref<8x50xi32, #tpu.memory_space<hbm>>
          %dma_wait3A_432 = arith.constant 0 : i32
          %dma_wait3A_433 = arith.constant 0 : i32
          %dma_wait3A_434 = tpu.memref_slice %arg3[%add3A, %add3A_338, %dma_wait3A_432, %dma_wait3A_433] : memref<32x64x8x50xi32, #tpu.memory_space<hbm>> -> memref<1x1x8x50xi32, #tpu.memory_space<hbm>>
          %dma_wait3A_435 = tpu.memref_squeeze %dma_wait3A_434 : memref<1x1x8x50xi32, #tpu.memory_space<hbm>> -> memref<8x50xi32, #tpu.memory_space<hbm>>
          tpu.wait_dma2 semaphore(%run_scoped3A_419 : memref<!tpu.dma_semaphore, #tpu.memory_space<semaphore_mem>>) src(%dma_wait3A_435 : memref<8x50xi32, #tpu.memory_space<hbm>>) dst(%arg10 : memref<8x50xi32, #tpu.memory_space<vmem>>)
          tpu.yield
        }) : () -> ()
        %dma_start3A_339 = arith.constant 0 : i32
        %dma_start3A_340 = arith.constant 0 : i32
        %dma_start3A_341 = arith.constant 0 : i32
        %dma_start3A_342 = tpu.memref_slice %arg14[%dma_start3A_340, %dma_start3A_341] : memref<400x64xf32, #tpu.memory_space<vmem>> -> memref<50x64xf32, #tpu.memory_space<vmem>>
        %dma_start3A_343 = arith.constant 0 : i32
        %dma_start3A_344 = tpu.memref_slice %arg10[%dma_start3A_339, %dma_start3A_343] : memref<8x50xi32, #tpu.memory_space<vmem>> -> memref<1x50xi32, #tpu.memory_space<vmem>>
        %dma_start3A_345 = tpu.memref_squeeze %dma_start3A_344 : memref<1x50xi32, #tpu.memory_space<vmem>> -> memref<50xi32, #tpu.memory_space<vmem>>
        %dma_start3A_346 = arith.constant 0 : i32
        %dma_start3A_347 = arith.constant 0 : i32
        %dma_start3A_348 = tpu.memref_slice %arg2[%dma_start3A_346, %dma_start3A_347] : memref<1000000x64xf32, #tpu.memory_space<hbm>> -> memref<1000000x64xf32, #tpu.memory_space<hbm>>
        tpu.enqueue_indirect_dma source(%dma_start3A_348 : memref<1000000x64xf32, #tpu.memory_space<hbm>>) target(%dma_start3A_342 : memref<50x64xf32, #tpu.memory_space<vmem>>) offsets(%dma_start3A_345 : memref<50xi32, #tpu.memory_space<vmem>>) semaphore(%arg21 : memref<!tpu.dma_semaphore, #tpu.memory_space<semaphore_mem>>)
        %dma_start3A_349 = arith.constant 1 : i32
        %dma_start3A_350 = arith.constant 50 : i32
        %dma_start3A_351 = arith.constant 0 : i32
        %dma_start3A_352 = tpu.memref_slice %arg14[%dma_start3A_350, %dma_start3A_351] : memref<400x64xf32, #tpu.memory_space<vmem>> -> memref<50x64xf32, #tpu.memory_space<vmem>>
        %dma_start3A_353 = arith.constant 0 : i32
        %dma_start3A_354 = tpu.memref_slice %arg10[%dma_start3A_349, %dma_start3A_353] : memref<8x50xi32, #tpu.memory_space<vmem>> -> memref<1x50xi32, #tpu.memory_space<vmem>>
        %dma_start3A_355 = tpu.memref_squeeze %dma_start3A_354 : memref<1x50xi32, #tpu.memory_space<vmem>> -> memref<50xi32, #tpu.memory_space<vmem>>
        %dma_start3A_356 = arith.constant 0 : i32
        %dma_start3A_357 = arith.constant 0 : i32
        %dma_start3A_358 = tpu.memref_slice %arg2[%dma_start3A_356, %dma_start3A_357] : memref<1000000x64xf32, #tpu.memory_space<hbm>> -> memref<1000000x64xf32, #tpu.memory_space<hbm>>
        tpu.enqueue_indirect_dma source(%dma_start3A_358 : memref<1000000x64xf32, #tpu.memory_space<hbm>>) target(%dma_start3A_352 : memref<50x64xf32, #tpu.memory_space<vmem>>) offsets(%dma_start3A_355 : memref<50xi32, #tpu.memory_space<vmem>>) semaphore(%arg21 : memref<!tpu.dma_semaphore, #tpu.memory_space<semaphore_mem>>)
        %dma_start3A_359 = arith.constant 2 : i32
        %dma_start3A_360 = arith.constant 100 : i32
        %dma_start3A_361 = arith.constant 0 : i32
        %dma_start3A_362 = tpu.memref_slice %arg14[%dma_start3A_360, %dma_start3A_361] : memref<400x64xf32, #tpu.memory_space<vmem>> -> memref<50x64xf32, #tpu.memory_space<vmem>>
        %dma_start3A_363 = arith.constant 0 : i32
        %dma_start3A_364 = tpu.memref_slice %arg10[%dma_start3A_359, %dma_start3A_363] : memref<8x50xi32, #tpu.memory_space<vmem>> -> memref<1x50xi32, #tpu.memory_space<vmem>>
        %dma_start3A_365 = tpu.memref_squeeze %dma_start3A_364 : memref<1x50xi32, #tpu.memory_space<vmem>> -> memref<50xi32, #tpu.memory_space<vmem>>
        %dma_start3A_366 = arith.constant 0 : i32
        %dma_start3A_367 = arith.constant 0 : i32
        %dma_start3A_368 = tpu.memref_slice %arg2[%dma_start3A_366, %dma_start3A_367] : memref<1000000x64xf32, #tpu.memory_space<hbm>> -> memref<1000000x64xf32, #tpu.memory_space<hbm>>
        tpu.enqueue_indirect_dma source(%dma_start3A_368 : memref<1000000x64xf32, #tpu.memory_space<hbm>>) target(%dma_start3A_362 : memref<50x64xf32, #tpu.memory_space<vmem>>) offsets(%dma_start3A_365 : memref<50xi32, #tpu.memory_space<vmem>>) semaphore(%arg21 : memref<!tpu.dma_semaphore, #tpu.memory_space<semaphore_mem>>)
        %dma_start3A_369 = arith.constant 3 : i32
        %dma_start3A_370 = arith.constant 150 : i32
        %dma_start3A_371 = arith.constant 0 : i32
        %dma_start3A_372 = tpu.memref_slice %arg14[%dma_start3A_370, %dma_start3A_371] : memref<400x64xf32, #tpu.memory_space<vmem>> -> memref<50x64xf32, #tpu.memory_space<vmem>>
        %dma_start3A_373 = arith.constant 0 : i32
        %dma_start3A_374 = tpu.memref_slice %arg10[%dma_start3A_369, %dma_start3A_373] : memref<8x50xi32, #tpu.memory_space<vmem>> -> memref<1x50xi32, #tpu.memory_space<vmem>>
        %dma_start3A_375 = tpu.memref_squeeze %dma_start3A_374 : memref<1x50xi32, #tpu.memory_space<vmem>> -> memref<50xi32, #tpu.memory_space<vmem>>
        %dma_start3A_376 = arith.constant 0 : i32
        %dma_start3A_377 = arith.constant 0 : i32
        %dma_start3A_378 = tpu.memref_slice %arg2[%dma_start3A_376, %dma_start3A_377] : memref<1000000x64xf32, #tpu.memory_space<hbm>> -> memref<1000000x64xf32, #tpu.memory_space<hbm>>
        tpu.enqueue_indirect_dma source(%dma_start3A_378 : memref<1000000x64xf32, #tpu.memory_space<hbm>>) target(%dma_start3A_372 : memref<50x64xf32, #tpu.memory_space<vmem>>) offsets(%dma_start3A_375 : memref<50xi32, #tpu.memory_space<vmem>>) semaphore(%arg21 : memref<!tpu.dma_semaphore, #tpu.memory_space<semaphore_mem>>)
        %dma_start3A_379 = arith.constant 4 : i32
        %dma_start3A_380 = arith.constant 200 : i32
        %dma_start3A_381 = arith.constant 0 : i32
        %dma_start3A_382 = tpu.memref_slice %arg14[%dma_start3A_380, %dma_start3A_381] : memref<400x64xf32, #tpu.memory_space<vmem>> -> memref<50x64xf32, #tpu.memory_space<vmem>>
        %dma_start3A_383 = arith.constant 0 : i32
        %dma_start3A_384 = tpu.memref_slice %arg10[%dma_start3A_379, %dma_start3A_383] : memref<8x50xi32, #tpu.memory_space<vmem>> -> memref<1x50xi32, #tpu.memory_space<vmem>>
        %dma_start3A_385 = tpu.memref_squeeze %dma_start3A_384 : memref<1x50xi32, #tpu.memory_space<vmem>> -> memref<50xi32, #tpu.memory_space<vmem>>
        %dma_start3A_386 = arith.constant 0 : i32
        %dma_start3A_387 = arith.constant 0 : i32
        %dma_start3A_388 = tpu.memref_slice %arg2[%dma_start3A_386, %dma_start3A_387] : memref<1000000x64xf32, #tpu.memory_space<hbm>> -> memref<1000000x64xf32, #tpu.memory_space<hbm>>
        tpu.enqueue_indirect_dma source(%dma_start3A_388 : memref<1000000x64xf32, #tpu.memory_space<hbm>>) target(%dma_start3A_382 : memref<50x64xf32, #tpu.memory_space<vmem>>) offsets(%dma_start3A_385 : memref<50xi32, #tpu.memory_space<vmem>>) semaphore(%arg21 : memref<!tpu.dma_semaphore, #tpu.memory_space<semaphore_mem>>)
        %dma_start3A_389 = arith.constant 5 : i32
        %dma_start3A_390 = arith.constant 250 : i32
        %dma_start3A_391 = arith.constant 0 : i32
        %dma_start3A_392 = tpu.memref_slice %arg14[%dma_start3A_390, %dma_start3A_391] : memref<400x64xf32, #tpu.memory_space<vmem>> -> memref<50x64xf32, #tpu.memory_space<vmem>>
        %dma_start3A_393 = arith.constant 0 : i32
        %dma_start3A_394 = tpu.memref_slice %arg10[%dma_start3A_389, %dma_start3A_393] : memref<8x50xi32, #tpu.memory_space<vmem>> -> memref<1x50xi32, #tpu.memory_space<vmem>>
        %dma_start3A_395 = tpu.memref_squeeze %dma_start3A_394 : memref<1x50xi32, #tpu.memory_space<vmem>> -> memref<50xi32, #tpu.memory_space<vmem>>
        %dma_start3A_396 = arith.constant 0 : i32
        %dma_start3A_397 = arith.constant 0 : i32
        %dma_start3A_398 = tpu.memref_slice %arg2[%dma_start3A_396, %dma_start3A_397] : memref<1000000x64xf32, #tpu.memory_space<hbm>> -> memref<1000000x64xf32, #tpu.memory_space<hbm>>
        tpu.enqueue_indirect_dma source(%dma_start3A_398 : memref<1000000x64xf32, #tpu.memory_space<hbm>>) target(%dma_start3A_392 : memref<50x64xf32, #tpu.memory_space<vmem>>) offsets(%dma_start3A_395 : memref<50xi32, #tpu.memory_space<vmem>>) semaphore(%arg21 : memref<!tpu.dma_semaphore, #tpu.memory_space<semaphore_mem>>)
        %dma_start3A_399 = arith.constant 6 : i32
        %dma_start3A_400 = arith.constant 300 : i32
        %dma_start3A_401 = arith.constant 0 : i32
        %dma_start3A_402 = tpu.memref_slice %arg14[%dma_start3A_400, %dma_start3A_401] : memref<400x64xf32, #tpu.memory_space<vmem>> -> memref<50x64xf32, #tpu.memory_space<vmem>>
        %dma_start3A_403 = arith.constant 0 : i32
        %dma_start3A_404 = tpu.memref_slice %arg10[%dma_start3A_399, %dma_start3A_403] : memref<8x50xi32, #tpu.memory_space<vmem>> -> memref<1x50xi32, #tpu.memory_space<vmem>>
        %dma_start3A_405 = tpu.memref_squeeze %dma_start3A_404 : memref<1x50xi32, #tpu.memory_space<vmem>> -> memref<50xi32, #tpu.memory_space<vmem>>
        %dma_start3A_406 = arith.constant 0 : i32
        %dma_start3A_407 = arith.constant 0 : i32
        %dma_start3A_408 = tpu.memref_slice %arg2[%dma_start3A_406, %dma_start3A_407] : memref<1000000x64xf32, #tpu.memory_space<hbm>> -> memref<1000000x64xf32, #tpu.memory_space<hbm>>
        tpu.enqueue_indirect_dma source(%dma_start3A_408 : memref<1000000x64xf32, #tpu.memory_space<hbm>>) target(%dma_start3A_402 : memref<50x64xf32, #tpu.memory_space<vmem>>) offsets(%dma_start3A_405 : memref<50xi32, #tpu.memory_space<vmem>>) semaphore(%arg21 : memref<!tpu.dma_semaphore, #tpu.memory_space<semaphore_mem>>)
        %dma_start3A_409 = arith.constant 7 : i32
        %dma_start3A_410 = arith.constant 350 : i32
        %dma_start3A_411 = arith.constant 0 : i32
        %dma_start3A_412 = tpu.memref_slice %arg14[%dma_start3A_410, %dma_start3A_411] : memref<400x64xf32, #tpu.memory_space<vmem>> -> memref<50x64xf32, #tpu.memory_space<vmem>>
        %dma_start3A_413 = arith.constant 0 : i32
        %dma_start3A_414 = tpu.memref_slice %arg10[%dma_start3A_409, %dma_start3A_413] : memref<8x50xi32, #tpu.memory_space<vmem>> -> memref<1x50xi32, #tpu.memory_space<vmem>>
        %dma_start3A_415 = tpu.memref_squeeze %dma_start3A_414 : memref<1x50xi32, #tpu.memory_space<vmem>> -> memref<50xi32, #tpu.memory_space<vmem>>
        %dma_start3A_416 = arith.constant 0 : i32
        %dma_start3A_417 = arith.constant 0 : i32
        %dma_start3A_418 = tpu.memref_slice %arg2[%dma_start3A_416, %dma_start3A_417] : memref<1000000x64xf32, #tpu.memory_space<hbm>> -> memref<1000000x64xf32, #tpu.memory_space<hbm>>
        tpu.enqueue_indirect_dma source(%dma_start3A_418 : memref<1000000x64xf32, #tpu.memory_space<hbm>>) target(%dma_start3A_412 : memref<50x64xf32, #tpu.memory_space<vmem>>) offsets(%dma_start3A_415 : memref<50xi32, #tpu.memory_space<vmem>>) semaphore(%arg21 : memref<!tpu.dma_semaphore, #tpu.memory_space<semaphore_mem>>)
      } else {
      }
      %mul3A_237 = arith.constant 4 : i32
      %mul3A_238 = arith.muli %scan3A_207, %mul3A_237 : i32
      %add3A_239 = arith.constant 1 : i32
      %add3A_240 = arith.addi %mul3A_238, %add3A_239 : i32
      %dma_wait3A_241 = arith.constant 0 : i32
      %dma_wait3A_242 = arith.constant 0 : i32
      %dma_wait3A_243 = tpu.memref_slice %arg7[%dma_wait3A_241, %dma_wait3A_242] : memref<819200x64xf32, #tpu.memory_space<hbm>> -> memref<400x64xf32, #tpu.memory_space<hbm>>
      %dma_wait3A_244 = arith.constant 0 : i32
      %dma_wait3A_245 = arith.constant 0 : i32
      %dma_wait3A_246 = tpu.memref_slice %arg7[%dma_wait3A_244, %dma_wait3A_245] : memref<819200x64xf32, #tpu.memory_space<hbm>> -> memref<400x64xf32, #tpu.memory_space<hbm>>
      tpu.wait_dma2 semaphore(%arg20 : memref<!tpu.dma_semaphore, #tpu.memory_space<semaphore_mem>>) src(%dma_wait3A_246 : memref<400x64xf32, #tpu.memory_space<hbm>>) dst(%arg13 : memref<400x64xf32, #tpu.memory_space<vmem>>)
      %scan3A_247 = arith.constant 0 : i32
      %scan3A_248 = arith.constant 0 : i32
      %scan3A_249 = arith.constant 50 : i32
      %scan3A_250 = arith.addi %scan3A_248, %scan3A_249 : i32
      %scan3A_251 = arith.constant 1 : i32
      scf.for %scan3A_333 = %scan3A_248 to %scan3A_250 step %scan3A_251  : i32 {
        %get3A = arith.index_cast %scan3A_333 : i32 to index
        %get3A_334 = arith.constant 0 : index
        %get3A_335 = tpu.vector_load %arg17[%get3A, %get3A_334] {strides = array<i32>} : memref<64x64xf32, #tpu.memory_space<vmem>>, vector<1x16xf32>,
        %get3A_336 = vector.shape_cast %get3A_335 : vector<1x16xf32> to vector<16xf32>
        %add3A_337 = arith.constant 0 : i32
        %add3A_338 = arith.addi %add3A_337, %scan3A_333 : i32
        %get3A_339 = arith.index_cast %add3A_338 : i32 to index
        %get3A_340 = arith.constant 0 : index
        %get3A_341 = tpu.vector_load %arg13[%get3A_339, %get3A_340] {strides = array<i32>} : memref<400x64xf32, #tpu.memory_space<vmem>>, vector<1x16xf32>,
        %get3A_342 = vector.shape_cast %get3A_341 : vector<1x16xf32> to vector<16xf32>
        %add3A_343 = arith.addf %get3A_342, %get3A_336 : vector<16xf32>
        %swap3A = arith.index_cast %add3A_338 : i32 to index
        %swap3A_344 = arith.constant 0 : index
        %swap3A_345 = tpu.vector_load %arg13[%swap3A, %swap3A_344] {strides = array<i32>} : memref<400x64xf32, #tpu.memory_space<vmem>>, vector<1x16xf32>,
        %swap3A_346 = vector.shape_cast %swap3A_345 : vector<1x16xf32> to vector<16xf32>
        %swap3A_347 = vector.shape_cast %add3A_343 : vector<16xf32> to vector<1x16xf32>
        tpu.vector_store %arg13[%swap3A, %swap3A_344], %swap3A_347 {strides = array<i32>} : memref<400x64xf32, #tpu.memory_space<vmem>>, vector<1x16xf32>,
        %add3A_348 = arith.constant 50 : i32
        %add3A_349 = arith.addi %add3A_348, %scan3A_333 : i32
        %get3A_350 = arith.index_cast %add3A_349 : i32 to index
        %get3A_351 = arith.constant 0 : index
        %get3A_352 = tpu.vector_load %arg13[%get3A_350, %get3A_351] {strides = array<i32>} : memref<400x64xf32, #tpu.memory_space<vmem>>, vector<1x16xf32>,
        %get3A_353 = vector.shape_cast %get3A_352 : vector<1x16xf32> to vector<16xf32>
        %add3A_354 = arith.addf %get3A_353, %get3A_336 : vector<16xf32>
        %swap3A_355 = arith.index_cast %add3A_349 : i32 to index
        %swap3A_356 = arith.constant 0 : index
        %swap3A_357 = tpu.vector_load %arg13[%swap3A_355, %swap3A_356] {strides = array<i32>} : memref<400x64xf32, #tpu.memory_space<vmem>>, vector<1x16xf32>,
        %swap3A_358 = vector.shape_cast %swap3A_357 : vector<1x16xf32> to vector<16xf32>
        %swap3A_359 = vector.shape_cast %add3A_354 : vector<16xf32> to vector<1x16xf32>
        tpu.vector_store %arg13[%swap3A_355, %swap3A_356], %swap3A_359 {strides = array<i32>} : memref<400x64xf32, #tpu.memory_space<vmem>>, vector<1x16xf32>,
        %add3A_360 = arith.constant 100 : i32
        %add3A_361 = arith.addi %add3A_360, %scan3A_333 : i32
        %get3A_362 = arith.index_cast %add3A_361 : i32 to index
        %get3A_363 = arith.constant 0 : index
        %get3A_364 = tpu.vector_load %arg13[%get3A_362, %get3A_363] {strides = array<i32>} : memref<400x64xf32, #tpu.memory_space<vmem>>, vector<1x16xf32>,
        %get3A_365 = vector.shape_cast %get3A_364 : vector<1x16xf32> to vector<16xf32>
        %add3A_366 = arith.addf %get3A_365, %get3A_336 : vector<16xf32>
        %swap3A_367 = arith.index_cast %add3A_361 : i32 to index
        %swap3A_368 = arith.constant 0 : index
        %swap3A_369 = tpu.vector_load %arg13[%swap3A_367, %swap3A_368] {strides = array<i32>} : memref<400x64xf32, #tpu.memory_space<vmem>>, vector<1x16xf32>,
        %swap3A_370 = vector.shape_cast %swap3A_369 : vector<1x16xf32> to vector<16xf32>
        %swap3A_371 = vector.shape_cast %add3A_366 : vector<16xf32> to vector<1x16xf32>
        tpu.vector_store %arg13[%swap3A_367, %swap3A_368], %swap3A_371 {strides = array<i32>} : memref<400x64xf32, #tpu.memory_space<vmem>>, vector<1x16xf32>,
        %add3A_372 = arith.constant 150 : i32
        %add3A_373 = arith.addi %add3A_372, %scan3A_333 : i32
        %get3A_374 = arith.index_cast %add3A_373 : i32 to index
        %get3A_375 = arith.constant 0 : index
        %get3A_376 = tpu.vector_load %arg13[%get3A_374, %get3A_375] {strides = array<i32>} : memref<400x64xf32, #tpu.memory_space<vmem>>, vector<1x16xf32>,
        %get3A_377 = vector.shape_cast %get3A_376 : vector<1x16xf32> to vector<16xf32>
        %add3A_378 = arith.addf %get3A_377, %get3A_336 : vector<16xf32>
        %swap3A_379 = arith.index_cast %add3A_373 : i32 to index
        %swap3A_380 = arith.constant 0 : index
        %swap3A_381 = tpu.vector_load %arg13[%swap3A_379, %swap3A_380] {strides = array<i32>} : memref<400x64xf32, #tpu.memory_space<vmem>>, vector<1x16xf32>,
        %swap3A_382 = vector.shape_cast %swap3A_381 : vector<1x16xf32> to vector<16xf32>
        %swap3A_383 = vector.shape_cast %add3A_378 : vector<16xf32> to vector<1x16xf32>
        tpu.vector_store %arg13[%swap3A_379, %swap3A_380], %swap3A_383 {strides = array<i32>} : memref<400x64xf32, #tpu.memory_space<vmem>>, vector<1x16xf32>,
        %add3A_384 = arith.constant 200 : i32
        %add3A_385 = arith.addi %add3A_384, %scan3A_333 : i32
        %get3A_386 = arith.index_cast %add3A_385 : i32 to index
        %get3A_387 = arith.constant 0 : index
        %get3A_388 = tpu.vector_load %arg13[%get3A_386, %get3A_387] {strides = array<i32>} : memref<400x64xf32, #tpu.memory_space<vmem>>, vector<1x16xf32>,
        %get3A_389 = vector.shape_cast %get3A_388 : vector<1x16xf32> to vector<16xf32>
        %add3A_390 = arith.addf %get3A_389, %get3A_336 : vector<16xf32>
        %swap3A_391 = arith.index_cast %add3A_385 : i32 to index
        %swap3A_392 = arith.constant 0 : index
        %swap3A_393 = tpu.vector_load %arg13[%swap3A_391, %swap3A_392] {strides = array<i32>} : memref<400x64xf32, #tpu.memory_space<vmem>>, vector<1x16xf32>,
        %swap3A_394 = vector.shape_cast %swap3A_393 : vector<1x16xf32> to vector<16xf32>
        %swap3A_395 = vector.shape_cast %add3A_390 : vector<16xf32> to vector<1x16xf32>
        tpu.vector_store %arg13[%swap3A_391, %swap3A_392], %swap3A_395 {strides = array<i32>} : memref<400x64xf32, #tpu.memory_space<vmem>>, vector<1x16xf32>,
        %add3A_396 = arith.constant 250 : i32
        %add3A_397 = arith.addi %add3A_396, %scan3A_333 : i32
        %get3A_398 = arith.index_cast %add3A_397 : i32 to index
        %get3A_399 = arith.constant 0 : index
        %get3A_400 = tpu.vector_load %arg13[%get3A_398, %get3A_399] {strides = array<i32>} : memref<400x64xf32, #tpu.memory_space<vmem>>, vector<1x16xf32>,
        %get3A_401 = vector.shape_cast %get3A_400 : vector<1x16xf32> to vector<16xf32>
        %add3A_402 = arith.addf %get3A_401, %get3A_336 : vector<16xf32>
        %swap3A_403 = arith.index_cast %add3A_397 : i32 to index
        %swap3A_404 = arith.constant 0 : index
        %swap3A_405 = tpu.vector_load %arg13[%swap3A_403, %swap3A_404] {strides = array<i32>} : memref<400x64xf32, #tpu.memory_space<vmem>>, vector<1x16xf32>,
        %swap3A_406 = vector.shape_cast %swap3A_405 : vector<1x16xf32> to vector<16xf32>
        %swap3A_407 = vector.shape_cast %add3A_402 : vector<16xf32> to vector<1x16xf32>
        tpu.vector_store %arg13[%swap3A_403, %swap3A_404], %swap3A_407 {strides = array<i32>} : memref<400x64xf32, #tpu.memory_space<vmem>>, vector<1x16xf32>,
        %add3A_408 = arith.constant 300 : i32
        %add3A_409 = arith.addi %add3A_408, %scan3A_333 : i32
        %get3A_410 = arith.index_cast %add3A_409 : i32 to index
        %get3A_411 = arith.constant 0 : index
        %get3A_412 = tpu.vector_load %arg13[%get3A_410, %get3A_411] {strides = array<i32>} : memref<400x64xf32, #tpu.memory_space<vmem>>, vector<1x16xf32>,
        %get3A_413 = vector.shape_cast %get3A_412 : vector<1x16xf32> to vector<16xf32>
        %add3A_414 = arith.addf %get3A_413, %get3A_336 : vector<16xf32>
        %swap3A_415 = arith.index_cast %add3A_409 : i32 to index
        %swap3A_416 = arith.constant 0 : index
        %swap3A_417 = tpu.vector_load %arg13[%swap3A_415, %swap3A_416] {strides = array<i32>} : memref<400x64xf32, #tpu.memory_space<vmem>>, vector<1x16xf32>,
        %swap3A_418 = vector.shape_cast %swap3A_417 : vector<1x16xf32> to vector<16xf32>
        %swap3A_419 = vector.shape_cast %add3A_414 : vector<16xf32> to vector<1x16xf32>
        tpu.vector_store %arg13[%swap3A_415, %swap3A_416], %swap3A_419 {strides = array<i32>} : memref<400x64xf32, #tpu.memory_space<vmem>>, vector<1x16xf32>,
        %add3A_420 = arith.constant 350 : i32
        %add3A_421 = arith.addi %add3A_420, %scan3A_333 : i32
        %get3A_422 = arith.index_cast %add3A_421 : i32 to index
        %get3A_423 = arith.constant 0 : index
        %get3A_424 = tpu.vector_load %arg13[%get3A_422, %get3A_423] {strides = array<i32>} : memref<400x64xf32, #tpu.memory_space<vmem>>, vector<1x16xf32>,
        %get3A_425 = vector.shape_cast %get3A_424 : vector<1x16xf32> to vector<16xf32>
        %add3A_426 = arith.addf %get3A_425, %get3A_336 : vector<16xf32>
        %swap3A_427 = arith.index_cast %add3A_421 : i32 to index
        %swap3A_428 = arith.constant 0 : index
        %swap3A_429 = tpu.vector_load %arg13[%swap3A_427, %swap3A_428] {strides = array<i32>} : memref<400x64xf32, #tpu.memory_space<vmem>>, vector<1x16xf32>,
        %swap3A_430 = vector.shape_cast %swap3A_429 : vector<1x16xf32> to vector<16xf32>
        %swap3A_431 = vector.shape_cast %add3A_426 : vector<16xf32> to vector<1x16xf32>
        tpu.vector_store %arg13[%swap3A_427, %swap3A_428], %swap3A_431 {strides = array<i32>} : memref<400x64xf32, #tpu.memory_space<vmem>>, vector<1x16xf32>,
        %get3A_432 = arith.index_cast %scan3A_333 : i32 to index
        %get3A_433 = arith.constant 16 : index
        %get3A_434 = tpu.vector_load %arg17[%get3A_432, %get3A_433] {strides = array<i32>} : memref<64x64xf32, #tpu.memory_space<vmem>>, vector<1x16xf32>,
        %get3A_435 = vector.shape_cast %get3A_434 : vector<1x16xf32> to vector<16xf32>
        %add3A_436 = arith.constant 0 : i32
        %add3A_437 = arith.addi %add3A_436, %scan3A_333 : i32
        %get3A_438 = arith.index_cast %add3A_437 : i32 to index
        %get3A_439 = arith.constant 16 : index
        %get3A_440 = tpu.vector_load %arg13[%get3A_438, %get3A_439] {strides = array<i32>} : memref<400x64xf32, #tpu.memory_space<vmem>>, vector<1x16xf32>,
        %get3A_441 = vector.shape_cast %get3A_440 : vector<1x16xf32> to vector<16xf32>
        %add3A_442 = arith.addf %get3A_441, %get3A_435 : vector<16xf32>
        %swap3A_443 = arith.index_cast %add3A_437 : i32 to index
        %swap3A_444 = arith.constant 16 : index
        %swap3A_445 = tpu.vector_load %arg13[%swap3A_443, %swap3A_444] {strides = array<i32>} : memref<400x64xf32, #tpu.memory_space<vmem>>, vector<1x16xf32>,
        %swap3A_446 = vector.shape_cast %swap3A_445 : vector<1x16xf32> to vector<16xf32>
        %swap3A_447 = vector.shape_cast %add3A_442 : vector<16xf32> to vector<1x16xf32>
        tpu.vector_store %arg13[%swap3A_443, %swap3A_444], %swap3A_447 {strides = array<i32>} : memref<400x64xf32, #tpu.memory_space<vmem>>, vector<1x16xf32>,
        %add3A_448 = arith.constant 50 : i32
        %add3A_449 = arith.addi %add3A_448, %scan3A_333 : i32
        %get3A_450 = arith.index_cast %add3A_449 : i32 to index
        %get3A_451 = arith.constant 16 : index
        %get3A_452 = tpu.vector_load %arg13[%get3A_450, %get3A_451] {strides = array<i32>} : memref<400x64xf32, #tpu.memory_space<vmem>>, vector<1x16xf32>,
        %get3A_453 = vector.shape_cast %get3A_452 : vector<1x16xf32> to vector<16xf32>
        %add3A_454 = arith.addf %get3A_453, %get3A_435 : vector<16xf32>
        %swap3A_455 = arith.index_cast %add3A_449 : i32 to index
        %swap3A_456 = arith.constant 16 : index
        %swap3A_457 = tpu.vector_load %arg13[%swap3A_455, %swap3A_456] {strides = array<i32>} : memref<400x64xf32, #tpu.memory_space<vmem>>, vector<1x16xf32>,
        %swap3A_458 = vector.shape_cast %swap3A_457 : vector<1x16xf32> to vector<16xf32>
        %swap3A_459 = vector.shape_cast %add3A_454 : vector<16xf32> to vector<1x16xf32>
        tpu.vector_store %arg13[%swap3A_455, %swap3A_456], %swap3A_459 {strides = array<i32>} : memref<400x64xf32, #tpu.memory_space<vmem>>, vector<1x16xf32>,
        %add3A_460 = arith.constant 100 : i32
        %add3A_461 = arith.addi %add3A_460, %scan3A_333 : i32
        %get3A_462 = arith.index_cast %add3A_461 : i32 to index
        %get3A_463 = arith.constant 16 : index
        %get3A_464 = tpu.vector_load %arg13[%get3A_462, %get3A_463] {strides = array<i32>} : memref<400x64xf32, #tpu.memory_space<vmem>>, vector<1x16xf32>,
        %get3A_465 = vector.shape_cast %get3A_464 : vector<1x16xf32> to vector<16xf32>
        %add3A_466 = arith.addf %get3A_465, %get3A_435 : vector<16xf32>
        %swap3A_467 = arith.index_cast %add3A_461 : i32 to index
        %swap3A_468 = arith.constant 16 : index
        %swap3A_469 = tpu.vector_load %arg13[%swap3A_467, %swap3A_468] {strides = array<i32>} : memref<400x64xf32, #tpu.memory_space<vmem>>, vector<1x16xf32>,
        %swap3A_470 = vector.shape_cast %swap3A_469 : vector<1x16xf32> to vector<16xf32>
        %swap3A_471 = vector.shape_cast %add3A_466 : vector<16xf32> to vector<1x16xf32>
        tpu.vector_store %arg13[%swap3A_467, %swap3A_468], %swap3A_471 {strides = array<i32>} : memref<400x64xf32, #tpu.memory_space<vmem>>, vector<1x16xf32>,
        %add3A_472 = arith.constant 150 : i32
        %add3A_473 = arith.addi %add3A_472, %scan3A_333 : i32
        %get3A_474 = arith.index_cast %add3A_473 : i32 to index
        %get3A_475 = arith.constant 16 : index
        %get3A_476 = tpu.vector_load %arg13[%get3A_474, %get3A_475] {strides = array<i32>} : memref<400x64xf32, #tpu.memory_space<vmem>>, vector<1x16xf32>,
        %get3A_477 = vector.shape_cast %get3A_476 : vector<1x16xf32> to vector<16xf32>
        %add3A_478 = arith.addf %get3A_477, %get3A_435 : vector<16xf32>
        %swap3A_479 = arith.index_cast %add3A_473 : i32 to index
        %swap3A_480 = arith.constant 16 : index
        %swap3A_481 = tpu.vector_load %arg13[%swap3A_479, %swap3A_480] {strides = array<i32>} : memref<400x64xf32, #tpu.memory_space<vmem>>, vector<1x16xf32>,
        %swap3A_482 = vector.shape_cast %swap3A_481 : vector<1x16xf32> to vector<16xf32>
        %swap3A_483 = vector.shape_cast %add3A_478 : vector<16xf32> to vector<1x16xf32>
        tpu.vector_store %arg13[%swap3A_479, %swap3A_480], %swap3A_483 {strides = array<i32>} : memref<400x64xf32, #tpu.memory_space<vmem>>, vector<1x16xf32>,
        %add3A_484 = arith.constant 200 : i32
        %add3A_485 = arith.addi %add3A_484, %scan3A_333 : i32
        %get3A_486 = arith.index_cast %add3A_485 : i32 to index
        %get3A_487 = arith.constant 16 : index
        %get3A_488 = tpu.vector_load %arg13[%get3A_486, %get3A_487] {strides = array<i32>} : memref<400x64xf32, #tpu.memory_space<vmem>>, vector<1x16xf32>,
        %get3A_489 = vector.shape_cast %get3A_488 : vector<1x16xf32> to vector<16xf32>
        %add3A_490 = arith.addf %get3A_489, %get3A_435 : vector<16xf32>
        %swap3A_491 = arith.index_cast %add3A_485 : i32 to index
        %swap3A_492 = arith.constant 16 : index
        %swap3A_493 = tpu.vector_load %arg13[%swap3A_491, %swap3A_492] {strides = array<i32>} : memref<400x64xf32, #tpu.memory_space<vmem>>, vector<1x16xf32>,
        %swap3A_494 = vector.shape_cast %swap3A_493 : vector<1x16xf32> to vector<16xf32>
        %swap3A_495 = vector.shape_cast %add3A_490 : vector<16xf32> to vector<1x16xf32>
        tpu.vector_store %arg13[%swap3A_491, %swap3A_492], %swap3A_495 {strides = array<i32>} : memref<400x64xf32, #tpu.memory_space<vmem>>, vector<1x16xf32>,
        %add3A_496 = arith.constant 250 : i32
        %add3A_497 = arith.addi %add3A_496, %scan3A_333 : i32
        %get3A_498 = arith.index_cast %add3A_497 : i32 to index
        %get3A_499 = arith.constant 16 : index
        %get3A_500 = tpu.vector_load %arg13[%get3A_498, %get3A_499] {strides = array<i32>} : memref<400x64xf32, #tpu.memory_space<vmem>>, vector<1x16xf32>,
        %get3A_501 = vector.shape_cast %get3A_500 : vector<1x16xf32> to vector<16xf32>
        %add3A_502 = arith.addf %get3A_501, %get3A_435 : vector<16xf32>
        %swap3A_503 = arith.index_cast %add3A_497 : i32 to index
        %swap3A_504 = arith.constant 16 : index
        %swap3A_505 = tpu.vector_load %arg13[%swap3A_503, %swap3A_504] {strides = array<i32>} : memref<400x64xf32, #tpu.memory_space<vmem>>, vector<1x16xf32>,
        %swap3A_506 = vector.shape_cast %swap3A_505 : vector<1x16xf32> to vector<16xf32>
        %swap3A_507 = vector.shape_cast %add3A_502 : vector<16xf32> to vector<1x16xf32>
        tpu.vector_store %arg13[%swap3A_503, %swap3A_504], %swap3A_507 {strides = array<i32>} : memref<400x64xf32, #tpu.memory_space<vmem>>, vector<1x16xf32>,
        %add3A_508 = arith.constant 300 : i32
        %add3A_509 = arith.addi %add3A_508, %scan3A_333 : i32
        %get3A_510 = arith.index_cast %add3A_509 : i32 to index
        %get3A_511 = arith.constant 16 : index
        %get3A_512 = tpu.vector_load %arg13[%get3A_510, %get3A_511] {strides = array<i32>} : memref<400x64xf32, #tpu.memory_space<vmem>>, vector<1x16xf32>,
        %get3A_513 = vector.shape_cast %get3A_512 : vector<1x16xf32> to vector<16xf32>
        %add3A_514 = arith.addf %get3A_513, %get3A_435 : vector<16xf32>
        %swap3A_515 = arith.index_cast %add3A_509 : i32 to index
        %swap3A_516 = arith.constant 16 : index
        %swap3A_517 = tpu.vector_load %arg13[%swap3A_515, %swap3A_516] {strides = array<i32>} : memref<400x64xf32, #tpu.memory_space<vmem>>, vector<1x16xf32>,
        %swap3A_518 = vector.shape_cast %swap3A_517 : vector<1x16xf32> to vector<16xf32>
        %swap3A_519 = vector.shape_cast %add3A_514 : vector<16xf32> to vector<1x16xf32>
        tpu.vector_store %arg13[%swap3A_515, %swap3A_516], %swap3A_519 {strides = array<i32>} : memref<400x64xf32, #tpu.memory_space<vmem>>, vector<1x16xf32>,
        %add3A_520 = arith.constant 350 : i32
        %add3A_521 = arith.addi %add3A_520, %scan3A_333 : i32
        %get3A_522 = arith.index_cast %add3A_521 : i32 to index
        %get3A_523 = arith.constant 16 : index
        %get3A_524 = tpu.vector_load %arg13[%get3A_522, %get3A_523] {strides = array<i32>} : memref<400x64xf32, #tpu.memory_space<vmem>>, vector<1x16xf32>,
        %get3A_525 = vector.shape_cast %get3A_524 : vector<1x16xf32> to vector<16xf32>
        %add3A_526 = arith.addf %get3A_525, %get3A_435 : vector<16xf32>
        %swap3A_527 = arith.index_cast %add3A_521 : i32 to index
        %swap3A_528 = arith.constant 16 : index
        %swap3A_529 = tpu.vector_load %arg13[%swap3A_527, %swap3A_528] {strides = array<i32>} : memref<400x64xf32, #tpu.memory_space<vmem>>, vector<1x16xf32>,
        %swap3A_530 = vector.shape_cast %swap3A_529 : vector<1x16xf32> to vector<16xf32>
        %swap3A_531 = vector.shape_cast %add3A_526 : vector<16xf32> to vector<1x16xf32>
        tpu.vector_store %arg13[%swap3A_527, %swap3A_528], %swap3A_531 {strides = array<i32>} : memref<400x64xf32, #tpu.memory_space<vmem>>, vector<1x16xf32>,
        %get3A_532 = arith.index_cast %scan3A_333 : i32 to index
        %get3A_533 = arith.constant 32 : index
        %get3A_534 = tpu.vector_load %arg17[%get3A_532, %get3A_533] {strides = array<i32>} : memref<64x64xf32, #tpu.memory_space<vmem>>, vector<1x16xf32>,
        %get3A_535 = vector.shape_cast %get3A_534 : vector<1x16xf32> to vector<16xf32>
        %add3A_536 = arith.constant 0 : i32
        %add3A_537 = arith.addi %add3A_536, %scan3A_333 : i32
        %get3A_538 = arith.index_cast %add3A_537 : i32 to index
        %get3A_539 = arith.constant 32 : index
        %get3A_540 = tpu.vector_load %arg13[%get3A_538, %get3A_539] {strides = array<i32>} : memref<400x64xf32, #tpu.memory_space<vmem>>, vector<1x16xf32>,
        %get3A_541 = vector.shape_cast %get3A_540 : vector<1x16xf32> to vector<16xf32>
        %add3A_542 = arith.addf %get3A_541, %get3A_535 : vector<16xf32>
        %swap3A_543 = arith.index_cast %add3A_537 : i32 to index
        %swap3A_544 = arith.constant 32 : index
        %swap3A_545 = tpu.vector_load %arg13[%swap3A_543, %swap3A_544] {strides = array<i32>} : memref<400x64xf32, #tpu.memory_space<vmem>>, vector<1x16xf32>,
        %swap3A_546 = vector.shape_cast %swap3A_545 : vector<1x16xf32> to vector<16xf32>
        %swap3A_547 = vector.shape_cast %add3A_542 : vector<16xf32> to vector<1x16xf32>
        tpu.vector_store %arg13[%swap3A_543, %swap3A_544], %swap3A_547 {strides = array<i32>} : memref<400x64xf32, #tpu.memory_space<vmem>>, vector<1x16xf32>,
        %add3A_548 = arith.constant 50 : i32
        %add3A_549 = arith.addi %add3A_548, %scan3A_333 : i32
        %get3A_550 = arith.index_cast %add3A_549 : i32 to index
        %get3A_551 = arith.constant 32 : index
        %get3A_552 = tpu.vector_load %arg13[%get3A_550, %get3A_551] {strides = array<i32>} : memref<400x64xf32, #tpu.memory_space<vmem>>, vector<1x16xf32>,
        %get3A_553 = vector.shape_cast %get3A_552 : vector<1x16xf32> to vector<16xf32>
        %add3A_554 = arith.addf %get3A_553, %get3A_535 : vector<16xf32>
        %swap3A_555 = arith.index_cast %add3A_549 : i32 to index
        %swap3A_556 = arith.constant 32 : index
        %swap3A_557 = tpu.vector_load %arg13[%swap3A_555, %swap3A_556] {strides = array<i32>} : memref<400x64xf32, #tpu.memory_space<vmem>>, vector<1x16xf32>,
        %swap3A_558 = vector.shape_cast %swap3A_557 : vector<1x16xf32> to vector<16xf32>
        %swap3A_559 = vector.shape_cast %add3A_554 : vector<16xf32> to vector<1x16xf32>
        tpu.vector_store %arg13[%swap3A_555, %swap3A_556], %swap3A_559 {strides = array<i32>} : memref<400x64xf32, #tpu.memory_space<vmem>>, vector<1x16xf32>,
        %add3A_560 = arith.constant 100 : i32
        %add3A_561 = arith.addi %add3A_560, %scan3A_333 : i32
        %get3A_562 = arith.index_cast %add3A_561 : i32 to index
        %get3A_563 = arith.constant 32 : index
        %get3A_564 = tpu.vector_load %arg13[%get3A_562, %get3A_563] {strides = array<i32>} : memref<400x64xf32, #tpu.memory_space<vmem>>, vector<1x16xf32>,
        %get3A_565 = vector.shape_cast %get3A_564 : vector<1x16xf32> to vector<16xf32>
        %add3A_566 = arith.addf %get3A_565, %get3A_535 : vector<16xf32>
        %swap3A_567 = arith.index_cast %add3A_561 : i32 to index
        %swap3A_568 = arith.constant 32 : index
        %swap3A_569 = tpu.vector_load %arg13[%swap3A_567, %swap3A_568] {strides = array<i32>} : memref<400x64xf32, #tpu.memory_space<vmem>>, vector<1x16xf32>,
        %swap3A_570 = vector.shape_cast %swap3A_569 : vector<1x16xf32> to vector<16xf32>
        %swap3A_571 = vector.shape_cast %add3A_566 : vector<16xf32> to vector<1x16xf32>
        tpu.vector_store %arg13[%swap3A_567, %swap3A_568], %swap3A_571 {strides = array<i32>} : memref<400x64xf32, #tpu.memory_space<vmem>>, vector<1x16xf32>,
        %add3A_572 = arith.constant 150 : i32
        %add3A_573 = arith.addi %add3A_572, %scan3A_333 : i32
        %get3A_574 = arith.index_cast %add3A_573 : i32 to index
        %get3A_575 = arith.constant 32 : index
        %get3A_576 = tpu.vector_load %arg13[%get3A_574, %get3A_575] {strides = array<i32>} : memref<400x64xf32, #tpu.memory_space<vmem>>, vector<1x16xf32>,
        %get3A_577 = vector.shape_cast %get3A_576 : vector<1x16xf32> to vector<16xf32>
        %add3A_578 = arith.addf %get3A_577, %get3A_535 : vector<16xf32>
        %swap3A_579 = arith.index_cast %add3A_573 : i32 to index
        %swap3A_580 = arith.constant 32 : index
        %swap3A_581 = tpu.vector_load %arg13[%swap3A_579, %swap3A_580] {strides = array<i32>} : memref<400x64xf32, #tpu.memory_space<vmem>>, vector<1x16xf32>,
        %swap3A_582 = vector.shape_cast %swap3A_581 : vector<1x16xf32> to vector<16xf32>
        %swap3A_583 = vector.shape_cast %add3A_578 : vector<16xf32> to vector<1x16xf32>
        tpu.vector_store %arg13[%swap3A_579, %swap3A_580], %swap3A_583 {strides = array<i32>} : memref<400x64xf32, #tpu.memory_space<vmem>>, vector<1x16xf32>,
        %add3A_584 = arith.constant 200 : i32
        %add3A_585 = arith.addi %add3A_584, %scan3A_333 : i32
        %get3A_586 = arith.index_cast %add3A_585 : i32 to index
        %get3A_587 = arith.constant 32 : index
        %get3A_588 = tpu.vector_load %arg13[%get3A_586, %get3A_587] {strides = array<i32>} : memref<400x64xf32, #tpu.memory_space<vmem>>, vector<1x16xf32>,
        %get3A_589 = vector.shape_cast %get3A_588 : vector<1x16xf32> to vector<16xf32>
        %add3A_590 = arith.addf %get3A_589, %get3A_535 : vector<16xf32>
        %swap3A_591 = arith.index_cast %add3A_585 : i32 to index
        %swap3A_592 = arith.constant 32 : index
        %swap3A_593 = tpu.vector_load %arg13[%swap3A_591, %swap3A_592] {strides = array<i32>} : memref<400x64xf32, #tpu.memory_space<vmem>>, vector<1x16xf32>,
        %swap3A_594 = vector.shape_cast %swap3A_593 : vector<1x16xf32> to vector<16xf32>
        %swap3A_595 = vector.shape_cast %add3A_590 : vector<16xf32> to vector<1x16xf32>
        tpu.vector_store %arg13[%swap3A_591, %swap3A_592], %swap3A_595 {strides = array<i32>} : memref<400x64xf32, #tpu.memory_space<vmem>>, vector<1x16xf32>,
        %add3A_596 = arith.constant 250 : i32
        %add3A_597 = arith.addi %add3A_596, %scan3A_333 : i32
        %get3A_598 = arith.index_cast %add3A_597 : i32 to index
        %get3A_599 = arith.constant 32 : index
        %get3A_600 = tpu.vector_load %arg13[%get3A_598, %get3A_599] {strides = array<i32>} : memref<400x64xf32, #tpu.memory_space<vmem>>, vector<1x16xf32>,
        %get3A_601 = vector.shape_cast %get3A_600 : vector<1x16xf32> to vector<16xf32>
        %add3A_602 = arith.addf %get3A_601, %get3A_535 : vector<16xf32>
        %swap3A_603 = arith.index_cast %add3A_597 : i32 to index
        %swap3A_604 = arith.constant 32 : index
        %swap3A_605 = tpu.vector_load %arg13[%swap3A_603, %swap3A_604] {strides = array<i32>} : memref<400x64xf32, #tpu.memory_space<vmem>>, vector<1x16xf32>,
        %swap3A_606 = vector.shape_cast %swap3A_605 : vector<1x16xf32> to vector<16xf32>
        %swap3A_607 = vector.shape_cast %add3A_602 : vector<16xf32> to vector<1x16xf32>
        tpu.vector_store %arg13[%swap3A_603, %swap3A_604], %swap3A_607 {strides = array<i32>} : memref<400x64xf32, #tpu.memory_space<vmem>>, vector<1x16xf32>,
        %add3A_608 = arith.constant 300 : i32
        %add3A_609 = arith.addi %add3A_608, %scan3A_333 : i32
        %get3A_610 = arith.index_cast %add3A_609 : i32 to index
        %get3A_611 = arith.constant 32 : index
        %get3A_612 = tpu.vector_load %arg13[%get3A_610, %get3A_611] {strides = array<i32>} : memref<400x64xf32, #tpu.memory_space<vmem>>, vector<1x16xf32>,
        %get3A_613 = vector.shape_cast %get3A_612 : vector<1x16xf32> to vector<16xf32>
        %add3A_614 = arith.addf %get3A_613, %get3A_535 : vector<16xf32>
        %swap3A_615 = arith.index_cast %add3A_609 : i32 to index
        %swap3A_616 = arith.constant 32 : index
        %swap3A_617 = tpu.vector_load %arg13[%swap3A_615, %swap3A_616] {strides = array<i32>} : memref<400x64xf32, #tpu.memory_space<vmem>>, vector<1x16xf32>,
        %swap3A_618 = vector.shape_cast %swap3A_617 : vector<1x16xf32> to vector<16xf32>
        %swap3A_619 = vector.shape_cast %add3A_614 : vector<16xf32> to vector<1x16xf32>
        tpu.vector_store %arg13[%swap3A_615, %swap3A_616], %swap3A_619 {strides = array<i32>} : memref<400x64xf32, #tpu.memory_space<vmem>>, vector<1x16xf32>,
        %add3A_620 = arith.constant 350 : i32
        %add3A_621 = arith.addi %add3A_620, %scan3A_333 : i32
        %get3A_622 = arith.index_cast %add3A_621 : i32 to index
        %get3A_623 = arith.constant 32 : index
        %get3A_624 = tpu.vector_load %arg13[%get3A_622, %get3A_623] {strides = array<i32>} : memref<400x64xf32, #tpu.memory_space<vmem>>, vector<1x16xf32>,
        %get3A_625 = vector.shape_cast %get3A_624 : vector<1x16xf32> to vector<16xf32>
        %add3A_626 = arith.addf %get3A_625, %get3A_535 : vector<16xf32>
        %swap3A_627 = arith.index_cast %add3A_621 : i32 to index
        %swap3A_628 = arith.constant 32 : index
        %swap3A_629 = tpu.vector_load %arg13[%swap3A_627, %swap3A_628] {strides = array<i32>} : memref<400x64xf32, #tpu.memory_space<vmem>>, vector<1x16xf32>,
        %swap3A_630 = vector.shape_cast %swap3A_629 : vector<1x16xf32> to vector<16xf32>
        %swap3A_631 = vector.shape_cast %add3A_626 : vector<16xf32> to vector<1x16xf32>
        tpu.vector_store %arg13[%swap3A_627, %swap3A_628], %swap3A_631 {strides = array<i32>} : memref<400x64xf32, #tpu.memory_space<vmem>>, vector<1x16xf32>,
        %get3A_632 = arith.index_cast %scan3A_333 : i32 to index
        %get3A_633 = arith.constant 48 : index
        %get3A_634 = tpu.vector_load %arg17[%get3A_632, %get3A_633] {strides = array<i32>} : memref<64x64xf32, #tpu.memory_space<vmem>>, vector<1x16xf32>,
        %get3A_635 = vector.shape_cast %get3A_634 : vector<1x16xf32> to vector<16xf32>
        %add3A_636 = arith.constant 0 : i32
        %add3A_637 = arith.addi %add3A_636, %scan3A_333 : i32
        %get3A_638 = arith.index_cast %add3A_637 : i32 to index
        %get3A_639 = arith.constant 48 : index
        %get3A_640 = tpu.vector_load %arg13[%get3A_638, %get3A_639] {strides = array<i32>} : memref<400x64xf32, #tpu.memory_space<vmem>>, vector<1x16xf32>,
        %get3A_641 = vector.shape_cast %get3A_640 : vector<1x16xf32> to vector<16xf32>
        %add3A_642 = arith.addf %get3A_641, %get3A_635 : vector<16xf32>
        %swap3A_643 = arith.index_cast %add3A_637 : i32 to index
        %swap3A_644 = arith.constant 48 : index
        %swap3A_645 = tpu.vector_load %arg13[%swap3A_643, %swap3A_644] {strides = array<i32>} : memref<400x64xf32, #tpu.memory_space<vmem>>, vector<1x16xf32>,
        %swap3A_646 = vector.shape_cast %swap3A_645 : vector<1x16xf32> to vector<16xf32>
        %swap3A_647 = vector.shape_cast %add3A_642 : vector<16xf32> to vector<1x16xf32>
        tpu.vector_store %arg13[%swap3A_643, %swap3A_644], %swap3A_647 {strides = array<i32>} : memref<400x64xf32, #tpu.memory_space<vmem>>, vector<1x16xf32>,
        %add3A_648 = arith.constant 50 : i32
        %add3A_649 = arith.addi %add3A_648, %scan3A_333 : i32
        %get3A_650 = arith.index_cast %add3A_649 : i32 to index
        %get3A_651 = arith.constant 48 : index
        %get3A_652 = tpu.vector_load %arg13[%get3A_650, %get3A_651] {strides = array<i32>} : memref<400x64xf32, #tpu.memory_space<vmem>>, vector<1x16xf32>,
        %get3A_653 = vector.shape_cast %get3A_652 : vector<1x16xf32> to vector<16xf32>
        %add3A_654 = arith.addf %get3A_653, %get3A_635 : vector<16xf32>
        %swap3A_655 = arith.index_cast %add3A_649 : i32 to index
        %swap3A_656 = arith.constant 48 : index
        %swap3A_657 = tpu.vector_load %arg13[%swap3A_655, %swap3A_656] {strides = array<i32>} : memref<400x64xf32, #tpu.memory_space<vmem>>, vector<1x16xf32>,
        %swap3A_658 = vector.shape_cast %swap3A_657 : vector<1x16xf32> to vector<16xf32>
        %swap3A_659 = vector.shape_cast %add3A_654 : vector<16xf32> to vector<1x16xf32>
        tpu.vector_store %arg13[%swap3A_655, %swap3A_656], %swap3A_659 {strides = array<i32>} : memref<400x64xf32, #tpu.memory_space<vmem>>, vector<1x16xf32>,
        %add3A_660 = arith.constant 100 : i32
        %add3A_661 = arith.addi %add3A_660, %scan3A_333 : i32
        %get3A_662 = arith.index_cast %add3A_661 : i32 to index
        %get3A_663 = arith.constant 48 : index
        %get3A_664 = tpu.vector_load %arg13[%get3A_662, %get3A_663] {strides = array<i32>} : memref<400x64xf32, #tpu.memory_space<vmem>>, vector<1x16xf32>,
        %get3A_665 = vector.shape_cast %get3A_664 : vector<1x16xf32> to vector<16xf32>
        %add3A_666 = arith.addf %get3A_665, %get3A_635 : vector<16xf32>
        %swap3A_667 = arith.index_cast %add3A_661 : i32 to index
        %swap3A_668 = arith.constant 48 : index
        %swap3A_669 = tpu.vector_load %arg13[%swap3A_667, %swap3A_668] {strides = array<i32>} : memref<400x64xf32, #tpu.memory_space<vmem>>, vector<1x16xf32>,
        %swap3A_670 = vector.shape_cast %swap3A_669 : vector<1x16xf32> to vector<16xf32>
        %swap3A_671 = vector.shape_cast %add3A_666 : vector<16xf32> to vector<1x16xf32>
        tpu.vector_store %arg13[%swap3A_667, %swap3A_668], %swap3A_671 {strides = array<i32>} : memref<400x64xf32, #tpu.memory_space<vmem>>, vector<1x16xf32>,
        %add3A_672 = arith.constant 150 : i32
        %add3A_673 = arith.addi %add3A_672, %scan3A_333 : i32
        %get3A_674 = arith.index_cast %add3A_673 : i32 to index
        %get3A_675 = arith.constant 48 : index
        %get3A_676 = tpu.vector_load %arg13[%get3A_674, %get3A_675] {strides = array<i32>} : memref<400x64xf32, #tpu.memory_space<vmem>>, vector<1x16xf32>,
        %get3A_677 = vector.shape_cast %get3A_676 : vector<1x16xf32> to vector<16xf32>
        %add3A_678 = arith.addf %get3A_677, %get3A_635 : vector<16xf32>
        %swap3A_679 = arith.index_cast %add3A_673 : i32 to index
        %swap3A_680 = arith.constant 48 : index
        %swap3A_681 = tpu.vector_load %arg13[%swap3A_679, %swap3A_680] {strides = array<i32>} : memref<400x64xf32, #tpu.memory_space<vmem>>, vector<1x16xf32>,
        %swap3A_682 = vector.shape_cast %swap3A_681 : vector<1x16xf32> to vector<16xf32>
        %swap3A_683 = vector.shape_cast %add3A_678 : vector<16xf32> to vector<1x16xf32>
        tpu.vector_store %arg13[%swap3A_679, %swap3A_680], %swap3A_683 {strides = array<i32>} : memref<400x64xf32, #tpu.memory_space<vmem>>, vector<1x16xf32>,
        %add3A_684 = arith.constant 200 : i32
        %add3A_685 = arith.addi %add3A_684, %scan3A_333 : i32
        %get3A_686 = arith.index_cast %add3A_685 : i32 to index
        %get3A_687 = arith.constant 48 : index
        %get3A_688 = tpu.vector_load %arg13[%get3A_686, %get3A_687] {strides = array<i32>} : memref<400x64xf32, #tpu.memory_space<vmem>>, vector<1x16xf32>,
        %get3A_689 = vector.shape_cast %get3A_688 : vector<1x16xf32> to vector<16xf32>
        %add3A_690 = arith.addf %get3A_689, %get3A_635 : vector<16xf32>
        %swap3A_691 = arith.index_cast %add3A_685 : i32 to index
        %swap3A_692 = arith.constant 48 : index
        %swap3A_693 = tpu.vector_load %arg13[%swap3A_691, %swap3A_692] {strides = array<i32>} : memref<400x64xf32, #tpu.memory_space<vmem>>, vector<1x16xf32>,
        %swap3A_694 = vector.shape_cast %swap3A_693 : vector<1x16xf32> to vector<16xf32>
        %swap3A_695 = vector.shape_cast %add3A_690 : vector<16xf32> to vector<1x16xf32>
        tpu.vector_store %arg13[%swap3A_691, %swap3A_692], %swap3A_695 {strides = array<i32>} : memref<400x64xf32, #tpu.memory_space<vmem>>, vector<1x16xf32>,
        %add3A_696 = arith.constant 250 : i32
        %add3A_697 = arith.addi %add3A_696, %scan3A_333 : i32
        %get3A_698 = arith.index_cast %add3A_697 : i32 to index
        %get3A_699 = arith.constant 48 : index
        %get3A_700 = tpu.vector_load %arg13[%get3A_698, %get3A_699] {strides = array<i32>} : memref<400x64xf32, #tpu.memory_space<vmem>>, vector<1x16xf32>,
        %get3A_701 = vector.shape_cast %get3A_700 : vector<1x16xf32> to vector<16xf32>
        %add3A_702 = arith.addf %get3A_701, %get3A_635 : vector<16xf32>
        %swap3A_703 = arith.index_cast %add3A_697 : i32 to index
        %swap3A_704 = arith.constant 48 : index
        %swap3A_705 = tpu.vector_load %arg13[%swap3A_703, %swap3A_704] {strides = array<i32>} : memref<400x64xf32, #tpu.memory_space<vmem>>, vector<1x16xf32>,
        %swap3A_706 = vector.shape_cast %swap3A_705 : vector<1x16xf32> to vector<16xf32>
        %swap3A_707 = vector.shape_cast %add3A_702 : vector<16xf32> to vector<1x16xf32>
        tpu.vector_store %arg13[%swap3A_703, %swap3A_704], %swap3A_707 {strides = array<i32>} : memref<400x64xf32, #tpu.memory_space<vmem>>, vector<1x16xf32>,
        %add3A_708 = arith.constant 300 : i32
        %add3A_709 = arith.addi %add3A_708, %scan3A_333 : i32
        %get3A_710 = arith.index_cast %add3A_709 : i32 to index
        %get3A_711 = arith.constant 48 : index
        %get3A_712 = tpu.vector_load %arg13[%get3A_710, %get3A_711] {strides = array<i32>} : memref<400x64xf32, #tpu.memory_space<vmem>>, vector<1x16xf32>,
        %get3A_713 = vector.shape_cast %get3A_712 : vector<1x16xf32> to vector<16xf32>
        %add3A_714 = arith.addf %get3A_713, %get3A_635 : vector<16xf32>
        %swap3A_715 = arith.index_cast %add3A_709 : i32 to index
        %swap3A_716 = arith.constant 48 : index
        %swap3A_717 = tpu.vector_load %arg13[%swap3A_715, %swap3A_716] {strides = array<i32>} : memref<400x64xf32, #tpu.memory_space<vmem>>, vector<1x16xf32>,
        %swap3A_718 = vector.shape_cast %swap3A_717 : vector<1x16xf32> to vector<16xf32>
        %swap3A_719 = vector.shape_cast %add3A_714 : vector<16xf32> to vector<1x16xf32>
        tpu.vector_store %arg13[%swap3A_715, %swap3A_716], %swap3A_719 {strides = array<i32>} : memref<400x64xf32, #tpu.memory_space<vmem>>, vector<1x16xf32>,
        %add3A_720 = arith.constant 350 : i32
        %add3A_721 = arith.addi %add3A_720, %scan3A_333 : i32
        %get3A_722 = arith.index_cast %add3A_721 : i32 to index
        %get3A_723 = arith.constant 48 : index
        %get3A_724 = tpu.vector_load %arg13[%get3A_722, %get3A_723] {strides = array<i32>} : memref<400x64xf32, #tpu.memory_space<vmem>>, vector<1x16xf32>,
        %get3A_725 = vector.shape_cast %get3A_724 : vector<1x16xf32> to vector<16xf32>
        %add3A_726 = arith.addf %get3A_725, %get3A_635 : vector<16xf32>
        %swap3A_727 = arith.index_cast %add3A_721 : i32 to index
        %swap3A_728 = arith.constant 48 : index
        %swap3A_729 = tpu.vector_load %arg13[%swap3A_727, %swap3A_728] {strides = array<i32>} : memref<400x64xf32, #tpu.memory_space<vmem>>, vector<1x16xf32>,
        %swap3A_730 = vector.shape_cast %swap3A_729 : vector<1x16xf32> to vector<16xf32>
        %swap3A_731 = vector.shape_cast %add3A_726 : vector<16xf32> to vector<1x16xf32>
        tpu.vector_store %arg13[%swap3A_727, %swap3A_728], %swap3A_731 {strides = array<i32>} : memref<400x64xf32, #tpu.memory_space<vmem>>, vector<1x16xf32>,
      }
      %scan3A_252 = arith.constant 50 : i32
      %mul3A_253 = arith.constant 64 : i32
      %mul3A_254 = arith.muli %add3A, %mul3A_253 : i32
      %add3A_255 = arith.addi %mul3A_254, %add3A_240 : i32
      %mul3A_256 = arith.constant 400 : i32
      %mul3A_257 = arith.muli %add3A_255, %mul3A_256 : i32
      %dma_start3A_258 = arith.constant 0 : i32
      %dma_start3A_259 = tpu.memref_slice %arg7[%mul3A_257, %dma_start3A_258] : memref<819200x64xf32, #tpu.memory_space<hbm>> -> memref<400x64xf32, #tpu.memory_space<hbm>>
      %dma_start3A_260 = arith.constant 0 : i32
      %dma_start3A_261 = tpu.memref_slice %arg7[%mul3A_257, %dma_start3A_260] : memref<819200x64xf32, #tpu.memory_space<hbm>> -> memref<400x64xf32, #tpu.memory_space<hbm>>
      tpu.enqueue_dma source(%arg13 : memref<400x64xf32, #tpu.memory_space<vmem>>) target(%dma_start3A_261 : memref<400x64xf32, #tpu.memory_space<hbm>>) target_semaphore(%arg24 : memref<!tpu.dma_semaphore, #tpu.memory_space<semaphore_mem>>)
      %add3A_262 = arith.constant 2 : i32
      %add3A_263 = arith.addi %add3A_240, %add3A_262 : i32
      %lt3A_264 = arith.constant 64 : i32
      %lt3A_265 = arith.cmpi slt, %add3A_263, %lt3A_264 : i32
      %convert_element_type3A_266 = arith.extui %lt3A_265 : i1 to i32
      %cond3A_267 = arith.constant 0 : i32
      %cond3A_268 = arith.cmpi ne, %convert_element_type3A_266, %cond3A_267 : i32
      scf.if %cond3A_268 {
        %ge3A = arith.constant 2 : i32
        %ge3A_333 = arith.cmpi sge, %add3A_240, %ge3A : i32
        %convert_element_type3A_334 = arith.extui %ge3A_333 : i1 to i32
        %cond3A_335 = arith.constant 0 : i32
        %cond3A_336 = arith.cmpi ne, %convert_element_type3A_334, %cond3A_335 : i32
        scf.if %cond3A_336 {
          %dma_wait3A_419 = arith.constant 0 : i32
          %dma_wait3A_420 = arith.constant 0 : i32
          %dma_wait3A_421 = tpu.memref_slice %arg7[%dma_wait3A_419, %dma_wait3A_420] : memref<819200x64xf32, #tpu.memory_space<hbm>> -> memref<400x64xf32, #tpu.memory_space<hbm>>
          %dma_wait3A_422 = arith.constant 0 : i32
          %dma_wait3A_423 = arith.constant 0 : i32
          %dma_wait3A_424 = tpu.memref_slice %arg7[%dma_wait3A_422, %dma_wait3A_423] : memref<819200x64xf32, #tpu.memory_space<hbm>> -> memref<400x64xf32, #tpu.memory_space<hbm>>
          tpu.wait_dma2 semaphore(%arg26 : memref<!tpu.dma_semaphore, #tpu.memory_space<semaphore_mem>>) src(%dma_wait3A_424 : memref<400x64xf32, #tpu.memory_space<hbm>>) dst(%arg15 : memref<400x64xf32, #tpu.memory_space<vmem>>)
        } else {
        }
        %add3A_337 = arith.constant 2 : i32
        %add3A_338 = arith.addi %add3A_240, %add3A_337 : i32
        "tpu.region"() ({
          %run_scoped3A_419 = tpu.sem_alloc : memref<!tpu.dma_semaphore, #tpu.memory_space<semaphore_mem>>
          %dma_start3A_420 = arith.constant 0 : i32
          %dma_start3A_421 = arith.constant 0 : i32
          %dma_start3A_422 = tpu.memref_slice %arg3[%add3A, %add3A_338, %dma_start3A_420, %dma_start3A_421] : memref<32x64x8x50xi32, #tpu.memory_space<hbm>> -> memref<1x1x8x50xi32, #tpu.memory_space<hbm>>
          %dma_start3A_423 = tpu.memref_squeeze %dma_start3A_422 : memref<1x1x8x50xi32, #tpu.memory_space<hbm>> -> memref<8x50xi32, #tpu.memory_space<hbm>>
          %dma_start3A_424 = arith.constant 0 : i32
          %dma_start3A_425 = arith.constant 0 : i32
          %dma_start3A_426 = tpu.memref_slice %arg3[%add3A, %add3A_338, %dma_start3A_424, %dma_start3A_425] : memref<32x64x8x50xi32, #tpu.memory_space<hbm>> -> memref<1x1x8x50xi32, #tpu.memory_space<hbm>>
          %dma_start3A_427 = tpu.memref_squeeze %dma_start3A_426 : memref<1x1x8x50xi32, #tpu.memory_space<hbm>> -> memref<8x50xi32, #tpu.memory_space<hbm>>
          tpu.enqueue_dma source(%dma_start3A_427 : memref<8x50xi32, #tpu.memory_space<hbm>>) target(%arg11 : memref<8x50xi32, #tpu.memory_space<vmem>>) target_semaphore(%run_scoped3A_419 : memref<!tpu.dma_semaphore, #tpu.memory_space<semaphore_mem>>)
          %dma_wait3A_428 = arith.constant 0 : i32
          %dma_wait3A_429 = arith.constant 0 : i32
          %dma_wait3A_430 = tpu.memref_slice %arg3[%add3A, %add3A_338, %dma_wait3A_428, %dma_wait3A_429] : memref<32x64x8x50xi32, #tpu.memory_space<hbm>> -> memref<1x1x8x50xi32, #tpu.memory_space<hbm>>
          %dma_wait3A_431 = tpu.memref_squeeze %dma_wait3A_430 : memref<1x1x8x50xi32, #tpu.memory_space<hbm>> -> memref<8x50xi32, #tpu.memory_space<hbm>>
          %dma_wait3A_432 = arith.constant 0 : i32
          %dma_wait3A_433 = arith.constant 0 : i32
          %dma_wait3A_434 = tpu.memref_slice %arg3[%add3A, %add3A_338, %dma_wait3A_432, %dma_wait3A_433] : memref<32x64x8x50xi32, #tpu.memory_space<hbm>> -> memref<1x1x8x50xi32, #tpu.memory_space<hbm>>
          %dma_wait3A_435 = tpu.memref_squeeze %dma_wait3A_434 : memref<1x1x8x50xi32, #tpu.memory_space<hbm>> -> memref<8x50xi32, #tpu.memory_space<hbm>>
          tpu.wait_dma2 semaphore(%run_scoped3A_419 : memref<!tpu.dma_semaphore, #tpu.memory_space<semaphore_mem>>) src(%dma_wait3A_435 : memref<8x50xi32, #tpu.memory_space<hbm>>) dst(%arg11 : memref<8x50xi32, #tpu.memory_space<vmem>>)
          tpu.yield
        }) : () -> ()
        %dma_start3A_339 = arith.constant 0 : i32
        %dma_start3A_340 = arith.constant 0 : i32
        %dma_start3A_341 = arith.constant 0 : i32
        %dma_start3A_342 = tpu.memref_slice %arg15[%dma_start3A_340, %dma_start3A_341] : memref<400x64xf32, #tpu.memory_space<vmem>> -> memref<50x64xf32, #tpu.memory_space<vmem>>
        %dma_start3A_343 = arith.constant 0 : i32
        %dma_start3A_344 = tpu.memref_slice %arg11[%dma_start3A_339, %dma_start3A_343] : memref<8x50xi32, #tpu.memory_space<vmem>> -> memref<1x50xi32, #tpu.memory_space<vmem>>
        %dma_start3A_345 = tpu.memref_squeeze %dma_start3A_344 : memref<1x50xi32, #tpu.memory_space<vmem>> -> memref<50xi32, #tpu.memory_space<vmem>>
        %dma_start3A_346 = arith.constant 0 : i32
        %dma_start3A_347 = arith.constant 0 : i32
        %dma_start3A_348 = tpu.memref_slice %arg2[%dma_start3A_346, %dma_start3A_347] : memref<1000000x64xf32, #tpu.memory_space<hbm>> -> memref<1000000x64xf32, #tpu.memory_space<hbm>>
        tpu.enqueue_indirect_dma source(%dma_start3A_348 : memref<1000000x64xf32, #tpu.memory_space<hbm>>) target(%dma_start3A_342 : memref<50x64xf32, #tpu.memory_space<vmem>>) offsets(%dma_start3A_345 : memref<50xi32, #tpu.memory_space<vmem>>) semaphore(%arg22 : memref<!tpu.dma_semaphore, #tpu.memory_space<semaphore_mem>>)
        %dma_start3A_349 = arith.constant 1 : i32
        %dma_start3A_350 = arith.constant 50 : i32
        %dma_start3A_351 = arith.constant 0 : i32
        %dma_start3A_352 = tpu.memref_slice %arg15[%dma_start3A_350, %dma_start3A_351] : memref<400x64xf32, #tpu.memory_space<vmem>> -> memref<50x64xf32, #tpu.memory_space<vmem>>
        %dma_start3A_353 = arith.constant 0 : i32
        %dma_start3A_354 = tpu.memref_slice %arg11[%dma_start3A_349, %dma_start3A_353] : memref<8x50xi32, #tpu.memory_space<vmem>> -> memref<1x50xi32, #tpu.memory_space<vmem>>
        %dma_start3A_355 = tpu.memref_squeeze %dma_start3A_354 : memref<1x50xi32, #tpu.memory_space<vmem>> -> memref<50xi32, #tpu.memory_space<vmem>>
        %dma_start3A_356 = arith.constant 0 : i32
        %dma_start3A_357 = arith.constant 0 : i32
        %dma_start3A_358 = tpu.memref_slice %arg2[%dma_start3A_356, %dma_start3A_357] : memref<1000000x64xf32, #tpu.memory_space<hbm>> -> memref<1000000x64xf32, #tpu.memory_space<hbm>>
        tpu.enqueue_indirect_dma source(%dma_start3A_358 : memref<1000000x64xf32, #tpu.memory_space<hbm>>) target(%dma_start3A_352 : memref<50x64xf32, #tpu.memory_space<vmem>>) offsets(%dma_start3A_355 : memref<50xi32, #tpu.memory_space<vmem>>) semaphore(%arg22 : memref<!tpu.dma_semaphore, #tpu.memory_space<semaphore_mem>>)
        %dma_start3A_359 = arith.constant 2 : i32
        %dma_start3A_360 = arith.constant 100 : i32
        %dma_start3A_361 = arith.constant 0 : i32
        %dma_start3A_362 = tpu.memref_slice %arg15[%dma_start3A_360, %dma_start3A_361] : memref<400x64xf32, #tpu.memory_space<vmem>> -> memref<50x64xf32, #tpu.memory_space<vmem>>
        %dma_start3A_363 = arith.constant 0 : i32
        %dma_start3A_364 = tpu.memref_slice %arg11[%dma_start3A_359, %dma_start3A_363] : memref<8x50xi32, #tpu.memory_space<vmem>> -> memref<1x50xi32, #tpu.memory_space<vmem>>
        %dma_start3A_365 = tpu.memref_squeeze %dma_start3A_364 : memref<1x50xi32, #tpu.memory_space<vmem>> -> memref<50xi32, #tpu.memory_space<vmem>>
        %dma_start3A_366 = arith.constant 0 : i32
        %dma_start3A_367 = arith.constant 0 : i32
        %dma_start3A_368 = tpu.memref_slice %arg2[%dma_start3A_366, %dma_start3A_367] : memref<1000000x64xf32, #tpu.memory_space<hbm>> -> memref<1000000x64xf32, #tpu.memory_space<hbm>>
        tpu.enqueue_indirect_dma source(%dma_start3A_368 : memref<1000000x64xf32, #tpu.memory_space<hbm>>) target(%dma_start3A_362 : memref<50x64xf32, #tpu.memory_space<vmem>>) offsets(%dma_start3A_365 : memref<50xi32, #tpu.memory_space<vmem>>) semaphore(%arg22 : memref<!tpu.dma_semaphore, #tpu.memory_space<semaphore_mem>>)
        %dma_start3A_369 = arith.constant 3 : i32
        %dma_start3A_370 = arith.constant 150 : i32
        %dma_start3A_371 = arith.constant 0 : i32
        %dma_start3A_372 = tpu.memref_slice %arg15[%dma_start3A_370, %dma_start3A_371] : memref<400x64xf32, #tpu.memory_space<vmem>> -> memref<50x64xf32, #tpu.memory_space<vmem>>
        %dma_start3A_373 = arith.constant 0 : i32
        %dma_start3A_374 = tpu.memref_slice %arg11[%dma_start3A_369, %dma_start3A_373] : memref<8x50xi32, #tpu.memory_space<vmem>> -> memref<1x50xi32, #tpu.memory_space<vmem>>
        %dma_start3A_375 = tpu.memref_squeeze %dma_start3A_374 : memref<1x50xi32, #tpu.memory_space<vmem>> -> memref<50xi32, #tpu.memory_space<vmem>>
        %dma_start3A_376 = arith.constant 0 : i32
        %dma_start3A_377 = arith.constant 0 : i32
        %dma_start3A_378 = tpu.memref_slice %arg2[%dma_start3A_376, %dma_start3A_377] : memref<1000000x64xf32, #tpu.memory_space<hbm>> -> memref<1000000x64xf32, #tpu.memory_space<hbm>>
        tpu.enqueue_indirect_dma source(%dma_start3A_378 : memref<1000000x64xf32, #tpu.memory_space<hbm>>) target(%dma_start3A_372 : memref<50x64xf32, #tpu.memory_space<vmem>>) offsets(%dma_start3A_375 : memref<50xi32, #tpu.memory_space<vmem>>) semaphore(%arg22 : memref<!tpu.dma_semaphore, #tpu.memory_space<semaphore_mem>>)
        %dma_start3A_379 = arith.constant 4 : i32
        %dma_start3A_380 = arith.constant 200 : i32
        %dma_start3A_381 = arith.constant 0 : i32
        %dma_start3A_382 = tpu.memref_slice %arg15[%dma_start3A_380, %dma_start3A_381] : memref<400x64xf32, #tpu.memory_space<vmem>> -> memref<50x64xf32, #tpu.memory_space<vmem>>
        %dma_start3A_383 = arith.constant 0 : i32
        %dma_start3A_384 = tpu.memref_slice %arg11[%dma_start3A_379, %dma_start3A_383] : memref<8x50xi32, #tpu.memory_space<vmem>> -> memref<1x50xi32, #tpu.memory_space<vmem>>
        %dma_start3A_385 = tpu.memref_squeeze %dma_start3A_384 : memref<1x50xi32, #tpu.memory_space<vmem>> -> memref<50xi32, #tpu.memory_space<vmem>>
        %dma_start3A_386 = arith.constant 0 : i32
        %dma_start3A_387 = arith.constant 0 : i32
        %dma_start3A_388 = tpu.memref_slice %arg2[%dma_start3A_386, %dma_start3A_387] : memref<1000000x64xf32, #tpu.memory_space<hbm>> -> memref<1000000x64xf32, #tpu.memory_space<hbm>>
        tpu.enqueue_indirect_dma source(%dma_start3A_388 : memref<1000000x64xf32, #tpu.memory_space<hbm>>) target(%dma_start3A_382 : memref<50x64xf32, #tpu.memory_space<vmem>>) offsets(%dma_start3A_385 : memref<50xi32, #tpu.memory_space<vmem>>) semaphore(%arg22 : memref<!tpu.dma_semaphore, #tpu.memory_space<semaphore_mem>>)
        %dma_start3A_389 = arith.constant 5 : i32
        %dma_start3A_390 = arith.constant 250 : i32
        %dma_start3A_391 = arith.constant 0 : i32
        %dma_start3A_392 = tpu.memref_slice %arg15[%dma_start3A_390, %dma_start3A_391] : memref<400x64xf32, #tpu.memory_space<vmem>> -> memref<50x64xf32, #tpu.memory_space<vmem>>
        %dma_start3A_393 = arith.constant 0 : i32
        %dma_start3A_394 = tpu.memref_slice %arg11[%dma_start3A_389, %dma_start3A_393] : memref<8x50xi32, #tpu.memory_space<vmem>> -> memref<1x50xi32, #tpu.memory_space<vmem>>
        %dma_start3A_395 = tpu.memref_squeeze %dma_start3A_394 : memref<1x50xi32, #tpu.memory_space<vmem>> -> memref<50xi32, #tpu.memory_space<vmem>>
        %dma_start3A_396 = arith.constant 0 : i32
        %dma_start3A_397 = arith.constant 0 : i32
        %dma_start3A_398 = tpu.memref_slice %arg2[%dma_start3A_396, %dma_start3A_397] : memref<1000000x64xf32, #tpu.memory_space<hbm>> -> memref<1000000x64xf32, #tpu.memory_space<hbm>>
        tpu.enqueue_indirect_dma source(%dma_start3A_398 : memref<1000000x64xf32, #tpu.memory_space<hbm>>) target(%dma_start3A_392 : memref<50x64xf32, #tpu.memory_space<vmem>>) offsets(%dma_start3A_395 : memref<50xi32, #tpu.memory_space<vmem>>) semaphore(%arg22 : memref<!tpu.dma_semaphore, #tpu.memory_space<semaphore_mem>>)
        %dma_start3A_399 = arith.constant 6 : i32
        %dma_start3A_400 = arith.constant 300 : i32
        %dma_start3A_401 = arith.constant 0 : i32
        %dma_start3A_402 = tpu.memref_slice %arg15[%dma_start3A_400, %dma_start3A_401] : memref<400x64xf32, #tpu.memory_space<vmem>> -> memref<50x64xf32, #tpu.memory_space<vmem>>
        %dma_start3A_403 = arith.constant 0 : i32
        %dma_start3A_404 = tpu.memref_slice %arg11[%dma_start3A_399, %dma_start3A_403] : memref<8x50xi32, #tpu.memory_space<vmem>> -> memref<1x50xi32, #tpu.memory_space<vmem>>
        %dma_start3A_405 = tpu.memref_squeeze %dma_start3A_404 : memref<1x50xi32, #tpu.memory_space<vmem>> -> memref<50xi32, #tpu.memory_space<vmem>>
        %dma_start3A_406 = arith.constant 0 : i32
        %dma_start3A_407 = arith.constant 0 : i32
        %dma_start3A_408 = tpu.memref_slice %arg2[%dma_start3A_406, %dma_start3A_407] : memref<1000000x64xf32, #tpu.memory_space<hbm>> -> memref<1000000x64xf32, #tpu.memory_space<hbm>>
        tpu.enqueue_indirect_dma source(%dma_start3A_408 : memref<1000000x64xf32, #tpu.memory_space<hbm>>) target(%dma_start3A_402 : memref<50x64xf32, #tpu.memory_space<vmem>>) offsets(%dma_start3A_405 : memref<50xi32, #tpu.memory_space<vmem>>) semaphore(%arg22 : memref<!tpu.dma_semaphore, #tpu.memory_space<semaphore_mem>>)
        %dma_start3A_409 = arith.constant 7 : i32
        %dma_start3A_410 = arith.constant 350 : i32
        %dma_start3A_411 = arith.constant 0 : i32
        %dma_start3A_412 = tpu.memref_slice %arg15[%dma_start3A_410, %dma_start3A_411] : memref<400x64xf32, #tpu.memory_space<vmem>> -> memref<50x64xf32, #tpu.memory_space<vmem>>
        %dma_start3A_413 = arith.constant 0 : i32
        %dma_start3A_414 = tpu.memref_slice %arg11[%dma_start3A_409, %dma_start3A_413] : memref<8x50xi32, #tpu.memory_space<vmem>> -> memref<1x50xi32, #tpu.memory_space<vmem>>
        %dma_start3A_415 = tpu.memref_squeeze %dma_start3A_414 : memref<1x50xi32, #tpu.memory_space<vmem>> -> memref<50xi32, #tpu.memory_space<vmem>>
        %dma_start3A_416 = arith.constant 0 : i32
        %dma_start3A_417 = arith.constant 0 : i32
        %dma_start3A_418 = tpu.memref_slice %arg2[%dma_start3A_416, %dma_start3A_417] : memref<1000000x64xf32, #tpu.memory_space<hbm>> -> memref<1000000x64xf32, #tpu.memory_space<hbm>>
        tpu.enqueue_indirect_dma source(%dma_start3A_418 : memref<1000000x64xf32, #tpu.memory_space<hbm>>) target(%dma_start3A_412 : memref<50x64xf32, #tpu.memory_space<vmem>>) offsets(%dma_start3A_415 : memref<50xi32, #tpu.memory_space<vmem>>) semaphore(%arg22 : memref<!tpu.dma_semaphore, #tpu.memory_space<semaphore_mem>>)
      } else {
      }
      %mul3A_269 = arith.constant 4 : i32
      %mul3A_270 = arith.muli %scan3A_207, %mul3A_269 : i32
      %add3A_271 = arith.constant 2 : i32
      %add3A_272 = arith.addi %mul3A_270, %add3A_271 : i32
      %dma_wait3A_273 = arith.constant 0 : i32
      %dma_wait3A_274 = arith.constant 0 : i32
      %dma_wait3A_275 = tpu.memref_slice %arg7[%dma_wait3A_273, %dma_wait3A_274] : memref<819200x64xf32, #tpu.memory_space<hbm>> -> memref<400x64xf32, #tpu.memory_space<hbm>>
      %dma_wait3A_276 = arith.constant 0 : i32
      %dma_wait3A_277 = arith.constant 0 : i32
      %dma_wait3A_278 = tpu.memref_slice %arg7[%dma_wait3A_276, %dma_wait3A_277] : memref<819200x64xf32, #tpu.memory_space<hbm>> -> memref<400x64xf32, #tpu.memory_space<hbm>>
      tpu.wait_dma2 semaphore(%arg21 : memref<!tpu.dma_semaphore, #tpu.memory_space<semaphore_mem>>) src(%dma_wait3A_278 : memref<400x64xf32, #tpu.memory_space<hbm>>) dst(%arg14 : memref<400x64xf32, #tpu.memory_space<vmem>>)
      %scan3A_279 = arith.constant 0 : i32
      %scan3A_280 = arith.constant 0 : i32
      %scan3A_281 = arith.constant 50 : i32
      %scan3A_282 = arith.addi %scan3A_280, %scan3A_281 : i32
      %scan3A_283 = arith.constant 1 : i32
      scf.for %scan3A_333 = %scan3A_280 to %scan3A_282 step %scan3A_283  : i32 {
        %get3A = arith.index_cast %scan3A_333 : i32 to index
        %get3A_334 = arith.constant 0 : index
        %get3A_335 = tpu.vector_load %arg17[%get3A, %get3A_334] {strides = array<i32>} : memref<64x64xf32, #tpu.memory_space<vmem>>, vector<1x16xf32>,
        %get3A_336 = vector.shape_cast %get3A_335 : vector<1x16xf32> to vector<16xf32>
        %add3A_337 = arith.constant 0 : i32
        %add3A_338 = arith.addi %add3A_337, %scan3A_333 : i32
        %get3A_339 = arith.index_cast %add3A_338 : i32 to index
        %get3A_340 = arith.constant 0 : index
        %get3A_341 = tpu.vector_load %arg14[%get3A_339, %get3A_340] {strides = array<i32>} : memref<400x64xf32, #tpu.memory_space<vmem>>, vector<1x16xf32>,
        %get3A_342 = vector.shape_cast %get3A_341 : vector<1x16xf32> to vector<16xf32>
        %add3A_343 = arith.addf %get3A_342, %get3A_336 : vector<16xf32>
        %swap3A = arith.index_cast %add3A_338 : i32 to index
        %swap3A_344 = arith.constant 0 : index
        %swap3A_345 = tpu.vector_load %arg14[%swap3A, %swap3A_344] {strides = array<i32>} : memref<400x64xf32, #tpu.memory_space<vmem>>, vector<1x16xf32>,
        %swap3A_346 = vector.shape_cast %swap3A_345 : vector<1x16xf32> to vector<16xf32>
        %swap3A_347 = vector.shape_cast %add3A_343 : vector<16xf32> to vector<1x16xf32>
        tpu.vector_store %arg14[%swap3A, %swap3A_344], %swap3A_347 {strides = array<i32>} : memref<400x64xf32, #tpu.memory_space<vmem>>, vector<1x16xf32>,
        %add3A_348 = arith.constant 50 : i32
        %add3A_349 = arith.addi %add3A_348, %scan3A_333 : i32
        %get3A_350 = arith.index_cast %add3A_349 : i32 to index
        %get3A_351 = arith.constant 0 : index
        %get3A_352 = tpu.vector_load %arg14[%get3A_350, %get3A_351] {strides = array<i32>} : memref<400x64xf32, #tpu.memory_space<vmem>>, vector<1x16xf32>,
        %get3A_353 = vector.shape_cast %get3A_352 : vector<1x16xf32> to vector<16xf32>
        %add3A_354 = arith.addf %get3A_353, %get3A_336 : vector<16xf32>
        %swap3A_355 = arith.index_cast %add3A_349 : i32 to index
        %swap3A_356 = arith.constant 0 : index
        %swap3A_357 = tpu.vector_load %arg14[%swap3A_355, %swap3A_356] {strides = array<i32>} : memref<400x64xf32, #tpu.memory_space<vmem>>, vector<1x16xf32>,
        %swap3A_358 = vector.shape_cast %swap3A_357 : vector<1x16xf32> to vector<16xf32>
        %swap3A_359 = vector.shape_cast %add3A_354 : vector<16xf32> to vector<1x16xf32>
        tpu.vector_store %arg14[%swap3A_355, %swap3A_356], %swap3A_359 {strides = array<i32>} : memref<400x64xf32, #tpu.memory_space<vmem>>, vector<1x16xf32>,
        %add3A_360 = arith.constant 100 : i32
        %add3A_361 = arith.addi %add3A_360, %scan3A_333 : i32
        %get3A_362 = arith.index_cast %add3A_361 : i32 to index
        %get3A_363 = arith.constant 0 : index
        %get3A_364 = tpu.vector_load %arg14[%get3A_362, %get3A_363] {strides = array<i32>} : memref<400x64xf32, #tpu.memory_space<vmem>>, vector<1x16xf32>,
        %get3A_365 = vector.shape_cast %get3A_364 : vector<1x16xf32> to vector<16xf32>
        %add3A_366 = arith.addf %get3A_365, %get3A_336 : vector<16xf32>
        %swap3A_367 = arith.index_cast %add3A_361 : i32 to index
        %swap3A_368 = arith.constant 0 : index
        %swap3A_369 = tpu.vector_load %arg14[%swap3A_367, %swap3A_368] {strides = array<i32>} : memref<400x64xf32, #tpu.memory_space<vmem>>, vector<1x16xf32>,
        %swap3A_370 = vector.shape_cast %swap3A_369 : vector<1x16xf32> to vector<16xf32>
        %swap3A_371 = vector.shape_cast %add3A_366 : vector<16xf32> to vector<1x16xf32>
        tpu.vector_store %arg14[%swap3A_367, %swap3A_368], %swap3A_371 {strides = array<i32>} : memref<400x64xf32, #tpu.memory_space<vmem>>, vector<1x16xf32>,
        %add3A_372 = arith.constant 150 : i32
        %add3A_373 = arith.addi %add3A_372, %scan3A_333 : i32
        %get3A_374 = arith.index_cast %add3A_373 : i32 to index
        %get3A_375 = arith.constant 0 : index
        %get3A_376 = tpu.vector_load %arg14[%get3A_374, %get3A_375] {strides = array<i32>} : memref<400x64xf32, #tpu.memory_space<vmem>>, vector<1x16xf32>,
        %get3A_377 = vector.shape_cast %get3A_376 : vector<1x16xf32> to vector<16xf32>
        %add3A_378 = arith.addf %get3A_377, %get3A_336 : vector<16xf32>
        %swap3A_379 = arith.index_cast %add3A_373 : i32 to index
        %swap3A_380 = arith.constant 0 : index
        %swap3A_381 = tpu.vector_load %arg14[%swap3A_379, %swap3A_380] {strides = array<i32>} : memref<400x64xf32, #tpu.memory_space<vmem>>, vector<1x16xf32>,
        %swap3A_382 = vector.shape_cast %swap3A_381 : vector<1x16xf32> to vector<16xf32>
        %swap3A_383 = vector.shape_cast %add3A_378 : vector<16xf32> to vector<1x16xf32>
        tpu.vector_store %arg14[%swap3A_379, %swap3A_380], %swap3A_383 {strides = array<i32>} : memref<400x64xf32, #tpu.memory_space<vmem>>, vector<1x16xf32>,
        %add3A_384 = arith.constant 200 : i32
        %add3A_385 = arith.addi %add3A_384, %scan3A_333 : i32
        %get3A_386 = arith.index_cast %add3A_385 : i32 to index
        %get3A_387 = arith.constant 0 : index
        %get3A_388 = tpu.vector_load %arg14[%get3A_386, %get3A_387] {strides = array<i32>} : memref<400x64xf32, #tpu.memory_space<vmem>>, vector<1x16xf32>,
        %get3A_389 = vector.shape_cast %get3A_388 : vector<1x16xf32> to vector<16xf32>
        %add3A_390 = arith.addf %get3A_389, %get3A_336 : vector<16xf32>
        %swap3A_391 = arith.index_cast %add3A_385 : i32 to index
        %swap3A_392 = arith.constant 0 : index
        %swap3A_393 = tpu.vector_load %arg14[%swap3A_391, %swap3A_392] {strides = array<i32>} : memref<400x64xf32, #tpu.memory_space<vmem>>, vector<1x16xf32>,
        %swap3A_394 = vector.shape_cast %swap3A_393 : vector<1x16xf32> to vector<16xf32>
        %swap3A_395 = vector.shape_cast %add3A_390 : vector<16xf32> to vector<1x16xf32>
        tpu.vector_store %arg14[%swap3A_391, %swap3A_392], %swap3A_395 {strides = array<i32>} : memref<400x64xf32, #tpu.memory_space<vmem>>, vector<1x16xf32>,
        %add3A_396 = arith.constant 250 : i32
        %add3A_397 = arith.addi %add3A_396, %scan3A_333 : i32
        %get3A_398 = arith.index_cast %add3A_397 : i32 to index
        %get3A_399 = arith.constant 0 : index
        %get3A_400 = tpu.vector_load %arg14[%get3A_398, %get3A_399] {strides = array<i32>} : memref<400x64xf32, #tpu.memory_space<vmem>>, vector<1x16xf32>,
        %get3A_401 = vector.shape_cast %get3A_400 : vector<1x16xf32> to vector<16xf32>
        %add3A_402 = arith.addf %get3A_401, %get3A_336 : vector<16xf32>
        %swap3A_403 = arith.index_cast %add3A_397 : i32 to index
        %swap3A_404 = arith.constant 0 : index
        %swap3A_405 = tpu.vector_load %arg14[%swap3A_403, %swap3A_404] {strides = array<i32>} : memref<400x64xf32, #tpu.memory_space<vmem>>, vector<1x16xf32>,
        %swap3A_406 = vector.shape_cast %swap3A_405 : vector<1x16xf32> to vector<16xf32>
        %swap3A_407 = vector.shape_cast %add3A_402 : vector<16xf32> to vector<1x16xf32>
        tpu.vector_store %arg14[%swap3A_403, %swap3A_404], %swap3A_407 {strides = array<i32>} : memref<400x64xf32, #tpu.memory_space<vmem>>, vector<1x16xf32>,
        %add3A_408 = arith.constant 300 : i32
        %add3A_409 = arith.addi %add3A_408, %scan3A_333 : i32
        %get3A_410 = arith.index_cast %add3A_409 : i32 to index
        %get3A_411 = arith.constant 0 : index
        %get3A_412 = tpu.vector_load %arg14[%get3A_410, %get3A_411] {strides = array<i32>} : memref<400x64xf32, #tpu.memory_space<vmem>>, vector<1x16xf32>,
        %get3A_413 = vector.shape_cast %get3A_412 : vector<1x16xf32> to vector<16xf32>
        %add3A_414 = arith.addf %get3A_413, %get3A_336 : vector<16xf32>
        %swap3A_415 = arith.index_cast %add3A_409 : i32 to index
        %swap3A_416 = arith.constant 0 : index
        %swap3A_417 = tpu.vector_load %arg14[%swap3A_415, %swap3A_416] {strides = array<i32>} : memref<400x64xf32, #tpu.memory_space<vmem>>, vector<1x16xf32>,
        %swap3A_418 = vector.shape_cast %swap3A_417 : vector<1x16xf32> to vector<16xf32>
        %swap3A_419 = vector.shape_cast %add3A_414 : vector<16xf32> to vector<1x16xf32>
        tpu.vector_store %arg14[%swap3A_415, %swap3A_416], %swap3A_419 {strides = array<i32>} : memref<400x64xf32, #tpu.memory_space<vmem>>, vector<1x16xf32>,
        %add3A_420 = arith.constant 350 : i32
        %add3A_421 = arith.addi %add3A_420, %scan3A_333 : i32
        %get3A_422 = arith.index_cast %add3A_421 : i32 to index
        %get3A_423 = arith.constant 0 : index
        %get3A_424 = tpu.vector_load %arg14[%get3A_422, %get3A_423] {strides = array<i32>} : memref<400x64xf32, #tpu.memory_space<vmem>>, vector<1x16xf32>,
        %get3A_425 = vector.shape_cast %get3A_424 : vector<1x16xf32> to vector<16xf32>
        %add3A_426 = arith.addf %get3A_425, %get3A_336 : vector<16xf32>
        %swap3A_427 = arith.index_cast %add3A_421 : i32 to index
        %swap3A_428 = arith.constant 0 : index
        %swap3A_429 = tpu.vector_load %arg14[%swap3A_427, %swap3A_428] {strides = array<i32>} : memref<400x64xf32, #tpu.memory_space<vmem>>, vector<1x16xf32>,
        %swap3A_430 = vector.shape_cast %swap3A_429 : vector<1x16xf32> to vector<16xf32>
        %swap3A_431 = vector.shape_cast %add3A_426 : vector<16xf32> to vector<1x16xf32>
        tpu.vector_store %arg14[%swap3A_427, %swap3A_428], %swap3A_431 {strides = array<i32>} : memref<400x64xf32, #tpu.memory_space<vmem>>, vector<1x16xf32>,
        %get3A_432 = arith.index_cast %scan3A_333 : i32 to index
        %get3A_433 = arith.constant 16 : index
        %get3A_434 = tpu.vector_load %arg17[%get3A_432, %get3A_433] {strides = array<i32>} : memref<64x64xf32, #tpu.memory_space<vmem>>, vector<1x16xf32>,
        %get3A_435 = vector.shape_cast %get3A_434 : vector<1x16xf32> to vector<16xf32>
        %add3A_436 = arith.constant 0 : i32
        %add3A_437 = arith.addi %add3A_436, %scan3A_333 : i32
        %get3A_438 = arith.index_cast %add3A_437 : i32 to index
        %get3A_439 = arith.constant 16 : index
        %get3A_440 = tpu.vector_load %arg14[%get3A_438, %get3A_439] {strides = array<i32>} : memref<400x64xf32, #tpu.memory_space<vmem>>, vector<1x16xf32>,
        %get3A_441 = vector.shape_cast %get3A_440 : vector<1x16xf32> to vector<16xf32>
        %add3A_442 = arith.addf %get3A_441, %get3A_435 : vector<16xf32>
        %swap3A_443 = arith.index_cast %add3A_437 : i32 to index
        %swap3A_444 = arith.constant 16 : index
        %swap3A_445 = tpu.vector_load %arg14[%swap3A_443, %swap3A_444] {strides = array<i32>} : memref<400x64xf32, #tpu.memory_space<vmem>>, vector<1x16xf32>,
        %swap3A_446 = vector.shape_cast %swap3A_445 : vector<1x16xf32> to vector<16xf32>
        %swap3A_447 = vector.shape_cast %add3A_442 : vector<16xf32> to vector<1x16xf32>
        tpu.vector_store %arg14[%swap3A_443, %swap3A_444], %swap3A_447 {strides = array<i32>} : memref<400x64xf32, #tpu.memory_space<vmem>>, vector<1x16xf32>,
        %add3A_448 = arith.constant 50 : i32
        %add3A_449 = arith.addi %add3A_448, %scan3A_333 : i32
        %get3A_450 = arith.index_cast %add3A_449 : i32 to index
        %get3A_451 = arith.constant 16 : index
        %get3A_452 = tpu.vector_load %arg14[%get3A_450, %get3A_451] {strides = array<i32>} : memref<400x64xf32, #tpu.memory_space<vmem>>, vector<1x16xf32>,
        %get3A_453 = vector.shape_cast %get3A_452 : vector<1x16xf32> to vector<16xf32>
        %add3A_454 = arith.addf %get3A_453, %get3A_435 : vector<16xf32>
        %swap3A_455 = arith.index_cast %add3A_449 : i32 to index
        %swap3A_456 = arith.constant 16 : index
        %swap3A_457 = tpu.vector_load %arg14[%swap3A_455, %swap3A_456] {strides = array<i32>} : memref<400x64xf32, #tpu.memory_space<vmem>>, vector<1x16xf32>,
        %swap3A_458 = vector.shape_cast %swap3A_457 : vector<1x16xf32> to vector<16xf32>
        %swap3A_459 = vector.shape_cast %add3A_454 : vector<16xf32> to vector<1x16xf32>
        tpu.vector_store %arg14[%swap3A_455, %swap3A_456], %swap3A_459 {strides = array<i32>} : memref<400x64xf32, #tpu.memory_space<vmem>>, vector<1x16xf32>,
        %add3A_460 = arith.constant 100 : i32
        %add3A_461 = arith.addi %add3A_460, %scan3A_333 : i32
        %get3A_462 = arith.index_cast %add3A_461 : i32 to index
        %get3A_463 = arith.constant 16 : index
        %get3A_464 = tpu.vector_load %arg14[%get3A_462, %get3A_463] {strides = array<i32>} : memref<400x64xf32, #tpu.memory_space<vmem>>, vector<1x16xf32>,
        %get3A_465 = vector.shape_cast %get3A_464 : vector<1x16xf32> to vector<16xf32>
        %add3A_466 = arith.addf %get3A_465, %get3A_435 : vector<16xf32>
        %swap3A_467 = arith.index_cast %add3A_461 : i32 to index
        %swap3A_468 = arith.constant 16 : index
        %swap3A_469 = tpu.vector_load %arg14[%swap3A_467, %swap3A_468] {strides = array<i32>} : memref<400x64xf32, #tpu.memory_space<vmem>>, vector<1x16xf32>,
        %swap3A_470 = vector.shape_cast %swap3A_469 : vector<1x16xf32> to vector<16xf32>
        %swap3A_471 = vector.shape_cast %add3A_466 : vector<16xf32> to vector<1x16xf32>
        tpu.vector_store %arg14[%swap3A_467, %swap3A_468], %swap3A_471 {strides = array<i32>} : memref<400x64xf32, #tpu.memory_space<vmem>>, vector<1x16xf32>,
        %add3A_472 = arith.constant 150 : i32
        %add3A_473 = arith.addi %add3A_472, %scan3A_333 : i32
        %get3A_474 = arith.index_cast %add3A_473 : i32 to index
        %get3A_475 = arith.constant 16 : index
        %get3A_476 = tpu.vector_load %arg14[%get3A_474, %get3A_475] {strides = array<i32>} : memref<400x64xf32, #tpu.memory_space<vmem>>, vector<1x16xf32>,
        %get3A_477 = vector.shape_cast %get3A_476 : vector<1x16xf32> to vector<16xf32>
        %add3A_478 = arith.addf %get3A_477, %get3A_435 : vector<16xf32>
        %swap3A_479 = arith.index_cast %add3A_473 : i32 to index
        %swap3A_480 = arith.constant 16 : index
        %swap3A_481 = tpu.vector_load %arg14[%swap3A_479, %swap3A_480] {strides = array<i32>} : memref<400x64xf32, #tpu.memory_space<vmem>>, vector<1x16xf32>,
        %swap3A_482 = vector.shape_cast %swap3A_481 : vector<1x16xf32> to vector<16xf32>
        %swap3A_483 = vector.shape_cast %add3A_478 : vector<16xf32> to vector<1x16xf32>
        tpu.vector_store %arg14[%swap3A_479, %swap3A_480], %swap3A_483 {strides = array<i32>} : memref<400x64xf32, #tpu.memory_space<vmem>>, vector<1x16xf32>,
        %add3A_484 = arith.constant 200 : i32
        %add3A_485 = arith.addi %add3A_484, %scan3A_333 : i32
        %get3A_486 = arith.index_cast %add3A_485 : i32 to index
        %get3A_487 = arith.constant 16 : index
        %get3A_488 = tpu.vector_load %arg14[%get3A_486, %get3A_487] {strides = array<i32>} : memref<400x64xf32, #tpu.memory_space<vmem>>, vector<1x16xf32>,
        %get3A_489 = vector.shape_cast %get3A_488 : vector<1x16xf32> to vector<16xf32>
        %add3A_490 = arith.addf %get3A_489, %get3A_435 : vector<16xf32>
        %swap3A_491 = arith.index_cast %add3A_485 : i32 to index
        %swap3A_492 = arith.constant 16 : index
        %swap3A_493 = tpu.vector_load %arg14[%swap3A_491, %swap3A_492] {strides = array<i32>} : memref<400x64xf32, #tpu.memory_space<vmem>>, vector<1x16xf32>,
        %swap3A_494 = vector.shape_cast %swap3A_493 : vector<1x16xf32> to vector<16xf32>
        %swap3A_495 = vector.shape_cast %add3A_490 : vector<16xf32> to vector<1x16xf32>
        tpu.vector_store %arg14[%swap3A_491, %swap3A_492], %swap3A_495 {strides = array<i32>} : memref<400x64xf32, #tpu.memory_space<vmem>>, vector<1x16xf32>,
        %add3A_496 = arith.constant 250 : i32
        %add3A_497 = arith.addi %add3A_496, %scan3A_333 : i32
        %get3A_498 = arith.index_cast %add3A_497 : i32 to index
        %get3A_499 = arith.constant 16 : index
        %get3A_500 = tpu.vector_load %arg14[%get3A_498, %get3A_499] {strides = array<i32>} : memref<400x64xf32, #tpu.memory_space<vmem>>, vector<1x16xf32>,
        %get3A_501 = vector.shape_cast %get3A_500 : vector<1x16xf32> to vector<16xf32>
        %add3A_502 = arith.addf %get3A_501, %get3A_435 : vector<16xf32>
        %swap3A_503 = arith.index_cast %add3A_497 : i32 to index
        %swap3A_504 = arith.constant 16 : index
        %swap3A_505 = tpu.vector_load %arg14[%swap3A_503, %swap3A_504] {strides = array<i32>} : memref<400x64xf32, #tpu.memory_space<vmem>>, vector<1x16xf32>,
        %swap3A_506 = vector.shape_cast %swap3A_505 : vector<1x16xf32> to vector<16xf32>
        %swap3A_507 = vector.shape_cast %add3A_502 : vector<16xf32> to vector<1x16xf32>
        tpu.vector_store %arg14[%swap3A_503, %swap3A_504], %swap3A_507 {strides = array<i32>} : memref<400x64xf32, #tpu.memory_space<vmem>>, vector<1x16xf32>,
        %add3A_508 = arith.constant 300 : i32
        %add3A_509 = arith.addi %add3A_508, %scan3A_333 : i32
        %get3A_510 = arith.index_cast %add3A_509 : i32 to index
        %get3A_511 = arith.constant 16 : index
        %get3A_512 = tpu.vector_load %arg14[%get3A_510, %get3A_511] {strides = array<i32>} : memref<400x64xf32, #tpu.memory_space<vmem>>, vector<1x16xf32>,
        %get3A_513 = vector.shape_cast %get3A_512 : vector<1x16xf32> to vector<16xf32>
        %add3A_514 = arith.addf %get3A_513, %get3A_435 : vector<16xf32>
        %swap3A_515 = arith.index_cast %add3A_509 : i32 to index
        %swap3A_516 = arith.constant 16 : index
        %swap3A_517 = tpu.vector_load %arg14[%swap3A_515, %swap3A_516] {strides = array<i32>} : memref<400x64xf32, #tpu.memory_space<vmem>>, vector<1x16xf32>,
        %swap3A_518 = vector.shape_cast %swap3A_517 : vector<1x16xf32> to vector<16xf32>
        %swap3A_519 = vector.shape_cast %add3A_514 : vector<16xf32> to vector<1x16xf32>
        tpu.vector_store %arg14[%swap3A_515, %swap3A_516], %swap3A_519 {strides = array<i32>} : memref<400x64xf32, #tpu.memory_space<vmem>>, vector<1x16xf32>,
        %add3A_520 = arith.constant 350 : i32
        %add3A_521 = arith.addi %add3A_520, %scan3A_333 : i32
        %get3A_522 = arith.index_cast %add3A_521 : i32 to index
        %get3A_523 = arith.constant 16 : index
        %get3A_524 = tpu.vector_load %arg14[%get3A_522, %get3A_523] {strides = array<i32>} : memref<400x64xf32, #tpu.memory_space<vmem>>, vector<1x16xf32>,
        %get3A_525 = vector.shape_cast %get3A_524 : vector<1x16xf32> to vector<16xf32>
        %add3A_526 = arith.addf %get3A_525, %get3A_435 : vector<16xf32>
        %swap3A_527 = arith.index_cast %add3A_521 : i32 to index
        %swap3A_528 = arith.constant 16 : index
        %swap3A_529 = tpu.vector_load %arg14[%swap3A_527, %swap3A_528] {strides = array<i32>} : memref<400x64xf32, #tpu.memory_space<vmem>>, vector<1x16xf32>,
        %swap3A_530 = vector.shape_cast %swap3A_529 : vector<1x16xf32> to vector<16xf32>
        %swap3A_531 = vector.shape_cast %add3A_526 : vector<16xf32> to vector<1x16xf32>
        tpu.vector_store %arg14[%swap3A_527, %swap3A_528], %swap3A_531 {strides = array<i32>} : memref<400x64xf32, #tpu.memory_space<vmem>>, vector<1x16xf32>,
        %get3A_532 = arith.index_cast %scan3A_333 : i32 to index
        %get3A_533 = arith.constant 32 : index
        %get3A_534 = tpu.vector_load %arg17[%get3A_532, %get3A_533] {strides = array<i32>} : memref<64x64xf32, #tpu.memory_space<vmem>>, vector<1x16xf32>,
        %get3A_535 = vector.shape_cast %get3A_534 : vector<1x16xf32> to vector<16xf32>
        %add3A_536 = arith.constant 0 : i32
        %add3A_537 = arith.addi %add3A_536, %scan3A_333 : i32
        %get3A_538 = arith.index_cast %add3A_537 : i32 to index
        %get3A_539 = arith.constant 32 : index
        %get3A_540 = tpu.vector_load %arg14[%get3A_538, %get3A_539] {strides = array<i32>} : memref<400x64xf32, #tpu.memory_space<vmem>>, vector<1x16xf32>,
        %get3A_541 = vector.shape_cast %get3A_540 : vector<1x16xf32> to vector<16xf32>
        %add3A_542 = arith.addf %get3A_541, %get3A_535 : vector<16xf32>
        %swap3A_543 = arith.index_cast %add3A_537 : i32 to index
        %swap3A_544 = arith.constant 32 : index
        %swap3A_545 = tpu.vector_load %arg14[%swap3A_543, %swap3A_544] {strides = array<i32>} : memref<400x64xf32, #tpu.memory_space<vmem>>, vector<1x16xf32>,
        %swap3A_546 = vector.shape_cast %swap3A_545 : vector<1x16xf32> to vector<16xf32>
        %swap3A_547 = vector.shape_cast %add3A_542 : vector<16xf32> to vector<1x16xf32>
        tpu.vector_store %arg14[%swap3A_543, %swap3A_544], %swap3A_547 {strides = array<i32>} : memref<400x64xf32, #tpu.memory_space<vmem>>, vector<1x16xf32>,
        %add3A_548 = arith.constant 50 : i32
        %add3A_549 = arith.addi %add3A_548, %scan3A_333 : i32
        %get3A_550 = arith.index_cast %add3A_549 : i32 to index
        %get3A_551 = arith.constant 32 : index
        %get3A_552 = tpu.vector_load %arg14[%get3A_550, %get3A_551] {strides = array<i32>} : memref<400x64xf32, #tpu.memory_space<vmem>>, vector<1x16xf32>,
        %get3A_553 = vector.shape_cast %get3A_552 : vector<1x16xf32> to vector<16xf32>
        %add3A_554 = arith.addf %get3A_553, %get3A_535 : vector<16xf32>
        %swap3A_555 = arith.index_cast %add3A_549 : i32 to index
        %swap3A_556 = arith.constant 32 : index
        %swap3A_557 = tpu.vector_load %arg14[%swap3A_555, %swap3A_556] {strides = array<i32>} : memref<400x64xf32, #tpu.memory_space<vmem>>, vector<1x16xf32>,
        %swap3A_558 = vector.shape_cast %swap3A_557 : vector<1x16xf32> to vector<16xf32>
        %swap3A_559 = vector.shape_cast %add3A_554 : vector<16xf32> to vector<1x16xf32>
        tpu.vector_store %arg14[%swap3A_555, %swap3A_556], %swap3A_559 {strides = array<i32>} : memref<400x64xf32, #tpu.memory_space<vmem>>, vector<1x16xf32>,
        %add3A_560 = arith.constant 100 : i32
        %add3A_561 = arith.addi %add3A_560, %scan3A_333 : i32
        %get3A_562 = arith.index_cast %add3A_561 : i32 to index
        %get3A_563 = arith.constant 32 : index
        %get3A_564 = tpu.vector_load %arg14[%get3A_562, %get3A_563] {strides = array<i32>} : memref<400x64xf32, #tpu.memory_space<vmem>>, vector<1x16xf32>,
        %get3A_565 = vector.shape_cast %get3A_564 : vector<1x16xf32> to vector<16xf32>
        %add3A_566 = arith.addf %get3A_565, %get3A_535 : vector<16xf32>
        %swap3A_567 = arith.index_cast %add3A_561 : i32 to index
        %swap3A_568 = arith.constant 32 : index
        %swap3A_569 = tpu.vector_load %arg14[%swap3A_567, %swap3A_568] {strides = array<i32>} : memref<400x64xf32, #tpu.memory_space<vmem>>, vector<1x16xf32>,
        %swap3A_570 = vector.shape_cast %swap3A_569 : vector<1x16xf32> to vector<16xf32>
        %swap3A_571 = vector.shape_cast %add3A_566 : vector<16xf32> to vector<1x16xf32>
        tpu.vector_store %arg14[%swap3A_567, %swap3A_568], %swap3A_571 {strides = array<i32>} : memref<400x64xf32, #tpu.memory_space<vmem>>, vector<1x16xf32>,
        %add3A_572 = arith.constant 150 : i32
        %add3A_573 = arith.addi %add3A_572, %scan3A_333 : i32
        %get3A_574 = arith.index_cast %add3A_573 : i32 to index
        %get3A_575 = arith.constant 32 : index
        %get3A_576 = tpu.vector_load %arg14[%get3A_574, %get3A_575] {strides = array<i32>} : memref<400x64xf32, #tpu.memory_space<vmem>>, vector<1x16xf32>,
        %get3A_577 = vector.shape_cast %get3A_576 : vector<1x16xf32> to vector<16xf32>
        %add3A_578 = arith.addf %get3A_577, %get3A_535 : vector<16xf32>
        %swap3A_579 = arith.index_cast %add3A_573 : i32 to index
        %swap3A_580 = arith.constant 32 : index
        %swap3A_581 = tpu.vector_load %arg14[%swap3A_579, %swap3A_580] {strides = array<i32>} : memref<400x64xf32, #tpu.memory_space<vmem>>, vector<1x16xf32>,
        %swap3A_582 = vector.shape_cast %swap3A_581 : vector<1x16xf32> to vector<16xf32>
        %swap3A_583 = vector.shape_cast %add3A_578 : vector<16xf32> to vector<1x16xf32>
        tpu.vector_store %arg14[%swap3A_579, %swap3A_580], %swap3A_583 {strides = array<i32>} : memref<400x64xf32, #tpu.memory_space<vmem>>, vector<1x16xf32>,
        %add3A_584 = arith.constant 200 : i32
        %add3A_585 = arith.addi %add3A_584, %scan3A_333 : i32
        %get3A_586 = arith.index_cast %add3A_585 : i32 to index
        %get3A_587 = arith.constant 32 : index
        %get3A_588 = tpu.vector_load %arg14[%get3A_586, %get3A_587] {strides = array<i32>} : memref<400x64xf32, #tpu.memory_space<vmem>>, vector<1x16xf32>,
        %get3A_589 = vector.shape_cast %get3A_588 : vector<1x16xf32> to vector<16xf32>
        %add3A_590 = arith.addf %get3A_589, %get3A_535 : vector<16xf32>
        %swap3A_591 = arith.index_cast %add3A_585 : i32 to index
        %swap3A_592 = arith.constant 32 : index
        %swap3A_593 = tpu.vector_load %arg14[%swap3A_591, %swap3A_592] {strides = array<i32>} : memref<400x64xf32, #tpu.memory_space<vmem>>, vector<1x16xf32>,
        %swap3A_594 = vector.shape_cast %swap3A_593 : vector<1x16xf32> to vector<16xf32>
        %swap3A_595 = vector.shape_cast %add3A_590 : vector<16xf32> to vector<1x16xf32>
        tpu.vector_store %arg14[%swap3A_591, %swap3A_592], %swap3A_595 {strides = array<i32>} : memref<400x64xf32, #tpu.memory_space<vmem>>, vector<1x16xf32>,
        %add3A_596 = arith.constant 250 : i32
        %add3A_597 = arith.addi %add3A_596, %scan3A_333 : i32
        %get3A_598 = arith.index_cast %add3A_597 : i32 to index
        %get3A_599 = arith.constant 32 : index
        %get3A_600 = tpu.vector_load %arg14[%get3A_598, %get3A_599] {strides = array<i32>} : memref<400x64xf32, #tpu.memory_space<vmem>>, vector<1x16xf32>,
        %get3A_601 = vector.shape_cast %get3A_600 : vector<1x16xf32> to vector<16xf32>
        %add3A_602 = arith.addf %get3A_601, %get3A_535 : vector<16xf32>
        %swap3A_603 = arith.index_cast %add3A_597 : i32 to index
        %swap3A_604 = arith.constant 32 : index
        %swap3A_605 = tpu.vector_load %arg14[%swap3A_603, %swap3A_604] {strides = array<i32>} : memref<400x64xf32, #tpu.memory_space<vmem>>, vector<1x16xf32>,
        %swap3A_606 = vector.shape_cast %swap3A_605 : vector<1x16xf32> to vector<16xf32>
        %swap3A_607 = vector.shape_cast %add3A_602 : vector<16xf32> to vector<1x16xf32>
        tpu.vector_store %arg14[%swap3A_603, %swap3A_604], %swap3A_607 {strides = array<i32>} : memref<400x64xf32, #tpu.memory_space<vmem>>, vector<1x16xf32>,
        %add3A_608 = arith.constant 300 : i32
        %add3A_609 = arith.addi %add3A_608, %scan3A_333 : i32
        %get3A_610 = arith.index_cast %add3A_609 : i32 to index
        %get3A_611 = arith.constant 32 : index
        %get3A_612 = tpu.vector_load %arg14[%get3A_610, %get3A_611] {strides = array<i32>} : memref<400x64xf32, #tpu.memory_space<vmem>>, vector<1x16xf32>,
        %get3A_613 = vector.shape_cast %get3A_612 : vector<1x16xf32> to vector<16xf32>
        %add3A_614 = arith.addf %get3A_613, %get3A_535 : vector<16xf32>
        %swap3A_615 = arith.index_cast %add3A_609 : i32 to index
        %swap3A_616 = arith.constant 32 : index
        %swap3A_617 = tpu.vector_load %arg14[%swap3A_615, %swap3A_616] {strides = array<i32>} : memref<400x64xf32, #tpu.memory_space<vmem>>, vector<1x16xf32>,
        %swap3A_618 = vector.shape_cast %swap3A_617 : vector<1x16xf32> to vector<16xf32>
        %swap3A_619 = vector.shape_cast %add3A_614 : vector<16xf32> to vector<1x16xf32>
        tpu.vector_store %arg14[%swap3A_615, %swap3A_616], %swap3A_619 {strides = array<i32>} : memref<400x64xf32, #tpu.memory_space<vmem>>, vector<1x16xf32>,
        %add3A_620 = arith.constant 350 : i32
        %add3A_621 = arith.addi %add3A_620, %scan3A_333 : i32
        %get3A_622 = arith.index_cast %add3A_621 : i32 to index
        %get3A_623 = arith.constant 32 : index
        %get3A_624 = tpu.vector_load %arg14[%get3A_622, %get3A_623] {strides = array<i32>} : memref<400x64xf32, #tpu.memory_space<vmem>>, vector<1x16xf32>,
        %get3A_625 = vector.shape_cast %get3A_624 : vector<1x16xf32> to vector<16xf32>
        %add3A_626 = arith.addf %get3A_625, %get3A_535 : vector<16xf32>
        %swap3A_627 = arith.index_cast %add3A_621 : i32 to index
        %swap3A_628 = arith.constant 32 : index
        %swap3A_629 = tpu.vector_load %arg14[%swap3A_627, %swap3A_628] {strides = array<i32>} : memref<400x64xf32, #tpu.memory_space<vmem>>, vector<1x16xf32>,
        %swap3A_630 = vector.shape_cast %swap3A_629 : vector<1x16xf32> to vector<16xf32>
        %swap3A_631 = vector.shape_cast %add3A_626 : vector<16xf32> to vector<1x16xf32>
        tpu.vector_store %arg14[%swap3A_627, %swap3A_628], %swap3A_631 {strides = array<i32>} : memref<400x64xf32, #tpu.memory_space<vmem>>, vector<1x16xf32>,
        %get3A_632 = arith.index_cast %scan3A_333 : i32 to index
        %get3A_633 = arith.constant 48 : index
        %get3A_634 = tpu.vector_load %arg17[%get3A_632, %get3A_633] {strides = array<i32>} : memref<64x64xf32, #tpu.memory_space<vmem>>, vector<1x16xf32>,
        %get3A_635 = vector.shape_cast %get3A_634 : vector<1x16xf32> to vector<16xf32>
        %add3A_636 = arith.constant 0 : i32
        %add3A_637 = arith.addi %add3A_636, %scan3A_333 : i32
        %get3A_638 = arith.index_cast %add3A_637 : i32 to index
        %get3A_639 = arith.constant 48 : index
        %get3A_640 = tpu.vector_load %arg14[%get3A_638, %get3A_639] {strides = array<i32>} : memref<400x64xf32, #tpu.memory_space<vmem>>, vector<1x16xf32>,
        %get3A_641 = vector.shape_cast %get3A_640 : vector<1x16xf32> to vector<16xf32>
        %add3A_642 = arith.addf %get3A_641, %get3A_635 : vector<16xf32>
        %swap3A_643 = arith.index_cast %add3A_637 : i32 to index
        %swap3A_644 = arith.constant 48 : index
        %swap3A_645 = tpu.vector_load %arg14[%swap3A_643, %swap3A_644] {strides = array<i32>} : memref<400x64xf32, #tpu.memory_space<vmem>>, vector<1x16xf32>,
        %swap3A_646 = vector.shape_cast %swap3A_645 : vector<1x16xf32> to vector<16xf32>
        %swap3A_647 = vector.shape_cast %add3A_642 : vector<16xf32> to vector<1x16xf32>
        tpu.vector_store %arg14[%swap3A_643, %swap3A_644], %swap3A_647 {strides = array<i32>} : memref<400x64xf32, #tpu.memory_space<vmem>>, vector<1x16xf32>,
        %add3A_648 = arith.constant 50 : i32
        %add3A_649 = arith.addi %add3A_648, %scan3A_333 : i32
        %get3A_650 = arith.index_cast %add3A_649 : i32 to index
        %get3A_651 = arith.constant 48 : index
        %get3A_652 = tpu.vector_load %arg14[%get3A_650, %get3A_651] {strides = array<i32>} : memref<400x64xf32, #tpu.memory_space<vmem>>, vector<1x16xf32>,
        %get3A_653 = vector.shape_cast %get3A_652 : vector<1x16xf32> to vector<16xf32>
        %add3A_654 = arith.addf %get3A_653, %get3A_635 : vector<16xf32>
        %swap3A_655 = arith.index_cast %add3A_649 : i32 to index
        %swap3A_656 = arith.constant 48 : index
        %swap3A_657 = tpu.vector_load %arg14[%swap3A_655, %swap3A_656] {strides = array<i32>} : memref<400x64xf32, #tpu.memory_space<vmem>>, vector<1x16xf32>,
        %swap3A_658 = vector.shape_cast %swap3A_657 : vector<1x16xf32> to vector<16xf32>
        %swap3A_659 = vector.shape_cast %add3A_654 : vector<16xf32> to vector<1x16xf32>
        tpu.vector_store %arg14[%swap3A_655, %swap3A_656], %swap3A_659 {strides = array<i32>} : memref<400x64xf32, #tpu.memory_space<vmem>>, vector<1x16xf32>,
        %add3A_660 = arith.constant 100 : i32
        %add3A_661 = arith.addi %add3A_660, %scan3A_333 : i32
        %get3A_662 = arith.index_cast %add3A_661 : i32 to index
        %get3A_663 = arith.constant 48 : index
        %get3A_664 = tpu.vector_load %arg14[%get3A_662, %get3A_663] {strides = array<i32>} : memref<400x64xf32, #tpu.memory_space<vmem>>, vector<1x16xf32>,
        %get3A_665 = vector.shape_cast %get3A_664 : vector<1x16xf32> to vector<16xf32>
        %add3A_666 = arith.addf %get3A_665, %get3A_635 : vector<16xf32>
        %swap3A_667 = arith.index_cast %add3A_661 : i32 to index
        %swap3A_668 = arith.constant 48 : index
        %swap3A_669 = tpu.vector_load %arg14[%swap3A_667, %swap3A_668] {strides = array<i32>} : memref<400x64xf32, #tpu.memory_space<vmem>>, vector<1x16xf32>,
        %swap3A_670 = vector.shape_cast %swap3A_669 : vector<1x16xf32> to vector<16xf32>
        %swap3A_671 = vector.shape_cast %add3A_666 : vector<16xf32> to vector<1x16xf32>
        tpu.vector_store %arg14[%swap3A_667, %swap3A_668], %swap3A_671 {strides = array<i32>} : memref<400x64xf32, #tpu.memory_space<vmem>>, vector<1x16xf32>,
        %add3A_672 = arith.constant 150 : i32
        %add3A_673 = arith.addi %add3A_672, %scan3A_333 : i32
        %get3A_674 = arith.index_cast %add3A_673 : i32 to index
        %get3A_675 = arith.constant 48 : index
        %get3A_676 = tpu.vector_load %arg14[%get3A_674, %get3A_675] {strides = array<i32>} : memref<400x64xf32, #tpu.memory_space<vmem>>, vector<1x16xf32>,
        %get3A_677 = vector.shape_cast %get3A_676 : vector<1x16xf32> to vector<16xf32>
        %add3A_678 = arith.addf %get3A_677, %get3A_635 : vector<16xf32>
        %swap3A_679 = arith.index_cast %add3A_673 : i32 to index
        %swap3A_680 = arith.constant 48 : index
        %swap3A_681 = tpu.vector_load %arg14[%swap3A_679, %swap3A_680] {strides = array<i32>} : memref<400x64xf32, #tpu.memory_space<vmem>>, vector<1x16xf32>,
        %swap3A_682 = vector.shape_cast %swap3A_681 : vector<1x16xf32> to vector<16xf32>
        %swap3A_683 = vector.shape_cast %add3A_678 : vector<16xf32> to vector<1x16xf32>
        tpu.vector_store %arg14[%swap3A_679, %swap3A_680], %swap3A_683 {strides = array<i32>} : memref<400x64xf32, #tpu.memory_space<vmem>>, vector<1x16xf32>,
        %add3A_684 = arith.constant 200 : i32
        %add3A_685 = arith.addi %add3A_684, %scan3A_333 : i32
        %get3A_686 = arith.index_cast %add3A_685 : i32 to index
        %get3A_687 = arith.constant 48 : index
        %get3A_688 = tpu.vector_load %arg14[%get3A_686, %get3A_687] {strides = array<i32>} : memref<400x64xf32, #tpu.memory_space<vmem>>, vector<1x16xf32>,
        %get3A_689 = vector.shape_cast %get3A_688 : vector<1x16xf32> to vector<16xf32>
        %add3A_690 = arith.addf %get3A_689, %get3A_635 : vector<16xf32>
        %swap3A_691 = arith.index_cast %add3A_685 : i32 to index
        %swap3A_692 = arith.constant 48 : index
        %swap3A_693 = tpu.vector_load %arg14[%swap3A_691, %swap3A_692] {strides = array<i32>} : memref<400x64xf32, #tpu.memory_space<vmem>>, vector<1x16xf32>,
        %swap3A_694 = vector.shape_cast %swap3A_693 : vector<1x16xf32> to vector<16xf32>
        %swap3A_695 = vector.shape_cast %add3A_690 : vector<16xf32> to vector<1x16xf32>
        tpu.vector_store %arg14[%swap3A_691, %swap3A_692], %swap3A_695 {strides = array<i32>} : memref<400x64xf32, #tpu.memory_space<vmem>>, vector<1x16xf32>,
        %add3A_696 = arith.constant 250 : i32
        %add3A_697 = arith.addi %add3A_696, %scan3A_333 : i32
        %get3A_698 = arith.index_cast %add3A_697 : i32 to index
        %get3A_699 = arith.constant 48 : index
        %get3A_700 = tpu.vector_load %arg14[%get3A_698, %get3A_699] {strides = array<i32>} : memref<400x64xf32, #tpu.memory_space<vmem>>, vector<1x16xf32>,
        %get3A_701 = vector.shape_cast %get3A_700 : vector<1x16xf32> to vector<16xf32>
        %add3A_702 = arith.addf %get3A_701, %get3A_635 : vector<16xf32>
        %swap3A_703 = arith.index_cast %add3A_697 : i32 to index
        %swap3A_704 = arith.constant 48 : index
        %swap3A_705 = tpu.vector_load %arg14[%swap3A_703, %swap3A_704] {strides = array<i32>} : memref<400x64xf32, #tpu.memory_space<vmem>>, vector<1x16xf32>,
        %swap3A_706 = vector.shape_cast %swap3A_705 : vector<1x16xf32> to vector<16xf32>
        %swap3A_707 = vector.shape_cast %add3A_702 : vector<16xf32> to vector<1x16xf32>
        tpu.vector_store %arg14[%swap3A_703, %swap3A_704], %swap3A_707 {strides = array<i32>} : memref<400x64xf32, #tpu.memory_space<vmem>>, vector<1x16xf32>,
        %add3A_708 = arith.constant 300 : i32
        %add3A_709 = arith.addi %add3A_708, %scan3A_333 : i32
        %get3A_710 = arith.index_cast %add3A_709 : i32 to index
        %get3A_711 = arith.constant 48 : index
        %get3A_712 = tpu.vector_load %arg14[%get3A_710, %get3A_711] {strides = array<i32>} : memref<400x64xf32, #tpu.memory_space<vmem>>, vector<1x16xf32>,
        %get3A_713 = vector.shape_cast %get3A_712 : vector<1x16xf32> to vector<16xf32>
        %add3A_714 = arith.addf %get3A_713, %get3A_635 : vector<16xf32>
        %swap3A_715 = arith.index_cast %add3A_709 : i32 to index
        %swap3A_716 = arith.constant 48 : index
        %swap3A_717 = tpu.vector_load %arg14[%swap3A_715, %swap3A_716] {strides = array<i32>} : memref<400x64xf32, #tpu.memory_space<vmem>>, vector<1x16xf32>,
        %swap3A_718 = vector.shape_cast %swap3A_717 : vector<1x16xf32> to vector<16xf32>
        %swap3A_719 = vector.shape_cast %add3A_714 : vector<16xf32> to vector<1x16xf32>
        tpu.vector_store %arg14[%swap3A_715, %swap3A_716], %swap3A_719 {strides = array<i32>} : memref<400x64xf32, #tpu.memory_space<vmem>>, vector<1x16xf32>,
        %add3A_720 = arith.constant 350 : i32
        %add3A_721 = arith.addi %add3A_720, %scan3A_333 : i32
        %get3A_722 = arith.index_cast %add3A_721 : i32 to index
        %get3A_723 = arith.constant 48 : index
        %get3A_724 = tpu.vector_load %arg14[%get3A_722, %get3A_723] {strides = array<i32>} : memref<400x64xf32, #tpu.memory_space<vmem>>, vector<1x16xf32>,
        %get3A_725 = vector.shape_cast %get3A_724 : vector<1x16xf32> to vector<16xf32>
        %add3A_726 = arith.addf %get3A_725, %get3A_635 : vector<16xf32>
        %swap3A_727 = arith.index_cast %add3A_721 : i32 to index
        %swap3A_728 = arith.constant 48 : index
        %swap3A_729 = tpu.vector_load %arg14[%swap3A_727, %swap3A_728] {strides = array<i32>} : memref<400x64xf32, #tpu.memory_space<vmem>>, vector<1x16xf32>,
        %swap3A_730 = vector.shape_cast %swap3A_729 : vector<1x16xf32> to vector<16xf32>
        %swap3A_731 = vector.shape_cast %add3A_726 : vector<16xf32> to vector<1x16xf32>
        tpu.vector_store %arg14[%swap3A_727, %swap3A_728], %swap3A_731 {strides = array<i32>} : memref<400x64xf32, #tpu.memory_space<vmem>>, vector<1x16xf32>,
      }
      %scan3A_284 = arith.constant 50 : i32
      %mul3A_285 = arith.constant 64 : i32
      %mul3A_286 = arith.muli %add3A, %mul3A_285 : i32
      %add3A_287 = arith.addi %mul3A_286, %add3A_272 : i32
      %mul3A_288 = arith.constant 400 : i32
      %mul3A_289 = arith.muli %add3A_287, %mul3A_288 : i32
      %dma_start3A_290 = arith.constant 0 : i32
      %dma_start3A_291 = tpu.memref_slice %arg7[%mul3A_289, %dma_start3A_290] : memref<819200x64xf32, #tpu.memory_space<hbm>> -> memref<400x64xf32, #tpu.memory_space<hbm>>
      %dma_start3A_292 = arith.constant 0 : i32
      %dma_start3A_293 = tpu.memref_slice %arg7[%mul3A_289, %dma_start3A_292] : memref<819200x64xf32, #tpu.memory_space<hbm>> -> memref<400x64xf32, #tpu.memory_space<hbm>>
      tpu.enqueue_dma source(%arg14 : memref<400x64xf32, #tpu.memory_space<vmem>>) target(%dma_start3A_293 : memref<400x64xf32, #tpu.memory_space<hbm>>) target_semaphore(%arg25 : memref<!tpu.dma_semaphore, #tpu.memory_space<semaphore_mem>>)
      %add3A_294 = arith.constant 2 : i32
      %add3A_295 = arith.addi %add3A_272, %add3A_294 : i32
      %lt3A_296 = arith.constant 64 : i32
      %lt3A_297 = arith.cmpi slt, %add3A_295, %lt3A_296 : i32
      %convert_element_type3A_298 = arith.extui %lt3A_297 : i1 to i32
      %cond3A_299 = arith.constant 0 : i32
      %cond3A_300 = arith.cmpi ne, %convert_element_type3A_298, %cond3A_299 : i32
      scf.if %cond3A_300 {
        %ge3A = arith.constant 2 : i32
        %ge3A_333 = arith.cmpi sge, %add3A_272, %ge3A : i32
        %convert_element_type3A_334 = arith.extui %ge3A_333 : i1 to i32
        %cond3A_335 = arith.constant 0 : i32
        %cond3A_336 = arith.cmpi ne, %convert_element_type3A_334, %cond3A_335 : i32
        scf.if %cond3A_336 {
          %dma_wait3A_419 = arith.constant 0 : i32
          %dma_wait3A_420 = arith.constant 0 : i32
          %dma_wait3A_421 = tpu.memref_slice %arg7[%dma_wait3A_419, %dma_wait3A_420] : memref<819200x64xf32, #tpu.memory_space<hbm>> -> memref<400x64xf32, #tpu.memory_space<hbm>>
          %dma_wait3A_422 = arith.constant 0 : i32
          %dma_wait3A_423 = arith.constant 0 : i32
          %dma_wait3A_424 = tpu.memref_slice %arg7[%dma_wait3A_422, %dma_wait3A_423] : memref<819200x64xf32, #tpu.memory_space<hbm>> -> memref<400x64xf32, #tpu.memory_space<hbm>>
          tpu.wait_dma2 semaphore(%arg23 : memref<!tpu.dma_semaphore, #tpu.memory_space<semaphore_mem>>) src(%dma_wait3A_424 : memref<400x64xf32, #tpu.memory_space<hbm>>) dst(%arg12 : memref<400x64xf32, #tpu.memory_space<vmem>>)
        } else {
        }
        %add3A_337 = arith.constant 2 : i32
        %add3A_338 = arith.addi %add3A_272, %add3A_337 : i32
        "tpu.region"() ({
          %run_scoped3A_419 = tpu.sem_alloc : memref<!tpu.dma_semaphore, #tpu.memory_space<semaphore_mem>>
          %dma_start3A_420 = arith.constant 0 : i32
          %dma_start3A_421 = arith.constant 0 : i32
          %dma_start3A_422 = tpu.memref_slice %arg3[%add3A, %add3A_338, %dma_start3A_420, %dma_start3A_421] : memref<32x64x8x50xi32, #tpu.memory_space<hbm>> -> memref<1x1x8x50xi32, #tpu.memory_space<hbm>>
          %dma_start3A_423 = tpu.memref_squeeze %dma_start3A_422 : memref<1x1x8x50xi32, #tpu.memory_space<hbm>> -> memref<8x50xi32, #tpu.memory_space<hbm>>
          %dma_start3A_424 = arith.constant 0 : i32
          %dma_start3A_425 = arith.constant 0 : i32
          %dma_start3A_426 = tpu.memref_slice %arg3[%add3A, %add3A_338, %dma_start3A_424, %dma_start3A_425] : memref<32x64x8x50xi32, #tpu.memory_space<hbm>> -> memref<1x1x8x50xi32, #tpu.memory_space<hbm>>
          %dma_start3A_427 = tpu.memref_squeeze %dma_start3A_426 : memref<1x1x8x50xi32, #tpu.memory_space<hbm>> -> memref<8x50xi32, #tpu.memory_space<hbm>>
          tpu.enqueue_dma source(%dma_start3A_427 : memref<8x50xi32, #tpu.memory_space<hbm>>) target(%arg8 : memref<8x50xi32, #tpu.memory_space<vmem>>) target_semaphore(%run_scoped3A_419 : memref<!tpu.dma_semaphore, #tpu.memory_space<semaphore_mem>>)
          %dma_wait3A_428 = arith.constant 0 : i32
          %dma_wait3A_429 = arith.constant 0 : i32
          %dma_wait3A_430 = tpu.memref_slice %arg3[%add3A, %add3A_338, %dma_wait3A_428, %dma_wait3A_429] : memref<32x64x8x50xi32, #tpu.memory_space<hbm>> -> memref<1x1x8x50xi32, #tpu.memory_space<hbm>>
          %dma_wait3A_431 = tpu.memref_squeeze %dma_wait3A_430 : memref<1x1x8x50xi32, #tpu.memory_space<hbm>> -> memref<8x50xi32, #tpu.memory_space<hbm>>
          %dma_wait3A_432 = arith.constant 0 : i32
          %dma_wait3A_433 = arith.constant 0 : i32
          %dma_wait3A_434 = tpu.memref_slice %arg3[%add3A, %add3A_338, %dma_wait3A_432, %dma_wait3A_433] : memref<32x64x8x50xi32, #tpu.memory_space<hbm>> -> memref<1x1x8x50xi32, #tpu.memory_space<hbm>>
          %dma_wait3A_435 = tpu.memref_squeeze %dma_wait3A_434 : memref<1x1x8x50xi32, #tpu.memory_space<hbm>> -> memref<8x50xi32, #tpu.memory_space<hbm>>
          tpu.wait_dma2 semaphore(%run_scoped3A_419 : memref<!tpu.dma_semaphore, #tpu.memory_space<semaphore_mem>>) src(%dma_wait3A_435 : memref<8x50xi32, #tpu.memory_space<hbm>>) dst(%arg8 : memref<8x50xi32, #tpu.memory_space<vmem>>)
          tpu.yield
        }) : () -> ()
        %dma_start3A_339 = arith.constant 0 : i32
        %dma_start3A_340 = arith.constant 0 : i32
        %dma_start3A_341 = arith.constant 0 : i32
        %dma_start3A_342 = tpu.memref_slice %arg12[%dma_start3A_340, %dma_start3A_341] : memref<400x64xf32, #tpu.memory_space<vmem>> -> memref<50x64xf32, #tpu.memory_space<vmem>>
        %dma_start3A_343 = arith.constant 0 : i32
        %dma_start3A_344 = tpu.memref_slice %arg8[%dma_start3A_339, %dma_start3A_343] : memref<8x50xi32, #tpu.memory_space<vmem>> -> memref<1x50xi32, #tpu.memory_space<vmem>>
        %dma_start3A_345 = tpu.memref_squeeze %dma_start3A_344 : memref<1x50xi32, #tpu.memory_space<vmem>> -> memref<50xi32, #tpu.memory_space<vmem>>
        %dma_start3A_346 = arith.constant 0 : i32
        %dma_start3A_347 = arith.constant 0 : i32
        %dma_start3A_348 = tpu.memref_slice %arg2[%dma_start3A_346, %dma_start3A_347] : memref<1000000x64xf32, #tpu.memory_space<hbm>> -> memref<1000000x64xf32, #tpu.memory_space<hbm>>
        tpu.enqueue_indirect_dma source(%dma_start3A_348 : memref<1000000x64xf32, #tpu.memory_space<hbm>>) target(%dma_start3A_342 : memref<50x64xf32, #tpu.memory_space<vmem>>) offsets(%dma_start3A_345 : memref<50xi32, #tpu.memory_space<vmem>>) semaphore(%arg19 : memref<!tpu.dma_semaphore, #tpu.memory_space<semaphore_mem>>)
        %dma_start3A_349 = arith.constant 1 : i32
        %dma_start3A_350 = arith.constant 50 : i32
        %dma_start3A_351 = arith.constant 0 : i32
        %dma_start3A_352 = tpu.memref_slice %arg12[%dma_start3A_350, %dma_start3A_351] : memref<400x64xf32, #tpu.memory_space<vmem>> -> memref<50x64xf32, #tpu.memory_space<vmem>>
        %dma_start3A_353 = arith.constant 0 : i32
        %dma_start3A_354 = tpu.memref_slice %arg8[%dma_start3A_349, %dma_start3A_353] : memref<8x50xi32, #tpu.memory_space<vmem>> -> memref<1x50xi32, #tpu.memory_space<vmem>>
        %dma_start3A_355 = tpu.memref_squeeze %dma_start3A_354 : memref<1x50xi32, #tpu.memory_space<vmem>> -> memref<50xi32, #tpu.memory_space<vmem>>
        %dma_start3A_356 = arith.constant 0 : i32
        %dma_start3A_357 = arith.constant 0 : i32
        %dma_start3A_358 = tpu.memref_slice %arg2[%dma_start3A_356, %dma_start3A_357] : memref<1000000x64xf32, #tpu.memory_space<hbm>> -> memref<1000000x64xf32, #tpu.memory_space<hbm>>
        tpu.enqueue_indirect_dma source(%dma_start3A_358 : memref<1000000x64xf32, #tpu.memory_space<hbm>>) target(%dma_start3A_352 : memref<50x64xf32, #tpu.memory_space<vmem>>) offsets(%dma_start3A_355 : memref<50xi32, #tpu.memory_space<vmem>>) semaphore(%arg19 : memref<!tpu.dma_semaphore, #tpu.memory_space<semaphore_mem>>)
        %dma_start3A_359 = arith.constant 2 : i32
        %dma_start3A_360 = arith.constant 100 : i32
        %dma_start3A_361 = arith.constant 0 : i32
        %dma_start3A_362 = tpu.memref_slice %arg12[%dma_start3A_360, %dma_start3A_361] : memref<400x64xf32, #tpu.memory_space<vmem>> -> memref<50x64xf32, #tpu.memory_space<vmem>>
        %dma_start3A_363 = arith.constant 0 : i32
        %dma_start3A_364 = tpu.memref_slice %arg8[%dma_start3A_359, %dma_start3A_363] : memref<8x50xi32, #tpu.memory_space<vmem>> -> memref<1x50xi32, #tpu.memory_space<vmem>>
        %dma_start3A_365 = tpu.memref_squeeze %dma_start3A_364 : memref<1x50xi32, #tpu.memory_space<vmem>> -> memref<50xi32, #tpu.memory_space<vmem>>
        %dma_start3A_366 = arith.constant 0 : i32
        %dma_start3A_367 = arith.constant 0 : i32
        %dma_start3A_368 = tpu.memref_slice %arg2[%dma_start3A_366, %dma_start3A_367] : memref<1000000x64xf32, #tpu.memory_space<hbm>> -> memref<1000000x64xf32, #tpu.memory_space<hbm>>
        tpu.enqueue_indirect_dma source(%dma_start3A_368 : memref<1000000x64xf32, #tpu.memory_space<hbm>>) target(%dma_start3A_362 : memref<50x64xf32, #tpu.memory_space<vmem>>) offsets(%dma_start3A_365 : memref<50xi32, #tpu.memory_space<vmem>>) semaphore(%arg19 : memref<!tpu.dma_semaphore, #tpu.memory_space<semaphore_mem>>)
        %dma_start3A_369 = arith.constant 3 : i32
        %dma_start3A_370 = arith.constant 150 : i32
        %dma_start3A_371 = arith.constant 0 : i32
        %dma_start3A_372 = tpu.memref_slice %arg12[%dma_start3A_370, %dma_start3A_371] : memref<400x64xf32, #tpu.memory_space<vmem>> -> memref<50x64xf32, #tpu.memory_space<vmem>>
        %dma_start3A_373 = arith.constant 0 : i32
        %dma_start3A_374 = tpu.memref_slice %arg8[%dma_start3A_369, %dma_start3A_373] : memref<8x50xi32, #tpu.memory_space<vmem>> -> memref<1x50xi32, #tpu.memory_space<vmem>>
        %dma_start3A_375 = tpu.memref_squeeze %dma_start3A_374 : memref<1x50xi32, #tpu.memory_space<vmem>> -> memref<50xi32, #tpu.memory_space<vmem>>
        %dma_start3A_376 = arith.constant 0 : i32
        %dma_start3A_377 = arith.constant 0 : i32
        %dma_start3A_378 = tpu.memref_slice %arg2[%dma_start3A_376, %dma_start3A_377] : memref<1000000x64xf32, #tpu.memory_space<hbm>> -> memref<1000000x64xf32, #tpu.memory_space<hbm>>
        tpu.enqueue_indirect_dma source(%dma_start3A_378 : memref<1000000x64xf32, #tpu.memory_space<hbm>>) target(%dma_start3A_372 : memref<50x64xf32, #tpu.memory_space<vmem>>) offsets(%dma_start3A_375 : memref<50xi32, #tpu.memory_space<vmem>>) semaphore(%arg19 : memref<!tpu.dma_semaphore, #tpu.memory_space<semaphore_mem>>)
        %dma_start3A_379 = arith.constant 4 : i32
        %dma_start3A_380 = arith.constant 200 : i32
        %dma_start3A_381 = arith.constant 0 : i32
        %dma_start3A_382 = tpu.memref_slice %arg12[%dma_start3A_380, %dma_start3A_381] : memref<400x64xf32, #tpu.memory_space<vmem>> -> memref<50x64xf32, #tpu.memory_space<vmem>>
        %dma_start3A_383 = arith.constant 0 : i32
        %dma_start3A_384 = tpu.memref_slice %arg8[%dma_start3A_379, %dma_start3A_383] : memref<8x50xi32, #tpu.memory_space<vmem>> -> memref<1x50xi32, #tpu.memory_space<vmem>>
        %dma_start3A_385 = tpu.memref_squeeze %dma_start3A_384 : memref<1x50xi32, #tpu.memory_space<vmem>> -> memref<50xi32, #tpu.memory_space<vmem>>
        %dma_start3A_386 = arith.constant 0 : i32
        %dma_start3A_387 = arith.constant 0 : i32
        %dma_start3A_388 = tpu.memref_slice %arg2[%dma_start3A_386, %dma_start3A_387] : memref<1000000x64xf32, #tpu.memory_space<hbm>> -> memref<1000000x64xf32, #tpu.memory_space<hbm>>
        tpu.enqueue_indirect_dma source(%dma_start3A_388 : memref<1000000x64xf32, #tpu.memory_space<hbm>>) target(%dma_start3A_382 : memref<50x64xf32, #tpu.memory_space<vmem>>) offsets(%dma_start3A_385 : memref<50xi32, #tpu.memory_space<vmem>>) semaphore(%arg19 : memref<!tpu.dma_semaphore, #tpu.memory_space<semaphore_mem>>)
        %dma_start3A_389 = arith.constant 5 : i32
        %dma_start3A_390 = arith.constant 250 : i32
        %dma_start3A_391 = arith.constant 0 : i32
        %dma_start3A_392 = tpu.memref_slice %arg12[%dma_start3A_390, %dma_start3A_391] : memref<400x64xf32, #tpu.memory_space<vmem>> -> memref<50x64xf32, #tpu.memory_space<vmem>>
        %dma_start3A_393 = arith.constant 0 : i32
        %dma_start3A_394 = tpu.memref_slice %arg8[%dma_start3A_389, %dma_start3A_393] : memref<8x50xi32, #tpu.memory_space<vmem>> -> memref<1x50xi32, #tpu.memory_space<vmem>>
        %dma_start3A_395 = tpu.memref_squeeze %dma_start3A_394 : memref<1x50xi32, #tpu.memory_space<vmem>> -> memref<50xi32, #tpu.memory_space<vmem>>
        %dma_start3A_396 = arith.constant 0 : i32
        %dma_start3A_397 = arith.constant 0 : i32
        %dma_start3A_398 = tpu.memref_slice %arg2[%dma_start3A_396, %dma_start3A_397] : memref<1000000x64xf32, #tpu.memory_space<hbm>> -> memref<1000000x64xf32, #tpu.memory_space<hbm>>
        tpu.enqueue_indirect_dma source(%dma_start3A_398 : memref<1000000x64xf32, #tpu.memory_space<hbm>>) target(%dma_start3A_392 : memref<50x64xf32, #tpu.memory_space<vmem>>) offsets(%dma_start3A_395 : memref<50xi32, #tpu.memory_space<vmem>>) semaphore(%arg19 : memref<!tpu.dma_semaphore, #tpu.memory_space<semaphore_mem>>)
        %dma_start3A_399 = arith.constant 6 : i32
        %dma_start3A_400 = arith.constant 300 : i32
        %dma_start3A_401 = arith.constant 0 : i32
        %dma_start3A_402 = tpu.memref_slice %arg12[%dma_start3A_400, %dma_start3A_401] : memref<400x64xf32, #tpu.memory_space<vmem>> -> memref<50x64xf32, #tpu.memory_space<vmem>>
        %dma_start3A_403 = arith.constant 0 : i32
        %dma_start3A_404 = tpu.memref_slice %arg8[%dma_start3A_399, %dma_start3A_403] : memref<8x50xi32, #tpu.memory_space<vmem>> -> memref<1x50xi32, #tpu.memory_space<vmem>>
        %dma_start3A_405 = tpu.memref_squeeze %dma_start3A_404 : memref<1x50xi32, #tpu.memory_space<vmem>> -> memref<50xi32, #tpu.memory_space<vmem>>
        %dma_start3A_406 = arith.constant 0 : i32
        %dma_start3A_407 = arith.constant 0 : i32
        %dma_start3A_408 = tpu.memref_slice %arg2[%dma_start3A_406, %dma_start3A_407] : memref<1000000x64xf32, #tpu.memory_space<hbm>> -> memref<1000000x64xf32, #tpu.memory_space<hbm>>
        tpu.enqueue_indirect_dma source(%dma_start3A_408 : memref<1000000x64xf32, #tpu.memory_space<hbm>>) target(%dma_start3A_402 : memref<50x64xf32, #tpu.memory_space<vmem>>) offsets(%dma_start3A_405 : memref<50xi32, #tpu.memory_space<vmem>>) semaphore(%arg19 : memref<!tpu.dma_semaphore, #tpu.memory_space<semaphore_mem>>)
        %dma_start3A_409 = arith.constant 7 : i32
        %dma_start3A_410 = arith.constant 350 : i32
        %dma_start3A_411 = arith.constant 0 : i32
        %dma_start3A_412 = tpu.memref_slice %arg12[%dma_start3A_410, %dma_start3A_411] : memref<400x64xf32, #tpu.memory_space<vmem>> -> memref<50x64xf32, #tpu.memory_space<vmem>>
        %dma_start3A_413 = arith.constant 0 : i32
        %dma_start3A_414 = tpu.memref_slice %arg8[%dma_start3A_409, %dma_start3A_413] : memref<8x50xi32, #tpu.memory_space<vmem>> -> memref<1x50xi32, #tpu.memory_space<vmem>>
        %dma_start3A_415 = tpu.memref_squeeze %dma_start3A_414 : memref<1x50xi32, #tpu.memory_space<vmem>> -> memref<50xi32, #tpu.memory_space<vmem>>
        %dma_start3A_416 = arith.constant 0 : i32
        %dma_start3A_417 = arith.constant 0 : i32
        %dma_start3A_418 = tpu.memref_slice %arg2[%dma_start3A_416, %dma_start3A_417] : memref<1000000x64xf32, #tpu.memory_space<hbm>> -> memref<1000000x64xf32, #tpu.memory_space<hbm>>
        tpu.enqueue_indirect_dma source(%dma_start3A_418 : memref<1000000x64xf32, #tpu.memory_space<hbm>>) target(%dma_start3A_412 : memref<50x64xf32, #tpu.memory_space<vmem>>) offsets(%dma_start3A_415 : memref<50xi32, #tpu.memory_space<vmem>>) semaphore(%arg19 : memref<!tpu.dma_semaphore, #tpu.memory_space<semaphore_mem>>)
      } else {
      }
      %mul3A_301 = arith.constant 4 : i32
      %mul3A_302 = arith.muli %scan3A_207, %mul3A_301 : i32
      %add3A_303 = arith.constant 3 : i32
      %add3A_304 = arith.addi %mul3A_302, %add3A_303 : i32
      %dma_wait3A_305 = arith.constant 0 : i32
      %dma_wait3A_306 = arith.constant 0 : i32
      %dma_wait3A_307 = tpu.memref_slice %arg7[%dma_wait3A_305, %dma_wait3A_306] : memref<819200x64xf32, #tpu.memory_space<hbm>> -> memref<400x64xf32, #tpu.memory_space<hbm>>
      %dma_wait3A_308 = arith.constant 0 : i32
      %dma_wait3A_309 = arith.constant 0 : i32
      %dma_wait3A_310 = tpu.memref_slice %arg7[%dma_wait3A_308, %dma_wait3A_309] : memref<819200x64xf32, #tpu.memory_space<hbm>> -> memref<400x64xf32, #tpu.memory_space<hbm>>
      tpu.wait_dma2 semaphore(%arg22 : memref<!tpu.dma_semaphore, #tpu.memory_space<semaphore_mem>>) src(%dma_wait3A_310 : memref<400x64xf32, #tpu.memory_space<hbm>>) dst(%arg15 : memref<400x64xf32, #tpu.memory_space<vmem>>)
      %scan3A_311 = arith.constant 0 : i32
      %scan3A_312 = arith.constant 0 : i32
      %scan3A_313 = arith.constant 50 : i32
      %scan3A_314 = arith.addi %scan3A_312, %scan3A_313 : i32
      %scan3A_315 = arith.constant 1 : i32
      scf.for %scan3A_333 = %scan3A_312 to %scan3A_314 step %scan3A_315  : i32 {
        %get3A = arith.index_cast %scan3A_333 : i32 to index
        %get3A_334 = arith.constant 0 : index
        %get3A_335 = tpu.vector_load %arg17[%get3A, %get3A_334] {strides = array<i32>} : memref<64x64xf32, #tpu.memory_space<vmem>>, vector<1x16xf32>,
        %get3A_336 = vector.shape_cast %get3A_335 : vector<1x16xf32> to vector<16xf32>
        %add3A_337 = arith.constant 0 : i32
        %add3A_338 = arith.addi %add3A_337, %scan3A_333 : i32
        %get3A_339 = arith.index_cast %add3A_338 : i32 to index
        %get3A_340 = arith.constant 0 : index
        %get3A_341 = tpu.vector_load %arg15[%get3A_339, %get3A_340] {strides = array<i32>} : memref<400x64xf32, #tpu.memory_space<vmem>>, vector<1x16xf32>,
        %get3A_342 = vector.shape_cast %get3A_341 : vector<1x16xf32> to vector<16xf32>
        %add3A_343 = arith.addf %get3A_342, %get3A_336 : vector<16xf32>
        %swap3A = arith.index_cast %add3A_338 : i32 to index
        %swap3A_344 = arith.constant 0 : index
        %swap3A_345 = tpu.vector_load %arg15[%swap3A, %swap3A_344] {strides = array<i32>} : memref<400x64xf32, #tpu.memory_space<vmem>>, vector<1x16xf32>,
        %swap3A_346 = vector.shape_cast %swap3A_345 : vector<1x16xf32> to vector<16xf32>
        %swap3A_347 = vector.shape_cast %add3A_343 : vector<16xf32> to vector<1x16xf32>
        tpu.vector_store %arg15[%swap3A, %swap3A_344], %swap3A_347 {strides = array<i32>} : memref<400x64xf32, #tpu.memory_space<vmem>>, vector<1x16xf32>,
        %add3A_348 = arith.constant 50 : i32
        %add3A_349 = arith.addi %add3A_348, %scan3A_333 : i32
        %get3A_350 = arith.index_cast %add3A_349 : i32 to index
        %get3A_351 = arith.constant 0 : index
        %get3A_352 = tpu.vector_load %arg15[%get3A_350, %get3A_351] {strides = array<i32>} : memref<400x64xf32, #tpu.memory_space<vmem>>, vector<1x16xf32>,
        %get3A_353 = vector.shape_cast %get3A_352 : vector<1x16xf32> to vector<16xf32>
        %add3A_354 = arith.addf %get3A_353, %get3A_336 : vector<16xf32>
        %swap3A_355 = arith.index_cast %add3A_349 : i32 to index
        %swap3A_356 = arith.constant 0 : index
        %swap3A_357 = tpu.vector_load %arg15[%swap3A_355, %swap3A_356] {strides = array<i32>} : memref<400x64xf32, #tpu.memory_space<vmem>>, vector<1x16xf32>,
        %swap3A_358 = vector.shape_cast %swap3A_357 : vector<1x16xf32> to vector<16xf32>
        %swap3A_359 = vector.shape_cast %add3A_354 : vector<16xf32> to vector<1x16xf32>
        tpu.vector_store %arg15[%swap3A_355, %swap3A_356], %swap3A_359 {strides = array<i32>} : memref<400x64xf32, #tpu.memory_space<vmem>>, vector<1x16xf32>,
        %add3A_360 = arith.constant 100 : i32
        %add3A_361 = arith.addi %add3A_360, %scan3A_333 : i32
        %get3A_362 = arith.index_cast %add3A_361 : i32 to index
        %get3A_363 = arith.constant 0 : index
        %get3A_364 = tpu.vector_load %arg15[%get3A_362, %get3A_363] {strides = array<i32>} : memref<400x64xf32, #tpu.memory_space<vmem>>, vector<1x16xf32>,
        %get3A_365 = vector.shape_cast %get3A_364 : vector<1x16xf32> to vector<16xf32>
        %add3A_366 = arith.addf %get3A_365, %get3A_336 : vector<16xf32>
        %swap3A_367 = arith.index_cast %add3A_361 : i32 to index
        %swap3A_368 = arith.constant 0 : index
        %swap3A_369 = tpu.vector_load %arg15[%swap3A_367, %swap3A_368] {strides = array<i32>} : memref<400x64xf32, #tpu.memory_space<vmem>>, vector<1x16xf32>,
        %swap3A_370 = vector.shape_cast %swap3A_369 : vector<1x16xf32> to vector<16xf32>
        %swap3A_371 = vector.shape_cast %add3A_366 : vector<16xf32> to vector<1x16xf32>
        tpu.vector_store %arg15[%swap3A_367, %swap3A_368], %swap3A_371 {strides = array<i32>} : memref<400x64xf32, #tpu.memory_space<vmem>>, vector<1x16xf32>,
        %add3A_372 = arith.constant 150 : i32
        %add3A_373 = arith.addi %add3A_372, %scan3A_333 : i32
        %get3A_374 = arith.index_cast %add3A_373 : i32 to index
        %get3A_375 = arith.constant 0 : index
        %get3A_376 = tpu.vector_load %arg15[%get3A_374, %get3A_375] {strides = array<i32>} : memref<400x64xf32, #tpu.memory_space<vmem>>, vector<1x16xf32>,
        %get3A_377 = vector.shape_cast %get3A_376 : vector<1x16xf32> to vector<16xf32>
        %add3A_378 = arith.addf %get3A_377, %get3A_336 : vector<16xf32>
        %swap3A_379 = arith.index_cast %add3A_373 : i32 to index
        %swap3A_380 = arith.constant 0 : index
        %swap3A_381 = tpu.vector_load %arg15[%swap3A_379, %swap3A_380] {strides = array<i32>} : memref<400x64xf32, #tpu.memory_space<vmem>>, vector<1x16xf32>,
        %swap3A_382 = vector.shape_cast %swap3A_381 : vector<1x16xf32> to vector<16xf32>
        %swap3A_383 = vector.shape_cast %add3A_378 : vector<16xf32> to vector<1x16xf32>
        tpu.vector_store %arg15[%swap3A_379, %swap3A_380], %swap3A_383 {strides = array<i32>} : memref<400x64xf32, #tpu.memory_space<vmem>>, vector<1x16xf32>,
        %add3A_384 = arith.constant 200 : i32
        %add3A_385 = arith.addi %add3A_384, %scan3A_333 : i32
        %get3A_386 = arith.index_cast %add3A_385 : i32 to index
        %get3A_387 = arith.constant 0 : index
        %get3A_388 = tpu.vector_load %arg15[%get3A_386, %get3A_387] {strides = array<i32>} : memref<400x64xf32, #tpu.memory_space<vmem>>, vector<1x16xf32>,
        %get3A_389 = vector.shape_cast %get3A_388 : vector<1x16xf32> to vector<16xf32>
        %add3A_390 = arith.addf %get3A_389, %get3A_336 : vector<16xf32>
        %swap3A_391 = arith.index_cast %add3A_385 : i32 to index
        %swap3A_392 = arith.constant 0 : index
        %swap3A_393 = tpu.vector_load %arg15[%swap3A_391, %swap3A_392] {strides = array<i32>} : memref<400x64xf32, #tpu.memory_space<vmem>>, vector<1x16xf32>,
        %swap3A_394 = vector.shape_cast %swap3A_393 : vector<1x16xf32> to vector<16xf32>
        %swap3A_395 = vector.shape_cast %add3A_390 : vector<16xf32> to vector<1x16xf32>
        tpu.vector_store %arg15[%swap3A_391, %swap3A_392], %swap3A_395 {strides = array<i32>} : memref<400x64xf32, #tpu.memory_space<vmem>>, vector<1x16xf32>,
        %add3A_396 = arith.constant 250 : i32
        %add3A_397 = arith.addi %add3A_396, %scan3A_333 : i32
        %get3A_398 = arith.index_cast %add3A_397 : i32 to index
        %get3A_399 = arith.constant 0 : index
        %get3A_400 = tpu.vector_load %arg15[%get3A_398, %get3A_399] {strides = array<i32>} : memref<400x64xf32, #tpu.memory_space<vmem>>, vector<1x16xf32>,
        %get3A_401 = vector.shape_cast %get3A_400 : vector<1x16xf32> to vector<16xf32>
        %add3A_402 = arith.addf %get3A_401, %get3A_336 : vector<16xf32>
        %swap3A_403 = arith.index_cast %add3A_397 : i32 to index
        %swap3A_404 = arith.constant 0 : index
        %swap3A_405 = tpu.vector_load %arg15[%swap3A_403, %swap3A_404] {strides = array<i32>} : memref<400x64xf32, #tpu.memory_space<vmem>>, vector<1x16xf32>,
        %swap3A_406 = vector.shape_cast %swap3A_405 : vector<1x16xf32> to vector<16xf32>
        %swap3A_407 = vector.shape_cast %add3A_402 : vector<16xf32> to vector<1x16xf32>
        tpu.vector_store %arg15[%swap3A_403, %swap3A_404], %swap3A_407 {strides = array<i32>} : memref<400x64xf32, #tpu.memory_space<vmem>>, vector<1x16xf32>,
        %add3A_408 = arith.constant 300 : i32
        %add3A_409 = arith.addi %add3A_408, %scan3A_333 : i32
        %get3A_410 = arith.index_cast %add3A_409 : i32 to index
        %get3A_411 = arith.constant 0 : index
        %get3A_412 = tpu.vector_load %arg15[%get3A_410, %get3A_411] {strides = array<i32>} : memref<400x64xf32, #tpu.memory_space<vmem>>, vector<1x16xf32>,
        %get3A_413 = vector.shape_cast %get3A_412 : vector<1x16xf32> to vector<16xf32>
        %add3A_414 = arith.addf %get3A_413, %get3A_336 : vector<16xf32>
        %swap3A_415 = arith.index_cast %add3A_409 : i32 to index
        %swap3A_416 = arith.constant 0 : index
        %swap3A_417 = tpu.vector_load %arg15[%swap3A_415, %swap3A_416] {strides = array<i32>} : memref<400x64xf32, #tpu.memory_space<vmem>>, vector<1x16xf32>,
        %swap3A_418 = vector.shape_cast %swap3A_417 : vector<1x16xf32> to vector<16xf32>
        %swap3A_419 = vector.shape_cast %add3A_414 : vector<16xf32> to vector<1x16xf32>
        tpu.vector_store %arg15[%swap3A_415, %swap3A_416], %swap3A_419 {strides = array<i32>} : memref<400x64xf32, #tpu.memory_space<vmem>>, vector<1x16xf32>,
        %add3A_420 = arith.constant 350 : i32
        %add3A_421 = arith.addi %add3A_420, %scan3A_333 : i32
        %get3A_422 = arith.index_cast %add3A_421 : i32 to index
        %get3A_423 = arith.constant 0 : index
        %get3A_424 = tpu.vector_load %arg15[%get3A_422, %get3A_423] {strides = array<i32>} : memref<400x64xf32, #tpu.memory_space<vmem>>, vector<1x16xf32>,
        %get3A_425 = vector.shape_cast %get3A_424 : vector<1x16xf32> to vector<16xf32>
        %add3A_426 = arith.addf %get3A_425, %get3A_336 : vector<16xf32>
        %swap3A_427 = arith.index_cast %add3A_421 : i32 to index
        %swap3A_428 = arith.constant 0 : index
        %swap3A_429 = tpu.vector_load %arg15[%swap3A_427, %swap3A_428] {strides = array<i32>} : memref<400x64xf32, #tpu.memory_space<vmem>>, vector<1x16xf32>,
        %swap3A_430 = vector.shape_cast %swap3A_429 : vector<1x16xf32> to vector<16xf32>
        %swap3A_431 = vector.shape_cast %add3A_426 : vector<16xf32> to vector<1x16xf32>
        tpu.vector_store %arg15[%swap3A_427, %swap3A_428], %swap3A_431 {strides = array<i32>} : memref<400x64xf32, #tpu.memory_space<vmem>>, vector<1x16xf32>,
        %get3A_432 = arith.index_cast %scan3A_333 : i32 to index
        %get3A_433 = arith.constant 16 : index
        %get3A_434 = tpu.vector_load %arg17[%get3A_432, %get3A_433] {strides = array<i32>} : memref<64x64xf32, #tpu.memory_space<vmem>>, vector<1x16xf32>,
        %get3A_435 = vector.shape_cast %get3A_434 : vector<1x16xf32> to vector<16xf32>
        %add3A_436 = arith.constant 0 : i32
        %add3A_437 = arith.addi %add3A_436, %scan3A_333 : i32
        %get3A_438 = arith.index_cast %add3A_437 : i32 to index
        %get3A_439 = arith.constant 16 : index
        %get3A_440 = tpu.vector_load %arg15[%get3A_438, %get3A_439] {strides = array<i32>} : memref<400x64xf32, #tpu.memory_space<vmem>>, vector<1x16xf32>,
        %get3A_441 = vector.shape_cast %get3A_440 : vector<1x16xf32> to vector<16xf32>
        %add3A_442 = arith.addf %get3A_441, %get3A_435 : vector<16xf32>
        %swap3A_443 = arith.index_cast %add3A_437 : i32 to index
        %swap3A_444 = arith.constant 16 : index
        %swap3A_445 = tpu.vector_load %arg15[%swap3A_443, %swap3A_444] {strides = array<i32>} : memref<400x64xf32, #tpu.memory_space<vmem>>, vector<1x16xf32>,
        %swap3A_446 = vector.shape_cast %swap3A_445 : vector<1x16xf32> to vector<16xf32>
        %swap3A_447 = vector.shape_cast %add3A_442 : vector<16xf32> to vector<1x16xf32>
        tpu.vector_store %arg15[%swap3A_443, %swap3A_444], %swap3A_447 {strides = array<i32>} : memref<400x64xf32, #tpu.memory_space<vmem>>, vector<1x16xf32>,
        %add3A_448 = arith.constant 50 : i32
        %add3A_449 = arith.addi %add3A_448, %scan3A_333 : i32
        %get3A_450 = arith.index_cast %add3A_449 : i32 to index
        %get3A_451 = arith.constant 16 : index
        %get3A_452 = tpu.vector_load %arg15[%get3A_450, %get3A_451] {strides = array<i32>} : memref<400x64xf32, #tpu.memory_space<vmem>>, vector<1x16xf32>,
        %get3A_453 = vector.shape_cast %get3A_452 : vector<1x16xf32> to vector<16xf32>
        %add3A_454 = arith.addf %get3A_453, %get3A_435 : vector<16xf32>
        %swap3A_455 = arith.index_cast %add3A_449 : i32 to index
        %swap3A_456 = arith.constant 16 : index
        %swap3A_457 = tpu.vector_load %arg15[%swap3A_455, %swap3A_456] {strides = array<i32>} : memref<400x64xf32, #tpu.memory_space<vmem>>, vector<1x16xf32>,
        %swap3A_458 = vector.shape_cast %swap3A_457 : vector<1x16xf32> to vector<16xf32>
        %swap3A_459 = vector.shape_cast %add3A_454 : vector<16xf32> to vector<1x16xf32>
        tpu.vector_store %arg15[%swap3A_455, %swap3A_456], %swap3A_459 {strides = array<i32>} : memref<400x64xf32, #tpu.memory_space<vmem>>, vector<1x16xf32>,
        %add3A_460 = arith.constant 100 : i32
        %add3A_461 = arith.addi %add3A_460, %scan3A_333 : i32
        %get3A_462 = arith.index_cast %add3A_461 : i32 to index
        %get3A_463 = arith.constant 16 : index
        %get3A_464 = tpu.vector_load %arg15[%get3A_462, %get3A_463] {strides = array<i32>} : memref<400x64xf32, #tpu.memory_space<vmem>>, vector<1x16xf32>,
        %get3A_465 = vector.shape_cast %get3A_464 : vector<1x16xf32> to vector<16xf32>
        %add3A_466 = arith.addf %get3A_465, %get3A_435 : vector<16xf32>
        %swap3A_467 = arith.index_cast %add3A_461 : i32 to index
        %swap3A_468 = arith.constant 16 : index
        %swap3A_469 = tpu.vector_load %arg15[%swap3A_467, %swap3A_468] {strides = array<i32>} : memref<400x64xf32, #tpu.memory_space<vmem>>, vector<1x16xf32>,
        %swap3A_470 = vector.shape_cast %swap3A_469 : vector<1x16xf32> to vector<16xf32>
        %swap3A_471 = vector.shape_cast %add3A_466 : vector<16xf32> to vector<1x16xf32>
        tpu.vector_store %arg15[%swap3A_467, %swap3A_468], %swap3A_471 {strides = array<i32>} : memref<400x64xf32, #tpu.memory_space<vmem>>, vector<1x16xf32>,
        %add3A_472 = arith.constant 150 : i32
        %add3A_473 = arith.addi %add3A_472, %scan3A_333 : i32
        %get3A_474 = arith.index_cast %add3A_473 : i32 to index
        %get3A_475 = arith.constant 16 : index
        %get3A_476 = tpu.vector_load %arg15[%get3A_474, %get3A_475] {strides = array<i32>} : memref<400x64xf32, #tpu.memory_space<vmem>>, vector<1x16xf32>,
        %get3A_477 = vector.shape_cast %get3A_476 : vector<1x16xf32> to vector<16xf32>
        %add3A_478 = arith.addf %get3A_477, %get3A_435 : vector<16xf32>
        %swap3A_479 = arith.index_cast %add3A_473 : i32 to index
        %swap3A_480 = arith.constant 16 : index
        %swap3A_481 = tpu.vector_load %arg15[%swap3A_479, %swap3A_480] {strides = array<i32>} : memref<400x64xf32, #tpu.memory_space<vmem>>, vector<1x16xf32>,
        %swap3A_482 = vector.shape_cast %swap3A_481 : vector<1x16xf32> to vector<16xf32>
        %swap3A_483 = vector.shape_cast %add3A_478 : vector<16xf32> to vector<1x16xf32>
        tpu.vector_store %arg15[%swap3A_479, %swap3A_480], %swap3A_483 {strides = array<i32>} : memref<400x64xf32, #tpu.memory_space<vmem>>, vector<1x16xf32>,
        %add3A_484 = arith.constant 200 : i32
        %add3A_485 = arith.addi %add3A_484, %scan3A_333 : i32
        %get3A_486 = arith.index_cast %add3A_485 : i32 to index
        %get3A_487 = arith.constant 16 : index
        %get3A_488 = tpu.vector_load %arg15[%get3A_486, %get3A_487] {strides = array<i32>} : memref<400x64xf32, #tpu.memory_space<vmem>>, vector<1x16xf32>,
        %get3A_489 = vector.shape_cast %get3A_488 : vector<1x16xf32> to vector<16xf32>
        %add3A_490 = arith.addf %get3A_489, %get3A_435 : vector<16xf32>
        %swap3A_491 = arith.index_cast %add3A_485 : i32 to index
        %swap3A_492 = arith.constant 16 : index
        %swap3A_493 = tpu.vector_load %arg15[%swap3A_491, %swap3A_492] {strides = array<i32>} : memref<400x64xf32, #tpu.memory_space<vmem>>, vector<1x16xf32>,
        %swap3A_494 = vector.shape_cast %swap3A_493 : vector<1x16xf32> to vector<16xf32>
        %swap3A_495 = vector.shape_cast %add3A_490 : vector<16xf32> to vector<1x16xf32>
        tpu.vector_store %arg15[%swap3A_491, %swap3A_492], %swap3A_495 {strides = array<i32>} : memref<400x64xf32, #tpu.memory_space<vmem>>, vector<1x16xf32>,
        %add3A_496 = arith.constant 250 : i32
        %add3A_497 = arith.addi %add3A_496, %scan3A_333 : i32
        %get3A_498 = arith.index_cast %add3A_497 : i32 to index
        %get3A_499 = arith.constant 16 : index
        %get3A_500 = tpu.vector_load %arg15[%get3A_498, %get3A_499] {strides = array<i32>} : memref<400x64xf32, #tpu.memory_space<vmem>>, vector<1x16xf32>,
        %get3A_501 = vector.shape_cast %get3A_500 : vector<1x16xf32> to vector<16xf32>
        %add3A_502 = arith.addf %get3A_501, %get3A_435 : vector<16xf32>
        %swap3A_503 = arith.index_cast %add3A_497 : i32 to index
        %swap3A_504 = arith.constant 16 : index
        %swap3A_505 = tpu.vector_load %arg15[%swap3A_503, %swap3A_504] {strides = array<i32>} : memref<400x64xf32, #tpu.memory_space<vmem>>, vector<1x16xf32>,
        %swap3A_506 = vector.shape_cast %swap3A_505 : vector<1x16xf32> to vector<16xf32>
        %swap3A_507 = vector.shape_cast %add3A_502 : vector<16xf32> to vector<1x16xf32>
        tpu.vector_store %arg15[%swap3A_503, %swap3A_504], %swap3A_507 {strides = array<i32>} : memref<400x64xf32, #tpu.memory_space<vmem>>, vector<1x16xf32>,
        %add3A_508 = arith.constant 300 : i32
        %add3A_509 = arith.addi %add3A_508, %scan3A_333 : i32
        %get3A_510 = arith.index_cast %add3A_509 : i32 to index
        %get3A_511 = arith.constant 16 : index
        %get3A_512 = tpu.vector_load %arg15[%get3A_510, %get3A_511] {strides = array<i32>} : memref<400x64xf32, #tpu.memory_space<vmem>>, vector<1x16xf32>,
        %get3A_513 = vector.shape_cast %get3A_512 : vector<1x16xf32> to vector<16xf32>
        %add3A_514 = arith.addf %get3A_513, %get3A_435 : vector<16xf32>
        %swap3A_515 = arith.index_cast %add3A_509 : i32 to index
        %swap3A_516 = arith.constant 16 : index
        %swap3A_517 = tpu.vector_load %arg15[%swap3A_515, %swap3A_516] {strides = array<i32>} : memref<400x64xf32, #tpu.memory_space<vmem>>, vector<1x16xf32>,
        %swap3A_518 = vector.shape_cast %swap3A_517 : vector<1x16xf32> to vector<16xf32>
        %swap3A_519 = vector.shape_cast %add3A_514 : vector<16xf32> to vector<1x16xf32>
        tpu.vector_store %arg15[%swap3A_515, %swap3A_516], %swap3A_519 {strides = array<i32>} : memref<400x64xf32, #tpu.memory_space<vmem>>, vector<1x16xf32>,
        %add3A_520 = arith.constant 350 : i32
        %add3A_521 = arith.addi %add3A_520, %scan3A_333 : i32
        %get3A_522 = arith.index_cast %add3A_521 : i32 to index
        %get3A_523 = arith.constant 16 : index
        %get3A_524 = tpu.vector_load %arg15[%get3A_522, %get3A_523] {strides = array<i32>} : memref<400x64xf32, #tpu.memory_space<vmem>>, vector<1x16xf32>,
        %get3A_525 = vector.shape_cast %get3A_524 : vector<1x16xf32> to vector<16xf32>
        %add3A_526 = arith.addf %get3A_525, %get3A_435 : vector<16xf32>
        %swap3A_527 = arith.index_cast %add3A_521 : i32 to index
        %swap3A_528 = arith.constant 16 : index
        %swap3A_529 = tpu.vector_load %arg15[%swap3A_527, %swap3A_528] {strides = array<i32>} : memref<400x64xf32, #tpu.memory_space<vmem>>, vector<1x16xf32>,
        %swap3A_530 = vector.shape_cast %swap3A_529 : vector<1x16xf32> to vector<16xf32>
        %swap3A_531 = vector.shape_cast %add3A_526 : vector<16xf32> to vector<1x16xf32>
        tpu.vector_store %arg15[%swap3A_527, %swap3A_528], %swap3A_531 {strides = array<i32>} : memref<400x64xf32, #tpu.memory_space<vmem>>, vector<1x16xf32>,
        %get3A_532 = arith.index_cast %scan3A_333 : i32 to index
        %get3A_533 = arith.constant 32 : index
        %get3A_534 = tpu.vector_load %arg17[%get3A_532, %get3A_533] {strides = array<i32>} : memref<64x64xf32, #tpu.memory_space<vmem>>, vector<1x16xf32>,
        %get3A_535 = vector.shape_cast %get3A_534 : vector<1x16xf32> to vector<16xf32>
        %add3A_536 = arith.constant 0 : i32
        %add3A_537 = arith.addi %add3A_536, %scan3A_333 : i32
        %get3A_538 = arith.index_cast %add3A_537 : i32 to index
        %get3A_539 = arith.constant 32 : index
        %get3A_540 = tpu.vector_load %arg15[%get3A_538, %get3A_539] {strides = array<i32>} : memref<400x64xf32, #tpu.memory_space<vmem>>, vector<1x16xf32>,
        %get3A_541 = vector.shape_cast %get3A_540 : vector<1x16xf32> to vector<16xf32>
        %add3A_542 = arith.addf %get3A_541, %get3A_535 : vector<16xf32>
        %swap3A_543 = arith.index_cast %add3A_537 : i32 to index
        %swap3A_544 = arith.constant 32 : index
        %swap3A_545 = tpu.vector_load %arg15[%swap3A_543, %swap3A_544] {strides = array<i32>} : memref<400x64xf32, #tpu.memory_space<vmem>>, vector<1x16xf32>,
        %swap3A_546 = vector.shape_cast %swap3A_545 : vector<1x16xf32> to vector<16xf32>
        %swap3A_547 = vector.shape_cast %add3A_542 : vector<16xf32> to vector<1x16xf32>
        tpu.vector_store %arg15[%swap3A_543, %swap3A_544], %swap3A_547 {strides = array<i32>} : memref<400x64xf32, #tpu.memory_space<vmem>>, vector<1x16xf32>,
        %add3A_548 = arith.constant 50 : i32
        %add3A_549 = arith.addi %add3A_548, %scan3A_333 : i32
        %get3A_550 = arith.index_cast %add3A_549 : i32 to index
        %get3A_551 = arith.constant 32 : index
        %get3A_552 = tpu.vector_load %arg15[%get3A_550, %get3A_551] {strides = array<i32>} : memref<400x64xf32, #tpu.memory_space<vmem>>, vector<1x16xf32>,
        %get3A_553 = vector.shape_cast %get3A_552 : vector<1x16xf32> to vector<16xf32>
        %add3A_554 = arith.addf %get3A_553, %get3A_535 : vector<16xf32>
        %swap3A_555 = arith.index_cast %add3A_549 : i32 to index
        %swap3A_556 = arith.constant 32 : index
        %swap3A_557 = tpu.vector_load %arg15[%swap3A_555, %swap3A_556] {strides = array<i32>} : memref<400x64xf32, #tpu.memory_space<vmem>>, vector<1x16xf32>,
        %swap3A_558 = vector.shape_cast %swap3A_557 : vector<1x16xf32> to vector<16xf32>
        %swap3A_559 = vector.shape_cast %add3A_554 : vector<16xf32> to vector<1x16xf32>
        tpu.vector_store %arg15[%swap3A_555, %swap3A_556], %swap3A_559 {strides = array<i32>} : memref<400x64xf32, #tpu.memory_space<vmem>>, vector<1x16xf32>,
        %add3A_560 = arith.constant 100 : i32
        %add3A_561 = arith.addi %add3A_560, %scan3A_333 : i32
        %get3A_562 = arith.index_cast %add3A_561 : i32 to index
        %get3A_563 = arith.constant 32 : index
        %get3A_564 = tpu.vector_load %arg15[%get3A_562, %get3A_563] {strides = array<i32>} : memref<400x64xf32, #tpu.memory_space<vmem>>, vector<1x16xf32>,
        %get3A_565 = vector.shape_cast %get3A_564 : vector<1x16xf32> to vector<16xf32>
        %add3A_566 = arith.addf %get3A_565, %get3A_535 : vector<16xf32>
        %swap3A_567 = arith.index_cast %add3A_561 : i32 to index
        %swap3A_568 = arith.constant 32 : index
        %swap3A_569 = tpu.vector_load %arg15[%swap3A_567, %swap3A_568] {strides = array<i32>} : memref<400x64xf32, #tpu.memory_space<vmem>>, vector<1x16xf32>,
        %swap3A_570 = vector.shape_cast %swap3A_569 : vector<1x16xf32> to vector<16xf32>
        %swap3A_571 = vector.shape_cast %add3A_566 : vector<16xf32> to vector<1x16xf32>
        tpu.vector_store %arg15[%swap3A_567, %swap3A_568], %swap3A_571 {strides = array<i32>} : memref<400x64xf32, #tpu.memory_space<vmem>>, vector<1x16xf32>,
        %add3A_572 = arith.constant 150 : i32
        %add3A_573 = arith.addi %add3A_572, %scan3A_333 : i32
        %get3A_574 = arith.index_cast %add3A_573 : i32 to index
        %get3A_575 = arith.constant 32 : index
        %get3A_576 = tpu.vector_load %arg15[%get3A_574, %get3A_575] {strides = array<i32>} : memref<400x64xf32, #tpu.memory_space<vmem>>, vector<1x16xf32>,
        %get3A_577 = vector.shape_cast %get3A_576 : vector<1x16xf32> to vector<16xf32>
        %add3A_578 = arith.addf %get3A_577, %get3A_535 : vector<16xf32>
        %swap3A_579 = arith.index_cast %add3A_573 : i32 to index
        %swap3A_580 = arith.constant 32 : index
        %swap3A_581 = tpu.vector_load %arg15[%swap3A_579, %swap3A_580] {strides = array<i32>} : memref<400x64xf32, #tpu.memory_space<vmem>>, vector<1x16xf32>,
        %swap3A_582 = vector.shape_cast %swap3A_581 : vector<1x16xf32> to vector<16xf32>
        %swap3A_583 = vector.shape_cast %add3A_578 : vector<16xf32> to vector<1x16xf32>
        tpu.vector_store %arg15[%swap3A_579, %swap3A_580], %swap3A_583 {strides = array<i32>} : memref<400x64xf32, #tpu.memory_space<vmem>>, vector<1x16xf32>,
        %add3A_584 = arith.constant 200 : i32
        %add3A_585 = arith.addi %add3A_584, %scan3A_333 : i32
        %get3A_586 = arith.index_cast %add3A_585 : i32 to index
        %get3A_587 = arith.constant 32 : index
        %get3A_588 = tpu.vector_load %arg15[%get3A_586, %get3A_587] {strides = array<i32>} : memref<400x64xf32, #tpu.memory_space<vmem>>, vector<1x16xf32>,
        %get3A_589 = vector.shape_cast %get3A_588 : vector<1x16xf32> to vector<16xf32>
        %add3A_590 = arith.addf %get3A_589, %get3A_535 : vector<16xf32>
        %swap3A_591 = arith.index_cast %add3A_585 : i32 to index
        %swap3A_592 = arith.constant 32 : index
        %swap3A_593 = tpu.vector_load %arg15[%swap3A_591, %swap3A_592] {strides = array<i32>} : memref<400x64xf32, #tpu.memory_space<vmem>>, vector<1x16xf32>,
        %swap3A_594 = vector.shape_cast %swap3A_593 : vector<1x16xf32> to vector<16xf32>
        %swap3A_595 = vector.shape_cast %add3A_590 : vector<16xf32> to vector<1x16xf32>
        tpu.vector_store %arg15[%swap3A_591, %swap3A_592], %swap3A_595 {strides = array<i32>} : memref<400x64xf32, #tpu.memory_space<vmem>>, vector<1x16xf32>,
        %add3A_596 = arith.constant 250 : i32
        %add3A_597 = arith.addi %add3A_596, %scan3A_333 : i32
        %get3A_598 = arith.index_cast %add3A_597 : i32 to index
        %get3A_599 = arith.constant 32 : index
        %get3A_600 = tpu.vector_load %arg15[%get3A_598, %get3A_599] {strides = array<i32>} : memref<400x64xf32, #tpu.memory_space<vmem>>, vector<1x16xf32>,
        %get3A_601 = vector.shape_cast %get3A_600 : vector<1x16xf32> to vector<16xf32>
        %add3A_602 = arith.addf %get3A_601, %get3A_535 : vector<16xf32>
        %swap3A_603 = arith.index_cast %add3A_597 : i32 to index
        %swap3A_604 = arith.constant 32 : index
        %swap3A_605 = tpu.vector_load %arg15[%swap3A_603, %swap3A_604] {strides = array<i32>} : memref<400x64xf32, #tpu.memory_space<vmem>>, vector<1x16xf32>,
        %swap3A_606 = vector.shape_cast %swap3A_605 : vector<1x16xf32> to vector<16xf32>
        %swap3A_607 = vector.shape_cast %add3A_602 : vector<16xf32> to vector<1x16xf32>
        tpu.vector_store %arg15[%swap3A_603, %swap3A_604], %swap3A_607 {strides = array<i32>} : memref<400x64xf32, #tpu.memory_space<vmem>>, vector<1x16xf32>,
        %add3A_608 = arith.constant 300 : i32
        %add3A_609 = arith.addi %add3A_608, %scan3A_333 : i32
        %get3A_610 = arith.index_cast %add3A_609 : i32 to index
        %get3A_611 = arith.constant 32 : index
        %get3A_612 = tpu.vector_load %arg15[%get3A_610, %get3A_611] {strides = array<i32>} : memref<400x64xf32, #tpu.memory_space<vmem>>, vector<1x16xf32>,
        %get3A_613 = vector.shape_cast %get3A_612 : vector<1x16xf32> to vector<16xf32>
        %add3A_614 = arith.addf %get3A_613, %get3A_535 : vector<16xf32>
        %swap3A_615 = arith.index_cast %add3A_609 : i32 to index
        %swap3A_616 = arith.constant 32 : index
        %swap3A_617 = tpu.vector_load %arg15[%swap3A_615, %swap3A_616] {strides = array<i32>} : memref<400x64xf32, #tpu.memory_space<vmem>>, vector<1x16xf32>,
        %swap3A_618 = vector.shape_cast %swap3A_617 : vector<1x16xf32> to vector<16xf32>
        %swap3A_619 = vector.shape_cast %add3A_614 : vector<16xf32> to vector<1x16xf32>
        tpu.vector_store %arg15[%swap3A_615, %swap3A_616], %swap3A_619 {strides = array<i32>} : memref<400x64xf32, #tpu.memory_space<vmem>>, vector<1x16xf32>,
        %add3A_620 = arith.constant 350 : i32
        %add3A_621 = arith.addi %add3A_620, %scan3A_333 : i32
        %get3A_622 = arith.index_cast %add3A_621 : i32 to index
        %get3A_623 = arith.constant 32 : index
        %get3A_624 = tpu.vector_load %arg15[%get3A_622, %get3A_623] {strides = array<i32>} : memref<400x64xf32, #tpu.memory_space<vmem>>, vector<1x16xf32>,
        %get3A_625 = vector.shape_cast %get3A_624 : vector<1x16xf32> to vector<16xf32>
        %add3A_626 = arith.addf %get3A_625, %get3A_535 : vector<16xf32>
        %swap3A_627 = arith.index_cast %add3A_621 : i32 to index
        %swap3A_628 = arith.constant 32 : index
        %swap3A_629 = tpu.vector_load %arg15[%swap3A_627, %swap3A_628] {strides = array<i32>} : memref<400x64xf32, #tpu.memory_space<vmem>>, vector<1x16xf32>,
        %swap3A_630 = vector.shape_cast %swap3A_629 : vector<1x16xf32> to vector<16xf32>
        %swap3A_631 = vector.shape_cast %add3A_626 : vector<16xf32> to vector<1x16xf32>
        tpu.vector_store %arg15[%swap3A_627, %swap3A_628], %swap3A_631 {strides = array<i32>} : memref<400x64xf32, #tpu.memory_space<vmem>>, vector<1x16xf32>,
        %get3A_632 = arith.index_cast %scan3A_333 : i32 to index
        %get3A_633 = arith.constant 48 : index
        %get3A_634 = tpu.vector_load %arg17[%get3A_632, %get3A_633] {strides = array<i32>} : memref<64x64xf32, #tpu.memory_space<vmem>>, vector<1x16xf32>,
        %get3A_635 = vector.shape_cast %get3A_634 : vector<1x16xf32> to vector<16xf32>
        %add3A_636 = arith.constant 0 : i32
        %add3A_637 = arith.addi %add3A_636, %scan3A_333 : i32
        %get3A_638 = arith.index_cast %add3A_637 : i32 to index
        %get3A_639 = arith.constant 48 : index
        %get3A_640 = tpu.vector_load %arg15[%get3A_638, %get3A_639] {strides = array<i32>} : memref<400x64xf32, #tpu.memory_space<vmem>>, vector<1x16xf32>,
        %get3A_641 = vector.shape_cast %get3A_640 : vector<1x16xf32> to vector<16xf32>
        %add3A_642 = arith.addf %get3A_641, %get3A_635 : vector<16xf32>
        %swap3A_643 = arith.index_cast %add3A_637 : i32 to index
        %swap3A_644 = arith.constant 48 : index
        %swap3A_645 = tpu.vector_load %arg15[%swap3A_643, %swap3A_644] {strides = array<i32>} : memref<400x64xf32, #tpu.memory_space<vmem>>, vector<1x16xf32>,
        %swap3A_646 = vector.shape_cast %swap3A_645 : vector<1x16xf32> to vector<16xf32>
        %swap3A_647 = vector.shape_cast %add3A_642 : vector<16xf32> to vector<1x16xf32>
        tpu.vector_store %arg15[%swap3A_643, %swap3A_644], %swap3A_647 {strides = array<i32>} : memref<400x64xf32, #tpu.memory_space<vmem>>, vector<1x16xf32>,
        %add3A_648 = arith.constant 50 : i32
        %add3A_649 = arith.addi %add3A_648, %scan3A_333 : i32
        %get3A_650 = arith.index_cast %add3A_649 : i32 to index
        %get3A_651 = arith.constant 48 : index
        %get3A_652 = tpu.vector_load %arg15[%get3A_650, %get3A_651] {strides = array<i32>} : memref<400x64xf32, #tpu.memory_space<vmem>>, vector<1x16xf32>,
        %get3A_653 = vector.shape_cast %get3A_652 : vector<1x16xf32> to vector<16xf32>
        %add3A_654 = arith.addf %get3A_653, %get3A_635 : vector<16xf32>
        %swap3A_655 = arith.index_cast %add3A_649 : i32 to index
        %swap3A_656 = arith.constant 48 : index
        %swap3A_657 = tpu.vector_load %arg15[%swap3A_655, %swap3A_656] {strides = array<i32>} : memref<400x64xf32, #tpu.memory_space<vmem>>, vector<1x16xf32>,
        %swap3A_658 = vector.shape_cast %swap3A_657 : vector<1x16xf32> to vector<16xf32>
        %swap3A_659 = vector.shape_cast %add3A_654 : vector<16xf32> to vector<1x16xf32>
        tpu.vector_store %arg15[%swap3A_655, %swap3A_656], %swap3A_659 {strides = array<i32>} : memref<400x64xf32, #tpu.memory_space<vmem>>, vector<1x16xf32>,
        %add3A_660 = arith.constant 100 : i32
        %add3A_661 = arith.addi %add3A_660, %scan3A_333 : i32
        %get3A_662 = arith.index_cast %add3A_661 : i32 to index
        %get3A_663 = arith.constant 48 : index
        %get3A_664 = tpu.vector_load %arg15[%get3A_662, %get3A_663] {strides = array<i32>} : memref<400x64xf32, #tpu.memory_space<vmem>>, vector<1x16xf32>,
        %get3A_665 = vector.shape_cast %get3A_664 : vector<1x16xf32> to vector<16xf32>
        %add3A_666 = arith.addf %get3A_665, %get3A_635 : vector<16xf32>
        %swap3A_667 = arith.index_cast %add3A_661 : i32 to index
        %swap3A_668 = arith.constant 48 : index
        %swap3A_669 = tpu.vector_load %arg15[%swap3A_667, %swap3A_668] {strides = array<i32>} : memref<400x64xf32, #tpu.memory_space<vmem>>, vector<1x16xf32>,
        %swap3A_670 = vector.shape_cast %swap3A_669 : vector<1x16xf32> to vector<16xf32>
        %swap3A_671 = vector.shape_cast %add3A_666 : vector<16xf32> to vector<1x16xf32>
        tpu.vector_store %arg15[%swap3A_667, %swap3A_668], %swap3A_671 {strides = array<i32>} : memref<400x64xf32, #tpu.memory_space<vmem>>, vector<1x16xf32>,
        %add3A_672 = arith.constant 150 : i32
        %add3A_673 = arith.addi %add3A_672, %scan3A_333 : i32
        %get3A_674 = arith.index_cast %add3A_673 : i32 to index
        %get3A_675 = arith.constant 48 : index
        %get3A_676 = tpu.vector_load %arg15[%get3A_674, %get3A_675] {strides = array<i32>} : memref<400x64xf32, #tpu.memory_space<vmem>>, vector<1x16xf32>,
        %get3A_677 = vector.shape_cast %get3A_676 : vector<1x16xf32> to vector<16xf32>
        %add3A_678 = arith.addf %get3A_677, %get3A_635 : vector<16xf32>
        %swap3A_679 = arith.index_cast %add3A_673 : i32 to index
        %swap3A_680 = arith.constant 48 : index
        %swap3A_681 = tpu.vector_load %arg15[%swap3A_679, %swap3A_680] {strides = array<i32>} : memref<400x64xf32, #tpu.memory_space<vmem>>, vector<1x16xf32>,
        %swap3A_682 = vector.shape_cast %swap3A_681 : vector<1x16xf32> to vector<16xf32>
        %swap3A_683 = vector.shape_cast %add3A_678 : vector<16xf32> to vector<1x16xf32>
        tpu.vector_store %arg15[%swap3A_679, %swap3A_680], %swap3A_683 {strides = array<i32>} : memref<400x64xf32, #tpu.memory_space<vmem>>, vector<1x16xf32>,
        %add3A_684 = arith.constant 200 : i32
        %add3A_685 = arith.addi %add3A_684, %scan3A_333 : i32
        %get3A_686 = arith.index_cast %add3A_685 : i32 to index
        %get3A_687 = arith.constant 48 : index
        %get3A_688 = tpu.vector_load %arg15[%get3A_686, %get3A_687] {strides = array<i32>} : memref<400x64xf32, #tpu.memory_space<vmem>>, vector<1x16xf32>,
        %get3A_689 = vector.shape_cast %get3A_688 : vector<1x16xf32> to vector<16xf32>
        %add3A_690 = arith.addf %get3A_689, %get3A_635 : vector<16xf32>
        %swap3A_691 = arith.index_cast %add3A_685 : i32 to index
        %swap3A_692 = arith.constant 48 : index
        %swap3A_693 = tpu.vector_load %arg15[%swap3A_691, %swap3A_692] {strides = array<i32>} : memref<400x64xf32, #tpu.memory_space<vmem>>, vector<1x16xf32>,
        %swap3A_694 = vector.shape_cast %swap3A_693 : vector<1x16xf32> to vector<16xf32>
        %swap3A_695 = vector.shape_cast %add3A_690 : vector<16xf32> to vector<1x16xf32>
        tpu.vector_store %arg15[%swap3A_691, %swap3A_692], %swap3A_695 {strides = array<i32>} : memref<400x64xf32, #tpu.memory_space<vmem>>, vector<1x16xf32>,
        %add3A_696 = arith.constant 250 : i32
        %add3A_697 = arith.addi %add3A_696, %scan3A_333 : i32
        %get3A_698 = arith.index_cast %add3A_697 : i32 to index
        %get3A_699 = arith.constant 48 : index
        %get3A_700 = tpu.vector_load %arg15[%get3A_698, %get3A_699] {strides = array<i32>} : memref<400x64xf32, #tpu.memory_space<vmem>>, vector<1x16xf32>,
        %get3A_701 = vector.shape_cast %get3A_700 : vector<1x16xf32> to vector<16xf32>
        %add3A_702 = arith.addf %get3A_701, %get3A_635 : vector<16xf32>
        %swap3A_703 = arith.index_cast %add3A_697 : i32 to index
        %swap3A_704 = arith.constant 48 : index
        %swap3A_705 = tpu.vector_load %arg15[%swap3A_703, %swap3A_704] {strides = array<i32>} : memref<400x64xf32, #tpu.memory_space<vmem>>, vector<1x16xf32>,
        %swap3A_706 = vector.shape_cast %swap3A_705 : vector<1x16xf32> to vector<16xf32>
        %swap3A_707 = vector.shape_cast %add3A_702 : vector<16xf32> to vector<1x16xf32>
        tpu.vector_store %arg15[%swap3A_703, %swap3A_704], %swap3A_707 {strides = array<i32>} : memref<400x64xf32, #tpu.memory_space<vmem>>, vector<1x16xf32>,
        %add3A_708 = arith.constant 300 : i32
        %add3A_709 = arith.addi %add3A_708, %scan3A_333 : i32
        %get3A_710 = arith.index_cast %add3A_709 : i32 to index
        %get3A_711 = arith.constant 48 : index
        %get3A_712 = tpu.vector_load %arg15[%get3A_710, %get3A_711] {strides = array<i32>} : memref<400x64xf32, #tpu.memory_space<vmem>>, vector<1x16xf32>,
        %get3A_713 = vector.shape_cast %get3A_712 : vector<1x16xf32> to vector<16xf32>
        %add3A_714 = arith.addf %get3A_713, %get3A_635 : vector<16xf32>
        %swap3A_715 = arith.index_cast %add3A_709 : i32 to index
        %swap3A_716 = arith.constant 48 : index
        %swap3A_717 = tpu.vector_load %arg15[%swap3A_715, %swap3A_716] {strides = array<i32>} : memref<400x64xf32, #tpu.memory_space<vmem>>, vector<1x16xf32>,
        %swap3A_718 = vector.shape_cast %swap3A_717 : vector<1x16xf32> to vector<16xf32>
        %swap3A_719 = vector.shape_cast %add3A_714 : vector<16xf32> to vector<1x16xf32>
        tpu.vector_store %arg15[%swap3A_715, %swap3A_716], %swap3A_719 {strides = array<i32>} : memref<400x64xf32, #tpu.memory_space<vmem>>, vector<1x16xf32>,
        %add3A_720 = arith.constant 350 : i32
        %add3A_721 = arith.addi %add3A_720, %scan3A_333 : i32
        %get3A_722 = arith.index_cast %add3A_721 : i32 to index
        %get3A_723 = arith.constant 48 : index
        %get3A_724 = tpu.vector_load %arg15[%get3A_722, %get3A_723] {strides = array<i32>} : memref<400x64xf32, #tpu.memory_space<vmem>>, vector<1x16xf32>,
        %get3A_725 = vector.shape_cast %get3A_724 : vector<1x16xf32> to vector<16xf32>
        %add3A_726 = arith.addf %get3A_725, %get3A_635 : vector<16xf32>
        %swap3A_727 = arith.index_cast %add3A_721 : i32 to index
        %swap3A_728 = arith.constant 48 : index
        %swap3A_729 = tpu.vector_load %arg15[%swap3A_727, %swap3A_728] {strides = array<i32>} : memref<400x64xf32, #tpu.memory_space<vmem>>, vector<1x16xf32>,
        %swap3A_730 = vector.shape_cast %swap3A_729 : vector<1x16xf32> to vector<16xf32>
        %swap3A_731 = vector.shape_cast %add3A_726 : vector<16xf32> to vector<1x16xf32>
        tpu.vector_store %arg15[%swap3A_727, %swap3A_728], %swap3A_731 {strides = array<i32>} : memref<400x64xf32, #tpu.memory_space<vmem>>, vector<1x16xf32>,
      }
      %scan3A_316 = arith.constant 50 : i32
      %mul3A_317 = arith.constant 64 : i32
      %mul3A_318 = arith.muli %add3A, %mul3A_317 : i32
      %add3A_319 = arith.addi %mul3A_318, %add3A_304 : i32
      %mul3A_320 = arith.constant 400 : i32
      %mul3A_321 = arith.muli %add3A_319, %mul3A_320 : i32
      %dma_start3A_322 = arith.constant 0 : i32
      %dma_start3A_323 = tpu.memref_slice %arg7[%mul3A_321, %dma_start3A_322] : memref<819200x64xf32, #tpu.memory_space<hbm>> -> memref<400x64xf32, #tpu.memory_space<hbm>>
      %dma_start3A_324 = arith.constant 0 : i32
      %dma_start3A_325 = tpu.memref_slice %arg7[%mul3A_321, %dma_start3A_324] : memref<819200x64xf32, #tpu.memory_space<hbm>> -> memref<400x64xf32, #tpu.memory_space<hbm>>
      tpu.enqueue_dma source(%arg15 : memref<400x64xf32, #tpu.memory_space<vmem>>) target(%dma_start3A_325 : memref<400x64xf32, #tpu.memory_space<hbm>>) target_semaphore(%arg26 : memref<!tpu.dma_semaphore, #tpu.memory_space<semaphore_mem>>)
      %add3A_326 = arith.constant 2 : i32
      %add3A_327 = arith.addi %add3A_304, %add3A_326 : i32
      %lt3A_328 = arith.constant 64 : i32
      %lt3A_329 = arith.cmpi slt, %add3A_327, %lt3A_328 : i32
      %convert_element_type3A_330 = arith.extui %lt3A_329 : i1 to i32
      %cond3A_331 = arith.constant 0 : i32
      %cond3A_332 = arith.cmpi ne, %convert_element_type3A_330, %cond3A_331 : i32
      scf.if %cond3A_332 {
        %ge3A = arith.constant 2 : i32
        %ge3A_333 = arith.cmpi sge, %add3A_304, %ge3A : i32
        %convert_element_type3A_334 = arith.extui %ge3A_333 : i1 to i32
        %cond3A_335 = arith.constant 0 : i32
        %cond3A_336 = arith.cmpi ne, %convert_element_type3A_334, %cond3A_335 : i32
        scf.if %cond3A_336 {
          %dma_wait3A_419 = arith.constant 0 : i32
          %dma_wait3A_420 = arith.constant 0 : i32
          %dma_wait3A_421 = tpu.memref_slice %arg7[%dma_wait3A_419, %dma_wait3A_420] : memref<819200x64xf32, #tpu.memory_space<hbm>> -> memref<400x64xf32, #tpu.memory_space<hbm>>
          %dma_wait3A_422 = arith.constant 0 : i32
          %dma_wait3A_423 = arith.constant 0 : i32
          %dma_wait3A_424 = tpu.memref_slice %arg7[%dma_wait3A_422, %dma_wait3A_423] : memref<819200x64xf32, #tpu.memory_space<hbm>> -> memref<400x64xf32, #tpu.memory_space<hbm>>
          tpu.wait_dma2 semaphore(%arg24 : memref<!tpu.dma_semaphore, #tpu.memory_space<semaphore_mem>>) src(%dma_wait3A_424 : memref<400x64xf32, #tpu.memory_space<hbm>>) dst(%arg13 : memref<400x64xf32, #tpu.memory_space<vmem>>)
        } else {
        }
        %add3A_337 = arith.constant 2 : i32
        %add3A_338 = arith.addi %add3A_304, %add3A_337 : i32
        "tpu.region"() ({
          %run_scoped3A_419 = tpu.sem_alloc : memref<!tpu.dma_semaphore, #tpu.memory_space<semaphore_mem>>
          %dma_start3A_420 = arith.constant 0 : i32
          %dma_start3A_421 = arith.constant 0 : i32
          %dma_start3A_422 = tpu.memref_slice %arg3[%add3A, %add3A_338, %dma_start3A_420, %dma_start3A_421] : memref<32x64x8x50xi32, #tpu.memory_space<hbm>> -> memref<1x1x8x50xi32, #tpu.memory_space<hbm>>
          %dma_start3A_423 = tpu.memref_squeeze %dma_start3A_422 : memref<1x1x8x50xi32, #tpu.memory_space<hbm>> -> memref<8x50xi32, #tpu.memory_space<hbm>>
          %dma_start3A_424 = arith.constant 0 : i32
          %dma_start3A_425 = arith.constant 0 : i32
          %dma_start3A_426 = tpu.memref_slice %arg3[%add3A, %add3A_338, %dma_start3A_424, %dma_start3A_425] : memref<32x64x8x50xi32, #tpu.memory_space<hbm>> -> memref<1x1x8x50xi32, #tpu.memory_space<hbm>>
          %dma_start3A_427 = tpu.memref_squeeze %dma_start3A_426 : memref<1x1x8x50xi32, #tpu.memory_space<hbm>> -> memref<8x50xi32, #tpu.memory_space<hbm>>
          tpu.enqueue_dma source(%dma_start3A_427 : memref<8x50xi32, #tpu.memory_space<hbm>>) target(%arg9 : memref<8x50xi32, #tpu.memory_space<vmem>>) target_semaphore(%run_scoped3A_419 : memref<!tpu.dma_semaphore, #tpu.memory_space<semaphore_mem>>)
          %dma_wait3A_428 = arith.constant 0 : i32
          %dma_wait3A_429 = arith.constant 0 : i32
          %dma_wait3A_430 = tpu.memref_slice %arg3[%add3A, %add3A_338, %dma_wait3A_428, %dma_wait3A_429] : memref<32x64x8x50xi32, #tpu.memory_space<hbm>> -> memref<1x1x8x50xi32, #tpu.memory_space<hbm>>
          %dma_wait3A_431 = tpu.memref_squeeze %dma_wait3A_430 : memref<1x1x8x50xi32, #tpu.memory_space<hbm>> -> memref<8x50xi32, #tpu.memory_space<hbm>>
          %dma_wait3A_432 = arith.constant 0 : i32
          %dma_wait3A_433 = arith.constant 0 : i32
          %dma_wait3A_434 = tpu.memref_slice %arg3[%add3A, %add3A_338, %dma_wait3A_432, %dma_wait3A_433] : memref<32x64x8x50xi32, #tpu.memory_space<hbm>> -> memref<1x1x8x50xi32, #tpu.memory_space<hbm>>
          %dma_wait3A_435 = tpu.memref_squeeze %dma_wait3A_434 : memref<1x1x8x50xi32, #tpu.memory_space<hbm>> -> memref<8x50xi32, #tpu.memory_space<hbm>>
          tpu.wait_dma2 semaphore(%run_scoped3A_419 : memref<!tpu.dma_semaphore, #tpu.memory_space<semaphore_mem>>) src(%dma_wait3A_435 : memref<8x50xi32, #tpu.memory_space<hbm>>) dst(%arg9 : memref<8x50xi32, #tpu.memory_space<vmem>>)
          tpu.yield
        }) : () -> ()
        %dma_start3A_339 = arith.constant 0 : i32
        %dma_start3A_340 = arith.constant 0 : i32
        %dma_start3A_341 = arith.constant 0 : i32
        %dma_start3A_342 = tpu.memref_slice %arg13[%dma_start3A_340, %dma_start3A_341] : memref<400x64xf32, #tpu.memory_space<vmem>> -> memref<50x64xf32, #tpu.memory_space<vmem>>
        %dma_start3A_343 = arith.constant 0 : i32
        %dma_start3A_344 = tpu.memref_slice %arg9[%dma_start3A_339, %dma_start3A_343] : memref<8x50xi32, #tpu.memory_space<vmem>> -> memref<1x50xi32, #tpu.memory_space<vmem>>
        %dma_start3A_345 = tpu.memref_squeeze %dma_start3A_344 : memref<1x50xi32, #tpu.memory_space<vmem>> -> memref<50xi32, #tpu.memory_space<vmem>>
        %dma_start3A_346 = arith.constant 0 : i32
        %dma_start3A_347 = arith.constant 0 : i32
        %dma_start3A_348 = tpu.memref_slice %arg2[%dma_start3A_346, %dma_start3A_347] : memref<1000000x64xf32, #tpu.memory_space<hbm>> -> memref<1000000x64xf32, #tpu.memory_space<hbm>>
        tpu.enqueue_indirect_dma source(%dma_start3A_348 : memref<1000000x64xf32, #tpu.memory_space<hbm>>) target(%dma_start3A_342 : memref<50x64xf32, #tpu.memory_space<vmem>>) offsets(%dma_start3A_345 : memref<50xi32, #tpu.memory_space<vmem>>) semaphore(%arg20 : memref<!tpu.dma_semaphore, #tpu.memory_space<semaphore_mem>>)
        %dma_start3A_349 = arith.constant 1 : i32
        %dma_start3A_350 = arith.constant 50 : i32
        %dma_start3A_351 = arith.constant 0 : i32
        %dma_start3A_352 = tpu.memref_slice %arg13[%dma_start3A_350, %dma_start3A_351] : memref<400x64xf32, #tpu.memory_space<vmem>> -> memref<50x64xf32, #tpu.memory_space<vmem>>
        %dma_start3A_353 = arith.constant 0 : i32
        %dma_start3A_354 = tpu.memref_slice %arg9[%dma_start3A_349, %dma_start3A_353] : memref<8x50xi32, #tpu.memory_space<vmem>> -> memref<1x50xi32, #tpu.memory_space<vmem>>
        %dma_start3A_355 = tpu.memref_squeeze %dma_start3A_354 : memref<1x50xi32, #tpu.memory_space<vmem>> -> memref<50xi32, #tpu.memory_space<vmem>>
        %dma_start3A_356 = arith.constant 0 : i32
        %dma_start3A_357 = arith.constant 0 : i32
        %dma_start3A_358 = tpu.memref_slice %arg2[%dma_start3A_356, %dma_start3A_357] : memref<1000000x64xf32, #tpu.memory_space<hbm>> -> memref<1000000x64xf32, #tpu.memory_space<hbm>>
        tpu.enqueue_indirect_dma source(%dma_start3A_358 : memref<1000000x64xf32, #tpu.memory_space<hbm>>) target(%dma_start3A_352 : memref<50x64xf32, #tpu.memory_space<vmem>>) offsets(%dma_start3A_355 : memref<50xi32, #tpu.memory_space<vmem>>) semaphore(%arg20 : memref<!tpu.dma_semaphore, #tpu.memory_space<semaphore_mem>>)
        %dma_start3A_359 = arith.constant 2 : i32
        %dma_start3A_360 = arith.constant 100 : i32
        %dma_start3A_361 = arith.constant 0 : i32
        %dma_start3A_362 = tpu.memref_slice %arg13[%dma_start3A_360, %dma_start3A_361] : memref<400x64xf32, #tpu.memory_space<vmem>> -> memref<50x64xf32, #tpu.memory_space<vmem>>
        %dma_start3A_363 = arith.constant 0 : i32
        %dma_start3A_364 = tpu.memref_slice %arg9[%dma_start3A_359, %dma_start3A_363] : memref<8x50xi32, #tpu.memory_space<vmem>> -> memref<1x50xi32, #tpu.memory_space<vmem>>
        %dma_start3A_365 = tpu.memref_squeeze %dma_start3A_364 : memref<1x50xi32, #tpu.memory_space<vmem>> -> memref<50xi32, #tpu.memory_space<vmem>>
        %dma_start3A_366 = arith.constant 0 : i32
        %dma_start3A_367 = arith.constant 0 : i32
        %dma_start3A_368 = tpu.memref_slice %arg2[%dma_start3A_366, %dma_start3A_367] : memref<1000000x64xf32, #tpu.memory_space<hbm>> -> memref<1000000x64xf32, #tpu.memory_space<hbm>>
        tpu.enqueue_indirect_dma source(%dma_start3A_368 : memref<1000000x64xf32, #tpu.memory_space<hbm>>) target(%dma_start3A_362 : memref<50x64xf32, #tpu.memory_space<vmem>>) offsets(%dma_start3A_365 : memref<50xi32, #tpu.memory_space<vmem>>) semaphore(%arg20 : memref<!tpu.dma_semaphore, #tpu.memory_space<semaphore_mem>>)
        %dma_start3A_369 = arith.constant 3 : i32
        %dma_start3A_370 = arith.constant 150 : i32
        %dma_start3A_371 = arith.constant 0 : i32
        %dma_start3A_372 = tpu.memref_slice %arg13[%dma_start3A_370, %dma_start3A_371] : memref<400x64xf32, #tpu.memory_space<vmem>> -> memref<50x64xf32, #tpu.memory_space<vmem>>
        %dma_start3A_373 = arith.constant 0 : i32
        %dma_start3A_374 = tpu.memref_slice %arg9[%dma_start3A_369, %dma_start3A_373] : memref<8x50xi32, #tpu.memory_space<vmem>> -> memref<1x50xi32, #tpu.memory_space<vmem>>
        %dma_start3A_375 = tpu.memref_squeeze %dma_start3A_374 : memref<1x50xi32, #tpu.memory_space<vmem>> -> memref<50xi32, #tpu.memory_space<vmem>>
        %dma_start3A_376 = arith.constant 0 : i32
        %dma_start3A_377 = arith.constant 0 : i32
        %dma_start3A_378 = tpu.memref_slice %arg2[%dma_start3A_376, %dma_start3A_377] : memref<1000000x64xf32, #tpu.memory_space<hbm>> -> memref<1000000x64xf32, #tpu.memory_space<hbm>>
        tpu.enqueue_indirect_dma source(%dma_start3A_378 : memref<1000000x64xf32, #tpu.memory_space<hbm>>) target(%dma_start3A_372 : memref<50x64xf32, #tpu.memory_space<vmem>>) offsets(%dma_start3A_375 : memref<50xi32, #tpu.memory_space<vmem>>) semaphore(%arg20 : memref<!tpu.dma_semaphore, #tpu.memory_space<semaphore_mem>>)
        %dma_start3A_379 = arith.constant 4 : i32
        %dma_start3A_380 = arith.constant 200 : i32
        %dma_start3A_381 = arith.constant 0 : i32
        %dma_start3A_382 = tpu.memref_slice %arg13[%dma_start3A_380, %dma_start3A_381] : memref<400x64xf32, #tpu.memory_space<vmem>> -> memref<50x64xf32, #tpu.memory_space<vmem>>
        %dma_start3A_383 = arith.constant 0 : i32
        %dma_start3A_384 = tpu.memref_slice %arg9[%dma_start3A_379, %dma_start3A_383] : memref<8x50xi32, #tpu.memory_space<vmem>> -> memref<1x50xi32, #tpu.memory_space<vmem>>
        %dma_start3A_385 = tpu.memref_squeeze %dma_start3A_384 : memref<1x50xi32, #tpu.memory_space<vmem>> -> memref<50xi32, #tpu.memory_space<vmem>>
        %dma_start3A_386 = arith.constant 0 : i32
        %dma_start3A_387 = arith.constant 0 : i32
        %dma_start3A_388 = tpu.memref_slice %arg2[%dma_start3A_386, %dma_start3A_387] : memref<1000000x64xf32, #tpu.memory_space<hbm>> -> memref<1000000x64xf32, #tpu.memory_space<hbm>>
        tpu.enqueue_indirect_dma source(%dma_start3A_388 : memref<1000000x64xf32, #tpu.memory_space<hbm>>) target(%dma_start3A_382 : memref<50x64xf32, #tpu.memory_space<vmem>>) offsets(%dma_start3A_385 : memref<50xi32, #tpu.memory_space<vmem>>) semaphore(%arg20 : memref<!tpu.dma_semaphore, #tpu.memory_space<semaphore_mem>>)
        %dma_start3A_389 = arith.constant 5 : i32
        %dma_start3A_390 = arith.constant 250 : i32
        %dma_start3A_391 = arith.constant 0 : i32
        %dma_start3A_392 = tpu.memref_slice %arg13[%dma_start3A_390, %dma_start3A_391] : memref<400x64xf32, #tpu.memory_space<vmem>> -> memref<50x64xf32, #tpu.memory_space<vmem>>
        %dma_start3A_393 = arith.constant 0 : i32
        %dma_start3A_394 = tpu.memref_slice %arg9[%dma_start3A_389, %dma_start3A_393] : memref<8x50xi32, #tpu.memory_space<vmem>> -> memref<1x50xi32, #tpu.memory_space<vmem>>
        %dma_start3A_395 = tpu.memref_squeeze %dma_start3A_394 : memref<1x50xi32, #tpu.memory_space<vmem>> -> memref<50xi32, #tpu.memory_space<vmem>>
        %dma_start3A_396 = arith.constant 0 : i32
        %dma_start3A_397 = arith.constant 0 : i32
        %dma_start3A_398 = tpu.memref_slice %arg2[%dma_start3A_396, %dma_start3A_397] : memref<1000000x64xf32, #tpu.memory_space<hbm>> -> memref<1000000x64xf32, #tpu.memory_space<hbm>>
        tpu.enqueue_indirect_dma source(%dma_start3A_398 : memref<1000000x64xf32, #tpu.memory_space<hbm>>) target(%dma_start3A_392 : memref<50x64xf32, #tpu.memory_space<vmem>>) offsets(%dma_start3A_395 : memref<50xi32, #tpu.memory_space<vmem>>) semaphore(%arg20 : memref<!tpu.dma_semaphore, #tpu.memory_space<semaphore_mem>>)
        %dma_start3A_399 = arith.constant 6 : i32
        %dma_start3A_400 = arith.constant 300 : i32
        %dma_start3A_401 = arith.constant 0 : i32
        %dma_start3A_402 = tpu.memref_slice %arg13[%dma_start3A_400, %dma_start3A_401] : memref<400x64xf32, #tpu.memory_space<vmem>> -> memref<50x64xf32, #tpu.memory_space<vmem>>
        %dma_start3A_403 = arith.constant 0 : i32
        %dma_start3A_404 = tpu.memref_slice %arg9[%dma_start3A_399, %dma_start3A_403] : memref<8x50xi32, #tpu.memory_space<vmem>> -> memref<1x50xi32, #tpu.memory_space<vmem>>
        %dma_start3A_405 = tpu.memref_squeeze %dma_start3A_404 : memref<1x50xi32, #tpu.memory_space<vmem>> -> memref<50xi32, #tpu.memory_space<vmem>>
        %dma_start3A_406 = arith.constant 0 : i32
        %dma_start3A_407 = arith.constant 0 : i32
        %dma_start3A_408 = tpu.memref_slice %arg2[%dma_start3A_406, %dma_start3A_407] : memref<1000000x64xf32, #tpu.memory_space<hbm>> -> memref<1000000x64xf32, #tpu.memory_space<hbm>>
        tpu.enqueue_indirect_dma source(%dma_start3A_408 : memref<1000000x64xf32, #tpu.memory_space<hbm>>) target(%dma_start3A_402 : memref<50x64xf32, #tpu.memory_space<vmem>>) offsets(%dma_start3A_405 : memref<50xi32, #tpu.memory_space<vmem>>) semaphore(%arg20 : memref<!tpu.dma_semaphore, #tpu.memory_space<semaphore_mem>>)
        %dma_start3A_409 = arith.constant 7 : i32
        %dma_start3A_410 = arith.constant 350 : i32
        %dma_start3A_411 = arith.constant 0 : i32
        %dma_start3A_412 = tpu.memref_slice %arg13[%dma_start3A_410, %dma_start3A_411] : memref<400x64xf32, #tpu.memory_space<vmem>> -> memref<50x64xf32, #tpu.memory_space<vmem>>
        %dma_start3A_413 = arith.constant 0 : i32
        %dma_start3A_414 = tpu.memref_slice %arg9[%dma_start3A_409, %dma_start3A_413] : memref<8x50xi32, #tpu.memory_space<vmem>> -> memref<1x50xi32, #tpu.memory_space<vmem>>
        %dma_start3A_415 = tpu.memref_squeeze %dma_start3A_414 : memref<1x50xi32, #tpu.memory_space<vmem>> -> memref<50xi32, #tpu.memory_space<vmem>>
        %dma_start3A_416 = arith.constant 0 : i32
        %dma_start3A_417 = arith.constant 0 : i32
        %dma_start3A_418 = tpu.memref_slice %arg2[%dma_start3A_416, %dma_start3A_417] : memref<1000000x64xf32, #tpu.memory_space<hbm>> -> memref<1000000x64xf32, #tpu.memory_space<hbm>>
        tpu.enqueue_indirect_dma source(%dma_start3A_418 : memref<1000000x64xf32, #tpu.memory_space<hbm>>) target(%dma_start3A_412 : memref<50x64xf32, #tpu.memory_space<vmem>>) offsets(%dma_start3A_415 : memref<50xi32, #tpu.memory_space<vmem>>) semaphore(%arg20 : memref<!tpu.dma_semaphore, #tpu.memory_space<semaphore_mem>>)
      } else {
      }
    }
    %scan3A_182 = arith.constant 16 : i32
    %dma_wait3A_183 = arith.constant 0 : i32
    %dma_wait3A_184 = arith.constant 0 : i32
    %dma_wait3A_185 = tpu.memref_slice %arg7[%dma_wait3A_183, %dma_wait3A_184] : memref<819200x64xf32, #tpu.memory_space<hbm>> -> memref<400x64xf32, #tpu.memory_space<hbm>>
    %dma_wait3A_186 = arith.constant 0 : i32
    %dma_wait3A_187 = arith.constant 0 : i32
    %dma_wait3A_188 = tpu.memref_slice %arg7[%dma_wait3A_186, %dma_wait3A_187] : memref<819200x64xf32, #tpu.memory_space<hbm>> -> memref<400x64xf32, #tpu.memory_space<hbm>>
    tpu.wait_dma2 semaphore(%arg23 : memref<!tpu.dma_semaphore, #tpu.memory_space<semaphore_mem>>) src(%dma_wait3A_188 : memref<400x64xf32, #tpu.memory_space<hbm>>) dst(%arg12 : memref<400x64xf32, #tpu.memory_space<vmem>>)
    %dma_wait3A_189 = arith.constant 0 : i32
    %dma_wait3A_190 = arith.constant 0 : i32
    %dma_wait3A_191 = tpu.memref_slice %arg7[%dma_wait3A_189, %dma_wait3A_190] : memref<819200x64xf32, #tpu.memory_space<hbm>> -> memref<400x64xf32, #tpu.memory_space<hbm>>
    %dma_wait3A_192 = arith.constant 0 : i32
    %dma_wait3A_193 = arith.constant 0 : i32
    %dma_wait3A_194 = tpu.memref_slice %arg7[%dma_wait3A_192, %dma_wait3A_193] : memref<819200x64xf32, #tpu.memory_space<hbm>> -> memref<400x64xf32, #tpu.memory_space<hbm>>
    tpu.wait_dma2 semaphore(%arg24 : memref<!tpu.dma_semaphore, #tpu.memory_space<semaphore_mem>>) src(%dma_wait3A_194 : memref<400x64xf32, #tpu.memory_space<hbm>>) dst(%arg13 : memref<400x64xf32, #tpu.memory_space<vmem>>)
    %dma_wait3A_195 = arith.constant 0 : i32
    %dma_wait3A_196 = arith.constant 0 : i32
    %dma_wait3A_197 = tpu.memref_slice %arg7[%dma_wait3A_195, %dma_wait3A_196] : memref<819200x64xf32, #tpu.memory_space<hbm>> -> memref<400x64xf32, #tpu.memory_space<hbm>>
    %dma_wait3A_198 = arith.constant 0 : i32
    %dma_wait3A_199 = arith.constant 0 : i32
    %dma_wait3A_200 = tpu.memref_slice %arg7[%dma_wait3A_198, %dma_wait3A_199] : memref<819200x64xf32, #tpu.memory_space<hbm>> -> memref<400x64xf32, #tpu.memory_space<hbm>>
    tpu.wait_dma2 semaphore(%arg25 : memref<!tpu.dma_semaphore, #tpu.memory_space<semaphore_mem>>) src(%dma_wait3A_200 : memref<400x64xf32, #tpu.memory_space<hbm>>) dst(%arg14 : memref<400x64xf32, #tpu.memory_space<vmem>>)
    %dma_wait3A_201 = arith.constant 0 : i32
    %dma_wait3A_202 = arith.constant 0 : i32
    %dma_wait3A_203 = tpu.memref_slice %arg7[%dma_wait3A_201, %dma_wait3A_202] : memref<819200x64xf32, #tpu.memory_space<hbm>> -> memref<400x64xf32, #tpu.memory_space<hbm>>
    %dma_wait3A_204 = arith.constant 0 : i32
    %dma_wait3A_205 = arith.constant 0 : i32
    %dma_wait3A_206 = tpu.memref_slice %arg7[%dma_wait3A_204, %dma_wait3A_205] : memref<819200x64xf32, #tpu.memory_space<hbm>> -> memref<400x64xf32, #tpu.memory_space<hbm>>
    tpu.wait_dma2 semaphore(%arg26 : memref<!tpu.dma_semaphore, #tpu.memory_space<semaphore_mem>>) src(%dma_wait3A_206 : memref<400x64xf32, #tpu.memory_space<hbm>>) dst(%arg15 : memref<400x64xf32, #tpu.memory_space<vmem>>)
    return
  }
}

</mosaic_0001>

<sc_bundles>
// kernel: kernel.3.cloned.1.call-start
scs
__scs_entry_jumppad:
0x0: {  	(pc) =	sbr.rel $0x88, $3  }
0x1: {  	(tag) =	ssettag $0x0;
	lr =	simm.s32 $0x1  }
0x2: {  	[smem:$0x3F9C] =	sst lr;
	_ =	strace $0xD0000000  }
0x3: {  	_ = 	snop  }
0x4: {  	_ = 	snop  }
0x5: {  	_ = 	snop  }
0x6: {  	_ = 	snop  }
0x7: {  	_ = 	snop  }
__scs_overlays_trampoline_lowered:
0x8: {  	[smem:$0x3FAB] =	sst s0  }
0x9: {  	[smem:$0x3FAC] =	sst s1  }
0xa: {  	[smem:$0x3FAD] =	sst s2  }
0xb: {  	[smem:$0x3FAE] =	sst s3  }
0xc: {  	[smem:$0x3FAF] =	sst s4  }
0xd: {  	[smem:$0x3FB0] =	sst s5  }
0xe: {  	[smem:$0x3FB1] =	sst s6  }
0xf: {  	[smem:$0x3FB2] =	sst s7  }
0x10: {  	[smem:$0x3FB3] =	sst s8  }
0x11: {  	[smem:$0x3FB4] =	sst s9;
	s0 =	simm.s32 @!p0 $0x0  }
0x12: {  	s1 =	sld [smem:$0x3F9A];
	s0 =	simm.s32 @p0 $0x1  }
0x13: {  	[smem:$0x3FB5] =	sst s0;
	s0 =	simm.s32 @!p1 $0x0  }
0x14: {  	s2 =	sld [smem:$0x3F99];
	s0 =	simm.s32 @p1 $0x1  }
0x15: {  	[smem:$0x3FB6] =	sst s0;
	s0 =	simm.s32 @!p2 $0x0  }
0x16: {  	s3 =	sld [smem:$0x3FDB];
	s0 =	simm.s32 @p2 $0x1  }
0x17: {  	s4 =	simm.s32 $0x1BF5;
	[smem:$0x3FB8] =	sst s0  }
0x18: {  	s0 =	sld [smem:$0x3F9B];
	_ =	swait.ge [sflag:s4], $0x0  }
0x19: {  	s7 =	sld [smem:$0x3F9C]  }
0x1a: {  	s8 =	sadd.s32 $0xFFFFE003, lr  }
0x1b: {  	s9 =	sadd.s32 $0xFFFFFEF7, lr;
	s5 =	simm.s32 $0xFFFFFFFF;
	p2 =	slt.u32 s8, $0xFFFFF086  }
0x1c: {  	p1 =	slt.u32 s9, $0xF7A;
	s5 =	simm.s32 @!p2 $0x0  }
0x1d: {  	s5 =	simm.s32 @p1 $0x1;
	p0 =	seq.s32 s7, s2  }
0x1e: {  	s7 =	smul.u32 @!p0 $0xF7A, s2;
	p2 =	seq.s32 @!p0 s5, $0x0  }
0x1f: {  	s9 =	smul.u32 $0xF7A, s1;
	s8 =	simm.s32 @!p0 $0x1BF5;
	p2 =	por !p2, p0  }
0x20: {  	[sflag:s8] =	ssyncset.s32 @!p0 $0xFFFFF086;
	s6 =	sadd.s32 @!p0 s3, s7;
	s7 =	simm.s32 @!p0 $0x108  }
0x21: {  	s3 =	sadd.s32 s3, s9;
	s6 =	sadd.s32 @!p0 $0x88, s6;
	s7 =	simm.s32 @p2 $0x1082  }
0x22: {  	[simem:s7], [sflag:s8] =	dma.local @!p0 [hbm:s6], $0xF7A  }
0x23: {  	s9 =	sor.u32 $0xD0000000, s2;
	s6 =	simm.s32 $0x108;
	_ =	swait.ge @!p0 [sflag:s8], $0x0  }
0x24: {  	s3 =	sadd.s32 $0x88, s3;
	s6 =	simm.s32 @!p1 $0x1082;
	[sflag:s4] =	ssyncset.s32 $0xFFFFF086  }
0x25: {  	[simem:s6], [sflag:s4] =	dma.local [hbm:s3], $0xF7A  }
0x26: {  	[smem:$0x3F9C] =	sst s1;
	(tag) =	ssettag s2;
	_ =	strace s9  }
0x27: {  	s1 =	sld [smem:$0x3FAC]  }
0x28: {  	s2 =	sld [smem:$0x3FAD]  }
0x29: {  	s4 =	sld [smem:$0x3FAF]  }
0x2a: {  	p0 =	seq.s32 s5, $0x0;
	s5 =	sld [smem:$0x3FB0]  }
0x2b: {  	s6 =	sld [smem:$0x3FB1]  }
0x2c: {  	s7 =	sld [smem:$0x3FB2]  }
0x2d: {  	s3 =	simm.s32 $0x108;
	s8 =	sld [smem:$0x3FB3]  }
0x2e: {  	s3 =	simm.s32 @!p0 $0x1082;
	s9 =	sld [smem:$0x3FB4]  }
0x2f: {  	lr =	sadd.s32 s0, s3;
	s0 =	sld [smem:$0x3FAB]  }
0x30: {  	s3 =	sld [smem:$0x3FAE]  }
0x31: {  	[smem:$0x3FB7] =	sst s10  }
0x32: {  	s10 =	sld [smem:$0x3FB5];
	_ =	sdelay $0x3  }
0x33: {  	p0 =	seq.s32 s10, $0x1;
	s10 =	sld [smem:$0x3FB7];
	_ =	sdelay $0x3  }
0x34: {  	[smem:$0x3FB7] =	sst s10  }
0x35: {  	s10 =	sld [smem:$0x3FB6];
	_ =	sdelay $0x3  }
0x36: {  	p1 =	seq.s32 s10, $0x1;
	s10 =	sld [smem:$0x3FB7];
	_ =	sdelay $0x3  }
0x37: {  	[smem:$0x3FB7] =	sst s10  }
0x38: {  	s10 =	sld [smem:$0x3FB8]  }
0x39: {  	_ = 	snop;
	(pc) =	sbr.ind lr, $3  }
0x3a: {  	_ = 	snop  }
0x3b: {  	_ = 	snop  }
0x3c: {  	p2 =	seq.s32 s10, $0x1;
	s10 =	sld [smem:$0x3FB7]  }
0x3d: {  	_ =	shalt  }
0x3e: {  	_ =	shalt  }
0x3f: {  	_ =	shalt  }
0x40: {  	_ =	shalt  }
0x41: {  	_ =	shalt  }
0x42: {  	_ =	shalt  }
0x43: {  	_ =	shalt  }
0x44: {  	_ =	shalt  }
0x45: {  	_ =	shalt  }
0x46: {  	_ =	shalt  }
0x47: {  	_ =	shalt  }
0x48: {  	_ =	shalt  }
0x49: {  	_ =	shalt  }
0x4a: {  	_ =	shalt  }
0x4b: {  	_ =	shalt  }
0x4c: {  	_ =	shalt  }
0x4d: {  	_ =	shalt  }
0x4e: {  	_ =	shalt  }
0x4f: {  	_ =	shalt  }
0x50: {  	_ =	shalt  }
0x51: {  	_ =	shalt  }
0x52: {  	_ =	shalt  }
0x53: {  	_ =	shalt  }
0x54: {  	_ =	shalt  }
0x55: {  	_ =	shalt  }
0x56: {  	_ =	shalt  }
0x57: {  	_ =	shalt  }
0x58: {  	_ =	shalt  }
0x59: {  	_ =	shalt  }
0x5a: {  	_ =	shalt  }
0x5b: {  	_ =	shalt  }
0x5c: {  	_ =	shalt  }
0x5d: {  	_ =	shalt  }
0x5e: {  	_ =	shalt  }
0x5f: {  	_ =	shalt  }
0x60: {  	_ =	shalt  }
0x61: {  	_ =	shalt  }
0x62: {  	_ =	shalt  }
0x63: {  	_ =	shalt  }
0x64: {  	_ =	shalt  }
0x65: {  	_ =	shalt  }
0x66: {  	_ =	shalt  }
0x67: {  	_ =	shalt  }
0x68: {  	_ =	shalt  }
0x69: {  	_ =	shalt  }
0x6a: {  	_ =	shalt  }
0x6b: {  	_ =	shalt  }
0x6c: {  	_ =	shalt  }
0x6d: {  	_ =	shalt  }
0x6e: {  	_ =	shalt  }
0x6f: {  	_ =	shalt  }
0x70: {  	_ =	shalt  }
0x71: {  	_ =	shalt  }
0x72: {  	_ =	shalt  }
0x73: {  	_ =	shalt  }
0x74: {  	_ =	shalt  }
0x75: {  	_ =	shalt  }
0x76: {  	_ =	shalt  }
0x77: {  	_ =	shalt  }
0x78: {  	_ =	shalt  }
0x79: {  	_ =	shalt  }
0x7a: {  	_ =	shalt  }
0x7b: {  	_ =	shalt  }
0x7c: {  	_ =	shalt  }
0x7d: {  	_ =	shalt  }
0x7e: {  	_ =	shalt  }
0x7f: {  	_ =	shalt  }
0x80: {  	_ =	shalt  }
0x81: {  	_ =	shalt  }
0x82: {  	_ =	shalt  }
0x83: {  	_ =	shalt  }
0x84: {  	_ =	shalt  }
0x85: {  	_ =	shalt  }
0x86: {  	_ =	shalt  }
0x87: {  	_ =	shalt  }
.Lfunc_end0:
.L_simem_size_0:
called_computation.1_lowered:
.L_overlay_start_0:
0x88: {  	s2 =	sld [smem:$0x3FD9]  }
0x89: {  	s3 =	sld [smem:$0x3FFE];
	_ =	sdelay $0x1  }
0x8a: {  	s1 =	srdreg.scid  }
0x8b: {  	s0 =	sand.u32 $0x1, s1  }
0x8c: {  	s17 =	sshll.u32 s0, $0xA;
	s2 =	sadd.s32 s3, s2  }
0x8d: {  	s2 =	sadd.s32 s2, s17  }
0x8e: {  	[smem:$0x3FC3] =	sst s2  }
0x8f: {  	_ = 	snop  }
0x90: {  	s2 =	sld [smem:$0x3FD0];
	(tm) =	ssettm $0x1  }
0x91: {  	s18 =	sld [smem:$0x3FFB];
	_ =	sdelay $0x3  }
0x92: {  	_ =	strace s18  }
0x93: {  	s3 =	sld [smem:$0x3FFC];
	_ =	sdelay $0x3  }
0x94: {  	_ =	strace s3  }
0x95: {  	s3 =	sld [smem:$0x3FFD];
	_ =	sdelay $0x3  }
0x96: {  	_ =	strace s3  }
0x97: {  	_ =	strace $0x8FFFFFFF  }
0x98: {  	s19 =	sld [smem:$0x3FDB];
	_ =	sdelay $0x1  }
0x99: {  	s4 =	simm.s32 $_scs_section_size  }
0x9a: {  	s5 =	simm.s32 $_size__tile_overlayer_lowered;
	s6 =	simm.s32 $_tile_overlayer_lowered  }
0x9b: {  	s22 =	simm.s32 $0x1BFF;
	s21 =	sshll.u32 s6, $0x1;
	s3 =	sadd.s32 s4, s19  }
0x9c: {  	s7 =	simm.s32 $0x0;
	s20 =	sshll.u32 s5, $0x1;
	s5 =	sadd.s32 s21, s3  }
0x9d: {  	[timem:s7], [sflag:s22] =	dma.local [hbm:s5], s20  }
0x9e: {  	_ =	swait.ge [sflag:s22], s20  }
0x9f: {  	s4 =	ssub.s32 $0x0, s20;
	[sflag:s22] =	ssyncset.done $0x0  }
0xa0: {  	[sflag:s22] =	ssyncadd.s32 s4;
	_ =	sdelay $0x1  }
0xa1: {  	s23 =	simm.s32 $0x1B8B  }
0xa2: {  	_ =	swait.ge [sflag:s23], $0x1  }
0xa3: {  	[sflag:s23] =	ssyncset.done $0x0  }
0xa4: {  	s25 =	simm.s32 $0x1B8E;
	s24 =	sld [smem:$0x3FFE];
	[sflag:s23] =	ssyncadd.s32 $0xFFFFFFFF  }
0xa5: {  	s26 =	simm.s32 $execute0_lowered;
	[smem:$0x3FD2] =	sst s25  }
0xa6: {  	s5 =	sshll.u32 s26, $0x1;
	_ =	strace $0x80000046;
	[dreg:$0x1] =	wrdreg $0xFFFFFFFF  }
0xa7: {  	s28 =	simm.s32 $_size_execute0_lowered;
	s3 =	sadd.s32 s3, s5;
	[dreg:$0x0] =	wrdreg $0x0  }
0xa8: {  	s5 =	sshll.u32 s28, $0x1;
	[dreg:$0x2] =	wrdreg s3  }
0xa9: {  	[dreg:$0x3] =	wrdreg s5  }
0xaa: {  	[dreg:$0x4] =	wrdreg $0xC0  }
0xab: {  	_ =	task [dreg:s7], $0x5FFFF  }
0xac: {  	[dreg:$0x1] =	wrdreg $0xFFFFFFFF  }
0xad: {  	[dreg:$0x0] =	wrdreg $0x60  }
0xae: {  	[dreg:$0x2] =	wrdreg s24  }
0xaf: {  	[dreg:$0x3] =	wrdreg s2  }
0xb0: {  	[dreg:$0x4] =	wrdreg $0x9  }
0xb1: {  	_ =	task.clear_ibuf [dreg:s7], $0x5FFFF;
	_ =	strace $0x90000046  }
0xb2: {  	s29 =	simm.s32 $0x9;
	_ =	strace $0x80000048  }
0xb3: {  	_ =	swait.ge [sflag:s29], $0x1  }
0xb4: {  	[sflag:s29] =	ssyncadd.s32 $0xFFFFFFFF  }
0xb5: {  	_ =	strace $0x90000048  }
0xb6: {  	_ =	sfence  }
0xb7: {  	s30 =	sld [smem:$0x0];
	_ =	sdelay $0x2  }
0xb8: {  	s31 =	sshll.u32 s1, $0xD;
	s1 =	sshrl.u32 s1, $0x2  }
0xb9: {  	s3 =	sand.u32 $0x4000, s31;
	s1 =	sadd.s32 s1, s30  }
0xba: {  	s0 =	sor.u32 s3, s0;
	s1 =	sshll.u32 s1, $0x11  }
0xbb: {  	s0 =	sor.u32 s1, s0  }
0xbc: {  	s0 =	sadd.s32 $0x8F2B, s0  }
0xbd: {  	[sflag:s0] =	ssyncadd.remote.s32 $0x1  }
0xbe: {  	_ =	sfence.sel $0xFFFF  }
0xbf: {  	[dreg:$0x0] =	wrdreg $0xFFFFFFFF;
	(pc) =	sbr.abs _section_cstart, $3  }
0xc0: {  	[dreg:$0x1] =	wrdreg $0xFFFFFFFF  }
0xc1: {  	_ =	task.clear_ibuf [dreg:s7], $0x2FFFF;
	_ =	strace $0x9FFFFFFF  }
0xc2: {  	(tm) =	ssettm $0x7FFFFFFF  }
0xc3: {  	_ =	shalt  }
tec
execute0_lowered:
.L_overlay_start_1:
0x0: {  	(tag) =	ssettag $0x1  }
0x1: {  	s0 =	rddreg [dreg:$0x0]  }
0x2: {  	s2 =	rddreg [dreg:$0x1];
	s3 =	simm.s32 $0x0  }
0x3: {  	s1 =	srdreg.scid;
	s4 =	stileid.u32;
	s17 =	simm.s32 $0xA  }
0x4: {  	s22 =	simm.s32 $0x32;
	s28 =	simm.s32 $0x1C0;
	s29 =	simm.s32 $0x6B00  }
0x5: {  	s15 =	simm.s32 $0x1;
	s10 =	simm.s32 $0x380;
	s16 =	simm.s32 $0xCF00  }
0x6: {  	s11 =	simm.s32 $0x2;
	s21 =	simm.s32 $0x540;
	s30 =	simm.s32 $0x13300  }
0x7: {  	s31 =	simm.s32 $0x18A80;
	s19 =	simm.s32 $0x6;
	[smem:$0x7FF] =	sst s3  }
0x8: {  	s1 =	sand.u32 $0x1, s1;
	s4 =	sshll.u32 s4, $0x1;
	s6 =	sadd.s32 $0x1000, s0  }
0x9: {  	s8 =	sadd.s32 $0x1D400, s0;
	s23 =	sadd.s32 $0x1D000, s0;
	_ =	strace $0x80000047  }
0xa: {  	s7 =	sor.u32 s1, s4;
	s4 =	sadd.s32 $0xF43400, s0;
	[dreg:$0x3] =	wrdreg s8  }
0xb: {  	s1 =	ssub.s32 $0x2, s1;
	[dreg:$0x4] =	wrdreg s23;
	s0 =	sadd.s32 $0x1D200, s0  }
0xc: {  	s8 =	simm.s32 $0x17E00;
	s23 =	simm.s32 $0x0;
	s5 =	smul.u32 $0x7000, s7  }
0xd: {  	s24 =	sshrl.u32 s1, $0x1;
	[dreg:$0x5] =	wrdreg s0;
	s12 =	sshll.u32 s7, $0x6  }
.Ltmp0:
0xe: {  	s7 =	simm.s32 $0x690;
	s25 =	ssub.s32 s1, s24;
	(pc) =	sbr.rel .LBB2_1-.Ltmp0, $4  }
0xf: {  	s9 =	sshrl.u32 s5, $0x3;
	s13 =	sor.u32 $0x700, s5;
	s0 =	smax.u32 s25, $0x1  }
0x10: {  	s14 =	sor.u32 $0x8C0, s5;
	s26 =	sadd.s32 s6, s9;
	[dreg:$0x8] =	wrdreg s0  }
0x11: {  	s9 =	simm.s32 $0x6C8;
	[dreg:$0x6] =	wrdreg s26;
	s1 =	sadd.s32 $0x38, s26  }
0x12: {  	s0 =	simm.s32 $0x3;
	[dreg:$0x7] =	wrdreg s1;
	s1 =	simm.s32 $0x4  }
.LBB2_14:
0x13: {  	s18 =	simm.s32 $0x5  }
0x14: {  	_ =	swait.ge [sflag:s18], $0x6400  }
0x15: {  	[sflag:s18] =	ssyncset.done $0x0  }
0x16: {  	[sflag:s18] =	ssyncadd.s32 $0xFFFF9C00  }
0x17: {  	_ =	swait.ge [sflag:s19], $0x6400  }
0x18: {  	[sflag:s19] =	ssyncset.done $0x0  }
0x19: {  	s25 =	simm.s32 $0x7;
	[sflag:s19] =	ssyncadd.s32 $0xFFFF9C00  }
0x1a: {  	_ =	swait.ge [sflag:s25], $0x6400  }
0x1b: {  	[sflag:s25] =	ssyncset.done $0x0  }
0x1c: {  	s20 =	simm.s32 $0x8;
	[sflag:s25] =	ssyncadd.s32 $0xFFFF9C00  }
0x1d: {  	_ =	swait.ge [sflag:s20], $0x6400  }
0x1e: {  	s23 =	rddreg [dreg:$0x9]  }
0x1f: {  	s26 =	rddreg [dreg:$0x8];
	s23 =	sadd.s32 $0x1, s23  }
0x20: {  	p0 =	sne.s32 s23, s26  }
.Ltmp1:
0x21: {  	_ = 	snop;
	(pc) =	sbr.rel @!p0 .LBB2_15-.Ltmp1, $3  }
0x22: {  	_ =	sdelay $0x1  }
0x23: {  	[sflag:s20] =	ssyncset.done $0x0  }
0x24: {  	[sflag:s20] =	ssyncadd.s32 $0xFFFF9C00  }
.LBB2_1:
0x25: {  	[dreg:$0x9] =	wrdreg s23  }
0x26: {  	s18 =	rddreg [dreg:$0x3];
	s20 =	simm.s32 $0x19700  }
0x27: {  	[tilespmem:s20], [sflag:$0xA] =	stream.linear.gather [hbm4b:s18+s3], $0x40, $0x38;
	[tilespmem:$0x1B740] =	vst v63  }
0x28: {  	_ =	swait.ge [sflag:s17], $0x40  }
0x29: {  	s26 =	simm.s32 $0x40;
	[sflag:s17] =	ssyncset.done $0x0  }
0x2a: {  	s24 =	simm.s32 $0x19740;
	s25 =	rddreg [dreg:$0x4];
	[sflag:s17] =	ssyncadd.s32 $0xFFFFFFC0  }
0x2b: {  	[tilespmem:s24], [sflag:$0x9] =	stream.indirect.gather [hbm4b:s25+s26], $0x40, s20, s26, $0xb8;
	[tilespmem:$0x1B740] =	vst v63  }
0x2c: {  	s24 =	rddreg [dreg:$0x5];
	s25 =	simm.s32 $0x1A740  }
0x2d: {  	[tilespmem:s25], [sflag:$0x9] =	stream.indirect.gather [hbm4b:s24+s26], $0x40, s20, s26, $0xb8;
	[tilespmem:$0x1B740] =	vst v63  }
0x2e: {  	s26 =	simm.s32 $0x9  }
0x2f: {  	_ =	swait.ge [sflag:s26], $0x1000  }
0x30: {  	[sflag:s26] =	ssyncset.done $0x0  }
0x31: {  	[sflag:s26] =	ssyncadd.s32 $0xFFFFF000  }
0x32: {  	_ =	swait.ge [sflag:s26], $0x1000  }
0x33: {  	[sflag:s26] =	ssyncset.done $0x0  }
0x34: {  	s20 =	simm.s32 $0x0;
	[sflag:s26] =	ssyncadd.s32 $0xFFFFF000  }
0x35: {  	v5 =	vld [tilespmem:s20+$0x1A740]  }
0x36: {  	v6 =	vld [tilespmem:s20+$0x1A750]  }
0x37: {  	v1 =	vld [tilespmem:s20+$0x1A760]  }
0x38: {  	v0 =	vld [tilespmem:s20+$0x1A770]  }
0x39: {  	v2 =	vld [tilespmem:s20+$0x19740]  }
0x3a: {  	v4 =	vld [tilespmem:s20+$0x19750]  }
0x3b: {  	s23 =	simm.s32 $0x100;
	v3 =	vld [tilespmem:s20+$0x19760]  }
.LBB2_2:
0x3c: {  	s24 =	sshra.s32 s23, $0x2;
	p0 =	sne.s32 s23, $0x3100;
	v7 =	vld [tilespmem:s20+$0x19770];
	v8 =	vmov v1  }
0x3d: {  	v9 =	vld [tilespmem:s24+$0x1A740];
	v10 =	vmov v0  }
0x3e: {  	v11 =	vld [tilespmem:s24+$0x1A750];
	v2 =	vadd.f32 v5, v2  }
.Ltmp2:
0x3f: {  	v1 =	vld [tilespmem:s24+$0x1A760];
	v4 =	vadd.f32 v6, v4;
	(pc) =	sbr.rel @p0 .LBB2_2-.Ltmp2, $4  }
0x40: {  	v0 =	vld [tilespmem:s24+$0x1A770];
	[tilespmem:s20+$0x19740] =	vst v2;
	v3 =	vadd.f32 v8, v3  }
0x41: {  	v2 =	vld [tilespmem:s24+$0x19740];
	[tilespmem:s20+$0x19750] =	vst v4;
	v7 =	vadd.f32 v10, v7  }
0x42: {  	v4 =	vld [tilespmem:s24+$0x19750];
	[tilespmem:s20+$0x19760] =	vst v3;
	v5 =	vmov v9  }
0x43: {  	s23 =	sadd.s32 $0x100, s23;
	v3 =	vld [tilespmem:s24+$0x19760];
	[tilespmem:s20+$0x19770] =	vst v7;
	v6 =	vmov v11;
	s20 =	smov.u32 s24  }
0x44: {  	v7 =	vld [tilespmem:s20+$0x19770];
	_ =	sdelay $0x1  }
0x45: {  	v2 =	vadd.f32 v5, v2  }
0x46: {  	v4 =	vadd.f32 v6, v4  }
0x47: {  	[tilespmem:s20+$0x19740] =	vst v2;
	v1 =	vadd.f32 v1, v3  }
0x48: {  	[tilespmem:s20+$0x19750] =	vst v4;
	v0 =	vadd.f32 v0, v7  }
0x49: {  	[tilespmem:s20+$0x19760] =	vst v1  }
0x4a: {  	s18 =	rddreg [dreg:$0x6];
	[tilespmem:s20+$0x19770] =	vst v0;
	s20 =	simm.s32 $0x0  }
0x4b: {  	[tilespmem:s20], [sflag:$0xA] =	stream.linear.gather [hbm4b:s18+s20], $0x1C0, $0x38;
	[tilespmem:$0x1B740] =	vst v63  }
0x4c: {  	_ =	swait.ge [sflag:s17], $0x1C0  }
0x4d: {  	[sflag:s17] =	ssyncset.done $0x0  }
0x4e: {  	s25 =	simm.s32 $0x700;
	[sflag:s17] =	ssyncadd.s32 $0xFFFFFE40  }
0x4f: {  	[tilespmem:s25], [sflag:$0x1] =	stream.indirect.gather [hbm4b:s4+s22], $0x40, s20, s22, $0xb8;
	[tilespmem:$0x1B740] =	vst v63  }
0x50: {  	s26 =	simm.s32 $0x38;
	s23 =	simm.s32 $0x1380  }
0x51: {  	[tilespmem:s23], [sflag:$0x1] =	stream.indirect.gather [hbm4b:s4+s22], $0x40, s26, s22, $0xb8;
	[tilespmem:$0x1B740] =	vst v63  }
0x52: {  	s24 =	simm.s32 $0x2000;
	s23 =	simm.s32 $0x70  }
0x53: {  	[tilespmem:s24], [sflag:$0x1] =	stream.indirect.gather [hbm4b:s4+s22], $0x40, s23, s22, $0xb8;
	[tilespmem:$0x1B740] =	vst v63  }
0x54: {  	s25 =	simm.s32 $0xA8;
	s26 =	simm.s32 $0x2C80  }
0x55: {  	[tilespmem:s26], [sflag:$0x1] =	stream.indirect.gather [hbm4b:s4+s22], $0x40, s25, s22, $0xb8;
	[tilespmem:$0x1B740] =	vst v63  }
0x56: {  	s23 =	simm.s32 $0xE0;
	s24 =	simm.s32 $0x3900  }
0x57: {  	[tilespmem:s24], [sflag:$0x1] =	stream.indirect.gather [hbm4b:s4+s22], $0x40, s23, s22, $0xb8;
	[tilespmem:$0x1B740] =	vst v63  }
0x58: {  	s25 =	simm.s32 $0x118;
	s26 =	simm.s32 $0x4580  }
0x59: {  	[tilespmem:s26], [sflag:$0x1] =	stream.indirect.gather [hbm4b:s4+s22], $0x40, s25, s22, $0xb8;
	[tilespmem:$0x1B740] =	vst v63  }
0x5a: {  	s23 =	simm.s32 $0x150;
	s24 =	simm.s32 $0x5200  }
0x5b: {  	[tilespmem:s24], [sflag:$0x1] =	stream.indirect.gather [hbm4b:s4+s22], $0x40, s23, s22, $0xb8;
	[tilespmem:$0x1B740] =	vst v63  }
0x5c: {  	s25 =	simm.s32 $0x188;
	s26 =	simm.s32 $0x5E80  }
0x5d: {  	[tilespmem:s26], [sflag:$0x1] =	stream.indirect.gather [hbm4b:s4+s22], $0x40, s25, s22, $0xb8;
	[tilespmem:$0x1B740] =	vst v63  }
0x5e: {  	s24 =	rddreg [dreg:$0x7]  }
0x5f: {  	[tilespmem:s28], [sflag:$0xA] =	stream.linear.gather [hbm4b:s24+s20], $0x1C0, $0x38;
	[tilespmem:$0x1B740] =	vst v63  }
0x60: {  	_ =	swait.ge [sflag:s17], $0x1C0  }
0x61: {  	[sflag:s17] =	ssyncset.done $0x0  }
0x62: {  	[sflag:s17] =	ssyncadd.s32 $0xFFFFFE40  }
0x63: {  	[tilespmem:s29], [sflag:$0x2] =	stream.indirect.gather [hbm4b:s4+s22], $0x40, s28, s22, $0xb8;
	[tilespmem:$0x1B740] =	vst v63  }
0x64: {  	s25 =	simm.s32 $0x1F8;
	s26 =	simm.s32 $0x7780  }
0x65: {  	[tilespmem:s26], [sflag:$0x2] =	stream.indirect.gather [hbm4b:s4+s22], $0x40, s25, s22, $0xb8;
	[tilespmem:$0x1B740] =	vst v63  }
0x66: {  	s23 =	simm.s32 $0x230;
	s24 =	simm.s32 $0x8400  }
0x67: {  	[tilespmem:s24], [sflag:$0x2] =	stream.indirect.gather [hbm4b:s4+s22], $0x40, s23, s22, $0xb8;
	[tilespmem:$0x1B740] =	vst v63  }
0x68: {  	s25 =	simm.s32 $0x268;
	s26 =	simm.s32 $0x9080  }
0x69: {  	[tilespmem:s26], [sflag:$0x2] =	stream.indirect.gather [hbm4b:s4+s22], $0x40, s25, s22, $0xb8;
	[tilespmem:$0x1B740] =	vst v63  }
0x6a: {  	s23 =	simm.s32 $0x2A0;
	s24 =	simm.s32 $0x9D00  }
0x6b: {  	[tilespmem:s24], [sflag:$0x2] =	stream.indirect.gather [hbm4b:s4+s22], $0x40, s23, s22, $0xb8;
	[tilespmem:$0x1B740] =	vst v63  }
0x6c: {  	s25 =	simm.s32 $0x2D8;
	s26 =	simm.s32 $0xA980  }
0x6d: {  	[tilespmem:s26], [sflag:$0x2] =	stream.indirect.gather [hbm4b:s4+s22], $0x40, s25, s22, $0xb8;
	[tilespmem:$0x1B740] =	vst v63  }
0x6e: {  	s23 =	simm.s32 $0x310;
	s24 =	simm.s32 $0xB600  }
0x6f: {  	[tilespmem:s24], [sflag:$0x2] =	stream.indirect.gather [hbm4b:s4+s22], $0x40, s23, s22, $0xb8;
	[tilespmem:$0x1B740] =	vst v63  }
0x70: {  	s25 =	simm.s32 $0x348;
	s26 =	simm.s32 $0xC280  }
0x71: {  	[tilespmem:s26], [sflag:$0x2] =	stream.indirect.gather [hbm4b:s4+s22], $0x40, s25, s22, $0xb8;
	[tilespmem:$0x1B740] =	vst v63  }
.LBB2_4:
0x72: {  	_ =	swait.ge [sflag:s15], $0x6400  }
0x73: {  	[sflag:s15] =	ssyncset.done $0x0  }
0x74: {  	s24 =	simm.s32 $0x0;
	[sflag:s15] =	ssyncadd.s32 $0xFFFF9C00  }
0x75: {  	v1 =	vld [tilespmem:s24+$0x19740]  }
0x76: {  	v2 =	vld [tilespmem:s24+$0x19750]  }
0x77: {  	v4 =	vld [tilespmem:s24+$0x19760]  }
0x78: {  	v0 =	vld [tilespmem:s24+$0x19770]  }
0x79: {  	v3 =	vld [tilespmem:s24+$0x700]  }
0x7a: {  	v5 =	vld [tilespmem:s24+$0x1380]  }
0x7b: {  	v6 =	vld [tilespmem:s24+$0x2000]  }
0x7c: {  	v7 =	vld [tilespmem:s24+$0x2C80]  }
0x7d: {  	v8 =	vld [tilespmem:s24+$0x3900]  }
0x7e: {  	v9 =	vld [tilespmem:s24+$0x4580];
	v3 =	vadd.f32 v3, v1  }
0x7f: {  	v10 =	vld [tilespmem:s24+$0x5200];
	v5 =	vadd.f32 v5, v1  }
0x80: {  	v6 =	vadd.f32 v6, v1;
	[tilespmem:s24+$0x700] =	vst v3;
	v3 =	vld [tilespmem:s24+$0x5E80]  }
0x81: {  	v7 =	vadd.f32 v7, v1;
	[tilespmem:s24+$0x1380] =	vst v5;
	v5 =	vld [tilespmem:s24+$0x710]  }
0x82: {  	v8 =	vadd.f32 v8, v1;
	[tilespmem:s24+$0x2000] =	vst v6;
	v6 =	vld [tilespmem:s24+$0x1390]  }
0x83: {  	v9 =	vadd.f32 v9, v1;
	[tilespmem:s24+$0x2C80] =	vst v7;
	v7 =	vld [tilespmem:s24+$0x2010]  }
0x84: {  	v10 =	vadd.f32 v10, v1;
	[tilespmem:s24+$0x3900] =	vst v8;
	v8 =	vld [tilespmem:s24+$0x2C90]  }
0x85: {  	v61 =	vld [tilespmem:s24+$0x3910];
	[tilespmem:s24+$0x4580] =	vst v9;
	v1 =	vadd.f32 v3, v1  }
0x86: {  	[tilespmem:s24+$0x5200] =	vst v10;
	v3 =	vld [tilespmem:s24+$0x4590];
	v5 =	vadd.f32 v5, v2  }
0x87: {  	v6 =	vadd.f32 v6, v2;
	[tilespmem:s24+$0x5E80] =	vst v1;
	v1 =	vld [tilespmem:s24+$0x5210]  }
0x88: {  	v7 =	vadd.f32 v7, v2;
	[tilespmem:s24+$0x710] =	vst v5;
	v5 =	vld [tilespmem:s24+$0x5E90]  }
0x89: {  	v8 =	vadd.f32 v8, v2;
	[tilespmem:s24+$0x1390] =	vst v6;
	v6 =	vld [tilespmem:s24+$0x720]  }
0x8a: {  	v9 =	vadd.f32 v61, v2;
	[tilespmem:s24+$0x2010] =	vst v7;
	v7 =	vld [tilespmem:s24+$0x13A0]  }
0x8b: {  	[tilespmem:s24+$0x2C90] =	vst v8;
	v8 =	vld [tilespmem:s24+$0x2020];
	v3 =	vadd.f32 v3, v2  }
0x8c: {  	v62 =	vld [tilespmem:s24+$0x2CA0];
	[tilespmem:s24+$0x3910] =	vst v9;
	v1 =	vadd.f32 v1, v2  }
0x8d: {  	[tilespmem:s24+$0x4590] =	vst v3;
	v3 =	vld [tilespmem:s24+$0x3920];
	v2 =	vadd.f32 v5, v2  }
0x8e: {  	v5 =	vadd.f32 v6, v4;
	v6 =	vld [tilespmem:s24+$0x5220];
	[tilespmem:s24+$0x5210] =	vst v1  }
0x8f: {  	v1 =	vld [tilespmem:s24+$0x45A0];
	[tilespmem:s24+$0x5E90] =	vst v2;
	v2 =	vadd.f32 v7, v4  }
0x90: {  	[tilespmem:s24+$0x720] =	vst v5;
	v5 =	vld [tilespmem:s24+$0x5EA0];
	v7 =	vadd.f32 v8, v4  }
0x91: {  	v8 =	vld [tilespmem:s24+$0x730];
	[tilespmem:s24+$0x13A0] =	vst v2;
	v2 =	vadd.f32 v62, v4  }
0x92: {  	v63 =	vld [tilespmem:s24+$0x13B0];
	[tilespmem:s24+$0x2020] =	vst v7;
	v3 =	vadd.f32 v3, v4  }
0x93: {  	v6 =	vadd.f32 v6, v4;
	[tilespmem:s24+$0x2CA0] =	vst v2;
	v2 =	vld [tilespmem:s24+$0x2030]  }
0x94: {  	v7 =	vadd.f32 v1, v4;
	[tilespmem:s24+$0x3920] =	vst v3;
	v1 =	vld [tilespmem:s24+$0x2CB0]  }
0x95: {  	v3 =	vld [tilespmem:s24+$0x3930];
	v5 =	vadd.f32 v5, v4;
	[tilespmem:s24+$0x5220] =	vst v6  }
0x96: {  	v4 =	vld [tilespmem:s24+$0x45B0];
	[tilespmem:s24+$0x45A0] =	vst v7;
	v7 =	vadd.f32 v8, v0  }
0x97: {  	s23 =	simm.s32 $0x100;
	v6 =	vadd.f32 v63, v0;
	[tilespmem:s24+$0x5EA0] =	vst v5;
	v5 =	vld [tilespmem:s24+$0x5230]  }
.LBB2_5:
0x98: {  	s25 =	sshra.s32 s23, $0x2;
	p0 =	sne.s32 s23, $0x3100;
	[tilespmem:s24+$0x730] =	vst v7;
	v2 =	vadd.f32 v2, v0;
	v7 =	vld [tilespmem:s24+$0x5EB0]  }
0x99: {  	v8 =	vld [tilespmem:s25+$0x19740];
	[tilespmem:s24+$0x13B0] =	vst v6;
	v1 =	vadd.f32 v1, v0  }
0x9a: {  	v6 =	vld [tilespmem:s25+$0x19750];
	[tilespmem:s24+$0x2030] =	vst v2;
	v2 =	vadd.f32 v3, v0  }
0x9b: {  	v3 =	vld [tilespmem:s25+$0x19760];
	[tilespmem:s24+$0x2CB0] =	vst v1;
	v1 =	vadd.f32 v4, v0  }
0x9c: {  	v4 =	vld [tilespmem:s25+$0x19770];
	[tilespmem:s24+$0x3930] =	vst v2;
	v2 =	vadd.f32 v5, v0  }
0x9d: {  	v5 =	vld [tilespmem:s25+$0x700];
	[tilespmem:s24+$0x45B0] =	vst v1;
	v0 =	vadd.f32 v7, v0  }
0x9e: {  	v1 =	vld [tilespmem:s25+$0x1380];
	[tilespmem:s24+$0x5230] =	vst v2  }
0x9f: {  	v2 =	vld [tilespmem:s25+$0x2000];
	[tilespmem:s24+$0x5EB0] =	vst v0;
	s24 =	smov.u32 s25  }
0xa0: {  	v7 =	vld [tilespmem:s24+$0x2C80]  }
0xa1: {  	v9 =	vld [tilespmem:s24+$0x3900];
	v0 =	vmov v4  }
0xa2: {  	v4 =	vadd.f32 v5, v8;
	v5 =	vld [tilespmem:s24+$0x4580]  }
0xa3: {  	v1 =	vadd.f32 v1, v8;
	v10 =	vld [tilespmem:s24+$0x5200]  }
0xa4: {  	[tilespmem:s24+$0x700] =	vst v4;
	v2 =	vadd.f32 v2, v8;
	v4 =	vld [tilespmem:s24+$0x5E80]  }
0xa5: {  	[tilespmem:s24+$0x1380] =	vst v1;
	v1 =	vadd.f32 v7, v8;
	v7 =	vld [tilespmem:s24+$0x710]  }
0xa6: {  	[tilespmem:s24+$0x2000] =	vst v2;
	v2 =	vadd.f32 v9, v8;
	v9 =	vld [tilespmem:s24+$0x1390]  }
0xa7: {  	[tilespmem:s24+$0x2C80] =	vst v1;
	v1 =	vadd.f32 v5, v8;
	v5 =	vld [tilespmem:s24+$0x2010]  }
0xa8: {  	[tilespmem:s24+$0x3900] =	vst v2;
	v2 =	vadd.f32 v10, v8;
	v10 =	vld [tilespmem:s24+$0x2C90]  }
0xa9: {  	[tilespmem:s24+$0x4580] =	vst v1;
	v1 =	vadd.f32 v4, v8;
	v4 =	vld [tilespmem:s24+$0x3910]  }
0xaa: {  	[tilespmem:s24+$0x5200] =	vst v2;
	v2 =	vadd.f32 v7, v6;
	v7 =	vld [tilespmem:s24+$0x4590]  }
0xab: {  	[tilespmem:s24+$0x5E80] =	vst v1;
	v1 =	vadd.f32 v9, v6;
	v8 =	vld [tilespmem:s24+$0x5210]  }
0xac: {  	[tilespmem:s24+$0x710] =	vst v2;
	v2 =	vadd.f32 v5, v6;
	v5 =	vld [tilespmem:s24+$0x5E90]  }
0xad: {  	[tilespmem:s24+$0x1390] =	vst v1;
	v1 =	vadd.f32 v10, v6;
	v9 =	vld [tilespmem:s24+$0x720]  }
0xae: {  	[tilespmem:s24+$0x2010] =	vst v2;
	v2 =	vadd.f32 v4, v6;
	v4 =	vld [tilespmem:s24+$0x13A0]  }
0xaf: {  	[tilespmem:s24+$0x2C90] =	vst v1;
	v1 =	vadd.f32 v7, v6;
	v7 =	vld [tilespmem:s24+$0x2020]  }
0xb0: {  	[tilespmem:s24+$0x3910] =	vst v2;
	v2 =	vadd.f32 v8, v6;
	v8 =	vld [tilespmem:s24+$0x2CA0]  }
0xb1: {  	[tilespmem:s24+$0x4590] =	vst v1;
	v1 =	vadd.f32 v5, v6;
	v5 =	vld [tilespmem:s24+$0x3920]  }
0xb2: {  	[tilespmem:s24+$0x5210] =	vst v2;
	v2 =	vadd.f32 v9, v3;
	v6 =	vld [tilespmem:s24+$0x45A0]  }
0xb3: {  	[tilespmem:s24+$0x5E90] =	vst v1;
	v1 =	vadd.f32 v4, v3;
	v4 =	vld [tilespmem:s24+$0x5220]  }
0xb4: {  	[tilespmem:s24+$0x720] =	vst v2;
	v2 =	vadd.f32 v7, v3;
	v7 =	vld [tilespmem:s24+$0x5EA0]  }
0xb5: {  	[tilespmem:s24+$0x13A0] =	vst v1;
	v1 =	vadd.f32 v8, v3;
	v8 =	vld [tilespmem:s24+$0x730]  }
0xb6: {  	[tilespmem:s24+$0x2020] =	vst v2;
	v5 =	vadd.f32 v5, v3;
	v9 =	vld [tilespmem:s24+$0x13B0]  }
.Ltmp3:
0xb7: {  	[tilespmem:s24+$0x2CA0] =	vst v1;
	v6 =	vadd.f32 v6, v3;
	v2 =	vld [tilespmem:s24+$0x2030];
	(pc) =	sbr.rel @p0 .LBB2_5-.Ltmp3, $4  }
0xb8: {  	[tilespmem:s24+$0x3920] =	vst v5;
	v4 =	vadd.f32 v4, v3;
	v1 =	vld [tilespmem:s24+$0x2CB0]  }
0xb9: {  	[tilespmem:s24+$0x45A0] =	vst v6;
	v5 =	vadd.f32 v7, v3;
	v3 =	vld [tilespmem:s24+$0x3930]  }
0xba: {  	[tilespmem:s24+$0x5220] =	vst v4;
	v7 =	vadd.f32 v8, v0;
	v4 =	vld [tilespmem:s24+$0x45B0]  }
0xbb: {  	s23 =	sadd.s32 $0x100, s23;
	[tilespmem:s24+$0x5EA0] =	vst v5;
	v6 =	vadd.f32 v9, v0;
	v5 =	vld [tilespmem:s24+$0x5230]  }
0xbc: {  	[tilespmem:s24+$0x730] =	vst v7;
	v2 =	vadd.f32 v2, v0;
	v7 =	vld [tilespmem:s24+$0x5EB0]  }
0xbd: {  	[tilespmem:s24+$0x13B0] =	vst v6;
	v1 =	vadd.f32 v1, v0  }
0xbe: {  	[tilespmem:s24+$0x2030] =	vst v2;
	v2 =	vadd.f32 v3, v0  }
0xbf: {  	s23 =	sshll.u32 s20, $0x2;
	[tilespmem:s24+$0x2CB0] =	vst v1;
	v1 =	vadd.f32 v4, v0  }
0xc0: {  	s25 =	sadd.s32 s12, s23;
	[tilespmem:s24+$0x3930] =	vst v2;
	v2 =	vadd.f32 v5, v0  }
0xc1: {  	s25 =	smul.u32 $0xC80, s25;
	[tilespmem:s24+$0x45B0] =	vst v1;
	v0 =	vadd.f32 v7, v0  }
0xc2: {  	[tilespmem:s24+$0x5230] =	vst v2  }
0xc3: {  	s18 =	simm.s32 $0x700;
	s26 =	sadd.s32 s2, s25;
	[tilespmem:s24+$0x5EB0] =	vst v0;
	s24 =	sor.u32 $0x2, s23  }
0xc4: {  	[hbm4b:s26+s3] =	stream.linear.scatter [tilespmem:s18], [sflag:$0x5], $0x6400, $0x38;
	[tilespmem:$0x1B740] =	vst v63  }
0xc5: {  	p0 =	seq.s32 s20, $0x0;
	s18 =	smul.u32 $0x1C0, s24  }
0xc6: {  	s26 =	simm.s32 @!p0 $0x7  }
0xc7: {  	_ =	swait.ge @!p0 [sflag:s26], $0x6400;
	s25 =	sadd.s32 s5, s18  }
0xc8: {  	[sflag:s26] =	ssyncset.done @!p0 $0x0;
	s25 =	sshrl.u32 s25, $0x3  }
0xc9: {  	s18 =	simm.s32 $0x0;
	[sflag:s26] =	ssyncadd.s32 @!p0 $0xFFFF9C00;
	s25 =	sadd.s32 s6, s25  }
0xca: {  	[tilespmem:s10], [sflag:$0xA] =	stream.linear.gather [hbm4b:s25+s18], $0x1C0, $0x38;
	[tilespmem:$0x1B740] =	vst v63  }
0xcb: {  	_ =	swait.ge [sflag:s17], $0x1C0  }
0xcc: {  	[sflag:s17] =	ssyncset.done $0x0  }
0xcd: {  	[sflag:s17] =	ssyncadd.s32 $0xFFFFFE40  }
0xce: {  	[tilespmem:s16], [sflag:$0x3] =	stream.indirect.gather [hbm4b:s4+s22], $0x40, s10, s22, $0xb8;
	[tilespmem:$0x1B740] =	vst v63  }
0xcf: {  	s26 =	simm.s32 $0xDB80;
	s25 =	simm.s32 $0x3B8  }
0xd0: {  	[tilespmem:s26], [sflag:$0x3] =	stream.indirect.gather [hbm4b:s4+s22], $0x40, s25, s22, $0xb8;
	[tilespmem:$0x1B740] =	vst v63  }
0xd1: {  	s25 =	simm.s32 $0x3F0;
	s26 =	simm.s32 $0xE800  }
0xd2: {  	[tilespmem:s26], [sflag:$0x3] =	stream.indirect.gather [hbm4b:s4+s22], $0x40, s25, s22, $0xb8;
	[tilespmem:$0x1B740] =	vst v63  }
0xd3: {  	s25 =	simm.s32 $0x428;
	s26 =	simm.s32 $0xF480  }
0xd4: {  	[tilespmem:s26], [sflag:$0x3] =	stream.indirect.gather [hbm4b:s4+s22], $0x40, s25, s22, $0xb8;
	[tilespmem:$0x1B740] =	vst v63  }
0xd5: {  	s25 =	simm.s32 $0x460;
	s26 =	simm.s32 $0x10100  }
0xd6: {  	[tilespmem:s26], [sflag:$0x3] =	stream.indirect.gather [hbm4b:s4+s22], $0x40, s25, s22, $0xb8;
	[tilespmem:$0x1B740] =	vst v63  }
0xd7: {  	s25 =	simm.s32 $0x498;
	s26 =	simm.s32 $0x10D80  }
0xd8: {  	[tilespmem:s26], [sflag:$0x3] =	stream.indirect.gather [hbm4b:s4+s22], $0x40, s25, s22, $0xb8;
	[tilespmem:$0x1B740] =	vst v63  }
0xd9: {  	s25 =	simm.s32 $0x4D0;
	s26 =	simm.s32 $0x11A00  }
0xda: {  	[tilespmem:s26], [sflag:$0x3] =	stream.indirect.gather [hbm4b:s4+s22], $0x40, s25, s22, $0xb8;
	[tilespmem:$0x1B740] =	vst v63  }
0xdb: {  	s25 =	simm.s32 $0x508;
	s26 =	simm.s32 $0x12680  }
0xdc: {  	[tilespmem:s26], [sflag:$0x3] =	stream.indirect.gather [hbm4b:s4+s22], $0x40, s25, s22, $0xb8;
	[tilespmem:$0x1B740] =	vst v63  }
0xdd: {  	_ =	swait.ge [sflag:s11], $0x6400  }
0xde: {  	[sflag:s11] =	ssyncset.done $0x0  }
0xdf: {  	s25 =	simm.s32 $0x0;
	[sflag:s11] =	ssyncadd.s32 $0xFFFF9C00  }
0xe0: {  	v1 =	vld [tilespmem:s25+$0x19740]  }
0xe1: {  	v2 =	vld [tilespmem:s25+$0x19750]  }
0xe2: {  	v4 =	vld [tilespmem:s25+$0x19760]  }
0xe3: {  	v0 =	vld [tilespmem:s25+$0x19770]  }
0xe4: {  	v3 =	vld [tilespmem:s25+$0x6B00]  }
0xe5: {  	v5 =	vld [tilespmem:s25+$0x7780]  }
0xe6: {  	v6 =	vld [tilespmem:s25+$0x8400]  }
0xe7: {  	v7 =	vld [tilespmem:s25+$0x9080]  }
0xe8: {  	v8 =	vld [tilespmem:s25+$0x9D00]  }
0xe9: {  	v9 =	vld [tilespmem:s25+$0xA980];
	v3 =	vadd.f32 v3, v1  }
0xea: {  	v10 =	vld [tilespmem:s25+$0xB600];
	v5 =	vadd.f32 v5, v1  }
0xeb: {  	v6 =	vadd.f32 v6, v1;
	[tilespmem:s25+$0x6B00] =	vst v3;
	v3 =	vld [tilespmem:s25+$0xC280]  }
0xec: {  	v7 =	vadd.f32 v7, v1;
	[tilespmem:s25+$0x7780] =	vst v5;
	v5 =	vld [tilespmem:s25+$0x6B10]  }
0xed: {  	v8 =	vadd.f32 v8, v1;
	[tilespmem:s25+$0x8400] =	vst v6;
	v6 =	vld [tilespmem:s25+$0x7790]  }
0xee: {  	v9 =	vadd.f32 v9, v1;
	[tilespmem:s25+$0x9080] =	vst v7;
	v7 =	vld [tilespmem:s25+$0x8410]  }
0xef: {  	v10 =	vadd.f32 v10, v1;
	[tilespmem:s25+$0x9D00] =	vst v8;
	v8 =	vld [tilespmem:s25+$0x9090]  }
0xf0: {  	v61 =	vld [tilespmem:s25+$0x9D10];
	[tilespmem:s25+$0xA980] =	vst v9;
	v1 =	vadd.f32 v3, v1  }
0xf1: {  	[tilespmem:s25+$0xB600] =	vst v10;
	v3 =	vld [tilespmem:s25+$0xA990];
	v5 =	vadd.f32 v5, v2  }
0xf2: {  	v6 =	vadd.f32 v6, v2;
	[tilespmem:s25+$0xC280] =	vst v1;
	v1 =	vld [tilespmem:s25+$0xB610]  }
0xf3: {  	v7 =	vadd.f32 v7, v2;
	[tilespmem:s25+$0x6B10] =	vst v5;
	v5 =	vld [tilespmem:s25+$0xC290]  }
0xf4: {  	v8 =	vadd.f32 v8, v2;
	[tilespmem:s25+$0x7790] =	vst v6;
	v6 =	vld [tilespmem:s25+$0x6B20]  }
0xf5: {  	v9 =	vadd.f32 v61, v2;
	[tilespmem:s25+$0x8410] =	vst v7;
	v7 =	vld [tilespmem:s25+$0x77A0]  }
0xf6: {  	[tilespmem:s25+$0x9090] =	vst v8;
	v8 =	vld [tilespmem:s25+$0x8420];
	v3 =	vadd.f32 v3, v2  }
0xf7: {  	v62 =	vld [tilespmem:s25+$0x90A0];
	[tilespmem:s25+$0x9D10] =	vst v9;
	v1 =	vadd.f32 v1, v2  }
0xf8: {  	[tilespmem:s25+$0xA990] =	vst v3;
	v3 =	vld [tilespmem:s25+$0x9D20];
	v2 =	vadd.f32 v5, v2  }
0xf9: {  	v5 =	vadd.f32 v6, v4;
	v6 =	vld [tilespmem:s25+$0xB620];
	[tilespmem:s25+$0xB610] =	vst v1  }
0xfa: {  	v1 =	vld [tilespmem:s25+$0xA9A0];
	[tilespmem:s25+$0xC290] =	vst v2;
	v2 =	vadd.f32 v7, v4  }
0xfb: {  	[tilespmem:s25+$0x6B20] =	vst v5;
	v5 =	vld [tilespmem:s25+$0xC2A0];
	v7 =	vadd.f32 v8, v4  }
0xfc: {  	v8 =	vld [tilespmem:s25+$0x6B30];
	[tilespmem:s25+$0x77A0] =	vst v2;
	v2 =	vadd.f32 v62, v4  }
0xfd: {  	v63 =	vld [tilespmem:s25+$0x77B0];
	[tilespmem:s25+$0x8420] =	vst v7;
	v3 =	vadd.f32 v3, v4  }
0xfe: {  	v6 =	vadd.f32 v6, v4;
	[tilespmem:s25+$0x90A0] =	vst v2;
	v2 =	vld [tilespmem:s25+$0x8430]  }
0xff: {  	v7 =	vadd.f32 v1, v4;
	[tilespmem:s25+$0x9D20] =	vst v3;
	v1 =	vld [tilespmem:s25+$0x90B0]  }
0x100: {  	v3 =	vld [tilespmem:s25+$0x9D30];
	v5 =	vadd.f32 v5, v4;
	[tilespmem:s25+$0xB620] =	vst v6  }
0x101: {  	v4 =	vld [tilespmem:s25+$0xA9B0];
	[tilespmem:s25+$0xA9A0] =	vst v7;
	v7 =	vadd.f32 v8, v0  }
0x102: {  	s26 =	simm.s32 $0x100;
	v6 =	vadd.f32 v63, v0;
	[tilespmem:s25+$0xC2A0] =	vst v5;
	v5 =	vld [tilespmem:s25+$0xB630]  }
.LBB2_7:
0x103: {  	s18 =	sshra.s32 s26, $0x2;
	p1 =	sne.s32 s26, $0x3100;
	[tilespmem:s25+$0x6B30] =	vst v7;
	v2 =	vadd.f32 v2, v0;
	v7 =	vld [tilespmem:s25+$0xC2B0]  }
0x104: {  	v8 =	vld [tilespmem:s18+$0x19740];
	[tilespmem:s25+$0x77B0] =	vst v6;
	v1 =	vadd.f32 v1, v0  }
0x105: {  	v6 =	vld [tilespmem:s18+$0x19750];
	[tilespmem:s25+$0x8430] =	vst v2;
	v2 =	vadd.f32 v3, v0  }
0x106: {  	v3 =	vld [tilespmem:s18+$0x19760];
	[tilespmem:s25+$0x90B0] =	vst v1;
	v1 =	vadd.f32 v4, v0  }
0x107: {  	v4 =	vld [tilespmem:s18+$0x19770];
	[tilespmem:s25+$0x9D30] =	vst v2;
	v2 =	vadd.f32 v5, v0  }
0x108: {  	v5 =	vld [tilespmem:s18+$0x6B00];
	[tilespmem:s25+$0xA9B0] =	vst v1;
	v0 =	vadd.f32 v7, v0  }
0x109: {  	v1 =	vld [tilespmem:s18+$0x7780];
	[tilespmem:s25+$0xB630] =	vst v2  }
0x10a: {  	v2 =	vld [tilespmem:s18+$0x8400];
	[tilespmem:s25+$0xC2B0] =	vst v0;
	s25 =	smov.u32 s18  }
0x10b: {  	v7 =	vld [tilespmem:s25+$0x9080]  }
0x10c: {  	v9 =	vld [tilespmem:s25+$0x9D00];
	v0 =	vmov v4  }
0x10d: {  	v4 =	vadd.f32 v5, v8;
	v5 =	vld [tilespmem:s25+$0xA980]  }
0x10e: {  	v1 =	vadd.f32 v1, v8;
	v10 =	vld [tilespmem:s25+$0xB600]  }
0x10f: {  	[tilespmem:s25+$0x6B00] =	vst v4;
	v2 =	vadd.f32 v2, v8;
	v4 =	vld [tilespmem:s25+$0xC280]  }
0x110: {  	[tilespmem:s25+$0x7780] =	vst v1;
	v1 =	vadd.f32 v7, v8;
	v7 =	vld [tilespmem:s25+$0x6B10]  }
0x111: {  	[tilespmem:s25+$0x8400] =	vst v2;
	v2 =	vadd.f32 v9, v8;
	v9 =	vld [tilespmem:s25+$0x7790]  }
0x112: {  	[tilespmem:s25+$0x9080] =	vst v1;
	v1 =	vadd.f32 v5, v8;
	v5 =	vld [tilespmem:s25+$0x8410]  }
0x113: {  	[tilespmem:s25+$0x9D00] =	vst v2;
	v2 =	vadd.f32 v10, v8;
	v10 =	vld [tilespmem:s25+$0x9090]  }
0x114: {  	[tilespmem:s25+$0xA980] =	vst v1;
	v1 =	vadd.f32 v4, v8;
	v4 =	vld [tilespmem:s25+$0x9D10]  }
0x115: {  	[tilespmem:s25+$0xB600] =	vst v2;
	v2 =	vadd.f32 v7, v6;
	v7 =	vld [tilespmem:s25+$0xA990]  }
0x116: {  	[tilespmem:s25+$0xC280] =	vst v1;
	v1 =	vadd.f32 v9, v6;
	v8 =	vld [tilespmem:s25+$0xB610]  }
0x117: {  	[tilespmem:s25+$0x6B10] =	vst v2;
	v2 =	vadd.f32 v5, v6;
	v5 =	vld [tilespmem:s25+$0xC290]  }
0x118: {  	[tilespmem:s25+$0x7790] =	vst v1;
	v1 =	vadd.f32 v10, v6;
	v9 =	vld [tilespmem:s25+$0x6B20]  }
0x119: {  	[tilespmem:s25+$0x8410] =	vst v2;
	v2 =	vadd.f32 v4, v6;
	v4 =	vld [tilespmem:s25+$0x77A0]  }
0x11a: {  	[tilespmem:s25+$0x9090] =	vst v1;
	v1 =	vadd.f32 v7, v6;
	v7 =	vld [tilespmem:s25+$0x8420]  }
0x11b: {  	[tilespmem:s25+$0x9D10] =	vst v2;
	v2 =	vadd.f32 v8, v6;
	v8 =	vld [tilespmem:s25+$0x90A0]  }
0x11c: {  	[tilespmem:s25+$0xA990] =	vst v1;
	v1 =	vadd.f32 v5, v6;
	v5 =	vld [tilespmem:s25+$0x9D20]  }
0x11d: {  	[tilespmem:s25+$0xB610] =	vst v2;
	v2 =	vadd.f32 v9, v3;
	v6 =	vld [tilespmem:s25+$0xA9A0]  }
0x11e: {  	[tilespmem:s25+$0xC290] =	vst v1;
	v1 =	vadd.f32 v4, v3;
	v4 =	vld [tilespmem:s25+$0xB620]  }
0x11f: {  	[tilespmem:s25+$0x6B20] =	vst v2;
	v2 =	vadd.f32 v7, v3;
	v7 =	vld [tilespmem:s25+$0xC2A0]  }
0x120: {  	[tilespmem:s25+$0x77A0] =	vst v1;
	v1 =	vadd.f32 v8, v3;
	v8 =	vld [tilespmem:s25+$0x6B30]  }
0x121: {  	[tilespmem:s25+$0x8420] =	vst v2;
	v5 =	vadd.f32 v5, v3;
	v9 =	vld [tilespmem:s25+$0x77B0]  }
.Ltmp4:
0x122: {  	[tilespmem:s25+$0x90A0] =	vst v1;
	v6 =	vadd.f32 v6, v3;
	v2 =	vld [tilespmem:s25+$0x8430];
	(pc) =	sbr.rel @p1 .LBB2_7-.Ltmp4, $4  }
0x123: {  	[tilespmem:s25+$0x9D20] =	vst v5;
	v4 =	vadd.f32 v4, v3;
	v1 =	vld [tilespmem:s25+$0x90B0]  }
0x124: {  	[tilespmem:s25+$0xA9A0] =	vst v6;
	v5 =	vadd.f32 v7, v3;
	v3 =	vld [tilespmem:s25+$0x9D30]  }
0x125: {  	[tilespmem:s25+$0xB620] =	vst v4;
	v7 =	vadd.f32 v8, v0;
	v4 =	vld [tilespmem:s25+$0xA9B0]  }
0x126: {  	s26 =	sadd.s32 $0x100, s26;
	[tilespmem:s25+$0xC2A0] =	vst v5;
	v6 =	vadd.f32 v9, v0;
	v5 =	vld [tilespmem:s25+$0xB630]  }
0x127: {  	[tilespmem:s25+$0x6B30] =	vst v7;
	v2 =	vadd.f32 v2, v0;
	v7 =	vld [tilespmem:s25+$0xC2B0]  }
0x128: {  	[tilespmem:s25+$0x77B0] =	vst v6;
	v1 =	vadd.f32 v1, v0  }
0x129: {  	[tilespmem:s25+$0x8430] =	vst v2;
	v2 =	vadd.f32 v3, v0  }
0x12a: {  	s18 =	sadd.s32 s23, s12;
	[tilespmem:s25+$0x90B0] =	vst v1;
	v1 =	vadd.f32 v4, v0  }
0x12b: {  	s18 =	smul.u32 $0xC80, s18;
	[tilespmem:s25+$0x9D30] =	vst v2;
	v2 =	vadd.f32 v5, v0  }
0x12c: {  	[tilespmem:s25+$0xA9B0] =	vst v1;
	v0 =	vadd.f32 v7, v0  }
0x12d: {  	s23 =	sor.u32 $0x3, s23;
	s18 =	sadd.s32 s2, s18;
	[tilespmem:s25+$0xB630] =	vst v2  }
0x12e: {  	s26 =	smul.u32 $0x1C0, s23;
	s18 =	sadd.s32 $0xC80, s18;
	[tilespmem:s25+$0xC2B0] =	vst v0;
	s25 =	simm.s32 @!p0 $0x8  }
0x12f: {  	[hbm4b:s18+s3] =	stream.linear.scatter [tilespmem:s29], [sflag:$0x6], $0x6400, $0x38;
	[tilespmem:$0x1B740] =	vst v63  }
0x130: {  	s18 =	sadd.s32 s5, s26;
	_ =	swait.ge @!p0 [sflag:s25], $0x6400  }
0x131: {  	s18 =	sshrl.u32 s18, $0x3;
	[sflag:s25] =	ssyncset.done @!p0 $0x0  }
0x132: {  	s26 =	simm.s32 $0x0;
	s18 =	sadd.s32 s6, s18;
	[sflag:s25] =	ssyncadd.s32 @!p0 $0xFFFF9C00  }
0x133: {  	[tilespmem:s21], [sflag:$0xA] =	stream.linear.gather [hbm4b:s18+s26], $0x1C0, $0x38;
	[tilespmem:$0x1B740] =	vst v63  }
0x134: {  	_ =	swait.ge [sflag:s17], $0x1C0  }
0x135: {  	[sflag:s17] =	ssyncset.done $0x0  }
0x136: {  	[sflag:s17] =	ssyncadd.s32 $0xFFFFFE40  }
0x137: {  	[tilespmem:s30], [sflag:$0x4] =	stream.indirect.gather [hbm4b:s4+s22], $0x40, s21, s22, $0xb8;
	[tilespmem:$0x1B740] =	vst v63  }
0x138: {  	s25 =	simm.s32 $0x578;
	s26 =	simm.s32 $0x13F80  }
0x139: {  	[tilespmem:s26], [sflag:$0x4] =	stream.indirect.gather [hbm4b:s4+s22], $0x40, s25, s22, $0xb8;
	[tilespmem:$0x1B740] =	vst v63  }
0x13a: {  	s25 =	simm.s32 $0x5B0;
	s26 =	simm.s32 $0x14C00  }
0x13b: {  	[tilespmem:s26], [sflag:$0x4] =	stream.indirect.gather [hbm4b:s4+s22], $0x40, s25, s22, $0xb8;
	[tilespmem:$0x1B740] =	vst v63  }
0x13c: {  	s25 =	simm.s32 $0x5E8;
	s26 =	simm.s32 $0x15880  }
0x13d: {  	[tilespmem:s26], [sflag:$0x4] =	stream.indirect.gather [hbm4b:s4+s22], $0x40, s25, s22, $0xb8;
	[tilespmem:$0x1B740] =	vst v63  }
0x13e: {  	s25 =	simm.s32 $0x620;
	s26 =	simm.s32 $0x16500  }
0x13f: {  	[tilespmem:s26], [sflag:$0x4] =	stream.indirect.gather [hbm4b:s4+s22], $0x40, s25, s22, $0xb8;
	[tilespmem:$0x1B740] =	vst v63  }
0x140: {  	s25 =	simm.s32 $0x658;
	s26 =	simm.s32 $0x17180  }
0x141: {  	[tilespmem:s26], [sflag:$0x4] =	stream.indirect.gather [hbm4b:s4+s22], $0x40, s25, s22, $0xb8;
	[tilespmem:$0x1B740] =	vst v63  }
0x142: {  	_ = 	snop  }
0x143: {  	[tilespmem:s8], [sflag:$0x4] =	stream.indirect.gather [hbm4b:s4+s22], $0x40, s7, s22, $0xb8;
	[tilespmem:$0x1B740] =	vst v63  }
0x144: {  	_ = 	snop  }
0x145: {  	[tilespmem:s31], [sflag:$0x4] =	stream.indirect.gather [hbm4b:s4+s22], $0x40, s9, s22, $0xb8;
	[tilespmem:$0x1B740] =	vst v63  }
0x146: {  	_ =	swait.ge [sflag:s0], $0x6400  }
0x147: {  	[sflag:s0] =	ssyncset.done $0x0  }
0x148: {  	s25 =	simm.s32 $0x0;
	[sflag:s0] =	ssyncadd.s32 $0xFFFF9C00  }
0x149: {  	v1 =	vld [tilespmem:s25+$0x19740]  }
0x14a: {  	v2 =	vld [tilespmem:s25+$0x19750]  }
0x14b: {  	v4 =	vld [tilespmem:s25+$0x19760]  }
0x14c: {  	v0 =	vld [tilespmem:s25+$0x19770]  }
0x14d: {  	v3 =	vld [tilespmem:s25+$0xCF00]  }
0x14e: {  	v5 =	vld [tilespmem:s25+$0xDB80]  }
0x14f: {  	v6 =	vld [tilespmem:s25+$0xE800]  }
0x150: {  	v7 =	vld [tilespmem:s25+$0xF480]  }
0x151: {  	v8 =	vld [tilespmem:s25+$0x10100]  }
0x152: {  	v9 =	vld [tilespmem:s25+$0x10D80];
	v3 =	vadd.f32 v3, v1  }
0x153: {  	v10 =	vld [tilespmem:s25+$0x11A00];
	v5 =	vadd.f32 v5, v1  }
0x154: {  	v6 =	vadd.f32 v6, v1;
	[tilespmem:s25+$0xCF00] =	vst v3;
	v3 =	vld [tilespmem:s25+$0x12680]  }
0x155: {  	v7 =	vadd.f32 v7, v1;
	[tilespmem:s25+$0xDB80] =	vst v5;
	v5 =	vld [tilespmem:s25+$0xCF10]  }
0x156: {  	v8 =	vadd.f32 v8, v1;
	[tilespmem:s25+$0xE800] =	vst v6;
	v6 =	vld [tilespmem:s25+$0xDB90]  }
0x157: {  	v9 =	vadd.f32 v9, v1;
	[tilespmem:s25+$0xF480] =	vst v7;
	v7 =	vld [tilespmem:s25+$0xE810]  }
0x158: {  	v10 =	vadd.f32 v10, v1;
	[tilespmem:s25+$0x10100] =	vst v8;
	v8 =	vld [tilespmem:s25+$0xF490]  }
0x159: {  	v61 =	vld [tilespmem:s25+$0x10110];
	[tilespmem:s25+$0x10D80] =	vst v9;
	v1 =	vadd.f32 v3, v1  }
0x15a: {  	[tilespmem:s25+$0x11A00] =	vst v10;
	v3 =	vld [tilespmem:s25+$0x10D90];
	v5 =	vadd.f32 v5, v2  }
0x15b: {  	v6 =	vadd.f32 v6, v2;
	[tilespmem:s25+$0x12680] =	vst v1;
	v1 =	vld [tilespmem:s25+$0x11A10]  }
0x15c: {  	v7 =	vadd.f32 v7, v2;
	[tilespmem:s25+$0xCF10] =	vst v5;
	v5 =	vld [tilespmem:s25+$0x12690]  }
0x15d: {  	v8 =	vadd.f32 v8, v2;
	[tilespmem:s25+$0xDB90] =	vst v6;
	v6 =	vld [tilespmem:s25+$0xCF20]  }
0x15e: {  	v9 =	vadd.f32 v61, v2;
	[tilespmem:s25+$0xE810] =	vst v7;
	v7 =	vld [tilespmem:s25+$0xDBA0]  }
0x15f: {  	[tilespmem:s25+$0xF490] =	vst v8;
	v8 =	vld [tilespmem:s25+$0xE820];
	v3 =	vadd.f32 v3, v2  }
0x160: {  	v62 =	vld [tilespmem:s25+$0xF4A0];
	[tilespmem:s25+$0x10110] =	vst v9;
	v1 =	vadd.f32 v1, v2  }
0x161: {  	[tilespmem:s25+$0x10D90] =	vst v3;
	v3 =	vld [tilespmem:s25+$0x10120];
	v2 =	vadd.f32 v5, v2  }
0x162: {  	v5 =	vadd.f32 v6, v4;
	v6 =	vld [tilespmem:s25+$0x11A20];
	[tilespmem:s25+$0x11A10] =	vst v1  }
0x163: {  	v1 =	vld [tilespmem:s25+$0x10DA0];
	[tilespmem:s25+$0x12690] =	vst v2;
	v2 =	vadd.f32 v7, v4  }
0x164: {  	[tilespmem:s25+$0xCF20] =	vst v5;
	v5 =	vld [tilespmem:s25+$0x126A0];
	v7 =	vadd.f32 v8, v4  }
0x165: {  	v8 =	vld [tilespmem:s25+$0xCF30];
	[tilespmem:s25+$0xDBA0] =	vst v2;
	v2 =	vadd.f32 v62, v4  }
0x166: {  	v63 =	vld [tilespmem:s25+$0xDBB0];
	[tilespmem:s25+$0xE820] =	vst v7;
	v3 =	vadd.f32 v3, v4  }
0x167: {  	v6 =	vadd.f32 v6, v4;
	[tilespmem:s25+$0xF4A0] =	vst v2;
	v2 =	vld [tilespmem:s25+$0xE830]  }
0x168: {  	v7 =	vadd.f32 v1, v4;
	[tilespmem:s25+$0x10120] =	vst v3;
	v1 =	vld [tilespmem:s25+$0xF4B0]  }
0x169: {  	v3 =	vld [tilespmem:s25+$0x10130];
	v5 =	vadd.f32 v5, v4;
	[tilespmem:s25+$0x11A20] =	vst v6  }
0x16a: {  	v4 =	vld [tilespmem:s25+$0x10DB0];
	[tilespmem:s25+$0x10DA0] =	vst v7;
	v7 =	vadd.f32 v8, v0  }
0x16b: {  	s26 =	simm.s32 $0x100;
	v6 =	vadd.f32 v63, v0;
	[tilespmem:s25+$0x126A0] =	vst v5;
	v5 =	vld [tilespmem:s25+$0x11A30]  }
.LBB2_9:
0x16c: {  	s18 =	sshra.s32 s26, $0x2;
	p0 =	sne.s32 s26, $0x3100;
	[tilespmem:s25+$0xCF30] =	vst v7;
	v2 =	vadd.f32 v2, v0;
	v7 =	vld [tilespmem:s25+$0x126B0]  }
0x16d: {  	v8 =	vld [tilespmem:s18+$0x19740];
	[tilespmem:s25+$0xDBB0] =	vst v6;
	v1 =	vadd.f32 v1, v0  }
0x16e: {  	v6 =	vld [tilespmem:s18+$0x19750];
	[tilespmem:s25+$0xE830] =	vst v2;
	v2 =	vadd.f32 v3, v0  }
0x16f: {  	v3 =	vld [tilespmem:s18+$0x19760];
	[tilespmem:s25+$0xF4B0] =	vst v1;
	v1 =	vadd.f32 v4, v0  }
0x170: {  	v4 =	vld [tilespmem:s18+$0x19770];
	[tilespmem:s25+$0x10130] =	vst v2;
	v2 =	vadd.f32 v5, v0  }
0x171: {  	v5 =	vld [tilespmem:s18+$0xCF00];
	[tilespmem:s25+$0x10DB0] =	vst v1;
	v0 =	vadd.f32 v7, v0  }
0x172: {  	v1 =	vld [tilespmem:s18+$0xDB80];
	[tilespmem:s25+$0x11A30] =	vst v2  }
0x173: {  	v2 =	vld [tilespmem:s18+$0xE800];
	[tilespmem:s25+$0x126B0] =	vst v0;
	s25 =	smov.u32 s18  }
0x174: {  	v7 =	vld [tilespmem:s25+$0xF480]  }
0x175: {  	v9 =	vld [tilespmem:s25+$0x10100];
	v0 =	vmov v4  }
0x176: {  	v4 =	vadd.f32 v5, v8;
	v5 =	vld [tilespmem:s25+$0x10D80]  }
0x177: {  	v1 =	vadd.f32 v1, v8;
	v10 =	vld [tilespmem:s25+$0x11A00]  }
0x178: {  	[tilespmem:s25+$0xCF00] =	vst v4;
	v2 =	vadd.f32 v2, v8;
	v4 =	vld [tilespmem:s25+$0x12680]  }
0x179: {  	[tilespmem:s25+$0xDB80] =	vst v1;
	v1 =	vadd.f32 v7, v8;
	v7 =	vld [tilespmem:s25+$0xCF10]  }
0x17a: {  	[tilespmem:s25+$0xE800] =	vst v2;
	v2 =	vadd.f32 v9, v8;
	v9 =	vld [tilespmem:s25+$0xDB90]  }
0x17b: {  	[tilespmem:s25+$0xF480] =	vst v1;
	v1 =	vadd.f32 v5, v8;
	v5 =	vld [tilespmem:s25+$0xE810]  }
0x17c: {  	[tilespmem:s25+$0x10100] =	vst v2;
	v2 =	vadd.f32 v10, v8;
	v10 =	vld [tilespmem:s25+$0xF490]  }
0x17d: {  	[tilespmem:s25+$0x10D80] =	vst v1;
	v1 =	vadd.f32 v4, v8;
	v4 =	vld [tilespmem:s25+$0x10110]  }
0x17e: {  	[tilespmem:s25+$0x11A00] =	vst v2;
	v2 =	vadd.f32 v7, v6;
	v7 =	vld [tilespmem:s25+$0x10D90]  }
0x17f: {  	[tilespmem:s25+$0x12680] =	vst v1;
	v1 =	vadd.f32 v9, v6;
	v8 =	vld [tilespmem:s25+$0x11A10]  }
0x180: {  	[tilespmem:s25+$0xCF10] =	vst v2;
	v2 =	vadd.f32 v5, v6;
	v5 =	vld [tilespmem:s25+$0x12690]  }
0x181: {  	[tilespmem:s25+$0xDB90] =	vst v1;
	v1 =	vadd.f32 v10, v6;
	v9 =	vld [tilespmem:s25+$0xCF20]  }
0x182: {  	[tilespmem:s25+$0xE810] =	vst v2;
	v2 =	vadd.f32 v4, v6;
	v4 =	vld [tilespmem:s25+$0xDBA0]  }
0x183: {  	[tilespmem:s25+$0xF490] =	vst v1;
	v1 =	vadd.f32 v7, v6;
	v7 =	vld [tilespmem:s25+$0xE820]  }
0x184: {  	[tilespmem:s25+$0x10110] =	vst v2;
	v2 =	vadd.f32 v8, v6;
	v8 =	vld [tilespmem:s25+$0xF4A0]  }
0x185: {  	[tilespmem:s25+$0x10D90] =	vst v1;
	v1 =	vadd.f32 v5, v6;
	v5 =	vld [tilespmem:s25+$0x10120]  }
0x186: {  	[tilespmem:s25+$0x11A10] =	vst v2;
	v2 =	vadd.f32 v9, v3;
	v6 =	vld [tilespmem:s25+$0x10DA0]  }
0x187: {  	[tilespmem:s25+$0x12690] =	vst v1;
	v1 =	vadd.f32 v4, v3;
	v4 =	vld [tilespmem:s25+$0x11A20]  }
0x188: {  	[tilespmem:s25+$0xCF20] =	vst v2;
	v2 =	vadd.f32 v7, v3;
	v7 =	vld [tilespmem:s25+$0x126A0]  }
0x189: {  	[tilespmem:s25+$0xDBA0] =	vst v1;
	v1 =	vadd.f32 v8, v3;
	v8 =	vld [tilespmem:s25+$0xCF30]  }
0x18a: {  	[tilespmem:s25+$0xE820] =	vst v2;
	v5 =	vadd.f32 v5, v3;
	v9 =	vld [tilespmem:s25+$0xDBB0]  }
.Ltmp5:
0x18b: {  	[tilespmem:s25+$0xF4A0] =	vst v1;
	v6 =	vadd.f32 v6, v3;
	v2 =	vld [tilespmem:s25+$0xE830];
	(pc) =	sbr.rel @p0 .LBB2_9-.Ltmp5, $4  }
0x18c: {  	[tilespmem:s25+$0x10120] =	vst v5;
	v4 =	vadd.f32 v4, v3;
	v1 =	vld [tilespmem:s25+$0xF4B0]  }
0x18d: {  	[tilespmem:s25+$0x10DA0] =	vst v6;
	v5 =	vadd.f32 v7, v3;
	v3 =	vld [tilespmem:s25+$0x10130]  }
0x18e: {  	[tilespmem:s25+$0x11A20] =	vst v4;
	v7 =	vadd.f32 v8, v0;
	v4 =	vld [tilespmem:s25+$0x10DB0]  }
0x18f: {  	s26 =	sadd.s32 $0x100, s26;
	[tilespmem:s25+$0x126A0] =	vst v5;
	v6 =	vadd.f32 v9, v0;
	v5 =	vld [tilespmem:s25+$0x11A30]  }
0x190: {  	[tilespmem:s25+$0xCF30] =	vst v7;
	v2 =	vadd.f32 v2, v0;
	v7 =	vld [tilespmem:s25+$0x126B0]  }
0x191: {  	[tilespmem:s25+$0xDBB0] =	vst v6;
	v1 =	vadd.f32 v1, v0  }
0x192: {  	[tilespmem:s25+$0xE830] =	vst v2;
	v2 =	vadd.f32 v3, v0  }
0x193: {  	[tilespmem:s25+$0xF4B0] =	vst v1;
	v1 =	vadd.f32 v4, v0  }
0x194: {  	s18 =	sadd.s32 s12, s24;
	[tilespmem:s25+$0x10130] =	vst v2;
	v2 =	vadd.f32 v5, v0  }
0x195: {  	s18 =	smul.u32 $0xC80, s18;
	[tilespmem:s25+$0x10DB0] =	vst v1;
	v0 =	vadd.f32 v7, v0  }
0x196: {  	[tilespmem:s25+$0x11A30] =	vst v2  }
0x197: {  	p0 =	seq.s32 s20, $0xF;
	s18 =	sadd.s32 s2, s18;
	[tilespmem:s25+$0x126B0] =	vst v0  }
0x198: {  	[hbm4b:s18+s3] =	stream.linear.scatter [tilespmem:s16], [sflag:$0x7], $0x6400, $0x38;
	[tilespmem:$0x1B740] =	vst v63  }
0x199: {  	s18 =	smul.u32 @!p0 $0x700, s20  }
0x19a: {  	s24 =	simm.s32 @!p0 $0x5  }
0x19b: {  	_ =	swait.ge @!p0 [sflag:s24], $0x6400;
	s18 =	sadd.s32 @!p0 s18, s13  }
0x19c: {  	[sflag:s24] =	ssyncset.done @!p0 $0x0;
	s18 =	sshrl.u32 @!p0 s18, $0x3  }
0x19d: {  	[sflag:s24] =	ssyncadd.s32 @!p0 $0xFFFF9C00;
	s24 =	simm.s32 @!p0 $0x0;
	s18 =	sadd.s32 @!p0 s6, s18  }
0x19e: {  	[tilespmem:s24], [sflag:$0xA] =	stream.linear.gather @!p0 [hbm4b:s18+s24], $0x1C0, $0x38;
	[tilespmem:$0x1B740] =	vst v63  }
0x19f: {  	s18 =	simm.s32 @!p0 $0xA  }
0x1a0: {  	_ =	swait.ge @!p0 [sflag:s18], $0x1C0  }
0x1a1: {  	[sflag:s18] =	ssyncset.done @!p0 $0x0  }
0x1a2: {  	s25 =	simm.s32 @!p0 $0x700;
	[sflag:s18] =	ssyncadd.s32 @!p0 $0xFFFFFE40;
	s18 =	simm.s32 @!p0 $0x32  }
0x1a3: {  	[tilespmem:s25], [sflag:$0x1] =	stream.indirect.gather @!p0 [hbm4b:s4+s18], $0x40, s24, s18, $0xb8;
	[tilespmem:$0x1B740] =	vst v63  }
0x1a4: {  	s24 =	simm.s32 @!p0 $0x38;
	s25 =	simm.s32 @!p0 $0x1380  }
0x1a5: {  	[tilespmem:s25], [sflag:$0x1] =	stream.indirect.gather @!p0 [hbm4b:s4+s18], $0x40, s24, s18, $0xb8;
	[tilespmem:$0x1B740] =	vst v63  }
0x1a6: {  	s24 =	simm.s32 @!p0 $0x70;
	s25 =	simm.s32 @!p0 $0x2000  }
0x1a7: {  	[tilespmem:s25], [sflag:$0x1] =	stream.indirect.gather @!p0 [hbm4b:s4+s18], $0x40, s24, s18, $0xb8;
	[tilespmem:$0x1B740] =	vst v63  }
0x1a8: {  	s24 =	simm.s32 @!p0 $0xA8;
	s25 =	simm.s32 @!p0 $0x2C80  }
0x1a9: {  	[tilespmem:s25], [sflag:$0x1] =	stream.indirect.gather @!p0 [hbm4b:s4+s18], $0x40, s24, s18, $0xb8;
	[tilespmem:$0x1B740] =	vst v63  }
0x1aa: {  	s24 =	simm.s32 @!p0 $0xE0;
	s25 =	simm.s32 @!p0 $0x3900  }
0x1ab: {  	[tilespmem:s25], [sflag:$0x1] =	stream.indirect.gather @!p0 [hbm4b:s4+s18], $0x40, s24, s18, $0xb8;
	[tilespmem:$0x1B740] =	vst v63  }
0x1ac: {  	s24 =	simm.s32 @!p0 $0x118;
	s25 =	simm.s32 @!p0 $0x4580  }
0x1ad: {  	[tilespmem:s25], [sflag:$0x1] =	stream.indirect.gather @!p0 [hbm4b:s4+s18], $0x40, s24, s18, $0xb8;
	[tilespmem:$0x1B740] =	vst v63  }
0x1ae: {  	s24 =	simm.s32 @!p0 $0x150;
	s25 =	simm.s32 @!p0 $0x5200  }
0x1af: {  	[tilespmem:s25], [sflag:$0x1] =	stream.indirect.gather @!p0 [hbm4b:s4+s18], $0x40, s24, s18, $0xb8;
	[tilespmem:$0x1B740] =	vst v63  }
0x1b0: {  	s24 =	simm.s32 @!p0 $0x188;
	s25 =	simm.s32 @!p0 $0x5E80  }
0x1b1: {  	[tilespmem:s25], [sflag:$0x1] =	stream.indirect.gather @!p0 [hbm4b:s4+s18], $0x40, s24, s18, $0xb8;
	[tilespmem:$0x1B740] =	vst v63  }
0x1b2: {  	_ =	swait.ge [sflag:s1], $0x6400  }
0x1b3: {  	[sflag:s1] =	ssyncset.done $0x0  }
0x1b4: {  	s24 =	simm.s32 $0x0;
	[sflag:s1] =	ssyncadd.s32 $0xFFFF9C00  }
0x1b5: {  	v1 =	vld [tilespmem:s24+$0x19740]  }
0x1b6: {  	v2 =	vld [tilespmem:s24+$0x19750]  }
0x1b7: {  	v4 =	vld [tilespmem:s24+$0x19760]  }
0x1b8: {  	v0 =	vld [tilespmem:s24+$0x19770]  }
0x1b9: {  	v3 =	vld [tilespmem:s24+$0x13300]  }
0x1ba: {  	v5 =	vld [tilespmem:s24+$0x13F80]  }
0x1bb: {  	v6 =	vld [tilespmem:s24+$0x14C00]  }
0x1bc: {  	v7 =	vld [tilespmem:s24+$0x15880]  }
0x1bd: {  	v8 =	vld [tilespmem:s24+$0x16500]  }
0x1be: {  	v9 =	vld [tilespmem:s24+$0x17180];
	v3 =	vadd.f32 v3, v1  }
0x1bf: {  	v10 =	vld [tilespmem:s24+$0x17E00];
	v5 =	vadd.f32 v5, v1  }
0x1c0: {  	v6 =	vadd.f32 v6, v1;
	[tilespmem:s24+$0x13300] =	vst v3;
	v3 =	vld [tilespmem:s24+$0x18A80]  }
0x1c1: {  	v7 =	vadd.f32 v7, v1;
	[tilespmem:s24+$0x13F80] =	vst v5;
	v5 =	vld [tilespmem:s24+$0x13310]  }
0x1c2: {  	v8 =	vadd.f32 v8, v1;
	[tilespmem:s24+$0x14C00] =	vst v6;
	v6 =	vld [tilespmem:s24+$0x13F90]  }
0x1c3: {  	v9 =	vadd.f32 v9, v1;
	[tilespmem:s24+$0x15880] =	vst v7;
	v7 =	vld [tilespmem:s24+$0x14C10]  }
0x1c4: {  	v10 =	vadd.f32 v10, v1;
	[tilespmem:s24+$0x16500] =	vst v8;
	v8 =	vld [tilespmem:s24+$0x15890]  }
0x1c5: {  	v61 =	vld [tilespmem:s24+$0x16510];
	[tilespmem:s24+$0x17180] =	vst v9;
	v1 =	vadd.f32 v3, v1  }
0x1c6: {  	[tilespmem:s24+$0x17E00] =	vst v10;
	v3 =	vld [tilespmem:s24+$0x17190];
	v5 =	vadd.f32 v5, v2  }
0x1c7: {  	v6 =	vadd.f32 v6, v2;
	[tilespmem:s24+$0x18A80] =	vst v1;
	v1 =	vld [tilespmem:s24+$0x17E10]  }
0x1c8: {  	v7 =	vadd.f32 v7, v2;
	[tilespmem:s24+$0x13310] =	vst v5;
	v5 =	vld [tilespmem:s24+$0x18A90]  }
0x1c9: {  	v8 =	vadd.f32 v8, v2;
	[tilespmem:s24+$0x13F90] =	vst v6;
	v6 =	vld [tilespmem:s24+$0x13320]  }
0x1ca: {  	v9 =	vadd.f32 v61, v2;
	[tilespmem:s24+$0x14C10] =	vst v7;
	v7 =	vld [tilespmem:s24+$0x13FA0]  }
0x1cb: {  	[tilespmem:s24+$0x15890] =	vst v8;
	v8 =	vld [tilespmem:s24+$0x14C20];
	v3 =	vadd.f32 v3, v2  }
0x1cc: {  	v62 =	vld [tilespmem:s24+$0x158A0];
	[tilespmem:s24+$0x16510] =	vst v9;
	v1 =	vadd.f32 v1, v2  }
0x1cd: {  	[tilespmem:s24+$0x17190] =	vst v3;
	v3 =	vld [tilespmem:s24+$0x16520];
	v2 =	vadd.f32 v5, v2  }
0x1ce: {  	v5 =	vadd.f32 v6, v4;
	v6 =	vld [tilespmem:s24+$0x17E20];
	[tilespmem:s24+$0x17E10] =	vst v1  }
0x1cf: {  	v1 =	vld [tilespmem:s24+$0x171A0];
	[tilespmem:s24+$0x18A90] =	vst v2;
	v2 =	vadd.f32 v7, v4  }
0x1d0: {  	[tilespmem:s24+$0x13320] =	vst v5;
	v5 =	vld [tilespmem:s24+$0x18AA0];
	v7 =	vadd.f32 v8, v4  }
0x1d1: {  	v8 =	vld [tilespmem:s24+$0x13330];
	[tilespmem:s24+$0x13FA0] =	vst v2;
	v2 =	vadd.f32 v62, v4  }
0x1d2: {  	v63 =	vld [tilespmem:s24+$0x13FB0];
	[tilespmem:s24+$0x14C20] =	vst v7;
	v3 =	vadd.f32 v3, v4  }
0x1d3: {  	v6 =	vadd.f32 v6, v4;
	[tilespmem:s24+$0x158A0] =	vst v2;
	v2 =	vld [tilespmem:s24+$0x14C30]  }
0x1d4: {  	v7 =	vadd.f32 v1, v4;
	[tilespmem:s24+$0x16520] =	vst v3;
	v1 =	vld [tilespmem:s24+$0x158B0]  }
0x1d5: {  	v3 =	vld [tilespmem:s24+$0x16530];
	v5 =	vadd.f32 v5, v4;
	[tilespmem:s24+$0x17E20] =	vst v6  }
0x1d6: {  	v4 =	vld [tilespmem:s24+$0x171B0];
	[tilespmem:s24+$0x171A0] =	vst v7;
	v7 =	vadd.f32 v8, v0  }
0x1d7: {  	s25 =	simm.s32 $0x100;
	v6 =	vadd.f32 v63, v0;
	[tilespmem:s24+$0x18AA0] =	vst v5;
	v5 =	vld [tilespmem:s24+$0x17E30]  }
.LBB2_11:
0x1d8: {  	s18 =	sshra.s32 s25, $0x2;
	p1 =	sne.s32 s25, $0x3100;
	[tilespmem:s24+$0x13330] =	vst v7;
	v2 =	vadd.f32 v2, v0;
	v7 =	vld [tilespmem:s24+$0x18AB0]  }
0x1d9: {  	v8 =	vld [tilespmem:s18+$0x19740];
	[tilespmem:s24+$0x13FB0] =	vst v6;
	v1 =	vadd.f32 v1, v0  }
0x1da: {  	v6 =	vld [tilespmem:s18+$0x19750];
	[tilespmem:s24+$0x14C30] =	vst v2;
	v2 =	vadd.f32 v3, v0  }
0x1db: {  	v3 =	vld [tilespmem:s18+$0x19760];
	[tilespmem:s24+$0x158B0] =	vst v1;
	v1 =	vadd.f32 v4, v0  }
0x1dc: {  	v4 =	vld [tilespmem:s18+$0x19770];
	[tilespmem:s24+$0x16530] =	vst v2;
	v2 =	vadd.f32 v5, v0  }
0x1dd: {  	v5 =	vld [tilespmem:s18+$0x13300];
	[tilespmem:s24+$0x171B0] =	vst v1;
	v0 =	vadd.f32 v7, v0  }
0x1de: {  	v1 =	vld [tilespmem:s18+$0x13F80];
	[tilespmem:s24+$0x17E30] =	vst v2  }
0x1df: {  	v2 =	vld [tilespmem:s18+$0x14C00];
	[tilespmem:s24+$0x18AB0] =	vst v0;
	s24 =	smov.u32 s18  }
0x1e0: {  	v7 =	vld [tilespmem:s24+$0x15880]  }
0x1e1: {  	v9 =	vld [tilespmem:s24+$0x16500];
	v0 =	vmov v4  }
0x1e2: {  	v4 =	vadd.f32 v5, v8;
	v5 =	vld [tilespmem:s24+$0x17180]  }
0x1e3: {  	v1 =	vadd.f32 v1, v8;
	v10 =	vld [tilespmem:s24+$0x17E00]  }
0x1e4: {  	[tilespmem:s24+$0x13300] =	vst v4;
	v2 =	vadd.f32 v2, v8;
	v4 =	vld [tilespmem:s24+$0x18A80]  }
0x1e5: {  	[tilespmem:s24+$0x13F80] =	vst v1;
	v1 =	vadd.f32 v7, v8;
	v7 =	vld [tilespmem:s24+$0x13310]  }
0x1e6: {  	[tilespmem:s24+$0x14C00] =	vst v2;
	v2 =	vadd.f32 v9, v8;
	v9 =	vld [tilespmem:s24+$0x13F90]  }
0x1e7: {  	[tilespmem:s24+$0x15880] =	vst v1;
	v1 =	vadd.f32 v5, v8;
	v5 =	vld [tilespmem:s24+$0x14C10]  }
0x1e8: {  	[tilespmem:s24+$0x16500] =	vst v2;
	v2 =	vadd.f32 v10, v8;
	v10 =	vld [tilespmem:s24+$0x15890]  }
0x1e9: {  	[tilespmem:s24+$0x17180] =	vst v1;
	v1 =	vadd.f32 v4, v8;
	v4 =	vld [tilespmem:s24+$0x16510]  }
0x1ea: {  	[tilespmem:s24+$0x17E00] =	vst v2;
	v2 =	vadd.f32 v7, v6;
	v7 =	vld [tilespmem:s24+$0x17190]  }
0x1eb: {  	[tilespmem:s24+$0x18A80] =	vst v1;
	v1 =	vadd.f32 v9, v6;
	v8 =	vld [tilespmem:s24+$0x17E10]  }
0x1ec: {  	[tilespmem:s24+$0x13310] =	vst v2;
	v2 =	vadd.f32 v5, v6;
	v5 =	vld [tilespmem:s24+$0x18A90]  }
0x1ed: {  	[tilespmem:s24+$0x13F90] =	vst v1;
	v1 =	vadd.f32 v10, v6;
	v9 =	vld [tilespmem:s24+$0x13320]  }
0x1ee: {  	[tilespmem:s24+$0x14C10] =	vst v2;
	v2 =	vadd.f32 v4, v6;
	v4 =	vld [tilespmem:s24+$0x13FA0]  }
0x1ef: {  	[tilespmem:s24+$0x15890] =	vst v1;
	v1 =	vadd.f32 v7, v6;
	v7 =	vld [tilespmem:s24+$0x14C20]  }
0x1f0: {  	[tilespmem:s24+$0x16510] =	vst v2;
	v2 =	vadd.f32 v8, v6;
	v8 =	vld [tilespmem:s24+$0x158A0]  }
0x1f1: {  	[tilespmem:s24+$0x17190] =	vst v1;
	v1 =	vadd.f32 v5, v6;
	v5 =	vld [tilespmem:s24+$0x16520]  }
0x1f2: {  	[tilespmem:s24+$0x17E10] =	vst v2;
	v2 =	vadd.f32 v9, v3;
	v6 =	vld [tilespmem:s24+$0x171A0]  }
0x1f3: {  	[tilespmem:s24+$0x18A90] =	vst v1;
	v1 =	vadd.f32 v4, v3;
	v4 =	vld [tilespmem:s24+$0x17E20]  }
0x1f4: {  	[tilespmem:s24+$0x13320] =	vst v2;
	v2 =	vadd.f32 v7, v3;
	v7 =	vld [tilespmem:s24+$0x18AA0]  }
0x1f5: {  	[tilespmem:s24+$0x13FA0] =	vst v1;
	v1 =	vadd.f32 v8, v3;
	v8 =	vld [tilespmem:s24+$0x13330]  }
0x1f6: {  	[tilespmem:s24+$0x14C20] =	vst v2;
	v5 =	vadd.f32 v5, v3;
	v9 =	vld [tilespmem:s24+$0x13FB0]  }
.Ltmp6:
0x1f7: {  	[tilespmem:s24+$0x158A0] =	vst v1;
	v6 =	vadd.f32 v6, v3;
	v2 =	vld [tilespmem:s24+$0x14C30];
	(pc) =	sbr.rel @p1 .LBB2_11-.Ltmp6, $4  }
0x1f8: {  	[tilespmem:s24+$0x16520] =	vst v5;
	v4 =	vadd.f32 v4, v3;
	v1 =	vld [tilespmem:s24+$0x158B0]  }
0x1f9: {  	[tilespmem:s24+$0x171A0] =	vst v6;
	v5 =	vadd.f32 v7, v3;
	v3 =	vld [tilespmem:s24+$0x16530]  }
0x1fa: {  	[tilespmem:s24+$0x17E20] =	vst v4;
	v7 =	vadd.f32 v8, v0;
	v4 =	vld [tilespmem:s24+$0x171B0]  }
0x1fb: {  	s25 =	sadd.s32 $0x100, s25;
	[tilespmem:s24+$0x18AA0] =	vst v5;
	v6 =	vadd.f32 v9, v0;
	v5 =	vld [tilespmem:s24+$0x17E30]  }
0x1fc: {  	[tilespmem:s24+$0x13330] =	vst v7;
	v2 =	vadd.f32 v2, v0;
	v59 =	vld [tilespmem:s24+$0x18AB0]  }
0x1fd: {  	[tilespmem:s24+$0x13FB0] =	vst v6;
	v1 =	vadd.f32 v1, v0  }
0x1fe: {  	[tilespmem:s24+$0x14C30] =	vst v2;
	v60 =	vadd.f32 v3, v0  }
0x1ff: {  	[tilespmem:s24+$0x158B0] =	vst v1;
	v61 =	vadd.f32 v4, v0  }
.Ltmp7:
0x200: {  	s18 =	sadd.s32 s12, s23;
	[tilespmem:s24+$0x16530] =	vst v60;
	v62 =	vadd.f32 v5, v0;
	(pc) =	sbr.rel @p0 .LBB2_14-.Ltmp7, $4  }
0x201: {  	s18 =	smul.u32 $0xC80, s18;
	[tilespmem:s24+$0x171B0] =	vst v61;
	v63 =	vadd.f32 v59, v0  }
0x202: {  	[tilespmem:s24+$0x17E30] =	vst v62  }
0x203: {  	s18 =	sadd.s32 s2, s18;
	[tilespmem:s24+$0x18AB0] =	vst v63  }
0x204: {  	[hbm4b:s18+s3] =	stream.linear.scatter [tilespmem:s30], [sflag:$0x8], $0x6400, $0x38;
	[tilespmem:$0x1B740] =	vst v63  }
0x205: {  	s18 =	smul.u32 $0x700, s20;
	_ =	sdelay $0x1  }
0x206: {  	_ =	swait.ge [sflag:s19], $0x6400;
	s18 =	sadd.s32 s18, s14  }
0x207: {  	[sflag:s19] =	ssyncset.done $0x0;
	s18 =	sshrl.u32 s18, $0x3  }
0x208: {  	[sflag:s19] =	ssyncadd.s32 $0xFFFF9C00;
	s18 =	sadd.s32 s6, s18  }
0x209: {  	[tilespmem:s28], [sflag:$0xA] =	stream.linear.gather [hbm4b:s18+s3], $0x1C0, $0x38;
	[tilespmem:$0x1B740] =	vst v63  }
0x20a: {  	_ =	swait.ge [sflag:s17], $0x1C0  }
0x20b: {  	[sflag:s17] =	ssyncset.done $0x0  }
0x20c: {  	[sflag:s17] =	ssyncadd.s32 $0xFFFFFE40  }
0x20d: {  	[tilespmem:s29], [sflag:$0x2] =	stream.indirect.gather [hbm4b:s4+s22], $0x40, s28, s22, $0xb8;
	[tilespmem:$0x1B740] =	vst v63  }
0x20e: {  	s26 =	simm.s32 $0x1F8;
	s23 =	simm.s32 $0x7780  }
0x20f: {  	[tilespmem:s23], [sflag:$0x2] =	stream.indirect.gather [hbm4b:s4+s22], $0x40, s26, s22, $0xb8;
	[tilespmem:$0x1B740] =	vst v63  }
0x210: {  	s24 =	simm.s32 $0x8400;
	s23 =	simm.s32 $0x230  }
0x211: {  	[tilespmem:s24], [sflag:$0x2] =	stream.indirect.gather [hbm4b:s4+s22], $0x40, s23, s22, $0xb8;
	[tilespmem:$0x1B740] =	vst v63  }
0x212: {  	s25 =	simm.s32 $0x268;
	s26 =	simm.s32 $0x9080  }
0x213: {  	[tilespmem:s26], [sflag:$0x2] =	stream.indirect.gather [hbm4b:s4+s22], $0x40, s25, s22, $0xb8;
	[tilespmem:$0x1B740] =	vst v63  }
0x214: {  	s23 =	simm.s32 $0x2A0;
	s24 =	simm.s32 $0x9D00  }
0x215: {  	[tilespmem:s24], [sflag:$0x2] =	stream.indirect.gather [hbm4b:s4+s22], $0x40, s23, s22, $0xb8;
	[tilespmem:$0x1B740] =	vst v63  }
0x216: {  	s25 =	simm.s32 $0x2D8;
	s26 =	simm.s32 $0xA980  }
0x217: {  	[tilespmem:s26], [sflag:$0x2] =	stream.indirect.gather [hbm4b:s4+s22], $0x40, s25, s22, $0xb8;
	[tilespmem:$0x1B740] =	vst v63  }
.Ltmp8:
0x218: {  	_ = 	snop;
	(pc) =	sbr.rel .LBB2_4-.Ltmp8, $4  }
0x219: {  	s23 =	simm.s32 $0x310;
	s24 =	simm.s32 $0xB600  }
0x21a: {  	[tilespmem:s24], [sflag:$0x2] =	stream.indirect.gather [hbm4b:s4+s22], $0x40, s23, s22, $0xb8;
	[tilespmem:$0x1B740] =	vst v63  }
0x21b: {  	s20 =	sadd.s32 $0x1, s20;
	s25 =	simm.s32 $0x348;
	s26 =	simm.s32 $0xC280  }
0x21c: {  	[tilespmem:s26], [sflag:$0x2] =	stream.indirect.gather [hbm4b:s4+s22], $0x40, s25, s22, $0xb8;
	[tilespmem:$0x1B740] =	vst v63  }
.LBB2_15:
0x21d: {  	_ =	sfence.sel $0x180000  }
0x21e: {  	[bflag:$0x0] =	sbarrier.arrive $0xFFFF  }
0x21f: {  	_ =	strace $0x90000047  }
0x220: {  	s0 =	stileid.u32;
	[bflag:$0x2] =	sbarrier.arrive $0xFFFF  }
0x221: {  	p0 =	sne.s32 s0, $0x0;
	s0 =	rddreg [dreg:$0x2]  }
0x222: {  	s0 =	sadd.s32 @!p0 $0x100000, s0  }
0x223: {  	[sflag:s0] =	ssyncadd.tile.s32 @!p0 $0x1;
	_ =	shalt  }
.Lfunc_end2:
_tile_overlayer_lowered:
.L_overlay_start_2:
0x224: {  	(tag) =	ssettag $0x2  }
0x225: {  	s0 =	rddreg [dreg:$0x0];
	s2 =	stileid.u32  }
0x226: {  	s1 =	rddreg [dreg:$0x1];
	p0 =	sne.s32 s2, $0x0  }
0x227: {  	s3 =	rddreg [dreg:$0x2];
	[bflag:$0x3] =	sbarrier.arrive $0xFFFF;
	s2 =	simm.s32 @!p0 $0x1C0A  }
0x228: {  	[timem:s3], [sflag:s2] =	dma.local @!p0 [hbm:s0], s1  }
0x229: {  	s0 =	simm.s32 @!p0 $0xA  }
0x22a: {  	_ =	swait.ge @!p0 [sflag:s0], s1  }
0x22b: {  	s1 =	ssub.s32 @!p0 $0x0, s1;
	[sflag:s0] =	ssyncset.done @!p0 $0x0  }
0x22c: {  	[sflag:s0] =	ssyncadd.s32 @!p0 s1  }
0x22d: {  	[bflag:$0x3] =	sbarrier.arrive $0xFFFF  }
0x22e: {  	_ =	shalt  }

// kernel: sparse-core-data-format-call.cloned.1.call-start
scs
called_computation_lowered:
.L_overlay_start_0:
0x0: {  	s2 =	sld [smem:$0x3FD9]  }
0x1: {  	s3 =	sld [smem:$0x3FFE];
	_ =	sdelay $0x1  }
0x2: {  	s1 =	srdreg.scid  }
0x3: {  	s0 =	sand.u32 $0x1, s1  }
0x4: {  	s18 =	sshll.u32 s0, $0xA;
	s2 =	sadd.s32 s3, s2  }
0x5: {  	s2 =	sadd.s32 s2, s18  }
0x6: {  	[smem:$0x3FC3] =	sst s2  }
0x7: {  	_ = 	snop  }
0x8: {  	s2 =	sld [smem:$0x3FD0];
	(tm) =	ssettm $0x1  }
0x9: {  	s19 =	sld [smem:$0x3FFB];
	_ =	sdelay $0x3  }
0xa: {  	_ =	strace s19  }
0xb: {  	s3 =	sld [smem:$0x3FFC];
	_ =	sdelay $0x3  }
0xc: {  	_ =	strace s3  }
0xd: {  	s3 =	sld [smem:$0x3FFD];
	_ =	sdelay $0x3  }
0xe: {  	_ =	strace s3  }
0xf: {  	_ =	strace $0x8FFFFFFF  }
0x10: {  	s20 =	sld [smem:$0x3FDB];
	_ =	sdelay $0x1  }
0x11: {  	s4 =	simm.s32 $_scs_section_size  }
0x12: {  	s5 =	simm.s32 $_size__tile_overlayer_lowered;
	s6 =	simm.s32 $_tile_overlayer_lowered  }
0x13: {  	s23 =	simm.s32 $0x1BFF;
	s22 =	sshll.u32 s6, $0x1;
	s3 =	sadd.s32 s4, s20  }
0x14: {  	s7 =	simm.s32 $0x0;
	s21 =	sshll.u32 s5, $0x1;
	s5 =	sadd.s32 s22, s3  }
0x15: {  	[timem:s7], [sflag:s23] =	dma.local [hbm:s5], s21  }
0x16: {  	_ =	swait.ge [sflag:s23], s21  }
0x17: {  	s4 =	ssub.s32 $0x0, s21;
	[sflag:s23] =	ssyncset.done $0x0  }
0x18: {  	[sflag:s23] =	ssyncadd.s32 s4;
	_ =	sdelay $0x1  }
0x19: {  	s24 =	simm.s32 $0x1B8B  }
0x1a: {  	_ =	swait.ge [sflag:s24], $0x1  }
0x1b: {  	[sflag:s24] =	ssyncset.done $0x0  }
0x1c: {  	s26 =	simm.s32 $0x1B8E;
	s25 =	sld [smem:$0x3FFE];
	[sflag:s24] =	ssyncadd.s32 $0xFFFFFFFF  }
0x1d: {  	s27 =	simm.s32 $execute0_lowered;
	[smem:$0x3FD2] =	sst s26  }
0x1e: {  	s5 =	sshll.u32 s27, $0x1;
	_ =	strace $0x80000049;
	[dreg:$0x1] =	wrdreg $0xFFFFFFFF  }
0x1f: {  	s28 =	simm.s32 $_size_execute0_lowered;
	s3 =	sadd.s32 s3, s5;
	[dreg:$0x0] =	wrdreg $0x0  }
0x20: {  	s5 =	sshll.u32 s28, $0x1;
	[dreg:$0x2] =	wrdreg s3  }
0x21: {  	[dreg:$0x3] =	wrdreg s5  }
0x22: {  	[dreg:$0x4] =	wrdreg $0xC0  }
0x23: {  	_ =	task [dreg:s7], $0x5FFFF  }
0x24: {  	[dreg:$0x1] =	wrdreg $0xFFFFFFFF  }
0x25: {  	[dreg:$0x0] =	wrdreg $0x60  }
0x26: {  	[dreg:$0x2] =	wrdreg s25  }
0x27: {  	[dreg:$0x3] =	wrdreg s2  }
0x28: {  	[dreg:$0x4] =	wrdreg $0x9  }
0x29: {  	_ =	task.clear_ibuf [dreg:s7], $0x5FFFF;
	_ =	strace $0x90000049  }
0x2a: {  	s29 =	simm.s32 $0x9;
	_ =	strace $0x8000004B  }
0x2b: {  	_ =	swait.ge [sflag:s29], $0x1  }
0x2c: {  	[sflag:s29] =	ssyncadd.s32 $0xFFFFFFFF  }
0x2d: {  	_ =	strace $0x9000004B  }
0x2e: {  	_ =	sfence  }
0x2f: {  	s30 =	sld [smem:$0x0];
	_ =	sdelay $0x2  }
0x30: {  	s31 =	sshll.u32 s1, $0xD;
	s1 =	sshrl.u32 s1, $0x2  }
0x31: {  	s3 =	sand.u32 $0x4000, s31;
	s1 =	sadd.s32 s1, s30  }
0x32: {  	s0 =	sor.u32 s3, s0;
	s1 =	sshll.u32 s1, $0x11  }
0x33: {  	s0 =	sor.u32 s1, s0  }
0x34: {  	s0 =	sadd.s32 $0x8F2B, s0  }
0x35: {  	[sflag:s0] =	ssyncadd.remote.s32 $0x1  }
0x36: {  	_ =	sfence.sel $0xFFFF  }
0x37: {  	[dreg:$0x0] =	wrdreg $0xFFFFFFFF;
	(pc) =	sbr.abs _section_cstart, $3  }
0x38: {  	[dreg:$0x1] =	wrdreg $0xFFFFFFFF  }
0x39: {  	_ =	task.clear_ibuf [dreg:s7], $0x2FFFF;
	_ =	strace $0x9FFFFFFF  }
0x3a: {  	(tm) =	ssettm $0x7FFFFFFF  }
0x3b: {  	_ =	shalt  }
tec
execute0_lowered:
.L_overlay_start_1:
0x0: {  	(tag) =	ssettag $0x1  }
0x1: {  	s0 =	srdreg.scid  }
0x2: {  	s1 =	sshll.u32 s0, $0x4  }
0x3: {  	s0 =	stileid.u32;
	s1 =	sand.u32 $0x10, s1  }
0x4: {  	s1 =	sor.u32 s0, s1  }
0x5: {  	s6 =	rddreg [dreg:$0x0];
	s4 =	simm.s32 $0x1;
	s2 =	sshll.u32 s1, $0x7  }
0x6: {  	s7 =	simm.s32 $0x2;
	s12 =	simm.s32 $0x0;
	s1 =	ssub.s32 $0x4000, s2  }
0x7: {  	s8 =	simm.s32 $0x20000;
	s13 =	simm.s32 $0x0;
	s3 =	sand.u32 $0xF80, s1  }
0x8: {  	s9 =	simm.s32 $0x0;
	s5 =	sshrl.u32 s1, $0xC;
	p0 =	sne.s32 s3, $0x0  }
.Ltmp0:
0x9: {  	s1 =	rddreg [dreg:$0x2];
	s4 =	simm.s32 @!p0 $0x0;
	(pc) =	sbr.rel .LBB1_1-.Ltmp0, $4  }
0xa: {  	s11 =	simm.s32 $0x0;
	s3 =	rddreg [dreg:$0x1];
	s5 =	sadd.s32 s4, s5  }
0xb: {  	_ =	strace $0x8000004A;
	s4 =	simm.s32 $0x1;
	s5 =	smul.u32 $0x32, s5  }
0xc: {  	s6 =	sadd.s32 $0x1000, s6;
	s10 =	smov.u32 s2;
	[sflag:s4] =	ssyncpa.u1 $0x0  }
0xd: {  	p0 =	por $0x0, $0x0;
	[sflag:s7] =	ssyncpa.u1 $0x0;
	s7 =	sor.u32 $0x1, s5  }
.LBB1_4:
0xe: {  	s16 =	sshll.u32 s13, $0x3;
	s17 =	sand.u32 $0x78, s13  }
0xf: {  	s30 =	sand.u32 $0x1F800, s13;
	s12 =	sshll.u32 s12, $0x11;
	s16 =	sand.u32 $0x3C00, s16  }
0x10: {  	[tilespmem:s15+$0x810 ss:$0x81] =	vst.msk $0xffff, v2;
	s31 =	sand.u32 $0x7, s13;
	s16 =	sor.u32 s17, s16;
	s17 =	sadd.s32 s3, s30  }
0x11: {  	[tilespmem:s15+$0x1020 ss:$0x81] =	vst.msk $0xffff, v0;
	s13 =	sshll.u32 s31, $0x12;
	s12 =	sadd.s32 s12, s17;
	s16 =	sshrl.u32 s16, $0x3  }
0x12: {  	[tilespmem:s15+$0x0 ss:$0x81] =	vst.msk $0xffff, v1;
	s13 =	sor.u32 $0x400, s13;
	s12 =	sadd.s32 s16, s12  }
0x13: {  	[hbm4b:s12+s13] =	stream.strided.scatter [tilespmem:s14], [sflag:$0x2], $0x2000, s8, s13, $0x20;
	[tilespmem:$0x8080] =	vst v63  }
.LBB1_5:
0x14: {  	s14 =	sadd.s32 $0x1, s9  }
0x15: {  	s12 =	sadd.s32 $0x1000, s10;
	s16 =	smov.u32 s10;
	p2 =	sgt.s32 s14, $0x31  }
0x16: {  	s16 =	smov.u32 @p2 s12  }
0x17: {  	s14 =	simm.s32 @p2 $0x0;
	p2 =	sgt.s32 s16, $0x3FFF  }
0x18: {  	s16 =	smov.u32 @p2 s2;
	p2 =	sne.s32 s11, s7  }
.Ltmp1:
0x19: {  	p1 =	slt.u32 s11, $0x2;
	(pc) =	sbr.rel @!p2 .LBB1_6-.Ltmp1, $4  }
0x1a: {  	s15 =	simm.s32 @!p1 $0x2  }
0x1b: {  	s13 =	smov.u32 s10;
	p0 =	por !p0, !p0;
	_ =	swait.ge @!p1 [sflag:s15], $0x2000  }
0x1c: {  	s12 =	smov.u32 s9;
	[sflag:s15] =	ssyncset.done @!p1 $0x0;
	s9 =	smov.u32 s14  }
0x1d: {  	s11 =	sadd.s32 $0x1, s11;
	[sflag:s15] =	ssyncadd.s32 @!p1 $0xFFFFE000;
	s10 =	smov.u32 s16  }
.LBB1_1:
0x1e: {  	p1 =	sge.u32 s11, s5  }
0x1f: {  	s14 =	sand.u32 @!p1 $0x1FFFFFF, s9  }
0x20: {  	s15 =	smulhi.u32 @!p1 $0x4924925, s14;
	_ =	sdelay $0x1  }
0x21: {  	s15 =	smul.u32 @!p1 $0x38, s15  }
0x22: {  	s16 =	sxor.u32 @!p1 $0xFFFFFFFF, s11;
	s17 =	smul.u32 @!p1 $0x380, s10  }
0x23: {  	s31 =	sadd.s32 $0xFFFFFFFF, s11;
	s16 =	sshll.u32 @!p1 s16, $0xD;
	s14 =	ssub.s32 @!p1 s14, s15  }
0x24: {  	s15 =	sand.u32 @!p1 $0x2000, s16;
	s16 =	sadd.s32 @!p1 s6, s17;
	s14 =	sshll.u32 @!p1 s14, $0x4  }
0x25: {  	s17 =	simm.s32 @!p1 $0x1C00;
	s14 =	sadd.s32 @!p1 s14, s16;
	s16 =	simm.s32 @!p1 $0x40  }
0x26: {  	[tilespmem:s15], [sflag:$0x1] =	stream.strided.gather @!p1 [hbm4b:s14+s16], $0x2000, s17, s16, $0x38;
	[tilespmem:$0x8080] =	vst v63  }
0x27: {  	p1 =	sge.u32 s31, s5  }
.Ltmp2:
0x28: {  	_ = 	snop;
	(pc) =	sbr.rel @p1 .LBB1_5-.Ltmp2, $1  }
0x29: {  	_ =	sdelay $0x3  }
0x2a: {  	s14 =	simm.s32 $0x1  }
0x2b: {  	_ =	swait.ge [sflag:s4], $0x2000;
	s14 =	simm.s32 @!p0 $0x0  }
0x2c: {  	[sflag:s4] =	ssyncset.done $0x0;
	s15 =	sshll.u32 s14, $0xD  }
0x2d: {  	[sflag:s4] =	ssyncadd.s32 $0xFFFFE000;
	s18 =	sor.u32 $0x20, s15  }
0x2e: {  	s14 =	smul.u32 $0x8100, s14;
	v3 =	vld [tilespmem:s18+$0x10]  }
0x2f: {  	s30 =	sand.u32 $0x1, s11;
	v2 =	vld [tilespmem:s18+$0xFFFFFFF0]  }
0x30: {  	s15 =	smul.u32 $0x8100, s30;
	s14 =	sshrl.u32 s14, $0x2;
	v0 =	vld [tilespmem:s18+$0x0]  }
0x31: {  	v1 =	vld [tilespmem:s18+$0xFFFFFFE0];
	s16 =	sor.u32 $0x4000, s14  }
0x32: {  	s31 =	sshrl.u32 s15, $0x2;
	s15 =	sadd.s32 $0x0, s16  }
0x33: {  	s17 =	simm.s32 $0x4;
	s18 =	sadd.s32 $0x40, s18;
	s14 =	sor.u32 $0x4000, s31;
	[tilespmem:s15+$0x1830 ss:$0x81] =	vst.msk $0xffff, v3  }
.LBB1_3:
0x34: {  	v3 =	vld [tilespmem:s18+$0x10];
	p1 =	sne.s32 s17, $0x1FC;
	[tilespmem:s15+$0x810 ss:$0x81] =	vst.msk $0xffff, v2;
	s19 =	smov.u32 s17;
	s17 =	sadd.s32 $0x4, s17  }
.Ltmp3:
0x35: {  	v2 =	vld [tilespmem:s18+$0xFFFFFFF0];
	[tilespmem:s15+$0x1020 ss:$0x81] =	vst.msk $0xffff, v0;
	(pc) =	sbr.rel @p1 .LBB1_3-.Ltmp3, $4  }
0x36: {  	v0 =	vld [tilespmem:s18+$0x0];
	[tilespmem:s15+$0x0 ss:$0x81] =	vst.msk $0xffff, v1  }
0x37: {  	s15 =	sshra.s32 s19, $0x2;
	v1 =	vld [tilespmem:s18+$0xFFFFFFE0]  }
0x38: {  	s15 =	sadd.s32 s15, s16  }
0x39: {  	s18 =	sadd.s32 $0x40, s18;
	[tilespmem:s15+$0x1830 ss:$0x81] =	vst.msk $0xffff, v3  }
.Ltmp4:
0x3a: {  	_ = 	snop;
	(pc) =	sbr.rel .LBB1_4-.Ltmp4, $1  }
0x3b: {  	_ =	sdelay $0x3  }
.LBB1_6:
0x3c: {  	_ =	sfence.sel $0x180000  }
0x3d: {  	s2 =	simm.s32 $0x1;
	[bflag:$0x0] =	sbarrier.arrive $0xFFFF  }
0x3e: {  	s31 =	simm.s32 $0x2;
	[sflag:s2] =	ssyncpa.u1 $0x1  }
0x3f: {  	[sflag:s31] =	ssyncpa.u1 $0x1  }
0x40: {  	p0 =	sne.s32 s0, $0x0;
	_ =	strace $0x9000004A  }
0x41: {  	s0 =	sadd.s32 @!p0 $0x100000, s1;
	[bflag:$0x2] =	sbarrier.arrive $0xFFFF  }
0x42: {  	[sflag:s0] =	ssyncadd.tile.s32 @!p0 $0x1;
	_ =	shalt  }
.Lfunc_end1:
_tile_overlayer_lowered:
.L_overlay_start_2:
0x43: {  	(tag) =	ssettag $0x2  }
0x44: {  	s0 =	rddreg [dreg:$0x0];
	s2 =	stileid.u32  }
0x45: {  	s1 =	rddreg [dreg:$0x1];
	p0 =	sne.s32 s2, $0x0  }
0x46: {  	s3 =	rddreg [dreg:$0x2];
	[bflag:$0x3] =	sbarrier.arrive $0xFFFF;
	s2 =	simm.s32 @!p0 $0x1C01  }
0x47: {  	[timem:s3], [sflag:s2] =	dma.local @!p0 [hbm:s0], s1  }
0x48: {  	s0 =	simm.s32 @!p0 $0x1  }
0x49: {  	_ =	swait.ge @!p0 [sflag:s0], s1  }
0x4a: {  	s1 =	ssub.s32 @!p0 $0x0, s1;
	[sflag:s0] =	ssyncset.done @!p0 $0x0  }
0x4b: {  	[sflag:s0] =	ssyncadd.s32 @!p0 s1  }
0x4c: {  	[bflag:$0x3] =	sbarrier.arrive $0xFFFF  }
0x4d: {  	_ =	shalt  }

</sc_bundles>
